<compile_context>
chip_gen: v7x
topology: tpu7x:2x2x1
jax: 0.10.2.dev20260603
libtpu: 0.0.44.dev20260713+nightly
codegen_flags: <defaults>
</compile_context>

<pallas_src>
import functools

import jax
import jax.numpy as jnp
from jax import lax
from jax.experimental import pallas as pl
from jax.experimental.pallas import tpu as pltpu
from jax.experimental.pallas import tpu_sc as plsc

N = 10000
E = 320000
IN_C = 128
HID_C = 8
OUT_C = 16

D = 8
NC = 2
NS = 16
NW = NC * NS
CHUNK = 125
CH = 80
NBUF = 10
WAVES = CH // NBUF
NPAD = 10240
RPT = NPAD // NS
PK = 128
PR = NPAD * D // PK
PRPT = PR // NS
NROWS = N * D // PK

_mesh = plsc.VectorSubcoreMesh(
    core_axis_name="c", subcore_axis_name="s", num_cores=NC, num_subcores=NS)
_sc_params = pltpu.CompilerParams(use_tc_tiling_on_sc=False)


def _zero_fill(buf, n_rows):
    def body(i, _):
        buf[i] = jnp.zeros((D,), jnp.float32)
        return 0
    lax.fori_loop(0, n_rows, body, 0)


def _drain(sem, dst, dummy_hbm_src):
    pltpu.make_async_copy(dummy_hbm_src, dst, sem).wait()


@functools.partial(
    pl.kernel,
    out_type=jax.ShapeDtypeStruct((NC, NPAD, D), jnp.float32),
    mesh=_mesh,
    scratch_types=[
        pltpu.VMEM((CH, CHUNK), jnp.int32),
        pltpu.VMEM((CHUNK, D), jnp.float32),
        pltpu.VMEM((RPT, D), jnp.float32),
        pltpu.VMEM_SHARED((NPAD, D), jnp.float32),
        pltpu.SemaphoreType.DMA,
        pltpu.SemaphoreType.DMA,
    ],
    compiler_params=_sc_params,
)
def _sc_degree(dst_hbm, out_hbm, dst_v, ones_v, zbuf, acc_sh, sem, lsem):
    c = lax.axis_index("c")
    s = lax.axis_index("s")
    cp_dst = pltpu.async_copy(dst_hbm.at[c, s], dst_v, lsem)
    _zero_fill(zbuf, RPT)

    def ones_fill(i, _):
        ones_v[i] = jnp.ones((D,), jnp.float32)
        return 0
    lax.fori_loop(0, CHUNK, ones_fill, 0)

    pltpu.sync_copy(zbuf, acc_sh.at[pl.ds(s * RPT, RPT)])
    cp_dst.wait()
    plsc.subcore_barrier()

    def fire(j, _):
        pltpu.async_copy(ones_v, acc_sh.at[dst_v.at[j]], sem, add=True)
        return 0
    lax.fori_loop(0, CH, fire, 0)

    dummy = out_hbm.at[0].at[pl.ds(0, CHUNK)]

    def drain(j, _):
        _drain(sem, ones_v, dummy)
        return 0
    lax.fori_loop(0, CH, drain, 0)

    plsc.subcore_barrier()
    pltpu.sync_copy(acc_sh.at[pl.ds(s * RPT, RPT)],
                    out_hbm.at[c].at[pl.ds(s * RPT, RPT)])


@functools.partial(
    pl.kernel,
    out_type=jax.ShapeDtypeStruct((NC, NPAD, D), jnp.float32),
    mesh=_mesh,
    scratch_types=[
        pltpu.VMEM((CH, CHUNK), jnp.int32),
        pltpu.VMEM((CH, CHUNK), jnp.int32),
        pltpu.VMEM((NBUF, CHUNK, D), jnp.float32),
        pltpu.VMEM((RPT, D), jnp.float32),
        pltpu.VMEM_SHARED((NPAD, D), jnp.float32),
        pltpu.VMEM_SHARED((NPAD, D), jnp.float32),
        pltpu.SemaphoreType.DMA((NBUF,)),
        pltpu.SemaphoreType.DMA((NBUF,)),
        pltpu.SemaphoreType.DMA,
    ],
    compiler_params=_sc_params,
)
def _sc_aggregate(src_hbm, dst_hbm, tab_hbm, out_hbm,
                  src_v, dst_v, rows_v, zbuf, acc_sh, tab_sh, gsem, ssem,
                  lsem):
    c = lax.axis_index("c")
    s = lax.axis_index("s")
    cp_src = pltpu.async_copy(src_hbm.at[c, s], src_v, lsem)
    cp_dst = pltpu.async_copy(dst_hbm.at[c, s], dst_v, lsem)
    pltpu.sync_copy(tab_hbm.at[pl.ds(s * RPT, RPT)],
                    tab_sh.at[pl.ds(s * RPT, RPT)])
    _zero_fill(zbuf, RPT)
    pltpu.sync_copy(zbuf, acc_sh.at[pl.ds(s * RPT, RPT)])
    cp_src.wait()
    cp_dst.wait()
    plsc.subcore_barrier()

    dummy = tab_hbm.at[pl.ds(0, CHUNK)]

    for b in range(NBUF):
        pltpu.async_copy(tab_sh.at[src_v.at[b]], rows_v.at[b], gsem.at[b])

    def wave(w, _):
        j0 = w * NBUF
        for b in range(NBUF):
            _drain(gsem.at[b], rows_v.at[b], dummy)
            pltpu.async_copy(rows_v.at[b], acc_sh.at[dst_v.at[j0 + b]],
                             ssem.at[b], add=True)

        @pl.when(w + 1 < WAVES)
        def _prefetch():
            for b in range(NBUF):
                _drain(ssem.at[b], rows_v.at[b], dummy)
                pltpu.async_copy(tab_sh.at[src_v.at[j0 + NBUF + b]],
                                 rows_v.at[b], gsem.at[b])
        return 0
    lax.fori_loop(0, WAVES, wave, 0)

    for b in range(NBUF):
        _drain(ssem.at[b], rows_v.at[b], dummy)

    plsc.subcore_barrier()
    pltpu.sync_copy(acc_sh.at[pl.ds(s * RPT, RPT)],
                    out_hbm.at[c].at[pl.ds(s * RPT, RPT)])


def _tc_mm_body(x2_ref, w1k_ref, h_ref):
    h_ref[...] = jnp.dot(x2_ref[...], w1k_ref[...],
                         preferred_element_type=jnp.float32)


def _tc_scale_body(degp_ref, h_ref, dinv_ref, g_ref):
    deg = degp_ref[0] + degp_ref[1] + 1.0
    dinv = lax.rsqrt(deg)
    dinv_ref[...] = dinv
    hp = jnp.pad(h_ref[...], ((0, PR - NROWS), (0, 0)))
    g_ref[...] = hp * dinv


def _tc_mid_body(acc_ref, dinv_ref, h_ref, b_ref, z_ref, g_ref):
    dinv = dinv_ref[...]
    hp = jnp.pad(h_ref[...], ((0, PR - NROWS), (0, 0)))
    a = (acc_ref[0] + acc_ref[1]) * dinv + (dinv * dinv) * hp + b_ref[...]
    z = jnp.maximum(a, 0.0)
    z_ref[...] = z
    g_ref[...] = z * dinv


def _tc_post_body(acc_ref, dinv_ref, z_ref, w2k_ref, b_ref, out_ref):
    dinv = dinv_ref[...]
    t = (acc_ref[0] + acc_ref[1]) * dinv + (dinv * dinv) * z_ref[...]
    o = jnp.dot(t, w2k_ref[...], preferred_element_type=jnp.float32)
    o = o + b_ref[...]
    pieces = []
    for b in range(16):
        ob = o[:, b * OUT_C:(b + 1) * OUT_C]
        m = jnp.max(ob, axis=1, keepdims=True)
        e = jnp.exp(ob - m)
        pieces.append((ob - m) - jnp.log(jnp.sum(e, axis=1, keepdims=True)))
    out_ref[...] = jnp.concatenate(pieces, axis=1)


_f32 = jnp.float32


def kernel(x, edge_index, W1, b1, W2, b2):
    dstp = edge_index[1].reshape(NC, NS, CH, CHUNK)

    w1k = jnp.kron(jnp.eye(16, dtype=_f32), W1)
    w2k = jnp.kron(jnp.eye(16, dtype=_f32), W2)
    b1k = jnp.tile(b1, 16).reshape(1, PK)
    b2k = jnp.tile(b2, 16).reshape(1, 16 * OUT_C)
    x2 = x.reshape(N // 16, 16 * IN_C)

    degp = _sc_degree(dstp)
    src_row, _ = lax.optimization_barrier((edge_index[0], degp))
    srcp = src_row.reshape(NC, NS, CH, CHUNK)
    h = pl.pallas_call(
        _tc_mm_body,
        out_shape=jax.ShapeDtypeStruct((NROWS, PK), _f32),
    )(x2, w1k)

    dinv, g1p = pl.pallas_call(
        _tc_scale_body,
        out_shape=(jax.ShapeDtypeStruct((PR, PK), _f32),
                   jax.ShapeDtypeStruct((PR, PK), _f32)),
    )(degp.reshape(NC, PR, PK), h)

    acc1 = _sc_aggregate(srcp, dstp, g1p.reshape(NPAD, D))

    z, g2p = pl.pallas_call(
        _tc_mid_body,
        out_shape=(jax.ShapeDtypeStruct((PR, PK), _f32),
                   jax.ShapeDtypeStruct((PR, PK), _f32)),
    )(acc1.reshape(NC, PR, PK), dinv, h, b1k)

    acc2 = _sc_aggregate(srcp, dstp, g2p.reshape(NPAD, D))

    op = pl.pallas_call(
        _tc_post_body,
        out_shape=jax.ShapeDtypeStruct((PR, 16 * OUT_C), _f32),
    )(acc2.reshape(NC, PR, PK), dinv, z, w2k, b2k)
    return op[:NROWS].reshape(N, OUT_C)

# --- scband reference (transcript-rebuilt; emitter-appended) ---
"""Pipeline reference for scband-gcnnet-65094524338521 (READ-ONLY COPY).

The authoritative reference and input builder live on the scoring server;
editing this copy changes nothing except your own understanding.
"""

import jax, jax.numpy as jnp
import numpy as np

N = 10000
E = 320000
IN_C = 128
HID_C = 8
OUT_C = 16


def _glorot(key, shape):
    fan_in, fan_out = shape[0], shape[1]
    limit = np.sqrt(6.0 / (fan_in + fan_out))
    return jax.random.uniform(key, shape, dtype=jnp.float32, minval=-limit, maxval=limit)


def setup_inputs(seed: int = 0) -> dict:
    key = jax.random.key(seed)
    k1, k2, k3, k4 = jax.random.split(key, 4)
    x = jax.random.normal(k1, (N, IN_C), dtype=jnp.float32)
    edge_index = jax.random.randint(k2, (2, E), 0, N, dtype=jnp.int32)
    W1 = _glorot(k3, (IN_C, HID_C))
    b1 = jnp.zeros((HID_C,), dtype=jnp.float32)
    W2 = _glorot(k4, (HID_C, OUT_C))
    b2 = jnp.zeros((OUT_C,), dtype=jnp.float32)
    return {"x": x, "edge_index": edge_index, "W1": W1, "b1": b1, "W2": W2, "b2": b2}


def _gcn_layer(x, src, dst, norm, W, b):
    # x' = D^{-1/2} (A + I) D^{-1/2} X W + b  (PyG GCNConv, add_self_loops=True)
    h = x @ W
    msg = jnp.take(h, src, axis=0) * norm[:, None]
    out = jnp.zeros((x.shape[0], W.shape[1]), dtype=h.dtype).at[dst].add(msg)
    return out + b


def _norm_coeffs(edge_index, n_nodes):
    loop = jnp.arange(n_nodes, dtype=edge_index.dtype)
    src = jnp.concatenate([edge_index[0], loop])
    dst = jnp.concatenate([edge_index[1], loop])
    deg = jnp.zeros((n_nodes,), dtype=jnp.float32).at[dst].add(1.0)
    deg_inv_sqrt = jnp.where(deg > 0, 1.0 / jnp.sqrt(deg), 0.0)
    norm = deg_inv_sqrt[src] * deg_inv_sqrt[dst]
    return src, dst, norm


def reference(x, edge_index, W1, b1, W2, b2):
    # Dropout is identity in eval mode (training=False)
    src, dst, norm = _norm_coeffs(edge_index, x.shape[0])
    h = _gcn_layer(x, src, dst, norm, W1, b1)
    h = jax.nn.relu(h)
    h = _gcn_layer(h, src, dst, norm, W2, b2)
    return jax.nn.log_softmax(h, axis=1)

if __name__ == "__main__":
    import jax
    _d = setup_inputs()
    print(jax.jit(kernel)(*tuple(_d.values())))

</pallas_src>

<mosaic_0001>
#map = affine_map<(d0, d1) -> (0, 0, 0, 0)>
#map1 = affine_map<(d0, d1) -> (0, 0)>
#map2 = affine_map<(d0, d1) -> (0, 0, 0)>
module attributes {stable_mosaic.version = 14 : i64} {
  func.func @_sc_aggregate(%arg0: i32, %arg1: i32, %arg2: memref<2x16x80x125xi32, #tpu.memory_space<hbm>>, %arg3: memref<2x16x80x125xi32, #tpu.memory_space<hbm>>, %arg4: memref<10240x8xf32, #tpu.memory_space<hbm>>, %arg5: memref<2x10240x8xf32, #tpu.memory_space<hbm>>, %arg6: memref<80x125xi32, #tpu.memory_space<vmem>>, %arg7: memref<80x125xi32, #tpu.memory_space<vmem>>, %arg8: memref<10x125x8xf32, #tpu.memory_space<vmem>>, %arg9: memref<640x8xf32, #tpu.memory_space<vmem>>, %arg10: memref<10240x8xf32, #tpu.memory_space<vmem_shared>>, %arg11: memref<10240x8xf32, #tpu.memory_space<vmem_shared>>, %arg12: memref<10x!tpu.dma_semaphore, #tpu.memory_space<semaphore_mem>>, %arg13: memref<10x!tpu.dma_semaphore, #tpu.memory_space<semaphore_mem>>, %arg14: memref<!tpu.dma_semaphore, #tpu.memory_space<semaphore_mem>>) attributes {dimension_semantics = [#tpu.dimension_semantics<core_parallel>, #tpu.dimension_semantics<subcore_parallel>], iteration_bounds = array<i64: 2, 16>, scalar_prefetch = 0 : i64, scratch_operands = 9 : i64, tpu.core_type = #tpu.core_type<sc_vector_subcore>, window_params = [{transform_indices = #map}, {transform_indices = #map}, {transform_indices = #map1}, {transform_indices = #map2}]} {
    %dma_start3A = arith.constant 0 : i32
    %dma_start3A_0 = arith.constant 0 : i32
    %dma_start3A_1 = tpu.memref_slice %arg2[%arg0, %arg1, %dma_start3A, %dma_start3A_0] : memref<2x16x80x125xi32, #tpu.memory_space<hbm>> -> memref<1x1x80x125xi32, #tpu.memory_space<hbm>>
    %dma_start3A_2 = tpu.memref_squeeze %dma_start3A_1 : memref<1x1x80x125xi32, #tpu.memory_space<hbm>> -> memref<80x125xi32, #tpu.memory_space<hbm>>
    %dma_start3A_3 = arith.constant 0 : i32
    %dma_start3A_4 = arith.constant 0 : i32
    %dma_start3A_5 = tpu.memref_slice %arg2[%arg0, %arg1, %dma_start3A_3, %dma_start3A_4] : memref<2x16x80x125xi32, #tpu.memory_space<hbm>> -> memref<1x1x80x125xi32, #tpu.memory_space<hbm>>
    %dma_start3A_6 = tpu.memref_squeeze %dma_start3A_5 : memref<1x1x80x125xi32, #tpu.memory_space<hbm>> -> memref<80x125xi32, #tpu.memory_space<hbm>>
    tpu.enqueue_dma source(%dma_start3A_6 : memref<80x125xi32, #tpu.memory_space<hbm>>) target(%arg6 : memref<80x125xi32, #tpu.memory_space<vmem>>) target_semaphore(%arg14 : memref<!tpu.dma_semaphore, #tpu.memory_space<semaphore_mem>>)
    %dma_start3A_7 = arith.constant 0 : i32
    %dma_start3A_8 = arith.constant 0 : i32
    %dma_start3A_9 = tpu.memref_slice %arg3[%arg0, %arg1, %dma_start3A_7, %dma_start3A_8] : memref<2x16x80x125xi32, #tpu.memory_space<hbm>> -> memref<1x1x80x125xi32, #tpu.memory_space<hbm>>
    %dma_start3A_10 = tpu.memref_squeeze %dma_start3A_9 : memref<1x1x80x125xi32, #tpu.memory_space<hbm>> -> memref<80x125xi32, #tpu.memory_space<hbm>>
    %dma_start3A_11 = arith.constant 0 : i32
    %dma_start3A_12 = arith.constant 0 : i32
    %dma_start3A_13 = tpu.memref_slice %arg3[%arg0, %arg1, %dma_start3A_11, %dma_start3A_12] : memref<2x16x80x125xi32, #tpu.memory_space<hbm>> -> memref<1x1x80x125xi32, #tpu.memory_space<hbm>>
    %dma_start3A_14 = tpu.memref_squeeze %dma_start3A_13 : memref<1x1x80x125xi32, #tpu.memory_space<hbm>> -> memref<80x125xi32, #tpu.memory_space<hbm>>
    tpu.enqueue_dma source(%dma_start3A_14 : memref<80x125xi32, #tpu.memory_space<hbm>>) target(%arg7 : memref<80x125xi32, #tpu.memory_space<vmem>>) target_semaphore(%arg14 : memref<!tpu.dma_semaphore, #tpu.memory_space<semaphore_mem>>)
    %mul3A = arith.constant 640 : i32
    %mul3A_15 = arith.muli %arg1, %mul3A : i32
    %mul3A_16 = arith.constant 640 : i32
    %mul3A_17 = arith.muli %arg1, %mul3A_16 : i32
    "tpu.region"() ({
      %run_scoped3A = tpu.sem_alloc : memref<!tpu.dma_semaphore, #tpu.memory_space<semaphore_mem>>
      %dma_start3A_383 = arith.constant 0 : i32
      %dma_start3A_384 = tpu.memref_slice %arg11[%mul3A_17, %dma_start3A_383] : memref<10240x8xf32, #tpu.memory_space<vmem_shared>> -> memref<640x8xf32, #tpu.memory_space<vmem_shared>>
      %dma_start3A_385 = arith.constant 0 : i32
      %dma_start3A_386 = tpu.memref_slice %arg4[%mul3A_15, %dma_start3A_385] : memref<10240x8xf32, #tpu.memory_space<hbm>> -> memref<640x8xf32, #tpu.memory_space<hbm>>
      tpu.enqueue_dma source(%dma_start3A_386 : memref<640x8xf32, #tpu.memory_space<hbm>>) target(%dma_start3A_384 : memref<640x8xf32, #tpu.memory_space<vmem_shared>>) target_semaphore(%run_scoped3A : memref<!tpu.dma_semaphore, #tpu.memory_space<semaphore_mem>>)
      %dma_wait3A_387 = arith.constant 0 : i32
      %dma_wait3A_388 = tpu.memref_slice %arg11[%mul3A_17, %dma_wait3A_387] : memref<10240x8xf32, #tpu.memory_space<vmem_shared>> -> memref<640x8xf32, #tpu.memory_space<vmem_shared>>
      %dma_wait3A_389 = arith.constant 0 : i32
      %dma_wait3A_390 = tpu.memref_slice %arg4[%mul3A_15, %dma_wait3A_389] : memref<10240x8xf32, #tpu.memory_space<hbm>> -> memref<640x8xf32, #tpu.memory_space<hbm>>
      tpu.wait_dma2 semaphore(%run_scoped3A : memref<!tpu.dma_semaphore, #tpu.memory_space<semaphore_mem>>) src(%dma_wait3A_390 : memref<640x8xf32, #tpu.memory_space<hbm>>) dst(%dma_wait3A_388 : memref<640x8xf32, #tpu.memory_space<vmem_shared>>)
      tpu.yield
    }) : () -> ()
    %scan3A = arith.constant 0 : i32
    %scan3A_18 = arith.constant 0 : i32
    %scan3A_19 = arith.constant 640 : i32
    %scan3A_20 = arith.addi %scan3A_18, %scan3A_19 : i32
    %scan3A_21 = arith.constant 1 : i32
    %scan3A_22 = scf.for %scan3A_383 = %scan3A_18 to %scan3A_20 step %scan3A_21 iter_args(%scan3A_384 = %scan3A) -> (i32)  : i32 {
      %broadcast_in_dim3A = arith.constant 0.000000e+00 : f32
      %broadcast_in_dim3A_385 = vector.broadcast %broadcast_in_dim3A : f32 to vector<8xf32>
      %swap3A = arith.index_cast %scan3A_383 : i32 to index
      %swap3A_386 = arith.constant 0 : index
      %swap3A_387 = tpu.vector_load %arg9[%swap3A, %swap3A_386] {strides = array<i32>} : memref<640x8xf32, #tpu.memory_space<vmem>>, vector<1x8xf32>,
      %swap3A_388 = vector.shape_cast %swap3A_387 : vector<1x8xf32> to vector<8xf32>
      %swap3A_389 = vector.shape_cast %broadcast_in_dim3A_385 : vector<8xf32> to vector<1x8xf32>
      tpu.vector_store %arg9[%swap3A, %swap3A_386], %swap3A_389 {strides = array<i32>} : memref<640x8xf32, #tpu.memory_space<vmem>>, vector<1x8xf32>,
      %scan3A_390 = arith.constant 0 : i32
      scf.yield %scan3A_390 : i32
    }
    %scan3A_23 = arith.constant 640 : i32
    %mul3A_24 = arith.constant 640 : i32
    %mul3A_25 = arith.muli %arg1, %mul3A_24 : i32
    "tpu.region"() ({
      %run_scoped3A = tpu.sem_alloc : memref<!tpu.dma_semaphore, #tpu.memory_space<semaphore_mem>>
      %dma_start3A_383 = arith.constant 0 : i32
      %dma_start3A_384 = tpu.memref_slice %arg10[%mul3A_25, %dma_start3A_383] : memref<10240x8xf32, #tpu.memory_space<vmem_shared>> -> memref<640x8xf32, #tpu.memory_space<vmem_shared>>
      %dma_start3A_385 = arith.constant 0 : i32
      %dma_start3A_386 = tpu.memref_slice %arg10[%mul3A_25, %dma_start3A_385] : memref<10240x8xf32, #tpu.memory_space<vmem_shared>> -> memref<640x8xf32, #tpu.memory_space<vmem_shared>>
      tpu.enqueue_dma source(%arg9 : memref<640x8xf32, #tpu.memory_space<vmem>>) target(%dma_start3A_386 : memref<640x8xf32, #tpu.memory_space<vmem_shared>>) target_semaphore(%run_scoped3A : memref<!tpu.dma_semaphore, #tpu.memory_space<semaphore_mem>>)
      %dma_wait3A_387 = arith.constant 0 : i32
      %dma_wait3A_388 = tpu.memref_slice %arg10[%mul3A_25, %dma_wait3A_387] : memref<10240x8xf32, #tpu.memory_space<vmem_shared>> -> memref<640x8xf32, #tpu.memory_space<vmem_shared>>
      %dma_wait3A_389 = arith.constant 0 : i32
      %dma_wait3A_390 = tpu.memref_slice %arg10[%mul3A_25, %dma_wait3A_389] : memref<10240x8xf32, #tpu.memory_space<vmem_shared>> -> memref<640x8xf32, #tpu.memory_space<vmem_shared>>
      tpu.wait_dma2 semaphore(%run_scoped3A : memref<!tpu.dma_semaphore, #tpu.memory_space<semaphore_mem>>) src(%arg9 : memref<640x8xf32, #tpu.memory_space<vmem>>) dst(%dma_wait3A_390 : memref<640x8xf32, #tpu.memory_space<vmem_shared>>)
      tpu.yield
    }) : () -> ()
    %dma_wait3A = arith.constant 0 : i32
    %dma_wait3A_26 = arith.constant 0 : i32
    %dma_wait3A_27 = tpu.memref_slice %arg2[%arg0, %arg1, %dma_wait3A, %dma_wait3A_26] : memref<2x16x80x125xi32, #tpu.memory_space<hbm>> -> memref<1x1x80x125xi32, #tpu.memory_space<hbm>>
    %dma_wait3A_28 = tpu.memref_squeeze %dma_wait3A_27 : memref<1x1x80x125xi32, #tpu.memory_space<hbm>> -> memref<80x125xi32, #tpu.memory_space<hbm>>
    %dma_wait3A_29 = arith.constant 0 : i32
    %dma_wait3A_30 = arith.constant 0 : i32
    %dma_wait3A_31 = tpu.memref_slice %arg2[%arg0, %arg1, %dma_wait3A_29, %dma_wait3A_30] : memref<2x16x80x125xi32, #tpu.memory_space<hbm>> -> memref<1x1x80x125xi32, #tpu.memory_space<hbm>>
    %dma_wait3A_32 = tpu.memref_squeeze %dma_wait3A_31 : memref<1x1x80x125xi32, #tpu.memory_space<hbm>> -> memref<80x125xi32, #tpu.memory_space<hbm>>
    tpu.wait_dma2 semaphore(%arg14 : memref<!tpu.dma_semaphore, #tpu.memory_space<semaphore_mem>>) src(%dma_wait3A_32 : memref<80x125xi32, #tpu.memory_space<hbm>>) dst(%arg6 : memref<80x125xi32, #tpu.memory_space<vmem>>)
    %dma_wait3A_33 = arith.constant 0 : i32
    %dma_wait3A_34 = arith.constant 0 : i32
    %dma_wait3A_35 = tpu.memref_slice %arg3[%arg0, %arg1, %dma_wait3A_33, %dma_wait3A_34] : memref<2x16x80x125xi32, #tpu.memory_space<hbm>> -> memref<1x1x80x125xi32, #tpu.memory_space<hbm>>
    %dma_wait3A_36 = tpu.memref_squeeze %dma_wait3A_35 : memref<1x1x80x125xi32, #tpu.memory_space<hbm>> -> memref<80x125xi32, #tpu.memory_space<hbm>>
    %dma_wait3A_37 = arith.constant 0 : i32
    %dma_wait3A_38 = arith.constant 0 : i32
    %dma_wait3A_39 = tpu.memref_slice %arg3[%arg0, %arg1, %dma_wait3A_37, %dma_wait3A_38] : memref<2x16x80x125xi32, #tpu.memory_space<hbm>> -> memref<1x1x80x125xi32, #tpu.memory_space<hbm>>
    %dma_wait3A_40 = tpu.memref_squeeze %dma_wait3A_39 : memref<1x1x80x125xi32, #tpu.memory_space<hbm>> -> memref<80x125xi32, #tpu.memory_space<hbm>>
    tpu.wait_dma2 semaphore(%arg14 : memref<!tpu.dma_semaphore, #tpu.memory_space<semaphore_mem>>) src(%dma_wait3A_40 : memref<80x125xi32, #tpu.memory_space<hbm>>) dst(%arg7 : memref<80x125xi32, #tpu.memory_space<vmem>>)
    %barrier3A = arith.constant 0 : index
    tpu.barrier barrier_id(%barrier3A)
    %dma_start3A_41 = arith.constant 0 : i32
    %dma_start3A_42 = arith.constant 0 : i32
    %dma_start3A_43 = arith.constant 0 : i32
    %dma_start3A_44 = arith.constant 0 : i32
    %dma_start3A_45 = arith.constant 0 : i32
    %dma_start3A_46 = tpu.memref_slice %arg8[%dma_start3A_42, %dma_start3A_44, %dma_start3A_45] : memref<10x125x8xf32, #tpu.memory_space<vmem>> -> memref<1x125x8xf32, #tpu.memory_space<vmem>>
    %dma_start3A_47 = tpu.memref_squeeze %dma_start3A_46 : memref<1x125x8xf32, #tpu.memory_space<vmem>> -> memref<125x8xf32, #tpu.memory_space<vmem>>
    %dma_start3A_48 = arith.constant 0 : i32
    %dma_start3A_49 = tpu.memref_slice %arg6[%dma_start3A_41, %dma_start3A_48] : memref<80x125xi32, #tpu.memory_space<vmem>> -> memref<1x125xi32, #tpu.memory_space<vmem>>
    %dma_start3A_50 = tpu.memref_squeeze %dma_start3A_49 : memref<1x125xi32, #tpu.memory_space<vmem>> -> memref<125xi32, #tpu.memory_space<vmem>>
    %dma_start3A_51 = arith.constant 0 : i32
    %dma_start3A_52 = arith.constant 0 : i32
    %dma_start3A_53 = tpu.memref_slice %arg11[%dma_start3A_51, %dma_start3A_52] : memref<10240x8xf32, #tpu.memory_space<vmem_shared>> -> memref<10240x8xf32, #tpu.memory_space<vmem_shared>>
    %dma_start3A_54 = tpu.memref_slice %arg12[%dma_start3A_43] : memref<10x!tpu.dma_semaphore, #tpu.memory_space<semaphore_mem>> -> memref<1x!tpu.dma_semaphore, #tpu.memory_space<semaphore_mem>>
    %dma_start3A_55 = tpu.memref_squeeze %dma_start3A_54 : memref<1x!tpu.dma_semaphore, #tpu.memory_space<semaphore_mem>> -> memref<!tpu.dma_semaphore, #tpu.memory_space<semaphore_mem>>
    tpu.enqueue_indirect_dma source(%dma_start3A_53 : memref<10240x8xf32, #tpu.memory_space<vmem_shared>>) target(%dma_start3A_47 : memref<125x8xf32, #tpu.memory_space<vmem>>) offsets(%dma_start3A_50 : memref<125xi32, #tpu.memory_space<vmem>>) semaphore(%dma_start3A_55 : memref<!tpu.dma_semaphore, #tpu.memory_space<semaphore_mem>>)
    %dma_start3A_56 = arith.constant 1 : i32
    %dma_start3A_57 = arith.constant 1 : i32
    %dma_start3A_58 = arith.constant 1 : i32
    %dma_start3A_59 = arith.constant 0 : i32
    %dma_start3A_60 = arith.constant 0 : i32
    %dma_start3A_61 = tpu.memref_slice %arg8[%dma_start3A_57, %dma_start3A_59, %dma_start3A_60] : memref<10x125x8xf32, #tpu.memory_space<vmem>> -> memref<1x125x8xf32, #tpu.memory_space<vmem>>
    %dma_start3A_62 = tpu.memref_squeeze %dma_start3A_61 : memref<1x125x8xf32, #tpu.memory_space<vmem>> -> memref<125x8xf32, #tpu.memory_space<vmem>>
    %dma_start3A_63 = arith.constant 0 : i32
    %dma_start3A_64 = tpu.memref_slice %arg6[%dma_start3A_56, %dma_start3A_63] : memref<80x125xi32, #tpu.memory_space<vmem>> -> memref<1x125xi32, #tpu.memory_space<vmem>>
    %dma_start3A_65 = tpu.memref_squeeze %dma_start3A_64 : memref<1x125xi32, #tpu.memory_space<vmem>> -> memref<125xi32, #tpu.memory_space<vmem>>
    %dma_start3A_66 = arith.constant 0 : i32
    %dma_start3A_67 = arith.constant 0 : i32
    %dma_start3A_68 = tpu.memref_slice %arg11[%dma_start3A_66, %dma_start3A_67] : memref<10240x8xf32, #tpu.memory_space<vmem_shared>> -> memref<10240x8xf32, #tpu.memory_space<vmem_shared>>
    %dma_start3A_69 = tpu.memref_slice %arg12[%dma_start3A_58] : memref<10x!tpu.dma_semaphore, #tpu.memory_space<semaphore_mem>> -> memref<1x!tpu.dma_semaphore, #tpu.memory_space<semaphore_mem>>
    %dma_start3A_70 = tpu.memref_squeeze %dma_start3A_69 : memref<1x!tpu.dma_semaphore, #tpu.memory_space<semaphore_mem>> -> memref<!tpu.dma_semaphore, #tpu.memory_space<semaphore_mem>>
    tpu.enqueue_indirect_dma source(%dma_start3A_68 : memref<10240x8xf32, #tpu.memory_space<vmem_shared>>) target(%dma_start3A_62 : memref<125x8xf32, #tpu.memory_space<vmem>>) offsets(%dma_start3A_65 : memref<125xi32, #tpu.memory_space<vmem>>) semaphore(%dma_start3A_70 : memref<!tpu.dma_semaphore, #tpu.memory_space<semaphore_mem>>)
    %dma_start3A_71 = arith.constant 2 : i32
    %dma_start3A_72 = arith.constant 2 : i32
    %dma_start3A_73 = arith.constant 2 : i32
    %dma_start3A_74 = arith.constant 0 : i32
    %dma_start3A_75 = arith.constant 0 : i32
    %dma_start3A_76 = tpu.memref_slice %arg8[%dma_start3A_72, %dma_start3A_74, %dma_start3A_75] : memref<10x125x8xf32, #tpu.memory_space<vmem>> -> memref<1x125x8xf32, #tpu.memory_space<vmem>>
    %dma_start3A_77 = tpu.memref_squeeze %dma_start3A_76 : memref<1x125x8xf32, #tpu.memory_space<vmem>> -> memref<125x8xf32, #tpu.memory_space<vmem>>
    %dma_start3A_78 = arith.constant 0 : i32
    %dma_start3A_79 = tpu.memref_slice %arg6[%dma_start3A_71, %dma_start3A_78] : memref<80x125xi32, #tpu.memory_space<vmem>> -> memref<1x125xi32, #tpu.memory_space<vmem>>
    %dma_start3A_80 = tpu.memref_squeeze %dma_start3A_79 : memref<1x125xi32, #tpu.memory_space<vmem>> -> memref<125xi32, #tpu.memory_space<vmem>>
    %dma_start3A_81 = arith.constant 0 : i32
    %dma_start3A_82 = arith.constant 0 : i32
    %dma_start3A_83 = tpu.memref_slice %arg11[%dma_start3A_81, %dma_start3A_82] : memref<10240x8xf32, #tpu.memory_space<vmem_shared>> -> memref<10240x8xf32, #tpu.memory_space<vmem_shared>>
    %dma_start3A_84 = tpu.memref_slice %arg12[%dma_start3A_73] : memref<10x!tpu.dma_semaphore, #tpu.memory_space<semaphore_mem>> -> memref<1x!tpu.dma_semaphore, #tpu.memory_space<semaphore_mem>>
    %dma_start3A_85 = tpu.memref_squeeze %dma_start3A_84 : memref<1x!tpu.dma_semaphore, #tpu.memory_space<semaphore_mem>> -> memref<!tpu.dma_semaphore, #tpu.memory_space<semaphore_mem>>
    tpu.enqueue_indirect_dma source(%dma_start3A_83 : memref<10240x8xf32, #tpu.memory_space<vmem_shared>>) target(%dma_start3A_77 : memref<125x8xf32, #tpu.memory_space<vmem>>) offsets(%dma_start3A_80 : memref<125xi32, #tpu.memory_space<vmem>>) semaphore(%dma_start3A_85 : memref<!tpu.dma_semaphore, #tpu.memory_space<semaphore_mem>>)
    %dma_start3A_86 = arith.constant 3 : i32
    %dma_start3A_87 = arith.constant 3 : i32
    %dma_start3A_88 = arith.constant 3 : i32
    %dma_start3A_89 = arith.constant 0 : i32
    %dma_start3A_90 = arith.constant 0 : i32
    %dma_start3A_91 = tpu.memref_slice %arg8[%dma_start3A_87, %dma_start3A_89, %dma_start3A_90] : memref<10x125x8xf32, #tpu.memory_space<vmem>> -> memref<1x125x8xf32, #tpu.memory_space<vmem>>
    %dma_start3A_92 = tpu.memref_squeeze %dma_start3A_91 : memref<1x125x8xf32, #tpu.memory_space<vmem>> -> memref<125x8xf32, #tpu.memory_space<vmem>>
    %dma_start3A_93 = arith.constant 0 : i32
    %dma_start3A_94 = tpu.memref_slice %arg6[%dma_start3A_86, %dma_start3A_93] : memref<80x125xi32, #tpu.memory_space<vmem>> -> memref<1x125xi32, #tpu.memory_space<vmem>>
    %dma_start3A_95 = tpu.memref_squeeze %dma_start3A_94 : memref<1x125xi32, #tpu.memory_space<vmem>> -> memref<125xi32, #tpu.memory_space<vmem>>
    %dma_start3A_96 = arith.constant 0 : i32
    %dma_start3A_97 = arith.constant 0 : i32
    %dma_start3A_98 = tpu.memref_slice %arg11[%dma_start3A_96, %dma_start3A_97] : memref<10240x8xf32, #tpu.memory_space<vmem_shared>> -> memref<10240x8xf32, #tpu.memory_space<vmem_shared>>
    %dma_start3A_99 = tpu.memref_slice %arg12[%dma_start3A_88] : memref<10x!tpu.dma_semaphore, #tpu.memory_space<semaphore_mem>> -> memref<1x!tpu.dma_semaphore, #tpu.memory_space<semaphore_mem>>
    %dma_start3A_100 = tpu.memref_squeeze %dma_start3A_99 : memref<1x!tpu.dma_semaphore, #tpu.memory_space<semaphore_mem>> -> memref<!tpu.dma_semaphore, #tpu.memory_space<semaphore_mem>>
    tpu.enqueue_indirect_dma source(%dma_start3A_98 : memref<10240x8xf32, #tpu.memory_space<vmem_shared>>) target(%dma_start3A_92 : memref<125x8xf32, #tpu.memory_space<vmem>>) offsets(%dma_start3A_95 : memref<125xi32, #tpu.memory_space<vmem>>) semaphore(%dma_start3A_100 : memref<!tpu.dma_semaphore, #tpu.memory_space<semaphore_mem>>)
    %dma_start3A_101 = arith.constant 4 : i32
    %dma_start3A_102 = arith.constant 4 : i32
    %dma_start3A_103 = arith.constant 4 : i32
    %dma_start3A_104 = arith.constant 0 : i32
    %dma_start3A_105 = arith.constant 0 : i32
    %dma_start3A_106 = tpu.memref_slice %arg8[%dma_start3A_102, %dma_start3A_104, %dma_start3A_105] : memref<10x125x8xf32, #tpu.memory_space<vmem>> -> memref<1x125x8xf32, #tpu.memory_space<vmem>>
    %dma_start3A_107 = tpu.memref_squeeze %dma_start3A_106 : memref<1x125x8xf32, #tpu.memory_space<vmem>> -> memref<125x8xf32, #tpu.memory_space<vmem>>
    %dma_start3A_108 = arith.constant 0 : i32
    %dma_start3A_109 = tpu.memref_slice %arg6[%dma_start3A_101, %dma_start3A_108] : memref<80x125xi32, #tpu.memory_space<vmem>> -> memref<1x125xi32, #tpu.memory_space<vmem>>
    %dma_start3A_110 = tpu.memref_squeeze %dma_start3A_109 : memref<1x125xi32, #tpu.memory_space<vmem>> -> memref<125xi32, #tpu.memory_space<vmem>>
    %dma_start3A_111 = arith.constant 0 : i32
    %dma_start3A_112 = arith.constant 0 : i32
    %dma_start3A_113 = tpu.memref_slice %arg11[%dma_start3A_111, %dma_start3A_112] : memref<10240x8xf32, #tpu.memory_space<vmem_shared>> -> memref<10240x8xf32, #tpu.memory_space<vmem_shared>>
    %dma_start3A_114 = tpu.memref_slice %arg12[%dma_start3A_103] : memref<10x!tpu.dma_semaphore, #tpu.memory_space<semaphore_mem>> -> memref<1x!tpu.dma_semaphore, #tpu.memory_space<semaphore_mem>>
    %dma_start3A_115 = tpu.memref_squeeze %dma_start3A_114 : memref<1x!tpu.dma_semaphore, #tpu.memory_space<semaphore_mem>> -> memref<!tpu.dma_semaphore, #tpu.memory_space<semaphore_mem>>
    tpu.enqueue_indirect_dma source(%dma_start3A_113 : memref<10240x8xf32, #tpu.memory_space<vmem_shared>>) target(%dma_start3A_107 : memref<125x8xf32, #tpu.memory_space<vmem>>) offsets(%dma_start3A_110 : memref<125xi32, #tpu.memory_space<vmem>>) semaphore(%dma_start3A_115 : memref<!tpu.dma_semaphore, #tpu.memory_space<semaphore_mem>>)
    %dma_start3A_116 = arith.constant 5 : i32
    %dma_start3A_117 = arith.constant 5 : i32
    %dma_start3A_118 = arith.constant 5 : i32
    %dma_start3A_119 = arith.constant 0 : i32
    %dma_start3A_120 = arith.constant 0 : i32
    %dma_start3A_121 = tpu.memref_slice %arg8[%dma_start3A_117, %dma_start3A_119, %dma_start3A_120] : memref<10x125x8xf32, #tpu.memory_space<vmem>> -> memref<1x125x8xf32, #tpu.memory_space<vmem>>
    %dma_start3A_122 = tpu.memref_squeeze %dma_start3A_121 : memref<1x125x8xf32, #tpu.memory_space<vmem>> -> memref<125x8xf32, #tpu.memory_space<vmem>>
    %dma_start3A_123 = arith.constant 0 : i32
    %dma_start3A_124 = tpu.memref_slice %arg6[%dma_start3A_116, %dma_start3A_123] : memref<80x125xi32, #tpu.memory_space<vmem>> -> memref<1x125xi32, #tpu.memory_space<vmem>>
    %dma_start3A_125 = tpu.memref_squeeze %dma_start3A_124 : memref<1x125xi32, #tpu.memory_space<vmem>> -> memref<125xi32, #tpu.memory_space<vmem>>
    %dma_start3A_126 = arith.constant 0 : i32
    %dma_start3A_127 = arith.constant 0 : i32
    %dma_start3A_128 = tpu.memref_slice %arg11[%dma_start3A_126, %dma_start3A_127] : memref<10240x8xf32, #tpu.memory_space<vmem_shared>> -> memref<10240x8xf32, #tpu.memory_space<vmem_shared>>
    %dma_start3A_129 = tpu.memref_slice %arg12[%dma_start3A_118] : memref<10x!tpu.dma_semaphore, #tpu.memory_space<semaphore_mem>> -> memref<1x!tpu.dma_semaphore, #tpu.memory_space<semaphore_mem>>
    %dma_start3A_130 = tpu.memref_squeeze %dma_start3A_129 : memref<1x!tpu.dma_semaphore, #tpu.memory_space<semaphore_mem>> -> memref<!tpu.dma_semaphore, #tpu.memory_space<semaphore_mem>>
    tpu.enqueue_indirect_dma source(%dma_start3A_128 : memref<10240x8xf32, #tpu.memory_space<vmem_shared>>) target(%dma_start3A_122 : memref<125x8xf32, #tpu.memory_space<vmem>>) offsets(%dma_start3A_125 : memref<125xi32, #tpu.memory_space<vmem>>) semaphore(%dma_start3A_130 : memref<!tpu.dma_semaphore, #tpu.memory_space<semaphore_mem>>)
    %dma_start3A_131 = arith.constant 6 : i32
    %dma_start3A_132 = arith.constant 6 : i32
    %dma_start3A_133 = arith.constant 6 : i32
    %dma_start3A_134 = arith.constant 0 : i32
    %dma_start3A_135 = arith.constant 0 : i32
    %dma_start3A_136 = tpu.memref_slice %arg8[%dma_start3A_132, %dma_start3A_134, %dma_start3A_135] : memref<10x125x8xf32, #tpu.memory_space<vmem>> -> memref<1x125x8xf32, #tpu.memory_space<vmem>>
    %dma_start3A_137 = tpu.memref_squeeze %dma_start3A_136 : memref<1x125x8xf32, #tpu.memory_space<vmem>> -> memref<125x8xf32, #tpu.memory_space<vmem>>
    %dma_start3A_138 = arith.constant 0 : i32
    %dma_start3A_139 = tpu.memref_slice %arg6[%dma_start3A_131, %dma_start3A_138] : memref<80x125xi32, #tpu.memory_space<vmem>> -> memref<1x125xi32, #tpu.memory_space<vmem>>
    %dma_start3A_140 = tpu.memref_squeeze %dma_start3A_139 : memref<1x125xi32, #tpu.memory_space<vmem>> -> memref<125xi32, #tpu.memory_space<vmem>>
    %dma_start3A_141 = arith.constant 0 : i32
    %dma_start3A_142 = arith.constant 0 : i32
    %dma_start3A_143 = tpu.memref_slice %arg11[%dma_start3A_141, %dma_start3A_142] : memref<10240x8xf32, #tpu.memory_space<vmem_shared>> -> memref<10240x8xf32, #tpu.memory_space<vmem_shared>>
    %dma_start3A_144 = tpu.memref_slice %arg12[%dma_start3A_133] : memref<10x!tpu.dma_semaphore, #tpu.memory_space<semaphore_mem>> -> memref<1x!tpu.dma_semaphore, #tpu.memory_space<semaphore_mem>>
    %dma_start3A_145 = tpu.memref_squeeze %dma_start3A_144 : memref<1x!tpu.dma_semaphore, #tpu.memory_space<semaphore_mem>> -> memref<!tpu.dma_semaphore, #tpu.memory_space<semaphore_mem>>
    tpu.enqueue_indirect_dma source(%dma_start3A_143 : memref<10240x8xf32, #tpu.memory_space<vmem_shared>>) target(%dma_start3A_137 : memref<125x8xf32, #tpu.memory_space<vmem>>) offsets(%dma_start3A_140 : memref<125xi32, #tpu.memory_space<vmem>>) semaphore(%dma_start3A_145 : memref<!tpu.dma_semaphore, #tpu.memory_space<semaphore_mem>>)
    %dma_start3A_146 = arith.constant 7 : i32
    %dma_start3A_147 = arith.constant 7 : i32
    %dma_start3A_148 = arith.constant 7 : i32
    %dma_start3A_149 = arith.constant 0 : i32
    %dma_start3A_150 = arith.constant 0 : i32
    %dma_start3A_151 = tpu.memref_slice %arg8[%dma_start3A_147, %dma_start3A_149, %dma_start3A_150] : memref<10x125x8xf32, #tpu.memory_space<vmem>> -> memref<1x125x8xf32, #tpu.memory_space<vmem>>
    %dma_start3A_152 = tpu.memref_squeeze %dma_start3A_151 : memref<1x125x8xf32, #tpu.memory_space<vmem>> -> memref<125x8xf32, #tpu.memory_space<vmem>>
    %dma_start3A_153 = arith.constant 0 : i32
    %dma_start3A_154 = tpu.memref_slice %arg6[%dma_start3A_146, %dma_start3A_153] : memref<80x125xi32, #tpu.memory_space<vmem>> -> memref<1x125xi32, #tpu.memory_space<vmem>>
    %dma_start3A_155 = tpu.memref_squeeze %dma_start3A_154 : memref<1x125xi32, #tpu.memory_space<vmem>> -> memref<125xi32, #tpu.memory_space<vmem>>
    %dma_start3A_156 = arith.constant 0 : i32
    %dma_start3A_157 = arith.constant 0 : i32
    %dma_start3A_158 = tpu.memref_slice %arg11[%dma_start3A_156, %dma_start3A_157] : memref<10240x8xf32, #tpu.memory_space<vmem_shared>> -> memref<10240x8xf32, #tpu.memory_space<vmem_shared>>
    %dma_start3A_159 = tpu.memref_slice %arg12[%dma_start3A_148] : memref<10x!tpu.dma_semaphore, #tpu.memory_space<semaphore_mem>> -> memref<1x!tpu.dma_semaphore, #tpu.memory_space<semaphore_mem>>
    %dma_start3A_160 = tpu.memref_squeeze %dma_start3A_159 : memref<1x!tpu.dma_semaphore, #tpu.memory_space<semaphore_mem>> -> memref<!tpu.dma_semaphore, #tpu.memory_space<semaphore_mem>>
    tpu.enqueue_indirect_dma source(%dma_start3A_158 : memref<10240x8xf32, #tpu.memory_space<vmem_shared>>) target(%dma_start3A_152 : memref<125x8xf32, #tpu.memory_space<vmem>>) offsets(%dma_start3A_155 : memref<125xi32, #tpu.memory_space<vmem>>) semaphore(%dma_start3A_160 : memref<!tpu.dma_semaphore, #tpu.memory_space<semaphore_mem>>)
    %dma_start3A_161 = arith.constant 8 : i32
    %dma_start3A_162 = arith.constant 8 : i32
    %dma_start3A_163 = arith.constant 8 : i32
    %dma_start3A_164 = arith.constant 0 : i32
    %dma_start3A_165 = arith.constant 0 : i32
    %dma_start3A_166 = tpu.memref_slice %arg8[%dma_start3A_162, %dma_start3A_164, %dma_start3A_165] : memref<10x125x8xf32, #tpu.memory_space<vmem>> -> memref<1x125x8xf32, #tpu.memory_space<vmem>>
    %dma_start3A_167 = tpu.memref_squeeze %dma_start3A_166 : memref<1x125x8xf32, #tpu.memory_space<vmem>> -> memref<125x8xf32, #tpu.memory_space<vmem>>
    %dma_start3A_168 = arith.constant 0 : i32
    %dma_start3A_169 = tpu.memref_slice %arg6[%dma_start3A_161, %dma_start3A_168] : memref<80x125xi32, #tpu.memory_space<vmem>> -> memref<1x125xi32, #tpu.memory_space<vmem>>
    %dma_start3A_170 = tpu.memref_squeeze %dma_start3A_169 : memref<1x125xi32, #tpu.memory_space<vmem>> -> memref<125xi32, #tpu.memory_space<vmem>>
    %dma_start3A_171 = arith.constant 0 : i32
    %dma_start3A_172 = arith.constant 0 : i32
    %dma_start3A_173 = tpu.memref_slice %arg11[%dma_start3A_171, %dma_start3A_172] : memref<10240x8xf32, #tpu.memory_space<vmem_shared>> -> memref<10240x8xf32, #tpu.memory_space<vmem_shared>>
    %dma_start3A_174 = tpu.memref_slice %arg12[%dma_start3A_163] : memref<10x!tpu.dma_semaphore, #tpu.memory_space<semaphore_mem>> -> memref<1x!tpu.dma_semaphore, #tpu.memory_space<semaphore_mem>>
    %dma_start3A_175 = tpu.memref_squeeze %dma_start3A_174 : memref<1x!tpu.dma_semaphore, #tpu.memory_space<semaphore_mem>> -> memref<!tpu.dma_semaphore, #tpu.memory_space<semaphore_mem>>
    tpu.enqueue_indirect_dma source(%dma_start3A_173 : memref<10240x8xf32, #tpu.memory_space<vmem_shared>>) target(%dma_start3A_167 : memref<125x8xf32, #tpu.memory_space<vmem>>) offsets(%dma_start3A_170 : memref<125xi32, #tpu.memory_space<vmem>>) semaphore(%dma_start3A_175 : memref<!tpu.dma_semaphore, #tpu.memory_space<semaphore_mem>>)
    %dma_start3A_176 = arith.constant 9 : i32
    %dma_start3A_177 = arith.constant 9 : i32
    %dma_start3A_178 = arith.constant 9 : i32
    %dma_start3A_179 = arith.constant 0 : i32
    %dma_start3A_180 = arith.constant 0 : i32
    %dma_start3A_181 = tpu.memref_slice %arg8[%dma_start3A_177, %dma_start3A_179, %dma_start3A_180] : memref<10x125x8xf32, #tpu.memory_space<vmem>> -> memref<1x125x8xf32, #tpu.memory_space<vmem>>
    %dma_start3A_182 = tpu.memref_squeeze %dma_start3A_181 : memref<1x125x8xf32, #tpu.memory_space<vmem>> -> memref<125x8xf32, #tpu.memory_space<vmem>>
    %dma_start3A_183 = arith.constant 0 : i32
    %dma_start3A_184 = tpu.memref_slice %arg6[%dma_start3A_176, %dma_start3A_183] : memref<80x125xi32, #tpu.memory_space<vmem>> -> memref<1x125xi32, #tpu.memory_space<vmem>>
    %dma_start3A_185 = tpu.memref_squeeze %dma_start3A_184 : memref<1x125xi32, #tpu.memory_space<vmem>> -> memref<125xi32, #tpu.memory_space<vmem>>
    %dma_start3A_186 = arith.constant 0 : i32
    %dma_start3A_187 = arith.constant 0 : i32
    %dma_start3A_188 = tpu.memref_slice %arg11[%dma_start3A_186, %dma_start3A_187] : memref<10240x8xf32, #tpu.memory_space<vmem_shared>> -> memref<10240x8xf32, #tpu.memory_space<vmem_shared>>
    %dma_start3A_189 = tpu.memref_slice %arg12[%dma_start3A_178] : memref<10x!tpu.dma_semaphore, #tpu.memory_space<semaphore_mem>> -> memref<1x!tpu.dma_semaphore, #tpu.memory_space<semaphore_mem>>
    %dma_start3A_190 = tpu.memref_squeeze %dma_start3A_189 : memref<1x!tpu.dma_semaphore, #tpu.memory_space<semaphore_mem>> -> memref<!tpu.dma_semaphore, #tpu.memory_space<semaphore_mem>>
    tpu.enqueue_indirect_dma source(%dma_start3A_188 : memref<10240x8xf32, #tpu.memory_space<vmem_shared>>) target(%dma_start3A_182 : memref<125x8xf32, #tpu.memory_space<vmem>>) offsets(%dma_start3A_185 : memref<125xi32, #tpu.memory_space<vmem>>) semaphore(%dma_start3A_190 : memref<!tpu.dma_semaphore, #tpu.memory_space<semaphore_mem>>)
    %scan3A_191 = arith.constant 0 : i32
    %scan3A_192 = arith.constant 0 : i32
    %scan3A_193 = arith.constant 8 : i32
    %scan3A_194 = arith.addi %scan3A_192, %scan3A_193 : i32
    %scan3A_195 = arith.constant 1 : i32
    %scan3A_196 = scf.for %scan3A_383 = %scan3A_192 to %scan3A_194 step %scan3A_195 iter_args(%scan3A_384 = %scan3A_191) -> (i32)  : i32 {
      %mul3A_385 = arith.constant 10 : i32
      %mul3A_386 = arith.muli %scan3A_383, %mul3A_385 : i32
      %dma_wait3A_387 = arith.constant 0 : i32
      %dma_wait3A_388 = arith.constant 0 : i32
      %dma_wait3A_389 = arith.constant 0 : i32
      %dma_wait3A_390 = arith.constant 0 : i32
      %dma_wait3A_391 = tpu.memref_slice %arg8[%dma_wait3A_387, %dma_wait3A_389, %dma_wait3A_390] : memref<10x125x8xf32, #tpu.memory_space<vmem>> -> memref<1x125x8xf32, #tpu.memory_space<vmem>>
      %dma_wait3A_392 = tpu.memref_squeeze %dma_wait3A_391 : memref<1x125x8xf32, #tpu.memory_space<vmem>> -> memref<125x8xf32, #tpu.memory_space<vmem>>
      %dma_wait3A_393 = arith.constant 0 : i32
      %dma_wait3A_394 = arith.constant 0 : i32
      %dma_wait3A_395 = tpu.memref_slice %arg4[%dma_wait3A_393, %dma_wait3A_394] : memref<10240x8xf32, #tpu.memory_space<hbm>> -> memref<125x8xf32, #tpu.memory_space<hbm>>
      %dma_wait3A_396 = tpu.memref_slice %arg12[%dma_wait3A_388] : memref<10x!tpu.dma_semaphore, #tpu.memory_space<semaphore_mem>> -> memref<1x!tpu.dma_semaphore, #tpu.memory_space<semaphore_mem>>
      %dma_wait3A_397 = tpu.memref_squeeze %dma_wait3A_396 : memref<1x!tpu.dma_semaphore, #tpu.memory_space<semaphore_mem>> -> memref<!tpu.dma_semaphore, #tpu.memory_space<semaphore_mem>>
      %dma_wait3A_398 = arith.constant 0 : i32
      %dma_wait3A_399 = arith.constant 0 : i32
      %dma_wait3A_400 = tpu.memref_slice %arg8[%dma_wait3A_387, %dma_wait3A_398, %dma_wait3A_399] : memref<10x125x8xf32, #tpu.memory_space<vmem>> -> memref<1x125x8xf32, #tpu.memory_space<vmem>>
      %dma_wait3A_401 = tpu.memref_squeeze %dma_wait3A_400 : memref<1x125x8xf32, #tpu.memory_space<vmem>> -> memref<125x8xf32, #tpu.memory_space<vmem>>
      %dma_wait3A_402 = arith.constant 0 : i32
      %dma_wait3A_403 = arith.constant 0 : i32
      %dma_wait3A_404 = tpu.memref_slice %arg4[%dma_wait3A_402, %dma_wait3A_403] : memref<10240x8xf32, #tpu.memory_space<hbm>> -> memref<125x8xf32, #tpu.memory_space<hbm>>
      tpu.wait_dma2 semaphore(%dma_wait3A_397 : memref<!tpu.dma_semaphore, #tpu.memory_space<semaphore_mem>>) src(%dma_wait3A_404 : memref<125x8xf32, #tpu.memory_space<hbm>>) dst(%dma_wait3A_401 : memref<125x8xf32, #tpu.memory_space<vmem>>)
      %add3A = arith.constant 0 : i32
      %add3A_405 = arith.addi %mul3A_386, %add3A : i32
      %dma_start3A_406 = arith.constant 0 : i32
      %dma_start3A_407 = arith.constant 0 : i32
      %dma_start3A_408 = arith.constant 0 : i32
      %dma_start3A_409 = arith.constant 0 : i32
      %dma_start3A_410 = tpu.memref_slice %arg8[%dma_start3A_406, %dma_start3A_408, %dma_start3A_409] : memref<10x125x8xf32, #tpu.memory_space<vmem>> -> memref<1x125x8xf32, #tpu.memory_space<vmem>>
      %dma_start3A_411 = tpu.memref_squeeze %dma_start3A_410 : memref<1x125x8xf32, #tpu.memory_space<vmem>> -> memref<125x8xf32, #tpu.memory_space<vmem>>
      %dma_start3A_412 = arith.constant 0 : i32
      %dma_start3A_413 = tpu.memref_slice %arg7[%add3A_405, %dma_start3A_412] : memref<80x125xi32, #tpu.memory_space<vmem>> -> memref<1x125xi32, #tpu.memory_space<vmem>>
      %dma_start3A_414 = tpu.memref_squeeze %dma_start3A_413 : memref<1x125xi32, #tpu.memory_space<vmem>> -> memref<125xi32, #tpu.memory_space<vmem>>
      %dma_start3A_415 = arith.constant 0 : i32
      %dma_start3A_416 = arith.constant 0 : i32
      %dma_start3A_417 = tpu.memref_slice %arg10[%dma_start3A_415, %dma_start3A_416] : memref<10240x8xf32, #tpu.memory_space<vmem_shared>> -> memref<10240x8xf32, #tpu.memory_space<vmem_shared>>
      %dma_start3A_418 = tpu.memref_slice %arg13[%dma_start3A_407] : memref<10x!tpu.dma_semaphore, #tpu.memory_space<semaphore_mem>> -> memref<1x!tpu.dma_semaphore, #tpu.memory_space<semaphore_mem>>
      %dma_start3A_419 = tpu.memref_squeeze %dma_start3A_418 : memref<1x!tpu.dma_semaphore, #tpu.memory_space<semaphore_mem>> -> memref<!tpu.dma_semaphore, #tpu.memory_space<semaphore_mem>>
      tpu.enqueue_indirect_dma source(%dma_start3A_411 : memref<125x8xf32, #tpu.memory_space<vmem>>) target(%dma_start3A_417 : memref<10240x8xf32, #tpu.memory_space<vmem_shared>>) offsets(%dma_start3A_414 : memref<125xi32, #tpu.memory_space<vmem>>) semaphore(%dma_start3A_419 : memref<!tpu.dma_semaphore, #tpu.memory_space<semaphore_mem>>) {add = true}
      %dma_wait3A_420 = arith.constant 1 : i32
      %dma_wait3A_421 = arith.constant 1 : i32
      %dma_wait3A_422 = arith.constant 0 : i32
      %dma_wait3A_423 = arith.constant 0 : i32
      %dma_wait3A_424 = tpu.memref_slice %arg8[%dma_wait3A_420, %dma_wait3A_422, %dma_wait3A_423] : memref<10x125x8xf32, #tpu.memory_space<vmem>> -> memref<1x125x8xf32, #tpu.memory_space<vmem>>
      %dma_wait3A_425 = tpu.memref_squeeze %dma_wait3A_424 : memref<1x125x8xf32, #tpu.memory_space<vmem>> -> memref<125x8xf32, #tpu.memory_space<vmem>>
      %dma_wait3A_426 = arith.constant 0 : i32
      %dma_wait3A_427 = arith.constant 0 : i32
      %dma_wait3A_428 = tpu.memref_slice %arg4[%dma_wait3A_426, %dma_wait3A_427] : memref<10240x8xf32, #tpu.memory_space<hbm>> -> memref<125x8xf32, #tpu.memory_space<hbm>>
      %dma_wait3A_429 = tpu.memref_slice %arg12[%dma_wait3A_421] : memref<10x!tpu.dma_semaphore, #tpu.memory_space<semaphore_mem>> -> memref<1x!tpu.dma_semaphore, #tpu.memory_space<semaphore_mem>>
      %dma_wait3A_430 = tpu.memref_squeeze %dma_wait3A_429 : memref<1x!tpu.dma_semaphore, #tpu.memory_space<semaphore_mem>> -> memref<!tpu.dma_semaphore, #tpu.memory_space<semaphore_mem>>
      %dma_wait3A_431 = arith.constant 0 : i32
      %dma_wait3A_432 = arith.constant 0 : i32
      %dma_wait3A_433 = tpu.memref_slice %arg8[%dma_wait3A_420, %dma_wait3A_431, %dma_wait3A_432] : memref<10x125x8xf32, #tpu.memory_space<vmem>> -> memref<1x125x8xf32, #tpu.memory_space<vmem>>
      %dma_wait3A_434 = tpu.memref_squeeze %dma_wait3A_433 : memref<1x125x8xf32, #tpu.memory_space<vmem>> -> memref<125x8xf32, #tpu.memory_space<vmem>>
      %dma_wait3A_435 = arith.constant 0 : i32
      %dma_wait3A_436 = arith.constant 0 : i32
      %dma_wait3A_437 = tpu.memref_slice %arg4[%dma_wait3A_435, %dma_wait3A_436] : memref<10240x8xf32, #tpu.memory_space<hbm>> -> memref<125x8xf32, #tpu.memory_space<hbm>>
      tpu.wait_dma2 semaphore(%dma_wait3A_430 : memref<!tpu.dma_semaphore, #tpu.memory_space<semaphore_mem>>) src(%dma_wait3A_437 : memref<125x8xf32, #tpu.memory_space<hbm>>) dst(%dma_wait3A_434 : memref<125x8xf32, #tpu.memory_space<vmem>>)
      %add3A_438 = arith.constant 1 : i32
      %add3A_439 = arith.addi %mul3A_386, %add3A_438 : i32
      %dma_start3A_440 = arith.constant 1 : i32
      %dma_start3A_441 = arith.constant 1 : i32
      %dma_start3A_442 = arith.constant 0 : i32
      %dma_start3A_443 = arith.constant 0 : i32
      %dma_start3A_444 = tpu.memref_slice %arg8[%dma_start3A_440, %dma_start3A_442, %dma_start3A_443] : memref<10x125x8xf32, #tpu.memory_space<vmem>> -> memref<1x125x8xf32, #tpu.memory_space<vmem>>
      %dma_start3A_445 = tpu.memref_squeeze %dma_start3A_444 : memref<1x125x8xf32, #tpu.memory_space<vmem>> -> memref<125x8xf32, #tpu.memory_space<vmem>>
      %dma_start3A_446 = arith.constant 0 : i32
      %dma_start3A_447 = tpu.memref_slice %arg7[%add3A_439, %dma_start3A_446] : memref<80x125xi32, #tpu.memory_space<vmem>> -> memref<1x125xi32, #tpu.memory_space<vmem>>
      %dma_start3A_448 = tpu.memref_squeeze %dma_start3A_447 : memref<1x125xi32, #tpu.memory_space<vmem>> -> memref<125xi32, #tpu.memory_space<vmem>>
      %dma_start3A_449 = arith.constant 0 : i32
      %dma_start3A_450 = arith.constant 0 : i32
      %dma_start3A_451 = tpu.memref_slice %arg10[%dma_start3A_449, %dma_start3A_450] : memref<10240x8xf32, #tpu.memory_space<vmem_shared>> -> memref<10240x8xf32, #tpu.memory_space<vmem_shared>>
      %dma_start3A_452 = tpu.memref_slice %arg13[%dma_start3A_441] : memref<10x!tpu.dma_semaphore, #tpu.memory_space<semaphore_mem>> -> memref<1x!tpu.dma_semaphore, #tpu.memory_space<semaphore_mem>>
      %dma_start3A_453 = tpu.memref_squeeze %dma_start3A_452 : memref<1x!tpu.dma_semaphore, #tpu.memory_space<semaphore_mem>> -> memref<!tpu.dma_semaphore, #tpu.memory_space<semaphore_mem>>
      tpu.enqueue_indirect_dma source(%dma_start3A_445 : memref<125x8xf32, #tpu.memory_space<vmem>>) target(%dma_start3A_451 : memref<10240x8xf32, #tpu.memory_space<vmem_shared>>) offsets(%dma_start3A_448 : memref<125xi32, #tpu.memory_space<vmem>>) semaphore(%dma_start3A_453 : memref<!tpu.dma_semaphore, #tpu.memory_space<semaphore_mem>>) {add = true}
      %dma_wait3A_454 = arith.constant 2 : i32
      %dma_wait3A_455 = arith.constant 2 : i32
      %dma_wait3A_456 = arith.constant 0 : i32
      %dma_wait3A_457 = arith.constant 0 : i32
      %dma_wait3A_458 = tpu.memref_slice %arg8[%dma_wait3A_454, %dma_wait3A_456, %dma_wait3A_457] : memref<10x125x8xf32, #tpu.memory_space<vmem>> -> memref<1x125x8xf32, #tpu.memory_space<vmem>>
      %dma_wait3A_459 = tpu.memref_squeeze %dma_wait3A_458 : memref<1x125x8xf32, #tpu.memory_space<vmem>> -> memref<125x8xf32, #tpu.memory_space<vmem>>
      %dma_wait3A_460 = arith.constant 0 : i32
      %dma_wait3A_461 = arith.constant 0 : i32
      %dma_wait3A_462 = tpu.memref_slice %arg4[%dma_wait3A_460, %dma_wait3A_461] : memref<10240x8xf32, #tpu.memory_space<hbm>> -> memref<125x8xf32, #tpu.memory_space<hbm>>
      %dma_wait3A_463 = tpu.memref_slice %arg12[%dma_wait3A_455] : memref<10x!tpu.dma_semaphore, #tpu.memory_space<semaphore_mem>> -> memref<1x!tpu.dma_semaphore, #tpu.memory_space<semaphore_mem>>
      %dma_wait3A_464 = tpu.memref_squeeze %dma_wait3A_463 : memref<1x!tpu.dma_semaphore, #tpu.memory_space<semaphore_mem>> -> memref<!tpu.dma_semaphore, #tpu.memory_space<semaphore_mem>>
      %dma_wait3A_465 = arith.constant 0 : i32
      %dma_wait3A_466 = arith.constant 0 : i32
      %dma_wait3A_467 = tpu.memref_slice %arg8[%dma_wait3A_454, %dma_wait3A_465, %dma_wait3A_466] : memref<10x125x8xf32, #tpu.memory_space<vmem>> -> memref<1x125x8xf32, #tpu.memory_space<vmem>>
      %dma_wait3A_468 = tpu.memref_squeeze %dma_wait3A_467 : memref<1x125x8xf32, #tpu.memory_space<vmem>> -> memref<125x8xf32, #tpu.memory_space<vmem>>
      %dma_wait3A_469 = arith.constant 0 : i32
      %dma_wait3A_470 = arith.constant 0 : i32
      %dma_wait3A_471 = tpu.memref_slice %arg4[%dma_wait3A_469, %dma_wait3A_470] : memref<10240x8xf32, #tpu.memory_space<hbm>> -> memref<125x8xf32, #tpu.memory_space<hbm>>
      tpu.wait_dma2 semaphore(%dma_wait3A_464 : memref<!tpu.dma_semaphore, #tpu.memory_space<semaphore_mem>>) src(%dma_wait3A_471 : memref<125x8xf32, #tpu.memory_space<hbm>>) dst(%dma_wait3A_468 : memref<125x8xf32, #tpu.memory_space<vmem>>)
      %add3A_472 = arith.constant 2 : i32
      %add3A_473 = arith.addi %mul3A_386, %add3A_472 : i32
      %dma_start3A_474 = arith.constant 2 : i32
      %dma_start3A_475 = arith.constant 2 : i32
      %dma_start3A_476 = arith.constant 0 : i32
      %dma_start3A_477 = arith.constant 0 : i32
      %dma_start3A_478 = tpu.memref_slice %arg8[%dma_start3A_474, %dma_start3A_476, %dma_start3A_477] : memref<10x125x8xf32, #tpu.memory_space<vmem>> -> memref<1x125x8xf32, #tpu.memory_space<vmem>>
      %dma_start3A_479 = tpu.memref_squeeze %dma_start3A_478 : memref<1x125x8xf32, #tpu.memory_space<vmem>> -> memref<125x8xf32, #tpu.memory_space<vmem>>
      %dma_start3A_480 = arith.constant 0 : i32
      %dma_start3A_481 = tpu.memref_slice %arg7[%add3A_473, %dma_start3A_480] : memref<80x125xi32, #tpu.memory_space<vmem>> -> memref<1x125xi32, #tpu.memory_space<vmem>>
      %dma_start3A_482 = tpu.memref_squeeze %dma_start3A_481 : memref<1x125xi32, #tpu.memory_space<vmem>> -> memref<125xi32, #tpu.memory_space<vmem>>
      %dma_start3A_483 = arith.constant 0 : i32
      %dma_start3A_484 = arith.constant 0 : i32
      %dma_start3A_485 = tpu.memref_slice %arg10[%dma_start3A_483, %dma_start3A_484] : memref<10240x8xf32, #tpu.memory_space<vmem_shared>> -> memref<10240x8xf32, #tpu.memory_space<vmem_shared>>
      %dma_start3A_486 = tpu.memref_slice %arg13[%dma_start3A_475] : memref<10x!tpu.dma_semaphore, #tpu.memory_space<semaphore_mem>> -> memref<1x!tpu.dma_semaphore, #tpu.memory_space<semaphore_mem>>
      %dma_start3A_487 = tpu.memref_squeeze %dma_start3A_486 : memref<1x!tpu.dma_semaphore, #tpu.memory_space<semaphore_mem>> -> memref<!tpu.dma_semaphore, #tpu.memory_space<semaphore_mem>>
      tpu.enqueue_indirect_dma source(%dma_start3A_479 : memref<125x8xf32, #tpu.memory_space<vmem>>) target(%dma_start3A_485 : memref<10240x8xf32, #tpu.memory_space<vmem_shared>>) offsets(%dma_start3A_482 : memref<125xi32, #tpu.memory_space<vmem>>) semaphore(%dma_start3A_487 : memref<!tpu.dma_semaphore, #tpu.memory_space<semaphore_mem>>) {add = true}
      %dma_wait3A_488 = arith.constant 3 : i32
      %dma_wait3A_489 = arith.constant 3 : i32
      %dma_wait3A_490 = arith.constant 0 : i32
      %dma_wait3A_491 = arith.constant 0 : i32
      %dma_wait3A_492 = tpu.memref_slice %arg8[%dma_wait3A_488, %dma_wait3A_490, %dma_wait3A_491] : memref<10x125x8xf32, #tpu.memory_space<vmem>> -> memref<1x125x8xf32, #tpu.memory_space<vmem>>
      %dma_wait3A_493 = tpu.memref_squeeze %dma_wait3A_492 : memref<1x125x8xf32, #tpu.memory_space<vmem>> -> memref<125x8xf32, #tpu.memory_space<vmem>>
      %dma_wait3A_494 = arith.constant 0 : i32
      %dma_wait3A_495 = arith.constant 0 : i32
      %dma_wait3A_496 = tpu.memref_slice %arg4[%dma_wait3A_494, %dma_wait3A_495] : memref<10240x8xf32, #tpu.memory_space<hbm>> -> memref<125x8xf32, #tpu.memory_space<hbm>>
      %dma_wait3A_497 = tpu.memref_slice %arg12[%dma_wait3A_489] : memref<10x!tpu.dma_semaphore, #tpu.memory_space<semaphore_mem>> -> memref<1x!tpu.dma_semaphore, #tpu.memory_space<semaphore_mem>>
      %dma_wait3A_498 = tpu.memref_squeeze %dma_wait3A_497 : memref<1x!tpu.dma_semaphore, #tpu.memory_space<semaphore_mem>> -> memref<!tpu.dma_semaphore, #tpu.memory_space<semaphore_mem>>
      %dma_wait3A_499 = arith.constant 0 : i32
      %dma_wait3A_500 = arith.constant 0 : i32
      %dma_wait3A_501 = tpu.memref_slice %arg8[%dma_wait3A_488, %dma_wait3A_499, %dma_wait3A_500] : memref<10x125x8xf32, #tpu.memory_space<vmem>> -> memref<1x125x8xf32, #tpu.memory_space<vmem>>
      %dma_wait3A_502 = tpu.memref_squeeze %dma_wait3A_501 : memref<1x125x8xf32, #tpu.memory_space<vmem>> -> memref<125x8xf32, #tpu.memory_space<vmem>>
      %dma_wait3A_503 = arith.constant 0 : i32
      %dma_wait3A_504 = arith.constant 0 : i32
      %dma_wait3A_505 = tpu.memref_slice %arg4[%dma_wait3A_503, %dma_wait3A_504] : memref<10240x8xf32, #tpu.memory_space<hbm>> -> memref<125x8xf32, #tpu.memory_space<hbm>>
      tpu.wait_dma2 semaphore(%dma_wait3A_498 : memref<!tpu.dma_semaphore, #tpu.memory_space<semaphore_mem>>) src(%dma_wait3A_505 : memref<125x8xf32, #tpu.memory_space<hbm>>) dst(%dma_wait3A_502 : memref<125x8xf32, #tpu.memory_space<vmem>>)
      %add3A_506 = arith.constant 3 : i32
      %add3A_507 = arith.addi %mul3A_386, %add3A_506 : i32
      %dma_start3A_508 = arith.constant 3 : i32
      %dma_start3A_509 = arith.constant 3 : i32
      %dma_start3A_510 = arith.constant 0 : i32
      %dma_start3A_511 = arith.constant 0 : i32
      %dma_start3A_512 = tpu.memref_slice %arg8[%dma_start3A_508, %dma_start3A_510, %dma_start3A_511] : memref<10x125x8xf32, #tpu.memory_space<vmem>> -> memref<1x125x8xf32, #tpu.memory_space<vmem>>
      %dma_start3A_513 = tpu.memref_squeeze %dma_start3A_512 : memref<1x125x8xf32, #tpu.memory_space<vmem>> -> memref<125x8xf32, #tpu.memory_space<vmem>>
      %dma_start3A_514 = arith.constant 0 : i32
      %dma_start3A_515 = tpu.memref_slice %arg7[%add3A_507, %dma_start3A_514] : memref<80x125xi32, #tpu.memory_space<vmem>> -> memref<1x125xi32, #tpu.memory_space<vmem>>
      %dma_start3A_516 = tpu.memref_squeeze %dma_start3A_515 : memref<1x125xi32, #tpu.memory_space<vmem>> -> memref<125xi32, #tpu.memory_space<vmem>>
      %dma_start3A_517 = arith.constant 0 : i32
      %dma_start3A_518 = arith.constant 0 : i32
      %dma_start3A_519 = tpu.memref_slice %arg10[%dma_start3A_517, %dma_start3A_518] : memref<10240x8xf32, #tpu.memory_space<vmem_shared>> -> memref<10240x8xf32, #tpu.memory_space<vmem_shared>>
      %dma_start3A_520 = tpu.memref_slice %arg13[%dma_start3A_509] : memref<10x!tpu.dma_semaphore, #tpu.memory_space<semaphore_mem>> -> memref<1x!tpu.dma_semaphore, #tpu.memory_space<semaphore_mem>>
      %dma_start3A_521 = tpu.memref_squeeze %dma_start3A_520 : memref<1x!tpu.dma_semaphore, #tpu.memory_space<semaphore_mem>> -> memref<!tpu.dma_semaphore, #tpu.memory_space<semaphore_mem>>
      tpu.enqueue_indirect_dma source(%dma_start3A_513 : memref<125x8xf32, #tpu.memory_space<vmem>>) target(%dma_start3A_519 : memref<10240x8xf32, #tpu.memory_space<vmem_shared>>) offsets(%dma_start3A_516 : memref<125xi32, #tpu.memory_space<vmem>>) semaphore(%dma_start3A_521 : memref<!tpu.dma_semaphore, #tpu.memory_space<semaphore_mem>>) {add = true}
      %dma_wait3A_522 = arith.constant 4 : i32
      %dma_wait3A_523 = arith.constant 4 : i32
      %dma_wait3A_524 = arith.constant 0 : i32
      %dma_wait3A_525 = arith.constant 0 : i32
      %dma_wait3A_526 = tpu.memref_slice %arg8[%dma_wait3A_522, %dma_wait3A_524, %dma_wait3A_525] : memref<10x125x8xf32, #tpu.memory_space<vmem>> -> memref<1x125x8xf32, #tpu.memory_space<vmem>>
      %dma_wait3A_527 = tpu.memref_squeeze %dma_wait3A_526 : memref<1x125x8xf32, #tpu.memory_space<vmem>> -> memref<125x8xf32, #tpu.memory_space<vmem>>
      %dma_wait3A_528 = arith.constant 0 : i32
      %dma_wait3A_529 = arith.constant 0 : i32
      %dma_wait3A_530 = tpu.memref_slice %arg4[%dma_wait3A_528, %dma_wait3A_529] : memref<10240x8xf32, #tpu.memory_space<hbm>> -> memref<125x8xf32, #tpu.memory_space<hbm>>
      %dma_wait3A_531 = tpu.memref_slice %arg12[%dma_wait3A_523] : memref<10x!tpu.dma_semaphore, #tpu.memory_space<semaphore_mem>> -> memref<1x!tpu.dma_semaphore, #tpu.memory_space<semaphore_mem>>
      %dma_wait3A_532 = tpu.memref_squeeze %dma_wait3A_531 : memref<1x!tpu.dma_semaphore, #tpu.memory_space<semaphore_mem>> -> memref<!tpu.dma_semaphore, #tpu.memory_space<semaphore_mem>>
      %dma_wait3A_533 = arith.constant 0 : i32
      %dma_wait3A_534 = arith.constant 0 : i32
      %dma_wait3A_535 = tpu.memref_slice %arg8[%dma_wait3A_522, %dma_wait3A_533, %dma_wait3A_534] : memref<10x125x8xf32, #tpu.memory_space<vmem>> -> memref<1x125x8xf32, #tpu.memory_space<vmem>>
      %dma_wait3A_536 = tpu.memref_squeeze %dma_wait3A_535 : memref<1x125x8xf32, #tpu.memory_space<vmem>> -> memref<125x8xf32, #tpu.memory_space<vmem>>
      %dma_wait3A_537 = arith.constant 0 : i32
      %dma_wait3A_538 = arith.constant 0 : i32
      %dma_wait3A_539 = tpu.memref_slice %arg4[%dma_wait3A_537, %dma_wait3A_538] : memref<10240x8xf32, #tpu.memory_space<hbm>> -> memref<125x8xf32, #tpu.memory_space<hbm>>
      tpu.wait_dma2 semaphore(%dma_wait3A_532 : memref<!tpu.dma_semaphore, #tpu.memory_space<semaphore_mem>>) src(%dma_wait3A_539 : memref<125x8xf32, #tpu.memory_space<hbm>>) dst(%dma_wait3A_536 : memref<125x8xf32, #tpu.memory_space<vmem>>)
      %add3A_540 = arith.constant 4 : i32
      %add3A_541 = arith.addi %mul3A_386, %add3A_540 : i32
      %dma_start3A_542 = arith.constant 4 : i32
      %dma_start3A_543 = arith.constant 4 : i32
      %dma_start3A_544 = arith.constant 0 : i32
      %dma_start3A_545 = arith.constant 0 : i32
      %dma_start3A_546 = tpu.memref_slice %arg8[%dma_start3A_542, %dma_start3A_544, %dma_start3A_545] : memref<10x125x8xf32, #tpu.memory_space<vmem>> -> memref<1x125x8xf32, #tpu.memory_space<vmem>>
      %dma_start3A_547 = tpu.memref_squeeze %dma_start3A_546 : memref<1x125x8xf32, #tpu.memory_space<vmem>> -> memref<125x8xf32, #tpu.memory_space<vmem>>
      %dma_start3A_548 = arith.constant 0 : i32
      %dma_start3A_549 = tpu.memref_slice %arg7[%add3A_541, %dma_start3A_548] : memref<80x125xi32, #tpu.memory_space<vmem>> -> memref<1x125xi32, #tpu.memory_space<vmem>>
      %dma_start3A_550 = tpu.memref_squeeze %dma_start3A_549 : memref<1x125xi32, #tpu.memory_space<vmem>> -> memref<125xi32, #tpu.memory_space<vmem>>
      %dma_start3A_551 = arith.constant 0 : i32
      %dma_start3A_552 = arith.constant 0 : i32
      %dma_start3A_553 = tpu.memref_slice %arg10[%dma_start3A_551, %dma_start3A_552] : memref<10240x8xf32, #tpu.memory_space<vmem_shared>> -> memref<10240x8xf32, #tpu.memory_space<vmem_shared>>
      %dma_start3A_554 = tpu.memref_slice %arg13[%dma_start3A_543] : memref<10x!tpu.dma_semaphore, #tpu.memory_space<semaphore_mem>> -> memref<1x!tpu.dma_semaphore, #tpu.memory_space<semaphore_mem>>
      %dma_start3A_555 = tpu.memref_squeeze %dma_start3A_554 : memref<1x!tpu.dma_semaphore, #tpu.memory_space<semaphore_mem>> -> memref<!tpu.dma_semaphore, #tpu.memory_space<semaphore_mem>>
      tpu.enqueue_indirect_dma source(%dma_start3A_547 : memref<125x8xf32, #tpu.memory_space<vmem>>) target(%dma_start3A_553 : memref<10240x8xf32, #tpu.memory_space<vmem_shared>>) offsets(%dma_start3A_550 : memref<125xi32, #tpu.memory_space<vmem>>) semaphore(%dma_start3A_555 : memref<!tpu.dma_semaphore, #tpu.memory_space<semaphore_mem>>) {add = true}
      %dma_wait3A_556 = arith.constant 5 : i32
      %dma_wait3A_557 = arith.constant 5 : i32
      %dma_wait3A_558 = arith.constant 0 : i32
      %dma_wait3A_559 = arith.constant 0 : i32
      %dma_wait3A_560 = tpu.memref_slice %arg8[%dma_wait3A_556, %dma_wait3A_558, %dma_wait3A_559] : memref<10x125x8xf32, #tpu.memory_space<vmem>> -> memref<1x125x8xf32, #tpu.memory_space<vmem>>
      %dma_wait3A_561 = tpu.memref_squeeze %dma_wait3A_560 : memref<1x125x8xf32, #tpu.memory_space<vmem>> -> memref<125x8xf32, #tpu.memory_space<vmem>>
      %dma_wait3A_562 = arith.constant 0 : i32
      %dma_wait3A_563 = arith.constant 0 : i32
      %dma_wait3A_564 = tpu.memref_slice %arg4[%dma_wait3A_562, %dma_wait3A_563] : memref<10240x8xf32, #tpu.memory_space<hbm>> -> memref<125x8xf32, #tpu.memory_space<hbm>>
      %dma_wait3A_565 = tpu.memref_slice %arg12[%dma_wait3A_557] : memref<10x!tpu.dma_semaphore, #tpu.memory_space<semaphore_mem>> -> memref<1x!tpu.dma_semaphore, #tpu.memory_space<semaphore_mem>>
      %dma_wait3A_566 = tpu.memref_squeeze %dma_wait3A_565 : memref<1x!tpu.dma_semaphore, #tpu.memory_space<semaphore_mem>> -> memref<!tpu.dma_semaphore, #tpu.memory_space<semaphore_mem>>
      %dma_wait3A_567 = arith.constant 0 : i32
      %dma_wait3A_568 = arith.constant 0 : i32
      %dma_wait3A_569 = tpu.memref_slice %arg8[%dma_wait3A_556, %dma_wait3A_567, %dma_wait3A_568] : memref<10x125x8xf32, #tpu.memory_space<vmem>> -> memref<1x125x8xf32, #tpu.memory_space<vmem>>
      %dma_wait3A_570 = tpu.memref_squeeze %dma_wait3A_569 : memref<1x125x8xf32, #tpu.memory_space<vmem>> -> memref<125x8xf32, #tpu.memory_space<vmem>>
      %dma_wait3A_571 = arith.constant 0 : i32
      %dma_wait3A_572 = arith.constant 0 : i32
      %dma_wait3A_573 = tpu.memref_slice %arg4[%dma_wait3A_571, %dma_wait3A_572] : memref<10240x8xf32, #tpu.memory_space<hbm>> -> memref<125x8xf32, #tpu.memory_space<hbm>>
      tpu.wait_dma2 semaphore(%dma_wait3A_566 : memref<!tpu.dma_semaphore, #tpu.memory_space<semaphore_mem>>) src(%dma_wait3A_573 : memref<125x8xf32, #tpu.memory_space<hbm>>) dst(%dma_wait3A_570 : memref<125x8xf32, #tpu.memory_space<vmem>>)
      %add3A_574 = arith.constant 5 : i32
      %add3A_575 = arith.addi %mul3A_386, %add3A_574 : i32
      %dma_start3A_576 = arith.constant 5 : i32
      %dma_start3A_577 = arith.constant 5 : i32
      %dma_start3A_578 = arith.constant 0 : i32
      %dma_start3A_579 = arith.constant 0 : i32
      %dma_start3A_580 = tpu.memref_slice %arg8[%dma_start3A_576, %dma_start3A_578, %dma_start3A_579] : memref<10x125x8xf32, #tpu.memory_space<vmem>> -> memref<1x125x8xf32, #tpu.memory_space<vmem>>
      %dma_start3A_581 = tpu.memref_squeeze %dma_start3A_580 : memref<1x125x8xf32, #tpu.memory_space<vmem>> -> memref<125x8xf32, #tpu.memory_space<vmem>>
      %dma_start3A_582 = arith.constant 0 : i32
      %dma_start3A_583 = tpu.memref_slice %arg7[%add3A_575, %dma_start3A_582] : memref<80x125xi32, #tpu.memory_space<vmem>> -> memref<1x125xi32, #tpu.memory_space<vmem>>
      %dma_start3A_584 = tpu.memref_squeeze %dma_start3A_583 : memref<1x125xi32, #tpu.memory_space<vmem>> -> memref<125xi32, #tpu.memory_space<vmem>>
      %dma_start3A_585 = arith.constant 0 : i32
      %dma_start3A_586 = arith.constant 0 : i32
      %dma_start3A_587 = tpu.memref_slice %arg10[%dma_start3A_585, %dma_start3A_586] : memref<10240x8xf32, #tpu.memory_space<vmem_shared>> -> memref<10240x8xf32, #tpu.memory_space<vmem_shared>>
      %dma_start3A_588 = tpu.memref_slice %arg13[%dma_start3A_577] : memref<10x!tpu.dma_semaphore, #tpu.memory_space<semaphore_mem>> -> memref<1x!tpu.dma_semaphore, #tpu.memory_space<semaphore_mem>>
      %dma_start3A_589 = tpu.memref_squeeze %dma_start3A_588 : memref<1x!tpu.dma_semaphore, #tpu.memory_space<semaphore_mem>> -> memref<!tpu.dma_semaphore, #tpu.memory_space<semaphore_mem>>
      tpu.enqueue_indirect_dma source(%dma_start3A_581 : memref<125x8xf32, #tpu.memory_space<vmem>>) target(%dma_start3A_587 : memref<10240x8xf32, #tpu.memory_space<vmem_shared>>) offsets(%dma_start3A_584 : memref<125xi32, #tpu.memory_space<vmem>>) semaphore(%dma_start3A_589 : memref<!tpu.dma_semaphore, #tpu.memory_space<semaphore_mem>>) {add = true}
      %dma_wait3A_590 = arith.constant 6 : i32
      %dma_wait3A_591 = arith.constant 6 : i32
      %dma_wait3A_592 = arith.constant 0 : i32
      %dma_wait3A_593 = arith.constant 0 : i32
      %dma_wait3A_594 = tpu.memref_slice %arg8[%dma_wait3A_590, %dma_wait3A_592, %dma_wait3A_593] : memref<10x125x8xf32, #tpu.memory_space<vmem>> -> memref<1x125x8xf32, #tpu.memory_space<vmem>>
      %dma_wait3A_595 = tpu.memref_squeeze %dma_wait3A_594 : memref<1x125x8xf32, #tpu.memory_space<vmem>> -> memref<125x8xf32, #tpu.memory_space<vmem>>
      %dma_wait3A_596 = arith.constant 0 : i32
      %dma_wait3A_597 = arith.constant 0 : i32
      %dma_wait3A_598 = tpu.memref_slice %arg4[%dma_wait3A_596, %dma_wait3A_597] : memref<10240x8xf32, #tpu.memory_space<hbm>> -> memref<125x8xf32, #tpu.memory_space<hbm>>
      %dma_wait3A_599 = tpu.memref_slice %arg12[%dma_wait3A_591] : memref<10x!tpu.dma_semaphore, #tpu.memory_space<semaphore_mem>> -> memref<1x!tpu.dma_semaphore, #tpu.memory_space<semaphore_mem>>
      %dma_wait3A_600 = tpu.memref_squeeze %dma_wait3A_599 : memref<1x!tpu.dma_semaphore, #tpu.memory_space<semaphore_mem>> -> memref<!tpu.dma_semaphore, #tpu.memory_space<semaphore_mem>>
      %dma_wait3A_601 = arith.constant 0 : i32
      %dma_wait3A_602 = arith.constant 0 : i32
      %dma_wait3A_603 = tpu.memref_slice %arg8[%dma_wait3A_590, %dma_wait3A_601, %dma_wait3A_602] : memref<10x125x8xf32, #tpu.memory_space<vmem>> -> memref<1x125x8xf32, #tpu.memory_space<vmem>>
      %dma_wait3A_604 = tpu.memref_squeeze %dma_wait3A_603 : memref<1x125x8xf32, #tpu.memory_space<vmem>> -> memref<125x8xf32, #tpu.memory_space<vmem>>
      %dma_wait3A_605 = arith.constant 0 : i32
      %dma_wait3A_606 = arith.constant 0 : i32
      %dma_wait3A_607 = tpu.memref_slice %arg4[%dma_wait3A_605, %dma_wait3A_606] : memref<10240x8xf32, #tpu.memory_space<hbm>> -> memref<125x8xf32, #tpu.memory_space<hbm>>
      tpu.wait_dma2 semaphore(%dma_wait3A_600 : memref<!tpu.dma_semaphore, #tpu.memory_space<semaphore_mem>>) src(%dma_wait3A_607 : memref<125x8xf32, #tpu.memory_space<hbm>>) dst(%dma_wait3A_604 : memref<125x8xf32, #tpu.memory_space<vmem>>)
      %add3A_608 = arith.constant 6 : i32
      %add3A_609 = arith.addi %mul3A_386, %add3A_608 : i32
      %dma_start3A_610 = arith.constant 6 : i32
      %dma_start3A_611 = arith.constant 6 : i32
      %dma_start3A_612 = arith.constant 0 : i32
      %dma_start3A_613 = arith.constant 0 : i32
      %dma_start3A_614 = tpu.memref_slice %arg8[%dma_start3A_610, %dma_start3A_612, %dma_start3A_613] : memref<10x125x8xf32, #tpu.memory_space<vmem>> -> memref<1x125x8xf32, #tpu.memory_space<vmem>>
      %dma_start3A_615 = tpu.memref_squeeze %dma_start3A_614 : memref<1x125x8xf32, #tpu.memory_space<vmem>> -> memref<125x8xf32, #tpu.memory_space<vmem>>
      %dma_start3A_616 = arith.constant 0 : i32
      %dma_start3A_617 = tpu.memref_slice %arg7[%add3A_609, %dma_start3A_616] : memref<80x125xi32, #tpu.memory_space<vmem>> -> memref<1x125xi32, #tpu.memory_space<vmem>>
      %dma_start3A_618 = tpu.memref_squeeze %dma_start3A_617 : memref<1x125xi32, #tpu.memory_space<vmem>> -> memref<125xi32, #tpu.memory_space<vmem>>
      %dma_start3A_619 = arith.constant 0 : i32
      %dma_start3A_620 = arith.constant 0 : i32
      %dma_start3A_621 = tpu.memref_slice %arg10[%dma_start3A_619, %dma_start3A_620] : memref<10240x8xf32, #tpu.memory_space<vmem_shared>> -> memref<10240x8xf32, #tpu.memory_space<vmem_shared>>
      %dma_start3A_622 = tpu.memref_slice %arg13[%dma_start3A_611] : memref<10x!tpu.dma_semaphore, #tpu.memory_space<semaphore_mem>> -> memref<1x!tpu.dma_semaphore, #tpu.memory_space<semaphore_mem>>
      %dma_start3A_623 = tpu.memref_squeeze %dma_start3A_622 : memref<1x!tpu.dma_semaphore, #tpu.memory_space<semaphore_mem>> -> memref<!tpu.dma_semaphore, #tpu.memory_space<semaphore_mem>>
      tpu.enqueue_indirect_dma source(%dma_start3A_615 : memref<125x8xf32, #tpu.memory_space<vmem>>) target(%dma_start3A_621 : memref<10240x8xf32, #tpu.memory_space<vmem_shared>>) offsets(%dma_start3A_618 : memref<125xi32, #tpu.memory_space<vmem>>) semaphore(%dma_start3A_623 : memref<!tpu.dma_semaphore, #tpu.memory_space<semaphore_mem>>) {add = true}
      %dma_wait3A_624 = arith.constant 7 : i32
      %dma_wait3A_625 = arith.constant 7 : i32
      %dma_wait3A_626 = arith.constant 0 : i32
      %dma_wait3A_627 = arith.constant 0 : i32
      %dma_wait3A_628 = tpu.memref_slice %arg8[%dma_wait3A_624, %dma_wait3A_626, %dma_wait3A_627] : memref<10x125x8xf32, #tpu.memory_space<vmem>> -> memref<1x125x8xf32, #tpu.memory_space<vmem>>
      %dma_wait3A_629 = tpu.memref_squeeze %dma_wait3A_628 : memref<1x125x8xf32, #tpu.memory_space<vmem>> -> memref<125x8xf32, #tpu.memory_space<vmem>>
      %dma_wait3A_630 = arith.constant 0 : i32
      %dma_wait3A_631 = arith.constant 0 : i32
      %dma_wait3A_632 = tpu.memref_slice %arg4[%dma_wait3A_630, %dma_wait3A_631] : memref<10240x8xf32, #tpu.memory_space<hbm>> -> memref<125x8xf32, #tpu.memory_space<hbm>>
      %dma_wait3A_633 = tpu.memref_slice %arg12[%dma_wait3A_625] : memref<10x!tpu.dma_semaphore, #tpu.memory_space<semaphore_mem>> -> memref<1x!tpu.dma_semaphore, #tpu.memory_space<semaphore_mem>>
      %dma_wait3A_634 = tpu.memref_squeeze %dma_wait3A_633 : memref<1x!tpu.dma_semaphore, #tpu.memory_space<semaphore_mem>> -> memref<!tpu.dma_semaphore, #tpu.memory_space<semaphore_mem>>
      %dma_wait3A_635 = arith.constant 0 : i32
      %dma_wait3A_636 = arith.constant 0 : i32
      %dma_wait3A_637 = tpu.memref_slice %arg8[%dma_wait3A_624, %dma_wait3A_635, %dma_wait3A_636] : memref<10x125x8xf32, #tpu.memory_space<vmem>> -> memref<1x125x8xf32, #tpu.memory_space<vmem>>
      %dma_wait3A_638 = tpu.memref_squeeze %dma_wait3A_637 : memref<1x125x8xf32, #tpu.memory_space<vmem>> -> memref<125x8xf32, #tpu.memory_space<vmem>>
      %dma_wait3A_639 = arith.constant 0 : i32
      %dma_wait3A_640 = arith.constant 0 : i32
      %dma_wait3A_641 = tpu.memref_slice %arg4[%dma_wait3A_639, %dma_wait3A_640] : memref<10240x8xf32, #tpu.memory_space<hbm>> -> memref<125x8xf32, #tpu.memory_space<hbm>>
      tpu.wait_dma2 semaphore(%dma_wait3A_634 : memref<!tpu.dma_semaphore, #tpu.memory_space<semaphore_mem>>) src(%dma_wait3A_641 : memref<125x8xf32, #tpu.memory_space<hbm>>) dst(%dma_wait3A_638 : memref<125x8xf32, #tpu.memory_space<vmem>>)
      %add3A_642 = arith.constant 7 : i32
      %add3A_643 = arith.addi %mul3A_386, %add3A_642 : i32
      %dma_start3A_644 = arith.constant 7 : i32
      %dma_start3A_645 = arith.constant 7 : i32
      %dma_start3A_646 = arith.constant 0 : i32
      %dma_start3A_647 = arith.constant 0 : i32
      %dma_start3A_648 = tpu.memref_slice %arg8[%dma_start3A_644, %dma_start3A_646, %dma_start3A_647] : memref<10x125x8xf32, #tpu.memory_space<vmem>> -> memref<1x125x8xf32, #tpu.memory_space<vmem>>
      %dma_start3A_649 = tpu.memref_squeeze %dma_start3A_648 : memref<1x125x8xf32, #tpu.memory_space<vmem>> -> memref<125x8xf32, #tpu.memory_space<vmem>>
      %dma_start3A_650 = arith.constant 0 : i32
      %dma_start3A_651 = tpu.memref_slice %arg7[%add3A_643, %dma_start3A_650] : memref<80x125xi32, #tpu.memory_space<vmem>> -> memref<1x125xi32, #tpu.memory_space<vmem>>
      %dma_start3A_652 = tpu.memref_squeeze %dma_start3A_651 : memref<1x125xi32, #tpu.memory_space<vmem>> -> memref<125xi32, #tpu.memory_space<vmem>>
      %dma_start3A_653 = arith.constant 0 : i32
      %dma_start3A_654 = arith.constant 0 : i32
      %dma_start3A_655 = tpu.memref_slice %arg10[%dma_start3A_653, %dma_start3A_654] : memref<10240x8xf32, #tpu.memory_space<vmem_shared>> -> memref<10240x8xf32, #tpu.memory_space<vmem_shared>>
      %dma_start3A_656 = tpu.memref_slice %arg13[%dma_start3A_645] : memref<10x!tpu.dma_semaphore, #tpu.memory_space<semaphore_mem>> -> memref<1x!tpu.dma_semaphore, #tpu.memory_space<semaphore_mem>>
      %dma_start3A_657 = tpu.memref_squeeze %dma_start3A_656 : memref<1x!tpu.dma_semaphore, #tpu.memory_space<semaphore_mem>> -> memref<!tpu.dma_semaphore, #tpu.memory_space<semaphore_mem>>
      tpu.enqueue_indirect_dma source(%dma_start3A_649 : memref<125x8xf32, #tpu.memory_space<vmem>>) target(%dma_start3A_655 : memref<10240x8xf32, #tpu.memory_space<vmem_shared>>) offsets(%dma_start3A_652 : memref<125xi32, #tpu.memory_space<vmem>>) semaphore(%dma_start3A_657 : memref<!tpu.dma_semaphore, #tpu.memory_space<semaphore_mem>>) {add = true}
      %dma_wait3A_658 = arith.constant 8 : i32
      %dma_wait3A_659 = arith.constant 8 : i32
      %dma_wait3A_660 = arith.constant 0 : i32
      %dma_wait3A_661 = arith.constant 0 : i32
      %dma_wait3A_662 = tpu.memref_slice %arg8[%dma_wait3A_658, %dma_wait3A_660, %dma_wait3A_661] : memref<10x125x8xf32, #tpu.memory_space<vmem>> -> memref<1x125x8xf32, #tpu.memory_space<vmem>>
      %dma_wait3A_663 = tpu.memref_squeeze %dma_wait3A_662 : memref<1x125x8xf32, #tpu.memory_space<vmem>> -> memref<125x8xf32, #tpu.memory_space<vmem>>
      %dma_wait3A_664 = arith.constant 0 : i32
      %dma_wait3A_665 = arith.constant 0 : i32
      %dma_wait3A_666 = tpu.memref_slice %arg4[%dma_wait3A_664, %dma_wait3A_665] : memref<10240x8xf32, #tpu.memory_space<hbm>> -> memref<125x8xf32, #tpu.memory_space<hbm>>
      %dma_wait3A_667 = tpu.memref_slice %arg12[%dma_wait3A_659] : memref<10x!tpu.dma_semaphore, #tpu.memory_space<semaphore_mem>> -> memref<1x!tpu.dma_semaphore, #tpu.memory_space<semaphore_mem>>
      %dma_wait3A_668 = tpu.memref_squeeze %dma_wait3A_667 : memref<1x!tpu.dma_semaphore, #tpu.memory_space<semaphore_mem>> -> memref<!tpu.dma_semaphore, #tpu.memory_space<semaphore_mem>>
      %dma_wait3A_669 = arith.constant 0 : i32
      %dma_wait3A_670 = arith.constant 0 : i32
      %dma_wait3A_671 = tpu.memref_slice %arg8[%dma_wait3A_658, %dma_wait3A_669, %dma_wait3A_670] : memref<10x125x8xf32, #tpu.memory_space<vmem>> -> memref<1x125x8xf32, #tpu.memory_space<vmem>>
      %dma_wait3A_672 = tpu.memref_squeeze %dma_wait3A_671 : memref<1x125x8xf32, #tpu.memory_space<vmem>> -> memref<125x8xf32, #tpu.memory_space<vmem>>
      %dma_wait3A_673 = arith.constant 0 : i32
      %dma_wait3A_674 = arith.constant 0 : i32
      %dma_wait3A_675 = tpu.memref_slice %arg4[%dma_wait3A_673, %dma_wait3A_674] : memref<10240x8xf32, #tpu.memory_space<hbm>> -> memref<125x8xf32, #tpu.memory_space<hbm>>
      tpu.wait_dma2 semaphore(%dma_wait3A_668 : memref<!tpu.dma_semaphore, #tpu.memory_space<semaphore_mem>>) src(%dma_wait3A_675 : memref<125x8xf32, #tpu.memory_space<hbm>>) dst(%dma_wait3A_672 : memref<125x8xf32, #tpu.memory_space<vmem>>)
      %add3A_676 = arith.constant 8 : i32
      %add3A_677 = arith.addi %mul3A_386, %add3A_676 : i32
      %dma_start3A_678 = arith.constant 8 : i32
      %dma_start3A_679 = arith.constant 8 : i32
      %dma_start3A_680 = arith.constant 0 : i32
      %dma_start3A_681 = arith.constant 0 : i32
      %dma_start3A_682 = tpu.memref_slice %arg8[%dma_start3A_678, %dma_start3A_680, %dma_start3A_681] : memref<10x125x8xf32, #tpu.memory_space<vmem>> -> memref<1x125x8xf32, #tpu.memory_space<vmem>>
      %dma_start3A_683 = tpu.memref_squeeze %dma_start3A_682 : memref<1x125x8xf32, #tpu.memory_space<vmem>> -> memref<125x8xf32, #tpu.memory_space<vmem>>
      %dma_start3A_684 = arith.constant 0 : i32
      %dma_start3A_685 = tpu.memref_slice %arg7[%add3A_677, %dma_start3A_684] : memref<80x125xi32, #tpu.memory_space<vmem>> -> memref<1x125xi32, #tpu.memory_space<vmem>>
      %dma_start3A_686 = tpu.memref_squeeze %dma_start3A_685 : memref<1x125xi32, #tpu.memory_space<vmem>> -> memref<125xi32, #tpu.memory_space<vmem>>
      %dma_start3A_687 = arith.constant 0 : i32
      %dma_start3A_688 = arith.constant 0 : i32
      %dma_start3A_689 = tpu.memref_slice %arg10[%dma_start3A_687, %dma_start3A_688] : memref<10240x8xf32, #tpu.memory_space<vmem_shared>> -> memref<10240x8xf32, #tpu.memory_space<vmem_shared>>
      %dma_start3A_690 = tpu.memref_slice %arg13[%dma_start3A_679] : memref<10x!tpu.dma_semaphore, #tpu.memory_space<semaphore_mem>> -> memref<1x!tpu.dma_semaphore, #tpu.memory_space<semaphore_mem>>
      %dma_start3A_691 = tpu.memref_squeeze %dma_start3A_690 : memref<1x!tpu.dma_semaphore, #tpu.memory_space<semaphore_mem>> -> memref<!tpu.dma_semaphore, #tpu.memory_space<semaphore_mem>>
      tpu.enqueue_indirect_dma source(%dma_start3A_683 : memref<125x8xf32, #tpu.memory_space<vmem>>) target(%dma_start3A_689 : memref<10240x8xf32, #tpu.memory_space<vmem_shared>>) offsets(%dma_start3A_686 : memref<125xi32, #tpu.memory_space<vmem>>) semaphore(%dma_start3A_691 : memref<!tpu.dma_semaphore, #tpu.memory_space<semaphore_mem>>) {add = true}
      %dma_wait3A_692 = arith.constant 9 : i32
      %dma_wait3A_693 = arith.constant 9 : i32
      %dma_wait3A_694 = arith.constant 0 : i32
      %dma_wait3A_695 = arith.constant 0 : i32
      %dma_wait3A_696 = tpu.memref_slice %arg8[%dma_wait3A_692, %dma_wait3A_694, %dma_wait3A_695] : memref<10x125x8xf32, #tpu.memory_space<vmem>> -> memref<1x125x8xf32, #tpu.memory_space<vmem>>
      %dma_wait3A_697 = tpu.memref_squeeze %dma_wait3A_696 : memref<1x125x8xf32, #tpu.memory_space<vmem>> -> memref<125x8xf32, #tpu.memory_space<vmem>>
      %dma_wait3A_698 = arith.constant 0 : i32
      %dma_wait3A_699 = arith.constant 0 : i32
      %dma_wait3A_700 = tpu.memref_slice %arg4[%dma_wait3A_698, %dma_wait3A_699] : memref<10240x8xf32, #tpu.memory_space<hbm>> -> memref<125x8xf32, #tpu.memory_space<hbm>>
      %dma_wait3A_701 = tpu.memref_slice %arg12[%dma_wait3A_693] : memref<10x!tpu.dma_semaphore, #tpu.memory_space<semaphore_mem>> -> memref<1x!tpu.dma_semaphore, #tpu.memory_space<semaphore_mem>>
      %dma_wait3A_702 = tpu.memref_squeeze %dma_wait3A_701 : memref<1x!tpu.dma_semaphore, #tpu.memory_space<semaphore_mem>> -> memref<!tpu.dma_semaphore, #tpu.memory_space<semaphore_mem>>
      %dma_wait3A_703 = arith.constant 0 : i32
      %dma_wait3A_704 = arith.constant 0 : i32
      %dma_wait3A_705 = tpu.memref_slice %arg8[%dma_wait3A_692, %dma_wait3A_703, %dma_wait3A_704] : memref<10x125x8xf32, #tpu.memory_space<vmem>> -> memref<1x125x8xf32, #tpu.memory_space<vmem>>
      %dma_wait3A_706 = tpu.memref_squeeze %dma_wait3A_705 : memref<1x125x8xf32, #tpu.memory_space<vmem>> -> memref<125x8xf32, #tpu.memory_space<vmem>>
      %dma_wait3A_707 = arith.constant 0 : i32
      %dma_wait3A_708 = arith.constant 0 : i32
      %dma_wait3A_709 = tpu.memref_slice %arg4[%dma_wait3A_707, %dma_wait3A_708] : memref<10240x8xf32, #tpu.memory_space<hbm>> -> memref<125x8xf32, #tpu.memory_space<hbm>>
      tpu.wait_dma2 semaphore(%dma_wait3A_702 : memref<!tpu.dma_semaphore, #tpu.memory_space<semaphore_mem>>) src(%dma_wait3A_709 : memref<125x8xf32, #tpu.memory_space<hbm>>) dst(%dma_wait3A_706 : memref<125x8xf32, #tpu.memory_space<vmem>>)
      %add3A_710 = arith.constant 9 : i32
      %add3A_711 = arith.addi %mul3A_386, %add3A_710 : i32
      %dma_start3A_712 = arith.constant 9 : i32
      %dma_start3A_713 = arith.constant 9 : i32
      %dma_start3A_714 = arith.constant 0 : i32
      %dma_start3A_715 = arith.constant 0 : i32
      %dma_start3A_716 = tpu.memref_slice %arg8[%dma_start3A_712, %dma_start3A_714, %dma_start3A_715] : memref<10x125x8xf32, #tpu.memory_space<vmem>> -> memref<1x125x8xf32, #tpu.memory_space<vmem>>
      %dma_start3A_717 = tpu.memref_squeeze %dma_start3A_716 : memref<1x125x8xf32, #tpu.memory_space<vmem>> -> memref<125x8xf32, #tpu.memory_space<vmem>>
      %dma_start3A_718 = arith.constant 0 : i32
      %dma_start3A_719 = tpu.memref_slice %arg7[%add3A_711, %dma_start3A_718] : memref<80x125xi32, #tpu.memory_space<vmem>> -> memref<1x125xi32, #tpu.memory_space<vmem>>
      %dma_start3A_720 = tpu.memref_squeeze %dma_start3A_719 : memref<1x125xi32, #tpu.memory_space<vmem>> -> memref<125xi32, #tpu.memory_space<vmem>>
      %dma_start3A_721 = arith.constant 0 : i32
      %dma_start3A_722 = arith.constant 0 : i32
      %dma_start3A_723 = tpu.memref_slice %arg10[%dma_start3A_721, %dma_start3A_722] : memref<10240x8xf32, #tpu.memory_space<vmem_shared>> -> memref<10240x8xf32, #tpu.memory_space<vmem_shared>>
      %dma_start3A_724 = tpu.memref_slice %arg13[%dma_start3A_713] : memref<10x!tpu.dma_semaphore, #tpu.memory_space<semaphore_mem>> -> memref<1x!tpu.dma_semaphore, #tpu.memory_space<semaphore_mem>>
      %dma_start3A_725 = tpu.memref_squeeze %dma_start3A_724 : memref<1x!tpu.dma_semaphore, #tpu.memory_space<semaphore_mem>> -> memref<!tpu.dma_semaphore, #tpu.memory_space<semaphore_mem>>
      tpu.enqueue_indirect_dma source(%dma_start3A_717 : memref<125x8xf32, #tpu.memory_space<vmem>>) target(%dma_start3A_723 : memref<10240x8xf32, #tpu.memory_space<vmem_shared>>) offsets(%dma_start3A_720 : memref<125xi32, #tpu.memory_space<vmem>>) semaphore(%dma_start3A_725 : memref<!tpu.dma_semaphore, #tpu.memory_space<semaphore_mem>>) {add = true}
      %add3A_726 = arith.constant 1 : i32
      %add3A_727 = arith.addi %scan3A_383, %add3A_726 : i32
      %lt3A = arith.constant 8 : i32
      %lt3A_728 = arith.cmpi slt, %add3A_727, %lt3A : i32
      %convert_element_type3A = arith.extui %lt3A_728 : i1 to i32
      %cond3A = arith.constant 0 : i32
      %cond3A_729 = arith.cmpi ne, %convert_element_type3A, %cond3A : i32
      scf.if %cond3A_729 {
        %dma_wait3A_731 = arith.constant 0 : i32
        %dma_wait3A_732 = arith.constant 0 : i32
        %dma_wait3A_733 = arith.constant 0 : i32
        %dma_wait3A_734 = arith.constant 0 : i32
        %dma_wait3A_735 = tpu.memref_slice %arg8[%dma_wait3A_731, %dma_wait3A_733, %dma_wait3A_734] : memref<10x125x8xf32, #tpu.memory_space<vmem>> -> memref<1x125x8xf32, #tpu.memory_space<vmem>>
        %dma_wait3A_736 = tpu.memref_squeeze %dma_wait3A_735 : memref<1x125x8xf32, #tpu.memory_space<vmem>> -> memref<125x8xf32, #tpu.memory_space<vmem>>
        %dma_wait3A_737 = arith.constant 0 : i32
        %dma_wait3A_738 = arith.constant 0 : i32
        %dma_wait3A_739 = tpu.memref_slice %arg4[%dma_wait3A_737, %dma_wait3A_738] : memref<10240x8xf32, #tpu.memory_space<hbm>> -> memref<125x8xf32, #tpu.memory_space<hbm>>
        %dma_wait3A_740 = tpu.memref_slice %arg13[%dma_wait3A_732] : memref<10x!tpu.dma_semaphore, #tpu.memory_space<semaphore_mem>> -> memref<1x!tpu.dma_semaphore, #tpu.memory_space<semaphore_mem>>
        %dma_wait3A_741 = tpu.memref_squeeze %dma_wait3A_740 : memref<1x!tpu.dma_semaphore, #tpu.memory_space<semaphore_mem>> -> memref<!tpu.dma_semaphore, #tpu.memory_space<semaphore_mem>>
        %dma_wait3A_742 = arith.constant 0 : i32
        %dma_wait3A_743 = arith.constant 0 : i32
        %dma_wait3A_744 = tpu.memref_slice %arg8[%dma_wait3A_731, %dma_wait3A_742, %dma_wait3A_743] : memref<10x125x8xf32, #tpu.memory_space<vmem>> -> memref<1x125x8xf32, #tpu.memory_space<vmem>>
        %dma_wait3A_745 = tpu.memref_squeeze %dma_wait3A_744 : memref<1x125x8xf32, #tpu.memory_space<vmem>> -> memref<125x8xf32, #tpu.memory_space<vmem>>
        %dma_wait3A_746 = arith.constant 0 : i32
        %dma_wait3A_747 = arith.constant 0 : i32
        %dma_wait3A_748 = tpu.memref_slice %arg4[%dma_wait3A_746, %dma_wait3A_747] : memref<10240x8xf32, #tpu.memory_space<hbm>> -> memref<125x8xf32, #tpu.memory_space<hbm>>
        tpu.wait_dma2 semaphore(%dma_wait3A_741 : memref<!tpu.dma_semaphore, #tpu.memory_space<semaphore_mem>>) src(%dma_wait3A_748 : memref<125x8xf32, #tpu.memory_space<hbm>>) dst(%dma_wait3A_745 : memref<125x8xf32, #tpu.memory_space<vmem>>)
        %add3A_749 = arith.constant 10 : i32
        %add3A_750 = arith.addi %mul3A_386, %add3A_749 : i32
        %add3A_751 = arith.constant 0 : i32
        %add3A_752 = arith.addi %add3A_750, %add3A_751 : i32
        %dma_start3A_753 = arith.constant 0 : i32
        %dma_start3A_754 = arith.constant 0 : i32
        %dma_start3A_755 = arith.constant 0 : i32
        %dma_start3A_756 = arith.constant 0 : i32
        %dma_start3A_757 = tpu.memref_slice %arg8[%dma_start3A_753, %dma_start3A_755, %dma_start3A_756] : memref<10x125x8xf32, #tpu.memory_space<vmem>> -> memref<1x125x8xf32, #tpu.memory_space<vmem>>
        %dma_start3A_758 = tpu.memref_squeeze %dma_start3A_757 : memref<1x125x8xf32, #tpu.memory_space<vmem>> -> memref<125x8xf32, #tpu.memory_space<vmem>>
        %dma_start3A_759 = arith.constant 0 : i32
        %dma_start3A_760 = tpu.memref_slice %arg6[%add3A_752, %dma_start3A_759] : memref<80x125xi32, #tpu.memory_space<vmem>> -> memref<1x125xi32, #tpu.memory_space<vmem>>
        %dma_start3A_761 = tpu.memref_squeeze %dma_start3A_760 : memref<1x125xi32, #tpu.memory_space<vmem>> -> memref<125xi32, #tpu.memory_space<vmem>>
        %dma_start3A_762 = arith.constant 0 : i32
        %dma_start3A_763 = arith.constant 0 : i32
        %dma_start3A_764 = tpu.memref_slice %arg11[%dma_start3A_762, %dma_start3A_763] : memref<10240x8xf32, #tpu.memory_space<vmem_shared>> -> memref<10240x8xf32, #tpu.memory_space<vmem_shared>>
        %dma_start3A_765 = tpu.memref_slice %arg12[%dma_start3A_754] : memref<10x!tpu.dma_semaphore, #tpu.memory_space<semaphore_mem>> -> memref<1x!tpu.dma_semaphore, #tpu.memory_space<semaphore_mem>>
        %dma_start3A_766 = tpu.memref_squeeze %dma_start3A_765 : memref<1x!tpu.dma_semaphore, #tpu.memory_space<semaphore_mem>> -> memref<!tpu.dma_semaphore, #tpu.memory_space<semaphore_mem>>
        tpu.enqueue_indirect_dma source(%dma_start3A_764 : memref<10240x8xf32, #tpu.memory_space<vmem_shared>>) target(%dma_start3A_758 : memref<125x8xf32, #tpu.memory_space<vmem>>) offsets(%dma_start3A_761 : memref<125xi32, #tpu.memory_space<vmem>>) semaphore(%dma_start3A_766 : memref<!tpu.dma_semaphore, #tpu.memory_space<semaphore_mem>>)
        %dma_wait3A_767 = arith.constant 1 : i32
        %dma_wait3A_768 = arith.constant 1 : i32
        %dma_wait3A_769 = arith.constant 0 : i32
        %dma_wait3A_770 = arith.constant 0 : i32
        %dma_wait3A_771 = tpu.memref_slice %arg8[%dma_wait3A_767, %dma_wait3A_769, %dma_wait3A_770] : memref<10x125x8xf32, #tpu.memory_space<vmem>> -> memref<1x125x8xf32, #tpu.memory_space<vmem>>
        %dma_wait3A_772 = tpu.memref_squeeze %dma_wait3A_771 : memref<1x125x8xf32, #tpu.memory_space<vmem>> -> memref<125x8xf32, #tpu.memory_space<vmem>>
        %dma_wait3A_773 = arith.constant 0 : i32
        %dma_wait3A_774 = arith.constant 0 : i32
        %dma_wait3A_775 = tpu.memref_slice %arg4[%dma_wait3A_773, %dma_wait3A_774] : memref<10240x8xf32, #tpu.memory_space<hbm>> -> memref<125x8xf32, #tpu.memory_space<hbm>>
        %dma_wait3A_776 = tpu.memref_slice %arg13[%dma_wait3A_768] : memref<10x!tpu.dma_semaphore, #tpu.memory_space<semaphore_mem>> -> memref<1x!tpu.dma_semaphore, #tpu.memory_space<semaphore_mem>>
        %dma_wait3A_777 = tpu.memref_squeeze %dma_wait3A_776 : memref<1x!tpu.dma_semaphore, #tpu.memory_space<semaphore_mem>> -> memref<!tpu.dma_semaphore, #tpu.memory_space<semaphore_mem>>
        %dma_wait3A_778 = arith.constant 0 : i32
        %dma_wait3A_779 = arith.constant 0 : i32
        %dma_wait3A_780 = tpu.memref_slice %arg8[%dma_wait3A_767, %dma_wait3A_778, %dma_wait3A_779] : memref<10x125x8xf32, #tpu.memory_space<vmem>> -> memref<1x125x8xf32, #tpu.memory_space<vmem>>
        %dma_wait3A_781 = tpu.memref_squeeze %dma_wait3A_780 : memref<1x125x8xf32, #tpu.memory_space<vmem>> -> memref<125x8xf32, #tpu.memory_space<vmem>>
        %dma_wait3A_782 = arith.constant 0 : i32
        %dma_wait3A_783 = arith.constant 0 : i32
        %dma_wait3A_784 = tpu.memref_slice %arg4[%dma_wait3A_782, %dma_wait3A_783] : memref<10240x8xf32, #tpu.memory_space<hbm>> -> memref<125x8xf32, #tpu.memory_space<hbm>>
        tpu.wait_dma2 semaphore(%dma_wait3A_777 : memref<!tpu.dma_semaphore, #tpu.memory_space<semaphore_mem>>) src(%dma_wait3A_784 : memref<125x8xf32, #tpu.memory_space<hbm>>) dst(%dma_wait3A_781 : memref<125x8xf32, #tpu.memory_space<vmem>>)
        %add3A_785 = arith.constant 10 : i32
        %add3A_786 = arith.addi %mul3A_386, %add3A_785 : i32
        %add3A_787 = arith.constant 1 : i32
        %add3A_788 = arith.addi %add3A_786, %add3A_787 : i32
        %dma_start3A_789 = arith.constant 1 : i32
        %dma_start3A_790 = arith.constant 1 : i32
        %dma_start3A_791 = arith.constant 0 : i32
        %dma_start3A_792 = arith.constant 0 : i32
        %dma_start3A_793 = tpu.memref_slice %arg8[%dma_start3A_789, %dma_start3A_791, %dma_start3A_792] : memref<10x125x8xf32, #tpu.memory_space<vmem>> -> memref<1x125x8xf32, #tpu.memory_space<vmem>>
        %dma_start3A_794 = tpu.memref_squeeze %dma_start3A_793 : memref<1x125x8xf32, #tpu.memory_space<vmem>> -> memref<125x8xf32, #tpu.memory_space<vmem>>
        %dma_start3A_795 = arith.constant 0 : i32
        %dma_start3A_796 = tpu.memref_slice %arg6[%add3A_788, %dma_start3A_795] : memref<80x125xi32, #tpu.memory_space<vmem>> -> memref<1x125xi32, #tpu.memory_space<vmem>>
        %dma_start3A_797 = tpu.memref_squeeze %dma_start3A_796 : memref<1x125xi32, #tpu.memory_space<vmem>> -> memref<125xi32, #tpu.memory_space<vmem>>
        %dma_start3A_798 = arith.constant 0 : i32
        %dma_start3A_799 = arith.constant 0 : i32
        %dma_start3A_800 = tpu.memref_slice %arg11[%dma_start3A_798, %dma_start3A_799] : memref<10240x8xf32, #tpu.memory_space<vmem_shared>> -> memref<10240x8xf32, #tpu.memory_space<vmem_shared>>
        %dma_start3A_801 = tpu.memref_slice %arg12[%dma_start3A_790] : memref<10x!tpu.dma_semaphore, #tpu.memory_space<semaphore_mem>> -> memref<1x!tpu.dma_semaphore, #tpu.memory_space<semaphore_mem>>
        %dma_start3A_802 = tpu.memref_squeeze %dma_start3A_801 : memref<1x!tpu.dma_semaphore, #tpu.memory_space<semaphore_mem>> -> memref<!tpu.dma_semaphore, #tpu.memory_space<semaphore_mem>>
        tpu.enqueue_indirect_dma source(%dma_start3A_800 : memref<10240x8xf32, #tpu.memory_space<vmem_shared>>) target(%dma_start3A_794 : memref<125x8xf32, #tpu.memory_space<vmem>>) offsets(%dma_start3A_797 : memref<125xi32, #tpu.memory_space<vmem>>) semaphore(%dma_start3A_802 : memref<!tpu.dma_semaphore, #tpu.memory_space<semaphore_mem>>)
        %dma_wait3A_803 = arith.constant 2 : i32
        %dma_wait3A_804 = arith.constant 2 : i32
        %dma_wait3A_805 = arith.constant 0 : i32
        %dma_wait3A_806 = arith.constant 0 : i32
        %dma_wait3A_807 = tpu.memref_slice %arg8[%dma_wait3A_803, %dma_wait3A_805, %dma_wait3A_806] : memref<10x125x8xf32, #tpu.memory_space<vmem>> -> memref<1x125x8xf32, #tpu.memory_space<vmem>>
        %dma_wait3A_808 = tpu.memref_squeeze %dma_wait3A_807 : memref<1x125x8xf32, #tpu.memory_space<vmem>> -> memref<125x8xf32, #tpu.memory_space<vmem>>
        %dma_wait3A_809 = arith.constant 0 : i32
        %dma_wait3A_810 = arith.constant 0 : i32
        %dma_wait3A_811 = tpu.memref_slice %arg4[%dma_wait3A_809, %dma_wait3A_810] : memref<10240x8xf32, #tpu.memory_space<hbm>> -> memref<125x8xf32, #tpu.memory_space<hbm>>
        %dma_wait3A_812 = tpu.memref_slice %arg13[%dma_wait3A_804] : memref<10x!tpu.dma_semaphore, #tpu.memory_space<semaphore_mem>> -> memref<1x!tpu.dma_semaphore, #tpu.memory_space<semaphore_mem>>
        %dma_wait3A_813 = tpu.memref_squeeze %dma_wait3A_812 : memref<1x!tpu.dma_semaphore, #tpu.memory_space<semaphore_mem>> -> memref<!tpu.dma_semaphore, #tpu.memory_space<semaphore_mem>>
        %dma_wait3A_814 = arith.constant 0 : i32
        %dma_wait3A_815 = arith.constant 0 : i32
        %dma_wait3A_816 = tpu.memref_slice %arg8[%dma_wait3A_803, %dma_wait3A_814, %dma_wait3A_815] : memref<10x125x8xf32, #tpu.memory_space<vmem>> -> memref<1x125x8xf32, #tpu.memory_space<vmem>>
        %dma_wait3A_817 = tpu.memref_squeeze %dma_wait3A_816 : memref<1x125x8xf32, #tpu.memory_space<vmem>> -> memref<125x8xf32, #tpu.memory_space<vmem>>
        %dma_wait3A_818 = arith.constant 0 : i32
        %dma_wait3A_819 = arith.constant 0 : i32
        %dma_wait3A_820 = tpu.memref_slice %arg4[%dma_wait3A_818, %dma_wait3A_819] : memref<10240x8xf32, #tpu.memory_space<hbm>> -> memref<125x8xf32, #tpu.memory_space<hbm>>
        tpu.wait_dma2 semaphore(%dma_wait3A_813 : memref<!tpu.dma_semaphore, #tpu.memory_space<semaphore_mem>>) src(%dma_wait3A_820 : memref<125x8xf32, #tpu.memory_space<hbm>>) dst(%dma_wait3A_817 : memref<125x8xf32, #tpu.memory_space<vmem>>)
        %add3A_821 = arith.constant 10 : i32
        %add3A_822 = arith.addi %mul3A_386, %add3A_821 : i32
        %add3A_823 = arith.constant 2 : i32
        %add3A_824 = arith.addi %add3A_822, %add3A_823 : i32
        %dma_start3A_825 = arith.constant 2 : i32
        %dma_start3A_826 = arith.constant 2 : i32
        %dma_start3A_827 = arith.constant 0 : i32
        %dma_start3A_828 = arith.constant 0 : i32
        %dma_start3A_829 = tpu.memref_slice %arg8[%dma_start3A_825, %dma_start3A_827, %dma_start3A_828] : memref<10x125x8xf32, #tpu.memory_space<vmem>> -> memref<1x125x8xf32, #tpu.memory_space<vmem>>
        %dma_start3A_830 = tpu.memref_squeeze %dma_start3A_829 : memref<1x125x8xf32, #tpu.memory_space<vmem>> -> memref<125x8xf32, #tpu.memory_space<vmem>>
        %dma_start3A_831 = arith.constant 0 : i32
        %dma_start3A_832 = tpu.memref_slice %arg6[%add3A_824, %dma_start3A_831] : memref<80x125xi32, #tpu.memory_space<vmem>> -> memref<1x125xi32, #tpu.memory_space<vmem>>
        %dma_start3A_833 = tpu.memref_squeeze %dma_start3A_832 : memref<1x125xi32, #tpu.memory_space<vmem>> -> memref<125xi32, #tpu.memory_space<vmem>>
        %dma_start3A_834 = arith.constant 0 : i32
        %dma_start3A_835 = arith.constant 0 : i32
        %dma_start3A_836 = tpu.memref_slice %arg11[%dma_start3A_834, %dma_start3A_835] : memref<10240x8xf32, #tpu.memory_space<vmem_shared>> -> memref<10240x8xf32, #tpu.memory_space<vmem_shared>>
        %dma_start3A_837 = tpu.memref_slice %arg12[%dma_start3A_826] : memref<10x!tpu.dma_semaphore, #tpu.memory_space<semaphore_mem>> -> memref<1x!tpu.dma_semaphore, #tpu.memory_space<semaphore_mem>>
        %dma_start3A_838 = tpu.memref_squeeze %dma_start3A_837 : memref<1x!tpu.dma_semaphore, #tpu.memory_space<semaphore_mem>> -> memref<!tpu.dma_semaphore, #tpu.memory_space<semaphore_mem>>
        tpu.enqueue_indirect_dma source(%dma_start3A_836 : memref<10240x8xf32, #tpu.memory_space<vmem_shared>>) target(%dma_start3A_830 : memref<125x8xf32, #tpu.memory_space<vmem>>) offsets(%dma_start3A_833 : memref<125xi32, #tpu.memory_space<vmem>>) semaphore(%dma_start3A_838 : memref<!tpu.dma_semaphore, #tpu.memory_space<semaphore_mem>>)
        %dma_wait3A_839 = arith.constant 3 : i32
        %dma_wait3A_840 = arith.constant 3 : i32
        %dma_wait3A_841 = arith.constant 0 : i32
        %dma_wait3A_842 = arith.constant 0 : i32
        %dma_wait3A_843 = tpu.memref_slice %arg8[%dma_wait3A_839, %dma_wait3A_841, %dma_wait3A_842] : memref<10x125x8xf32, #tpu.memory_space<vmem>> -> memref<1x125x8xf32, #tpu.memory_space<vmem>>
        %dma_wait3A_844 = tpu.memref_squeeze %dma_wait3A_843 : memref<1x125x8xf32, #tpu.memory_space<vmem>> -> memref<125x8xf32, #tpu.memory_space<vmem>>
        %dma_wait3A_845 = arith.constant 0 : i32
        %dma_wait3A_846 = arith.constant 0 : i32
        %dma_wait3A_847 = tpu.memref_slice %arg4[%dma_wait3A_845, %dma_wait3A_846] : memref<10240x8xf32, #tpu.memory_space<hbm>> -> memref<125x8xf32, #tpu.memory_space<hbm>>
        %dma_wait3A_848 = tpu.memref_slice %arg13[%dma_wait3A_840] : memref<10x!tpu.dma_semaphore, #tpu.memory_space<semaphore_mem>> -> memref<1x!tpu.dma_semaphore, #tpu.memory_space<semaphore_mem>>
        %dma_wait3A_849 = tpu.memref_squeeze %dma_wait3A_848 : memref<1x!tpu.dma_semaphore, #tpu.memory_space<semaphore_mem>> -> memref<!tpu.dma_semaphore, #tpu.memory_space<semaphore_mem>>
        %dma_wait3A_850 = arith.constant 0 : i32
        %dma_wait3A_851 = arith.constant 0 : i32
        %dma_wait3A_852 = tpu.memref_slice %arg8[%dma_wait3A_839, %dma_wait3A_850, %dma_wait3A_851] : memref<10x125x8xf32, #tpu.memory_space<vmem>> -> memref<1x125x8xf32, #tpu.memory_space<vmem>>
        %dma_wait3A_853 = tpu.memref_squeeze %dma_wait3A_852 : memref<1x125x8xf32, #tpu.memory_space<vmem>> -> memref<125x8xf32, #tpu.memory_space<vmem>>
        %dma_wait3A_854 = arith.constant 0 : i32
        %dma_wait3A_855 = arith.constant 0 : i32
        %dma_wait3A_856 = tpu.memref_slice %arg4[%dma_wait3A_854, %dma_wait3A_855] : memref<10240x8xf32, #tpu.memory_space<hbm>> -> memref<125x8xf32, #tpu.memory_space<hbm>>
        tpu.wait_dma2 semaphore(%dma_wait3A_849 : memref<!tpu.dma_semaphore, #tpu.memory_space<semaphore_mem>>) src(%dma_wait3A_856 : memref<125x8xf32, #tpu.memory_space<hbm>>) dst(%dma_wait3A_853 : memref<125x8xf32, #tpu.memory_space<vmem>>)
        %add3A_857 = arith.constant 10 : i32
        %add3A_858 = arith.addi %mul3A_386, %add3A_857 : i32
        %add3A_859 = arith.constant 3 : i32
        %add3A_860 = arith.addi %add3A_858, %add3A_859 : i32
        %dma_start3A_861 = arith.constant 3 : i32
        %dma_start3A_862 = arith.constant 3 : i32
        %dma_start3A_863 = arith.constant 0 : i32
        %dma_start3A_864 = arith.constant 0 : i32
        %dma_start3A_865 = tpu.memref_slice %arg8[%dma_start3A_861, %dma_start3A_863, %dma_start3A_864] : memref<10x125x8xf32, #tpu.memory_space<vmem>> -> memref<1x125x8xf32, #tpu.memory_space<vmem>>
        %dma_start3A_866 = tpu.memref_squeeze %dma_start3A_865 : memref<1x125x8xf32, #tpu.memory_space<vmem>> -> memref<125x8xf32, #tpu.memory_space<vmem>>
        %dma_start3A_867 = arith.constant 0 : i32
        %dma_start3A_868 = tpu.memref_slice %arg6[%add3A_860, %dma_start3A_867] : memref<80x125xi32, #tpu.memory_space<vmem>> -> memref<1x125xi32, #tpu.memory_space<vmem>>
        %dma_start3A_869 = tpu.memref_squeeze %dma_start3A_868 : memref<1x125xi32, #tpu.memory_space<vmem>> -> memref<125xi32, #tpu.memory_space<vmem>>
        %dma_start3A_870 = arith.constant 0 : i32
        %dma_start3A_871 = arith.constant 0 : i32
        %dma_start3A_872 = tpu.memref_slice %arg11[%dma_start3A_870, %dma_start3A_871] : memref<10240x8xf32, #tpu.memory_space<vmem_shared>> -> memref<10240x8xf32, #tpu.memory_space<vmem_shared>>
        %dma_start3A_873 = tpu.memref_slice %arg12[%dma_start3A_862] : memref<10x!tpu.dma_semaphore, #tpu.memory_space<semaphore_mem>> -> memref<1x!tpu.dma_semaphore, #tpu.memory_space<semaphore_mem>>
        %dma_start3A_874 = tpu.memref_squeeze %dma_start3A_873 : memref<1x!tpu.dma_semaphore, #tpu.memory_space<semaphore_mem>> -> memref<!tpu.dma_semaphore, #tpu.memory_space<semaphore_mem>>
        tpu.enqueue_indirect_dma source(%dma_start3A_872 : memref<10240x8xf32, #tpu.memory_space<vmem_shared>>) target(%dma_start3A_866 : memref<125x8xf32, #tpu.memory_space<vmem>>) offsets(%dma_start3A_869 : memref<125xi32, #tpu.memory_space<vmem>>) semaphore(%dma_start3A_874 : memref<!tpu.dma_semaphore, #tpu.memory_space<semaphore_mem>>)
        %dma_wait3A_875 = arith.constant 4 : i32
        %dma_wait3A_876 = arith.constant 4 : i32
        %dma_wait3A_877 = arith.constant 0 : i32
        %dma_wait3A_878 = arith.constant 0 : i32
        %dma_wait3A_879 = tpu.memref_slice %arg8[%dma_wait3A_875, %dma_wait3A_877, %dma_wait3A_878] : memref<10x125x8xf32, #tpu.memory_space<vmem>> -> memref<1x125x8xf32, #tpu.memory_space<vmem>>
        %dma_wait3A_880 = tpu.memref_squeeze %dma_wait3A_879 : memref<1x125x8xf32, #tpu.memory_space<vmem>> -> memref<125x8xf32, #tpu.memory_space<vmem>>
        %dma_wait3A_881 = arith.constant 0 : i32
        %dma_wait3A_882 = arith.constant 0 : i32
        %dma_wait3A_883 = tpu.memref_slice %arg4[%dma_wait3A_881, %dma_wait3A_882] : memref<10240x8xf32, #tpu.memory_space<hbm>> -> memref<125x8xf32, #tpu.memory_space<hbm>>
        %dma_wait3A_884 = tpu.memref_slice %arg13[%dma_wait3A_876] : memref<10x!tpu.dma_semaphore, #tpu.memory_space<semaphore_mem>> -> memref<1x!tpu.dma_semaphore, #tpu.memory_space<semaphore_mem>>
        %dma_wait3A_885 = tpu.memref_squeeze %dma_wait3A_884 : memref<1x!tpu.dma_semaphore, #tpu.memory_space<semaphore_mem>> -> memref<!tpu.dma_semaphore, #tpu.memory_space<semaphore_mem>>
        %dma_wait3A_886 = arith.constant 0 : i32
        %dma_wait3A_887 = arith.constant 0 : i32
        %dma_wait3A_888 = tpu.memref_slice %arg8[%dma_wait3A_875, %dma_wait3A_886, %dma_wait3A_887] : memref<10x125x8xf32, #tpu.memory_space<vmem>> -> memref<1x125x8xf32, #tpu.memory_space<vmem>>
        %dma_wait3A_889 = tpu.memref_squeeze %dma_wait3A_888 : memref<1x125x8xf32, #tpu.memory_space<vmem>> -> memref<125x8xf32, #tpu.memory_space<vmem>>
        %dma_wait3A_890 = arith.constant 0 : i32
        %dma_wait3A_891 = arith.constant 0 : i32
        %dma_wait3A_892 = tpu.memref_slice %arg4[%dma_wait3A_890, %dma_wait3A_891] : memref<10240x8xf32, #tpu.memory_space<hbm>> -> memref<125x8xf32, #tpu.memory_space<hbm>>
        tpu.wait_dma2 semaphore(%dma_wait3A_885 : memref<!tpu.dma_semaphore, #tpu.memory_space<semaphore_mem>>) src(%dma_wait3A_892 : memref<125x8xf32, #tpu.memory_space<hbm>>) dst(%dma_wait3A_889 : memref<125x8xf32, #tpu.memory_space<vmem>>)
        %add3A_893 = arith.constant 10 : i32
        %add3A_894 = arith.addi %mul3A_386, %add3A_893 : i32
        %add3A_895 = arith.constant 4 : i32
        %add3A_896 = arith.addi %add3A_894, %add3A_895 : i32
        %dma_start3A_897 = arith.constant 4 : i32
        %dma_start3A_898 = arith.constant 4 : i32
        %dma_start3A_899 = arith.constant 0 : i32
        %dma_start3A_900 = arith.constant 0 : i32
        %dma_start3A_901 = tpu.memref_slice %arg8[%dma_start3A_897, %dma_start3A_899, %dma_start3A_900] : memref<10x125x8xf32, #tpu.memory_space<vmem>> -> memref<1x125x8xf32, #tpu.memory_space<vmem>>
        %dma_start3A_902 = tpu.memref_squeeze %dma_start3A_901 : memref<1x125x8xf32, #tpu.memory_space<vmem>> -> memref<125x8xf32, #tpu.memory_space<vmem>>
        %dma_start3A_903 = arith.constant 0 : i32
        %dma_start3A_904 = tpu.memref_slice %arg6[%add3A_896, %dma_start3A_903] : memref<80x125xi32, #tpu.memory_space<vmem>> -> memref<1x125xi32, #tpu.memory_space<vmem>>
        %dma_start3A_905 = tpu.memref_squeeze %dma_start3A_904 : memref<1x125xi32, #tpu.memory_space<vmem>> -> memref<125xi32, #tpu.memory_space<vmem>>
        %dma_start3A_906 = arith.constant 0 : i32
        %dma_start3A_907 = arith.constant 0 : i32
        %dma_start3A_908 = tpu.memref_slice %arg11[%dma_start3A_906, %dma_start3A_907] : memref<10240x8xf32, #tpu.memory_space<vmem_shared>> -> memref<10240x8xf32, #tpu.memory_space<vmem_shared>>
        %dma_start3A_909 = tpu.memref_slice %arg12[%dma_start3A_898] : memref<10x!tpu.dma_semaphore, #tpu.memory_space<semaphore_mem>> -> memref<1x!tpu.dma_semaphore, #tpu.memory_space<semaphore_mem>>
        %dma_start3A_910 = tpu.memref_squeeze %dma_start3A_909 : memref<1x!tpu.dma_semaphore, #tpu.memory_space<semaphore_mem>> -> memref<!tpu.dma_semaphore, #tpu.memory_space<semaphore_mem>>
        tpu.enqueue_indirect_dma source(%dma_start3A_908 : memref<10240x8xf32, #tpu.memory_space<vmem_shared>>) target(%dma_start3A_902 : memref<125x8xf32, #tpu.memory_space<vmem>>) offsets(%dma_start3A_905 : memref<125xi32, #tpu.memory_space<vmem>>) semaphore(%dma_start3A_910 : memref<!tpu.dma_semaphore, #tpu.memory_space<semaphore_mem>>)
        %dma_wait3A_911 = arith.constant 5 : i32
        %dma_wait3A_912 = arith.constant 5 : i32
        %dma_wait3A_913 = arith.constant 0 : i32
        %dma_wait3A_914 = arith.constant 0 : i32
        %dma_wait3A_915 = tpu.memref_slice %arg8[%dma_wait3A_911, %dma_wait3A_913, %dma_wait3A_914] : memref<10x125x8xf32, #tpu.memory_space<vmem>> -> memref<1x125x8xf32, #tpu.memory_space<vmem>>
        %dma_wait3A_916 = tpu.memref_squeeze %dma_wait3A_915 : memref<1x125x8xf32, #tpu.memory_space<vmem>> -> memref<125x8xf32, #tpu.memory_space<vmem>>
        %dma_wait3A_917 = arith.constant 0 : i32
        %dma_wait3A_918 = arith.constant 0 : i32
        %dma_wait3A_919 = tpu.memref_slice %arg4[%dma_wait3A_917, %dma_wait3A_918] : memref<10240x8xf32, #tpu.memory_space<hbm>> -> memref<125x8xf32, #tpu.memory_space<hbm>>
        %dma_wait3A_920 = tpu.memref_slice %arg13[%dma_wait3A_912] : memref<10x!tpu.dma_semaphore, #tpu.memory_space<semaphore_mem>> -> memref<1x!tpu.dma_semaphore, #tpu.memory_space<semaphore_mem>>
        %dma_wait3A_921 = tpu.memref_squeeze %dma_wait3A_920 : memref<1x!tpu.dma_semaphore, #tpu.memory_space<semaphore_mem>> -> memref<!tpu.dma_semaphore, #tpu.memory_space<semaphore_mem>>
        %dma_wait3A_922 = arith.constant 0 : i32
        %dma_wait3A_923 = arith.constant 0 : i32
        %dma_wait3A_924 = tpu.memref_slice %arg8[%dma_wait3A_911, %dma_wait3A_922, %dma_wait3A_923] : memref<10x125x8xf32, #tpu.memory_space<vmem>> -> memref<1x125x8xf32, #tpu.memory_space<vmem>>
        %dma_wait3A_925 = tpu.memref_squeeze %dma_wait3A_924 : memref<1x125x8xf32, #tpu.memory_space<vmem>> -> memref<125x8xf32, #tpu.memory_space<vmem>>
        %dma_wait3A_926 = arith.constant 0 : i32
        %dma_wait3A_927 = arith.constant 0 : i32
        %dma_wait3A_928 = tpu.memref_slice %arg4[%dma_wait3A_926, %dma_wait3A_927] : memref<10240x8xf32, #tpu.memory_space<hbm>> -> memref<125x8xf32, #tpu.memory_space<hbm>>
        tpu.wait_dma2 semaphore(%dma_wait3A_921 : memref<!tpu.dma_semaphore, #tpu.memory_space<semaphore_mem>>) src(%dma_wait3A_928 : memref<125x8xf32, #tpu.memory_space<hbm>>) dst(%dma_wait3A_925 : memref<125x8xf32, #tpu.memory_space<vmem>>)
        %add3A_929 = arith.constant 10 : i32
        %add3A_930 = arith.addi %mul3A_386, %add3A_929 : i32
        %add3A_931 = arith.constant 5 : i32
        %add3A_932 = arith.addi %add3A_930, %add3A_931 : i32
        %dma_start3A_933 = arith.constant 5 : i32
        %dma_start3A_934 = arith.constant 5 : i32
        %dma_start3A_935 = arith.constant 0 : i32
        %dma_start3A_936 = arith.constant 0 : i32
        %dma_start3A_937 = tpu.memref_slice %arg8[%dma_start3A_933, %dma_start3A_935, %dma_start3A_936] : memref<10x125x8xf32, #tpu.memory_space<vmem>> -> memref<1x125x8xf32, #tpu.memory_space<vmem>>
        %dma_start3A_938 = tpu.memref_squeeze %dma_start3A_937 : memref<1x125x8xf32, #tpu.memory_space<vmem>> -> memref<125x8xf32, #tpu.memory_space<vmem>>
        %dma_start3A_939 = arith.constant 0 : i32
        %dma_start3A_940 = tpu.memref_slice %arg6[%add3A_932, %dma_start3A_939] : memref<80x125xi32, #tpu.memory_space<vmem>> -> memref<1x125xi32, #tpu.memory_space<vmem>>
        %dma_start3A_941 = tpu.memref_squeeze %dma_start3A_940 : memref<1x125xi32, #tpu.memory_space<vmem>> -> memref<125xi32, #tpu.memory_space<vmem>>
        %dma_start3A_942 = arith.constant 0 : i32
        %dma_start3A_943 = arith.constant 0 : i32
        %dma_start3A_944 = tpu.memref_slice %arg11[%dma_start3A_942, %dma_start3A_943] : memref<10240x8xf32, #tpu.memory_space<vmem_shared>> -> memref<10240x8xf32, #tpu.memory_space<vmem_shared>>
        %dma_start3A_945 = tpu.memref_slice %arg12[%dma_start3A_934] : memref<10x!tpu.dma_semaphore, #tpu.memory_space<semaphore_mem>> -> memref<1x!tpu.dma_semaphore, #tpu.memory_space<semaphore_mem>>
        %dma_start3A_946 = tpu.memref_squeeze %dma_start3A_945 : memref<1x!tpu.dma_semaphore, #tpu.memory_space<semaphore_mem>> -> memref<!tpu.dma_semaphore, #tpu.memory_space<semaphore_mem>>
        tpu.enqueue_indirect_dma source(%dma_start3A_944 : memref<10240x8xf32, #tpu.memory_space<vmem_shared>>) target(%dma_start3A_938 : memref<125x8xf32, #tpu.memory_space<vmem>>) offsets(%dma_start3A_941 : memref<125xi32, #tpu.memory_space<vmem>>) semaphore(%dma_start3A_946 : memref<!tpu.dma_semaphore, #tpu.memory_space<semaphore_mem>>)
        %dma_wait3A_947 = arith.constant 6 : i32
        %dma_wait3A_948 = arith.constant 6 : i32
        %dma_wait3A_949 = arith.constant 0 : i32
        %dma_wait3A_950 = arith.constant 0 : i32
        %dma_wait3A_951 = tpu.memref_slice %arg8[%dma_wait3A_947, %dma_wait3A_949, %dma_wait3A_950] : memref<10x125x8xf32, #tpu.memory_space<vmem>> -> memref<1x125x8xf32, #tpu.memory_space<vmem>>
        %dma_wait3A_952 = tpu.memref_squeeze %dma_wait3A_951 : memref<1x125x8xf32, #tpu.memory_space<vmem>> -> memref<125x8xf32, #tpu.memory_space<vmem>>
        %dma_wait3A_953 = arith.constant 0 : i32
        %dma_wait3A_954 = arith.constant 0 : i32
        %dma_wait3A_955 = tpu.memref_slice %arg4[%dma_wait3A_953, %dma_wait3A_954] : memref<10240x8xf32, #tpu.memory_space<hbm>> -> memref<125x8xf32, #tpu.memory_space<hbm>>
        %dma_wait3A_956 = tpu.memref_slice %arg13[%dma_wait3A_948] : memref<10x!tpu.dma_semaphore, #tpu.memory_space<semaphore_mem>> -> memref<1x!tpu.dma_semaphore, #tpu.memory_space<semaphore_mem>>
        %dma_wait3A_957 = tpu.memref_squeeze %dma_wait3A_956 : memref<1x!tpu.dma_semaphore, #tpu.memory_space<semaphore_mem>> -> memref<!tpu.dma_semaphore, #tpu.memory_space<semaphore_mem>>
        %dma_wait3A_958 = arith.constant 0 : i32
        %dma_wait3A_959 = arith.constant 0 : i32
        %dma_wait3A_960 = tpu.memref_slice %arg8[%dma_wait3A_947, %dma_wait3A_958, %dma_wait3A_959] : memref<10x125x8xf32, #tpu.memory_space<vmem>> -> memref<1x125x8xf32, #tpu.memory_space<vmem>>
        %dma_wait3A_961 = tpu.memref_squeeze %dma_wait3A_960 : memref<1x125x8xf32, #tpu.memory_space<vmem>> -> memref<125x8xf32, #tpu.memory_space<vmem>>
        %dma_wait3A_962 = arith.constant 0 : i32
        %dma_wait3A_963 = arith.constant 0 : i32
        %dma_wait3A_964 = tpu.memref_slice %arg4[%dma_wait3A_962, %dma_wait3A_963] : memref<10240x8xf32, #tpu.memory_space<hbm>> -> memref<125x8xf32, #tpu.memory_space<hbm>>
        tpu.wait_dma2 semaphore(%dma_wait3A_957 : memref<!tpu.dma_semaphore, #tpu.memory_space<semaphore_mem>>) src(%dma_wait3A_964 : memref<125x8xf32, #tpu.memory_space<hbm>>) dst(%dma_wait3A_961 : memref<125x8xf32, #tpu.memory_space<vmem>>)
        %add3A_965 = arith.constant 10 : i32
        %add3A_966 = arith.addi %mul3A_386, %add3A_965 : i32
        %add3A_967 = arith.constant 6 : i32
        %add3A_968 = arith.addi %add3A_966, %add3A_967 : i32
        %dma_start3A_969 = arith.constant 6 : i32
        %dma_start3A_970 = arith.constant 6 : i32
        %dma_start3A_971 = arith.constant 0 : i32
        %dma_start3A_972 = arith.constant 0 : i32
        %dma_start3A_973 = tpu.memref_slice %arg8[%dma_start3A_969, %dma_start3A_971, %dma_start3A_972] : memref<10x125x8xf32, #tpu.memory_space<vmem>> -> memref<1x125x8xf32, #tpu.memory_space<vmem>>
        %dma_start3A_974 = tpu.memref_squeeze %dma_start3A_973 : memref<1x125x8xf32, #tpu.memory_space<vmem>> -> memref<125x8xf32, #tpu.memory_space<vmem>>
        %dma_start3A_975 = arith.constant 0 : i32
        %dma_start3A_976 = tpu.memref_slice %arg6[%add3A_968, %dma_start3A_975] : memref<80x125xi32, #tpu.memory_space<vmem>> -> memref<1x125xi32, #tpu.memory_space<vmem>>
        %dma_start3A_977 = tpu.memref_squeeze %dma_start3A_976 : memref<1x125xi32, #tpu.memory_space<vmem>> -> memref<125xi32, #tpu.memory_space<vmem>>
        %dma_start3A_978 = arith.constant 0 : i32
        %dma_start3A_979 = arith.constant 0 : i32
        %dma_start3A_980 = tpu.memref_slice %arg11[%dma_start3A_978, %dma_start3A_979] : memref<10240x8xf32, #tpu.memory_space<vmem_shared>> -> memref<10240x8xf32, #tpu.memory_space<vmem_shared>>
        %dma_start3A_981 = tpu.memref_slice %arg12[%dma_start3A_970] : memref<10x!tpu.dma_semaphore, #tpu.memory_space<semaphore_mem>> -> memref<1x!tpu.dma_semaphore, #tpu.memory_space<semaphore_mem>>
        %dma_start3A_982 = tpu.memref_squeeze %dma_start3A_981 : memref<1x!tpu.dma_semaphore, #tpu.memory_space<semaphore_mem>> -> memref<!tpu.dma_semaphore, #tpu.memory_space<semaphore_mem>>
        tpu.enqueue_indirect_dma source(%dma_start3A_980 : memref<10240x8xf32, #tpu.memory_space<vmem_shared>>) target(%dma_start3A_974 : memref<125x8xf32, #tpu.memory_space<vmem>>) offsets(%dma_start3A_977 : memref<125xi32, #tpu.memory_space<vmem>>) semaphore(%dma_start3A_982 : memref<!tpu.dma_semaphore, #tpu.memory_space<semaphore_mem>>)
        %dma_wait3A_983 = arith.constant 7 : i32
        %dma_wait3A_984 = arith.constant 7 : i32
        %dma_wait3A_985 = arith.constant 0 : i32
        %dma_wait3A_986 = arith.constant 0 : i32
        %dma_wait3A_987 = tpu.memref_slice %arg8[%dma_wait3A_983, %dma_wait3A_985, %dma_wait3A_986] : memref<10x125x8xf32, #tpu.memory_space<vmem>> -> memref<1x125x8xf32, #tpu.memory_space<vmem>>
        %dma_wait3A_988 = tpu.memref_squeeze %dma_wait3A_987 : memref<1x125x8xf32, #tpu.memory_space<vmem>> -> memref<125x8xf32, #tpu.memory_space<vmem>>
        %dma_wait3A_989 = arith.constant 0 : i32
        %dma_wait3A_990 = arith.constant 0 : i32
        %dma_wait3A_991 = tpu.memref_slice %arg4[%dma_wait3A_989, %dma_wait3A_990] : memref<10240x8xf32, #tpu.memory_space<hbm>> -> memref<125x8xf32, #tpu.memory_space<hbm>>
        %dma_wait3A_992 = tpu.memref_slice %arg13[%dma_wait3A_984] : memref<10x!tpu.dma_semaphore, #tpu.memory_space<semaphore_mem>> -> memref<1x!tpu.dma_semaphore, #tpu.memory_space<semaphore_mem>>
        %dma_wait3A_993 = tpu.memref_squeeze %dma_wait3A_992 : memref<1x!tpu.dma_semaphore, #tpu.memory_space<semaphore_mem>> -> memref<!tpu.dma_semaphore, #tpu.memory_space<semaphore_mem>>
        %dma_wait3A_994 = arith.constant 0 : i32
        %dma_wait3A_995 = arith.constant 0 : i32
        %dma_wait3A_996 = tpu.memref_slice %arg8[%dma_wait3A_983, %dma_wait3A_994, %dma_wait3A_995] : memref<10x125x8xf32, #tpu.memory_space<vmem>> -> memref<1x125x8xf32, #tpu.memory_space<vmem>>
        %dma_wait3A_997 = tpu.memref_squeeze %dma_wait3A_996 : memref<1x125x8xf32, #tpu.memory_space<vmem>> -> memref<125x8xf32, #tpu.memory_space<vmem>>
        %dma_wait3A_998 = arith.constant 0 : i32
        %dma_wait3A_999 = arith.constant 0 : i32
        %dma_wait3A_1000 = tpu.memref_slice %arg4[%dma_wait3A_998, %dma_wait3A_999] : memref<10240x8xf32, #tpu.memory_space<hbm>> -> memref<125x8xf32, #tpu.memory_space<hbm>>
        tpu.wait_dma2 semaphore(%dma_wait3A_993 : memref<!tpu.dma_semaphore, #tpu.memory_space<semaphore_mem>>) src(%dma_wait3A_1000 : memref<125x8xf32, #tpu.memory_space<hbm>>) dst(%dma_wait3A_997 : memref<125x8xf32, #tpu.memory_space<vmem>>)
        %add3A_1001 = arith.constant 10 : i32
        %add3A_1002 = arith.addi %mul3A_386, %add3A_1001 : i32
        %add3A_1003 = arith.constant 7 : i32
        %add3A_1004 = arith.addi %add3A_1002, %add3A_1003 : i32
        %dma_start3A_1005 = arith.constant 7 : i32
        %dma_start3A_1006 = arith.constant 7 : i32
        %dma_start3A_1007 = arith.constant 0 : i32
        %dma_start3A_1008 = arith.constant 0 : i32
        %dma_start3A_1009 = tpu.memref_slice %arg8[%dma_start3A_1005, %dma_start3A_1007, %dma_start3A_1008] : memref<10x125x8xf32, #tpu.memory_space<vmem>> -> memref<1x125x8xf32, #tpu.memory_space<vmem>>
        %dma_start3A_1010 = tpu.memref_squeeze %dma_start3A_1009 : memref<1x125x8xf32, #tpu.memory_space<vmem>> -> memref<125x8xf32, #tpu.memory_space<vmem>>
        %dma_start3A_1011 = arith.constant 0 : i32
        %dma_start3A_1012 = tpu.memref_slice %arg6[%add3A_1004, %dma_start3A_1011] : memref<80x125xi32, #tpu.memory_space<vmem>> -> memref<1x125xi32, #tpu.memory_space<vmem>>
        %dma_start3A_1013 = tpu.memref_squeeze %dma_start3A_1012 : memref<1x125xi32, #tpu.memory_space<vmem>> -> memref<125xi32, #tpu.memory_space<vmem>>
        %dma_start3A_1014 = arith.constant 0 : i32
        %dma_start3A_1015 = arith.constant 0 : i32
        %dma_start3A_1016 = tpu.memref_slice %arg11[%dma_start3A_1014, %dma_start3A_1015] : memref<10240x8xf32, #tpu.memory_space<vmem_shared>> -> memref<10240x8xf32, #tpu.memory_space<vmem_shared>>
        %dma_start3A_1017 = tpu.memref_slice %arg12[%dma_start3A_1006] : memref<10x!tpu.dma_semaphore, #tpu.memory_space<semaphore_mem>> -> memref<1x!tpu.dma_semaphore, #tpu.memory_space<semaphore_mem>>
        %dma_start3A_1018 = tpu.memref_squeeze %dma_start3A_1017 : memref<1x!tpu.dma_semaphore, #tpu.memory_space<semaphore_mem>> -> memref<!tpu.dma_semaphore, #tpu.memory_space<semaphore_mem>>
        tpu.enqueue_indirect_dma source(%dma_start3A_1016 : memref<10240x8xf32, #tpu.memory_space<vmem_shared>>) target(%dma_start3A_1010 : memref<125x8xf32, #tpu.memory_space<vmem>>) offsets(%dma_start3A_1013 : memref<125xi32, #tpu.memory_space<vmem>>) semaphore(%dma_start3A_1018 : memref<!tpu.dma_semaphore, #tpu.memory_space<semaphore_mem>>)
        %dma_wait3A_1019 = arith.constant 8 : i32
        %dma_wait3A_1020 = arith.constant 8 : i32
        %dma_wait3A_1021 = arith.constant 0 : i32
        %dma_wait3A_1022 = arith.constant 0 : i32
        %dma_wait3A_1023 = tpu.memref_slice %arg8[%dma_wait3A_1019, %dma_wait3A_1021, %dma_wait3A_1022] : memref<10x125x8xf32, #tpu.memory_space<vmem>> -> memref<1x125x8xf32, #tpu.memory_space<vmem>>
        %dma_wait3A_1024 = tpu.memref_squeeze %dma_wait3A_1023 : memref<1x125x8xf32, #tpu.memory_space<vmem>> -> memref<125x8xf32, #tpu.memory_space<vmem>>
        %dma_wait3A_1025 = arith.constant 0 : i32
        %dma_wait3A_1026 = arith.constant 0 : i32
        %dma_wait3A_1027 = tpu.memref_slice %arg4[%dma_wait3A_1025, %dma_wait3A_1026] : memref<10240x8xf32, #tpu.memory_space<hbm>> -> memref<125x8xf32, #tpu.memory_space<hbm>>
        %dma_wait3A_1028 = tpu.memref_slice %arg13[%dma_wait3A_1020] : memref<10x!tpu.dma_semaphore, #tpu.memory_space<semaphore_mem>> -> memref<1x!tpu.dma_semaphore, #tpu.memory_space<semaphore_mem>>
        %dma_wait3A_1029 = tpu.memref_squeeze %dma_wait3A_1028 : memref<1x!tpu.dma_semaphore, #tpu.memory_space<semaphore_mem>> -> memref<!tpu.dma_semaphore, #tpu.memory_space<semaphore_mem>>
        %dma_wait3A_1030 = arith.constant 0 : i32
        %dma_wait3A_1031 = arith.constant 0 : i32
        %dma_wait3A_1032 = tpu.memref_slice %arg8[%dma_wait3A_1019, %dma_wait3A_1030, %dma_wait3A_1031] : memref<10x125x8xf32, #tpu.memory_space<vmem>> -> memref<1x125x8xf32, #tpu.memory_space<vmem>>
        %dma_wait3A_1033 = tpu.memref_squeeze %dma_wait3A_1032 : memref<1x125x8xf32, #tpu.memory_space<vmem>> -> memref<125x8xf32, #tpu.memory_space<vmem>>
        %dma_wait3A_1034 = arith.constant 0 : i32
        %dma_wait3A_1035 = arith.constant 0 : i32
        %dma_wait3A_1036 = tpu.memref_slice %arg4[%dma_wait3A_1034, %dma_wait3A_1035] : memref<10240x8xf32, #tpu.memory_space<hbm>> -> memref<125x8xf32, #tpu.memory_space<hbm>>
        tpu.wait_dma2 semaphore(%dma_wait3A_1029 : memref<!tpu.dma_semaphore, #tpu.memory_space<semaphore_mem>>) src(%dma_wait3A_1036 : memref<125x8xf32, #tpu.memory_space<hbm>>) dst(%dma_wait3A_1033 : memref<125x8xf32, #tpu.memory_space<vmem>>)
        %add3A_1037 = arith.constant 10 : i32
        %add3A_1038 = arith.addi %mul3A_386, %add3A_1037 : i32
        %add3A_1039 = arith.constant 8 : i32
        %add3A_1040 = arith.addi %add3A_1038, %add3A_1039 : i32
        %dma_start3A_1041 = arith.constant 8 : i32
        %dma_start3A_1042 = arith.constant 8 : i32
        %dma_start3A_1043 = arith.constant 0 : i32
        %dma_start3A_1044 = arith.constant 0 : i32
        %dma_start3A_1045 = tpu.memref_slice %arg8[%dma_start3A_1041, %dma_start3A_1043, %dma_start3A_1044] : memref<10x125x8xf32, #tpu.memory_space<vmem>> -> memref<1x125x8xf32, #tpu.memory_space<vmem>>
        %dma_start3A_1046 = tpu.memref_squeeze %dma_start3A_1045 : memref<1x125x8xf32, #tpu.memory_space<vmem>> -> memref<125x8xf32, #tpu.memory_space<vmem>>
        %dma_start3A_1047 = arith.constant 0 : i32
        %dma_start3A_1048 = tpu.memref_slice %arg6[%add3A_1040, %dma_start3A_1047] : memref<80x125xi32, #tpu.memory_space<vmem>> -> memref<1x125xi32, #tpu.memory_space<vmem>>
        %dma_start3A_1049 = tpu.memref_squeeze %dma_start3A_1048 : memref<1x125xi32, #tpu.memory_space<vmem>> -> memref<125xi32, #tpu.memory_space<vmem>>
        %dma_start3A_1050 = arith.constant 0 : i32
        %dma_start3A_1051 = arith.constant 0 : i32
        %dma_start3A_1052 = tpu.memref_slice %arg11[%dma_start3A_1050, %dma_start3A_1051] : memref<10240x8xf32, #tpu.memory_space<vmem_shared>> -> memref<10240x8xf32, #tpu.memory_space<vmem_shared>>
        %dma_start3A_1053 = tpu.memref_slice %arg12[%dma_start3A_1042] : memref<10x!tpu.dma_semaphore, #tpu.memory_space<semaphore_mem>> -> memref<1x!tpu.dma_semaphore, #tpu.memory_space<semaphore_mem>>
        %dma_start3A_1054 = tpu.memref_squeeze %dma_start3A_1053 : memref<1x!tpu.dma_semaphore, #tpu.memory_space<semaphore_mem>> -> memref<!tpu.dma_semaphore, #tpu.memory_space<semaphore_mem>>
        tpu.enqueue_indirect_dma source(%dma_start3A_1052 : memref<10240x8xf32, #tpu.memory_space<vmem_shared>>) target(%dma_start3A_1046 : memref<125x8xf32, #tpu.memory_space<vmem>>) offsets(%dma_start3A_1049 : memref<125xi32, #tpu.memory_space<vmem>>) semaphore(%dma_start3A_1054 : memref<!tpu.dma_semaphore, #tpu.memory_space<semaphore_mem>>)
        %dma_wait3A_1055 = arith.constant 9 : i32
        %dma_wait3A_1056 = arith.constant 9 : i32
        %dma_wait3A_1057 = arith.constant 0 : i32
        %dma_wait3A_1058 = arith.constant 0 : i32
        %dma_wait3A_1059 = tpu.memref_slice %arg8[%dma_wait3A_1055, %dma_wait3A_1057, %dma_wait3A_1058] : memref<10x125x8xf32, #tpu.memory_space<vmem>> -> memref<1x125x8xf32, #tpu.memory_space<vmem>>
        %dma_wait3A_1060 = tpu.memref_squeeze %dma_wait3A_1059 : memref<1x125x8xf32, #tpu.memory_space<vmem>> -> memref<125x8xf32, #tpu.memory_space<vmem>>
        %dma_wait3A_1061 = arith.constant 0 : i32
        %dma_wait3A_1062 = arith.constant 0 : i32
        %dma_wait3A_1063 = tpu.memref_slice %arg4[%dma_wait3A_1061, %dma_wait3A_1062] : memref<10240x8xf32, #tpu.memory_space<hbm>> -> memref<125x8xf32, #tpu.memory_space<hbm>>
        %dma_wait3A_1064 = tpu.memref_slice %arg13[%dma_wait3A_1056] : memref<10x!tpu.dma_semaphore, #tpu.memory_space<semaphore_mem>> -> memref<1x!tpu.dma_semaphore, #tpu.memory_space<semaphore_mem>>
        %dma_wait3A_1065 = tpu.memref_squeeze %dma_wait3A_1064 : memref<1x!tpu.dma_semaphore, #tpu.memory_space<semaphore_mem>> -> memref<!tpu.dma_semaphore, #tpu.memory_space<semaphore_mem>>
        %dma_wait3A_1066 = arith.constant 0 : i32
        %dma_wait3A_1067 = arith.constant 0 : i32
        %dma_wait3A_1068 = tpu.memref_slice %arg8[%dma_wait3A_1055, %dma_wait3A_1066, %dma_wait3A_1067] : memref<10x125x8xf32, #tpu.memory_space<vmem>> -> memref<1x125x8xf32, #tpu.memory_space<vmem>>
        %dma_wait3A_1069 = tpu.memref_squeeze %dma_wait3A_1068 : memref<1x125x8xf32, #tpu.memory_space<vmem>> -> memref<125x8xf32, #tpu.memory_space<vmem>>
        %dma_wait3A_1070 = arith.constant 0 : i32
        %dma_wait3A_1071 = arith.constant 0 : i32
        %dma_wait3A_1072 = tpu.memref_slice %arg4[%dma_wait3A_1070, %dma_wait3A_1071] : memref<10240x8xf32, #tpu.memory_space<hbm>> -> memref<125x8xf32, #tpu.memory_space<hbm>>
        tpu.wait_dma2 semaphore(%dma_wait3A_1065 : memref<!tpu.dma_semaphore, #tpu.memory_space<semaphore_mem>>) src(%dma_wait3A_1072 : memref<125x8xf32, #tpu.memory_space<hbm>>) dst(%dma_wait3A_1069 : memref<125x8xf32, #tpu.memory_space<vmem>>)
        %add3A_1073 = arith.constant 10 : i32
        %add3A_1074 = arith.addi %mul3A_386, %add3A_1073 : i32
        %add3A_1075 = arith.constant 9 : i32
        %add3A_1076 = arith.addi %add3A_1074, %add3A_1075 : i32
        %dma_start3A_1077 = arith.constant 9 : i32
        %dma_start3A_1078 = arith.constant 9 : i32
        %dma_start3A_1079 = arith.constant 0 : i32
        %dma_start3A_1080 = arith.constant 0 : i32
        %dma_start3A_1081 = tpu.memref_slice %arg8[%dma_start3A_1077, %dma_start3A_1079, %dma_start3A_1080] : memref<10x125x8xf32, #tpu.memory_space<vmem>> -> memref<1x125x8xf32, #tpu.memory_space<vmem>>
        %dma_start3A_1082 = tpu.memref_squeeze %dma_start3A_1081 : memref<1x125x8xf32, #tpu.memory_space<vmem>> -> memref<125x8xf32, #tpu.memory_space<vmem>>
        %dma_start3A_1083 = arith.constant 0 : i32
        %dma_start3A_1084 = tpu.memref_slice %arg6[%add3A_1076, %dma_start3A_1083] : memref<80x125xi32, #tpu.memory_space<vmem>> -> memref<1x125xi32, #tpu.memory_space<vmem>>
        %dma_start3A_1085 = tpu.memref_squeeze %dma_start3A_1084 : memref<1x125xi32, #tpu.memory_space<vmem>> -> memref<125xi32, #tpu.memory_space<vmem>>
        %dma_start3A_1086 = arith.constant 0 : i32
        %dma_start3A_1087 = arith.constant 0 : i32
        %dma_start3A_1088 = tpu.memref_slice %arg11[%dma_start3A_1086, %dma_start3A_1087] : memref<10240x8xf32, #tpu.memory_space<vmem_shared>> -> memref<10240x8xf32, #tpu.memory_space<vmem_shared>>
        %dma_start3A_1089 = tpu.memref_slice %arg12[%dma_start3A_1078] : memref<10x!tpu.dma_semaphore, #tpu.memory_space<semaphore_mem>> -> memref<1x!tpu.dma_semaphore, #tpu.memory_space<semaphore_mem>>
        %dma_start3A_1090 = tpu.memref_squeeze %dma_start3A_1089 : memref<1x!tpu.dma_semaphore, #tpu.memory_space<semaphore_mem>> -> memref<!tpu.dma_semaphore, #tpu.memory_space<semaphore_mem>>
        tpu.enqueue_indirect_dma source(%dma_start3A_1088 : memref<10240x8xf32, #tpu.memory_space<vmem_shared>>) target(%dma_start3A_1082 : memref<125x8xf32, #tpu.memory_space<vmem>>) offsets(%dma_start3A_1085 : memref<125xi32, #tpu.memory_space<vmem>>) semaphore(%dma_start3A_1090 : memref<!tpu.dma_semaphore, #tpu.memory_space<semaphore_mem>>)
      } else {
      }
      %scan3A_730 = arith.constant 0 : i32
      scf.yield %scan3A_730 : i32
    }
    %scan3A_197 = arith.constant 8 : i32
    %dma_wait3A_198 = arith.constant 0 : i32
    %dma_wait3A_199 = arith.constant 0 : i32
    %dma_wait3A_200 = arith.constant 0 : i32
    %dma_wait3A_201 = arith.constant 0 : i32
    %dma_wait3A_202 = tpu.memref_slice %arg8[%dma_wait3A_198, %dma_wait3A_200, %dma_wait3A_201] : memref<10x125x8xf32, #tpu.memory_space<vmem>> -> memref<1x125x8xf32, #tpu.memory_space<vmem>>
    %dma_wait3A_203 = tpu.memref_squeeze %dma_wait3A_202 : memref<1x125x8xf32, #tpu.memory_space<vmem>> -> memref<125x8xf32, #tpu.memory_space<vmem>>
    %dma_wait3A_204 = arith.constant 0 : i32
    %dma_wait3A_205 = arith.constant 0 : i32
    %dma_wait3A_206 = tpu.memref_slice %arg4[%dma_wait3A_204, %dma_wait3A_205] : memref<10240x8xf32, #tpu.memory_space<hbm>> -> memref<125x8xf32, #tpu.memory_space<hbm>>
    %dma_wait3A_207 = tpu.memref_slice %arg13[%dma_wait3A_199] : memref<10x!tpu.dma_semaphore, #tpu.memory_space<semaphore_mem>> -> memref<1x!tpu.dma_semaphore, #tpu.memory_space<semaphore_mem>>
    %dma_wait3A_208 = tpu.memref_squeeze %dma_wait3A_207 : memref<1x!tpu.dma_semaphore, #tpu.memory_space<semaphore_mem>> -> memref<!tpu.dma_semaphore, #tpu.memory_space<semaphore_mem>>
    %dma_wait3A_209 = arith.constant 0 : i32
    %dma_wait3A_210 = arith.constant 0 : i32
    %dma_wait3A_211 = tpu.memref_slice %arg8[%dma_wait3A_198, %dma_wait3A_209, %dma_wait3A_210] : memref<10x125x8xf32, #tpu.memory_space<vmem>> -> memref<1x125x8xf32, #tpu.memory_space<vmem>>
    %dma_wait3A_212 = tpu.memref_squeeze %dma_wait3A_211 : memref<1x125x8xf32, #tpu.memory_space<vmem>> -> memref<125x8xf32, #tpu.memory_space<vmem>>
    %dma_wait3A_213 = arith.constant 0 : i32
    %dma_wait3A_214 = arith.constant 0 : i32
    %dma_wait3A_215 = tpu.memref_slice %arg4[%dma_wait3A_213, %dma_wait3A_214] : memref<10240x8xf32, #tpu.memory_space<hbm>> -> memref<125x8xf32, #tpu.memory_space<hbm>>
    tpu.wait_dma2 semaphore(%dma_wait3A_208 : memref<!tpu.dma_semaphore, #tpu.memory_space<semaphore_mem>>) src(%dma_wait3A_215 : memref<125x8xf32, #tpu.memory_space<hbm>>) dst(%dma_wait3A_212 : memref<125x8xf32, #tpu.memory_space<vmem>>)
    %dma_wait3A_216 = arith.constant 1 : i32
    %dma_wait3A_217 = arith.constant 1 : i32
    %dma_wait3A_218 = arith.constant 0 : i32
    %dma_wait3A_219 = arith.constant 0 : i32
    %dma_wait3A_220 = tpu.memref_slice %arg8[%dma_wait3A_216, %dma_wait3A_218, %dma_wait3A_219] : memref<10x125x8xf32, #tpu.memory_space<vmem>> -> memref<1x125x8xf32, #tpu.memory_space<vmem>>
    %dma_wait3A_221 = tpu.memref_squeeze %dma_wait3A_220 : memref<1x125x8xf32, #tpu.memory_space<vmem>> -> memref<125x8xf32, #tpu.memory_space<vmem>>
    %dma_wait3A_222 = arith.constant 0 : i32
    %dma_wait3A_223 = arith.constant 0 : i32
    %dma_wait3A_224 = tpu.memref_slice %arg4[%dma_wait3A_222, %dma_wait3A_223] : memref<10240x8xf32, #tpu.memory_space<hbm>> -> memref<125x8xf32, #tpu.memory_space<hbm>>
    %dma_wait3A_225 = tpu.memref_slice %arg13[%dma_wait3A_217] : memref<10x!tpu.dma_semaphore, #tpu.memory_space<semaphore_mem>> -> memref<1x!tpu.dma_semaphore, #tpu.memory_space<semaphore_mem>>
    %dma_wait3A_226 = tpu.memref_squeeze %dma_wait3A_225 : memref<1x!tpu.dma_semaphore, #tpu.memory_space<semaphore_mem>> -> memref<!tpu.dma_semaphore, #tpu.memory_space<semaphore_mem>>
    %dma_wait3A_227 = arith.constant 0 : i32
    %dma_wait3A_228 = arith.constant 0 : i32
    %dma_wait3A_229 = tpu.memref_slice %arg8[%dma_wait3A_216, %dma_wait3A_227, %dma_wait3A_228] : memref<10x125x8xf32, #tpu.memory_space<vmem>> -> memref<1x125x8xf32, #tpu.memory_space<vmem>>
    %dma_wait3A_230 = tpu.memref_squeeze %dma_wait3A_229 : memref<1x125x8xf32, #tpu.memory_space<vmem>> -> memref<125x8xf32, #tpu.memory_space<vmem>>
    %dma_wait3A_231 = arith.constant 0 : i32
    %dma_wait3A_232 = arith.constant 0 : i32
    %dma_wait3A_233 = tpu.memref_slice %arg4[%dma_wait3A_231, %dma_wait3A_232] : memref<10240x8xf32, #tpu.memory_space<hbm>> -> memref<125x8xf32, #tpu.memory_space<hbm>>
    tpu.wait_dma2 semaphore(%dma_wait3A_226 : memref<!tpu.dma_semaphore, #tpu.memory_space<semaphore_mem>>) src(%dma_wait3A_233 : memref<125x8xf32, #tpu.memory_space<hbm>>) dst(%dma_wait3A_230 : memref<125x8xf32, #tpu.memory_space<vmem>>)
    %dma_wait3A_234 = arith.constant 2 : i32
    %dma_wait3A_235 = arith.constant 2 : i32
    %dma_wait3A_236 = arith.constant 0 : i32
    %dma_wait3A_237 = arith.constant 0 : i32
    %dma_wait3A_238 = tpu.memref_slice %arg8[%dma_wait3A_234, %dma_wait3A_236, %dma_wait3A_237] : memref<10x125x8xf32, #tpu.memory_space<vmem>> -> memref<1x125x8xf32, #tpu.memory_space<vmem>>
    %dma_wait3A_239 = tpu.memref_squeeze %dma_wait3A_238 : memref<1x125x8xf32, #tpu.memory_space<vmem>> -> memref<125x8xf32, #tpu.memory_space<vmem>>
    %dma_wait3A_240 = arith.constant 0 : i32
    %dma_wait3A_241 = arith.constant 0 : i32
    %dma_wait3A_242 = tpu.memref_slice %arg4[%dma_wait3A_240, %dma_wait3A_241] : memref<10240x8xf32, #tpu.memory_space<hbm>> -> memref<125x8xf32, #tpu.memory_space<hbm>>
    %dma_wait3A_243 = tpu.memref_slice %arg13[%dma_wait3A_235] : memref<10x!tpu.dma_semaphore, #tpu.memory_space<semaphore_mem>> -> memref<1x!tpu.dma_semaphore, #tpu.memory_space<semaphore_mem>>
    %dma_wait3A_244 = tpu.memref_squeeze %dma_wait3A_243 : memref<1x!tpu.dma_semaphore, #tpu.memory_space<semaphore_mem>> -> memref<!tpu.dma_semaphore, #tpu.memory_space<semaphore_mem>>
    %dma_wait3A_245 = arith.constant 0 : i32
    %dma_wait3A_246 = arith.constant 0 : i32
    %dma_wait3A_247 = tpu.memref_slice %arg8[%dma_wait3A_234, %dma_wait3A_245, %dma_wait3A_246] : memref<10x125x8xf32, #tpu.memory_space<vmem>> -> memref<1x125x8xf32, #tpu.memory_space<vmem>>
    %dma_wait3A_248 = tpu.memref_squeeze %dma_wait3A_247 : memref<1x125x8xf32, #tpu.memory_space<vmem>> -> memref<125x8xf32, #tpu.memory_space<vmem>>
    %dma_wait3A_249 = arith.constant 0 : i32
    %dma_wait3A_250 = arith.constant 0 : i32
    %dma_wait3A_251 = tpu.memref_slice %arg4[%dma_wait3A_249, %dma_wait3A_250] : memref<10240x8xf32, #tpu.memory_space<hbm>> -> memref<125x8xf32, #tpu.memory_space<hbm>>
    tpu.wait_dma2 semaphore(%dma_wait3A_244 : memref<!tpu.dma_semaphore, #tpu.memory_space<semaphore_mem>>) src(%dma_wait3A_251 : memref<125x8xf32, #tpu.memory_space<hbm>>) dst(%dma_wait3A_248 : memref<125x8xf32, #tpu.memory_space<vmem>>)
    %dma_wait3A_252 = arith.constant 3 : i32
    %dma_wait3A_253 = arith.constant 3 : i32
    %dma_wait3A_254 = arith.constant 0 : i32
    %dma_wait3A_255 = arith.constant 0 : i32
    %dma_wait3A_256 = tpu.memref_slice %arg8[%dma_wait3A_252, %dma_wait3A_254, %dma_wait3A_255] : memref<10x125x8xf32, #tpu.memory_space<vmem>> -> memref<1x125x8xf32, #tpu.memory_space<vmem>>
    %dma_wait3A_257 = tpu.memref_squeeze %dma_wait3A_256 : memref<1x125x8xf32, #tpu.memory_space<vmem>> -> memref<125x8xf32, #tpu.memory_space<vmem>>
    %dma_wait3A_258 = arith.constant 0 : i32
    %dma_wait3A_259 = arith.constant 0 : i32
    %dma_wait3A_260 = tpu.memref_slice %arg4[%dma_wait3A_258, %dma_wait3A_259] : memref<10240x8xf32, #tpu.memory_space<hbm>> -> memref<125x8xf32, #tpu.memory_space<hbm>>
    %dma_wait3A_261 = tpu.memref_slice %arg13[%dma_wait3A_253] : memref<10x!tpu.dma_semaphore, #tpu.memory_space<semaphore_mem>> -> memref<1x!tpu.dma_semaphore, #tpu.memory_space<semaphore_mem>>
    %dma_wait3A_262 = tpu.memref_squeeze %dma_wait3A_261 : memref<1x!tpu.dma_semaphore, #tpu.memory_space<semaphore_mem>> -> memref<!tpu.dma_semaphore, #tpu.memory_space<semaphore_mem>>
    %dma_wait3A_263 = arith.constant 0 : i32
    %dma_wait3A_264 = arith.constant 0 : i32
    %dma_wait3A_265 = tpu.memref_slice %arg8[%dma_wait3A_252, %dma_wait3A_263, %dma_wait3A_264] : memref<10x125x8xf32, #tpu.memory_space<vmem>> -> memref<1x125x8xf32, #tpu.memory_space<vmem>>
    %dma_wait3A_266 = tpu.memref_squeeze %dma_wait3A_265 : memref<1x125x8xf32, #tpu.memory_space<vmem>> -> memref<125x8xf32, #tpu.memory_space<vmem>>
    %dma_wait3A_267 = arith.constant 0 : i32
    %dma_wait3A_268 = arith.constant 0 : i32
    %dma_wait3A_269 = tpu.memref_slice %arg4[%dma_wait3A_267, %dma_wait3A_268] : memref<10240x8xf32, #tpu.memory_space<hbm>> -> memref<125x8xf32, #tpu.memory_space<hbm>>
    tpu.wait_dma2 semaphore(%dma_wait3A_262 : memref<!tpu.dma_semaphore, #tpu.memory_space<semaphore_mem>>) src(%dma_wait3A_269 : memref<125x8xf32, #tpu.memory_space<hbm>>) dst(%dma_wait3A_266 : memref<125x8xf32, #tpu.memory_space<vmem>>)
    %dma_wait3A_270 = arith.constant 4 : i32
    %dma_wait3A_271 = arith.constant 4 : i32
    %dma_wait3A_272 = arith.constant 0 : i32
    %dma_wait3A_273 = arith.constant 0 : i32
    %dma_wait3A_274 = tpu.memref_slice %arg8[%dma_wait3A_270, %dma_wait3A_272, %dma_wait3A_273] : memref<10x125x8xf32, #tpu.memory_space<vmem>> -> memref<1x125x8xf32, #tpu.memory_space<vmem>>
    %dma_wait3A_275 = tpu.memref_squeeze %dma_wait3A_274 : memref<1x125x8xf32, #tpu.memory_space<vmem>> -> memref<125x8xf32, #tpu.memory_space<vmem>>
    %dma_wait3A_276 = arith.constant 0 : i32
    %dma_wait3A_277 = arith.constant 0 : i32
    %dma_wait3A_278 = tpu.memref_slice %arg4[%dma_wait3A_276, %dma_wait3A_277] : memref<10240x8xf32, #tpu.memory_space<hbm>> -> memref<125x8xf32, #tpu.memory_space<hbm>>
    %dma_wait3A_279 = tpu.memref_slice %arg13[%dma_wait3A_271] : memref<10x!tpu.dma_semaphore, #tpu.memory_space<semaphore_mem>> -> memref<1x!tpu.dma_semaphore, #tpu.memory_space<semaphore_mem>>
    %dma_wait3A_280 = tpu.memref_squeeze %dma_wait3A_279 : memref<1x!tpu.dma_semaphore, #tpu.memory_space<semaphore_mem>> -> memref<!tpu.dma_semaphore, #tpu.memory_space<semaphore_mem>>
    %dma_wait3A_281 = arith.constant 0 : i32
    %dma_wait3A_282 = arith.constant 0 : i32
    %dma_wait3A_283 = tpu.memref_slice %arg8[%dma_wait3A_270, %dma_wait3A_281, %dma_wait3A_282] : memref<10x125x8xf32, #tpu.memory_space<vmem>> -> memref<1x125x8xf32, #tpu.memory_space<vmem>>
    %dma_wait3A_284 = tpu.memref_squeeze %dma_wait3A_283 : memref<1x125x8xf32, #tpu.memory_space<vmem>> -> memref<125x8xf32, #tpu.memory_space<vmem>>
    %dma_wait3A_285 = arith.constant 0 : i32
    %dma_wait3A_286 = arith.constant 0 : i32
    %dma_wait3A_287 = tpu.memref_slice %arg4[%dma_wait3A_285, %dma_wait3A_286] : memref<10240x8xf32, #tpu.memory_space<hbm>> -> memref<125x8xf32, #tpu.memory_space<hbm>>
    tpu.wait_dma2 semaphore(%dma_wait3A_280 : memref<!tpu.dma_semaphore, #tpu.memory_space<semaphore_mem>>) src(%dma_wait3A_287 : memref<125x8xf32, #tpu.memory_space<hbm>>) dst(%dma_wait3A_284 : memref<125x8xf32, #tpu.memory_space<vmem>>)
    %dma_wait3A_288 = arith.constant 5 : i32
    %dma_wait3A_289 = arith.constant 5 : i32
    %dma_wait3A_290 = arith.constant 0 : i32
    %dma_wait3A_291 = arith.constant 0 : i32
    %dma_wait3A_292 = tpu.memref_slice %arg8[%dma_wait3A_288, %dma_wait3A_290, %dma_wait3A_291] : memref<10x125x8xf32, #tpu.memory_space<vmem>> -> memref<1x125x8xf32, #tpu.memory_space<vmem>>
    %dma_wait3A_293 = tpu.memref_squeeze %dma_wait3A_292 : memref<1x125x8xf32, #tpu.memory_space<vmem>> -> memref<125x8xf32, #tpu.memory_space<vmem>>
    %dma_wait3A_294 = arith.constant 0 : i32
    %dma_wait3A_295 = arith.constant 0 : i32
    %dma_wait3A_296 = tpu.memref_slice %arg4[%dma_wait3A_294, %dma_wait3A_295] : memref<10240x8xf32, #tpu.memory_space<hbm>> -> memref<125x8xf32, #tpu.memory_space<hbm>>
    %dma_wait3A_297 = tpu.memref_slice %arg13[%dma_wait3A_289] : memref<10x!tpu.dma_semaphore, #tpu.memory_space<semaphore_mem>> -> memref<1x!tpu.dma_semaphore, #tpu.memory_space<semaphore_mem>>
    %dma_wait3A_298 = tpu.memref_squeeze %dma_wait3A_297 : memref<1x!tpu.dma_semaphore, #tpu.memory_space<semaphore_mem>> -> memref<!tpu.dma_semaphore, #tpu.memory_space<semaphore_mem>>
    %dma_wait3A_299 = arith.constant 0 : i32
    %dma_wait3A_300 = arith.constant 0 : i32
    %dma_wait3A_301 = tpu.memref_slice %arg8[%dma_wait3A_288, %dma_wait3A_299, %dma_wait3A_300] : memref<10x125x8xf32, #tpu.memory_space<vmem>> -> memref<1x125x8xf32, #tpu.memory_space<vmem>>
    %dma_wait3A_302 = tpu.memref_squeeze %dma_wait3A_301 : memref<1x125x8xf32, #tpu.memory_space<vmem>> -> memref<125x8xf32, #tpu.memory_space<vmem>>
    %dma_wait3A_303 = arith.constant 0 : i32
    %dma_wait3A_304 = arith.constant 0 : i32
    %dma_wait3A_305 = tpu.memref_slice %arg4[%dma_wait3A_303, %dma_wait3A_304] : memref<10240x8xf32, #tpu.memory_space<hbm>> -> memref<125x8xf32, #tpu.memory_space<hbm>>
    tpu.wait_dma2 semaphore(%dma_wait3A_298 : memref<!tpu.dma_semaphore, #tpu.memory_space<semaphore_mem>>) src(%dma_wait3A_305 : memref<125x8xf32, #tpu.memory_space<hbm>>) dst(%dma_wait3A_302 : memref<125x8xf32, #tpu.memory_space<vmem>>)
    %dma_wait3A_306 = arith.constant 6 : i32
    %dma_wait3A_307 = arith.constant 6 : i32
    %dma_wait3A_308 = arith.constant 0 : i32
    %dma_wait3A_309 = arith.constant 0 : i32
    %dma_wait3A_310 = tpu.memref_slice %arg8[%dma_wait3A_306, %dma_wait3A_308, %dma_wait3A_309] : memref<10x125x8xf32, #tpu.memory_space<vmem>> -> memref<1x125x8xf32, #tpu.memory_space<vmem>>
    %dma_wait3A_311 = tpu.memref_squeeze %dma_wait3A_310 : memref<1x125x8xf32, #tpu.memory_space<vmem>> -> memref<125x8xf32, #tpu.memory_space<vmem>>
    %dma_wait3A_312 = arith.constant 0 : i32
    %dma_wait3A_313 = arith.constant 0 : i32
    %dma_wait3A_314 = tpu.memref_slice %arg4[%dma_wait3A_312, %dma_wait3A_313] : memref<10240x8xf32, #tpu.memory_space<hbm>> -> memref<125x8xf32, #tpu.memory_space<hbm>>
    %dma_wait3A_315 = tpu.memref_slice %arg13[%dma_wait3A_307] : memref<10x!tpu.dma_semaphore, #tpu.memory_space<semaphore_mem>> -> memref<1x!tpu.dma_semaphore, #tpu.memory_space<semaphore_mem>>
    %dma_wait3A_316 = tpu.memref_squeeze %dma_wait3A_315 : memref<1x!tpu.dma_semaphore, #tpu.memory_space<semaphore_mem>> -> memref<!tpu.dma_semaphore, #tpu.memory_space<semaphore_mem>>
    %dma_wait3A_317 = arith.constant 0 : i32
    %dma_wait3A_318 = arith.constant 0 : i32
    %dma_wait3A_319 = tpu.memref_slice %arg8[%dma_wait3A_306, %dma_wait3A_317, %dma_wait3A_318] : memref<10x125x8xf32, #tpu.memory_space<vmem>> -> memref<1x125x8xf32, #tpu.memory_space<vmem>>
    %dma_wait3A_320 = tpu.memref_squeeze %dma_wait3A_319 : memref<1x125x8xf32, #tpu.memory_space<vmem>> -> memref<125x8xf32, #tpu.memory_space<vmem>>
    %dma_wait3A_321 = arith.constant 0 : i32
    %dma_wait3A_322 = arith.constant 0 : i32
    %dma_wait3A_323 = tpu.memref_slice %arg4[%dma_wait3A_321, %dma_wait3A_322] : memref<10240x8xf32, #tpu.memory_space<hbm>> -> memref<125x8xf32, #tpu.memory_space<hbm>>
    tpu.wait_dma2 semaphore(%dma_wait3A_316 : memref<!tpu.dma_semaphore, #tpu.memory_space<semaphore_mem>>) src(%dma_wait3A_323 : memref<125x8xf32, #tpu.memory_space<hbm>>) dst(%dma_wait3A_320 : memref<125x8xf32, #tpu.memory_space<vmem>>)
    %dma_wait3A_324 = arith.constant 7 : i32
    %dma_wait3A_325 = arith.constant 7 : i32
    %dma_wait3A_326 = arith.constant 0 : i32
    %dma_wait3A_327 = arith.constant 0 : i32
    %dma_wait3A_328 = tpu.memref_slice %arg8[%dma_wait3A_324, %dma_wait3A_326, %dma_wait3A_327] : memref<10x125x8xf32, #tpu.memory_space<vmem>> -> memref<1x125x8xf32, #tpu.memory_space<vmem>>
    %dma_wait3A_329 = tpu.memref_squeeze %dma_wait3A_328 : memref<1x125x8xf32, #tpu.memory_space<vmem>> -> memref<125x8xf32, #tpu.memory_space<vmem>>
    %dma_wait3A_330 = arith.constant 0 : i32
    %dma_wait3A_331 = arith.constant 0 : i32
    %dma_wait3A_332 = tpu.memref_slice %arg4[%dma_wait3A_330, %dma_wait3A_331] : memref<10240x8xf32, #tpu.memory_space<hbm>> -> memref<125x8xf32, #tpu.memory_space<hbm>>
    %dma_wait3A_333 = tpu.memref_slice %arg13[%dma_wait3A_325] : memref<10x!tpu.dma_semaphore, #tpu.memory_space<semaphore_mem>> -> memref<1x!tpu.dma_semaphore, #tpu.memory_space<semaphore_mem>>
    %dma_wait3A_334 = tpu.memref_squeeze %dma_wait3A_333 : memref<1x!tpu.dma_semaphore, #tpu.memory_space<semaphore_mem>> -> memref<!tpu.dma_semaphore, #tpu.memory_space<semaphore_mem>>
    %dma_wait3A_335 = arith.constant 0 : i32
    %dma_wait3A_336 = arith.constant 0 : i32
    %dma_wait3A_337 = tpu.memref_slice %arg8[%dma_wait3A_324, %dma_wait3A_335, %dma_wait3A_336] : memref<10x125x8xf32, #tpu.memory_space<vmem>> -> memref<1x125x8xf32, #tpu.memory_space<vmem>>
    %dma_wait3A_338 = tpu.memref_squeeze %dma_wait3A_337 : memref<1x125x8xf32, #tpu.memory_space<vmem>> -> memref<125x8xf32, #tpu.memory_space<vmem>>
    %dma_wait3A_339 = arith.constant 0 : i32
    %dma_wait3A_340 = arith.constant 0 : i32
    %dma_wait3A_341 = tpu.memref_slice %arg4[%dma_wait3A_339, %dma_wait3A_340] : memref<10240x8xf32, #tpu.memory_space<hbm>> -> memref<125x8xf32, #tpu.memory_space<hbm>>
    tpu.wait_dma2 semaphore(%dma_wait3A_334 : memref<!tpu.dma_semaphore, #tpu.memory_space<semaphore_mem>>) src(%dma_wait3A_341 : memref<125x8xf32, #tpu.memory_space<hbm>>) dst(%dma_wait3A_338 : memref<125x8xf32, #tpu.memory_space<vmem>>)
    %dma_wait3A_342 = arith.constant 8 : i32
    %dma_wait3A_343 = arith.constant 8 : i32
    %dma_wait3A_344 = arith.constant 0 : i32
    %dma_wait3A_345 = arith.constant 0 : i32
    %dma_wait3A_346 = tpu.memref_slice %arg8[%dma_wait3A_342, %dma_wait3A_344, %dma_wait3A_345] : memref<10x125x8xf32, #tpu.memory_space<vmem>> -> memref<1x125x8xf32, #tpu.memory_space<vmem>>
    %dma_wait3A_347 = tpu.memref_squeeze %dma_wait3A_346 : memref<1x125x8xf32, #tpu.memory_space<vmem>> -> memref<125x8xf32, #tpu.memory_space<vmem>>
    %dma_wait3A_348 = arith.constant 0 : i32
    %dma_wait3A_349 = arith.constant 0 : i32
    %dma_wait3A_350 = tpu.memref_slice %arg4[%dma_wait3A_348, %dma_wait3A_349] : memref<10240x8xf32, #tpu.memory_space<hbm>> -> memref<125x8xf32, #tpu.memory_space<hbm>>
    %dma_wait3A_351 = tpu.memref_slice %arg13[%dma_wait3A_343] : memref<10x!tpu.dma_semaphore, #tpu.memory_space<semaphore_mem>> -> memref<1x!tpu.dma_semaphore, #tpu.memory_space<semaphore_mem>>
    %dma_wait3A_352 = tpu.memref_squeeze %dma_wait3A_351 : memref<1x!tpu.dma_semaphore, #tpu.memory_space<semaphore_mem>> -> memref<!tpu.dma_semaphore, #tpu.memory_space<semaphore_mem>>
    %dma_wait3A_353 = arith.constant 0 : i32
    %dma_wait3A_354 = arith.constant 0 : i32
    %dma_wait3A_355 = tpu.memref_slice %arg8[%dma_wait3A_342, %dma_wait3A_353, %dma_wait3A_354] : memref<10x125x8xf32, #tpu.memory_space<vmem>> -> memref<1x125x8xf32, #tpu.memory_space<vmem>>
    %dma_wait3A_356 = tpu.memref_squeeze %dma_wait3A_355 : memref<1x125x8xf32, #tpu.memory_space<vmem>> -> memref<125x8xf32, #tpu.memory_space<vmem>>
    %dma_wait3A_357 = arith.constant 0 : i32
    %dma_wait3A_358 = arith.constant 0 : i32
    %dma_wait3A_359 = tpu.memref_slice %arg4[%dma_wait3A_357, %dma_wait3A_358] : memref<10240x8xf32, #tpu.memory_space<hbm>> -> memref<125x8xf32, #tpu.memory_space<hbm>>
    tpu.wait_dma2 semaphore(%dma_wait3A_352 : memref<!tpu.dma_semaphore, #tpu.memory_space<semaphore_mem>>) src(%dma_wait3A_359 : memref<125x8xf32, #tpu.memory_space<hbm>>) dst(%dma_wait3A_356 : memref<125x8xf32, #tpu.memory_space<vmem>>)
    %dma_wait3A_360 = arith.constant 9 : i32
    %dma_wait3A_361 = arith.constant 9 : i32
    %dma_wait3A_362 = arith.constant 0 : i32
    %dma_wait3A_363 = arith.constant 0 : i32
    %dma_wait3A_364 = tpu.memref_slice %arg8[%dma_wait3A_360, %dma_wait3A_362, %dma_wait3A_363] : memref<10x125x8xf32, #tpu.memory_space<vmem>> -> memref<1x125x8xf32, #tpu.memory_space<vmem>>
    %dma_wait3A_365 = tpu.memref_squeeze %dma_wait3A_364 : memref<1x125x8xf32, #tpu.memory_space<vmem>> -> memref<125x8xf32, #tpu.memory_space<vmem>>
    %dma_wait3A_366 = arith.constant 0 : i32
    %dma_wait3A_367 = arith.constant 0 : i32
    %dma_wait3A_368 = tpu.memref_slice %arg4[%dma_wait3A_366, %dma_wait3A_367] : memref<10240x8xf32, #tpu.memory_space<hbm>> -> memref<125x8xf32, #tpu.memory_space<hbm>>
    %dma_wait3A_369 = tpu.memref_slice %arg13[%dma_wait3A_361] : memref<10x!tpu.dma_semaphore, #tpu.memory_space<semaphore_mem>> -> memref<1x!tpu.dma_semaphore, #tpu.memory_space<semaphore_mem>>
    %dma_wait3A_370 = tpu.memref_squeeze %dma_wait3A_369 : memref<1x!tpu.dma_semaphore, #tpu.memory_space<semaphore_mem>> -> memref<!tpu.dma_semaphore, #tpu.memory_space<semaphore_mem>>
    %dma_wait3A_371 = arith.constant 0 : i32
    %dma_wait3A_372 = arith.constant 0 : i32
    %dma_wait3A_373 = tpu.memref_slice %arg8[%dma_wait3A_360, %dma_wait3A_371, %dma_wait3A_372] : memref<10x125x8xf32, #tpu.memory_space<vmem>> -> memref<1x125x8xf32, #tpu.memory_space<vmem>>
    %dma_wait3A_374 = tpu.memref_squeeze %dma_wait3A_373 : memref<1x125x8xf32, #tpu.memory_space<vmem>> -> memref<125x8xf32, #tpu.memory_space<vmem>>
    %dma_wait3A_375 = arith.constant 0 : i32
    %dma_wait3A_376 = arith.constant 0 : i32
    %dma_wait3A_377 = tpu.memref_slice %arg4[%dma_wait3A_375, %dma_wait3A_376] : memref<10240x8xf32, #tpu.memory_space<hbm>> -> memref<125x8xf32, #tpu.memory_space<hbm>>
    tpu.wait_dma2 semaphore(%dma_wait3A_370 : memref<!tpu.dma_semaphore, #tpu.memory_space<semaphore_mem>>) src(%dma_wait3A_377 : memref<125x8xf32, #tpu.memory_space<hbm>>) dst(%dma_wait3A_374 : memref<125x8xf32, #tpu.memory_space<vmem>>)
    %barrier3A_378 = arith.constant 0 : index
    tpu.barrier barrier_id(%barrier3A_378)
    %mul3A_379 = arith.constant 640 : i32
    %mul3A_380 = arith.muli %arg1, %mul3A_379 : i32
    %mul3A_381 = arith.constant 640 : i32
    %mul3A_382 = arith.muli %arg1, %mul3A_381 : i32
    "tpu.region"() ({
      %run_scoped3A = tpu.sem_alloc : memref<!tpu.dma_semaphore, #tpu.memory_space<semaphore_mem>>
      %dma_start3A_383 = arith.constant 0 : i32
      %dma_start3A_384 = arith.constant 0 : i32
      %dma_start3A_385 = tpu.memref_slice %arg5[%arg0, %dma_start3A_383, %dma_start3A_384] : memref<2x10240x8xf32, #tpu.memory_space<hbm>> -> memref<1x10240x8xf32, #tpu.memory_space<hbm>>
      %dma_start3A_386 = tpu.memref_squeeze %dma_start3A_385 : memref<1x10240x8xf32, #tpu.memory_space<hbm>> -> memref<10240x8xf32, #tpu.memory_space<hbm>>
      %dma_start3A_387 = arith.constant 0 : i32
      %dma_start3A_388 = tpu.memref_slice %dma_start3A_386[%mul3A_382, %dma_start3A_387] : memref<10240x8xf32, #tpu.memory_space<hbm>> -> memref<640x8xf32, #tpu.memory_space<hbm>>
      %dma_start3A_389 = arith.constant 0 : i32
      %dma_start3A_390 = tpu.memref_slice %arg10[%mul3A_380, %dma_start3A_389] : memref<10240x8xf32, #tpu.memory_space<vmem_shared>> -> memref<640x8xf32, #tpu.memory_space<vmem_shared>>
      tpu.enqueue_dma source(%dma_start3A_390 : memref<640x8xf32, #tpu.memory_space<vmem_shared>>) target(%dma_start3A_388 : memref<640x8xf32, #tpu.memory_space<hbm>>) target_semaphore(%run_scoped3A : memref<!tpu.dma_semaphore, #tpu.memory_space<semaphore_mem>>)
      %dma_wait3A_391 = arith.constant 0 : i32
      %dma_wait3A_392 = arith.constant 0 : i32
      %dma_wait3A_393 = tpu.memref_slice %arg5[%arg0, %dma_wait3A_391, %dma_wait3A_392] : memref<2x10240x8xf32, #tpu.memory_space<hbm>> -> memref<1x10240x8xf32, #tpu.memory_space<hbm>>
      %dma_wait3A_394 = tpu.memref_squeeze %dma_wait3A_393 : memref<1x10240x8xf32, #tpu.memory_space<hbm>> -> memref<10240x8xf32, #tpu.memory_space<hbm>>
      %dma_wait3A_395 = arith.constant 0 : i32
      %dma_wait3A_396 = tpu.memref_slice %dma_wait3A_394[%mul3A_382, %dma_wait3A_395] : memref<10240x8xf32, #tpu.memory_space<hbm>> -> memref<640x8xf32, #tpu.memory_space<hbm>>
      %dma_wait3A_397 = arith.constant 0 : i32
      %dma_wait3A_398 = tpu.memref_slice %arg10[%mul3A_380, %dma_wait3A_397] : memref<10240x8xf32, #tpu.memory_space<vmem_shared>> -> memref<640x8xf32, #tpu.memory_space<vmem_shared>>
      tpu.wait_dma2 semaphore(%run_scoped3A : memref<!tpu.dma_semaphore, #tpu.memory_space<semaphore_mem>>) src(%dma_wait3A_398 : memref<640x8xf32, #tpu.memory_space<vmem_shared>>) dst(%dma_wait3A_396 : memref<640x8xf32, #tpu.memory_space<hbm>>)
      tpu.yield
    }) : () -> ()
    return
  }
}

#map = affine_map<(d0, d1) -> (0, 0, 0, 0)>
#map1 = affine_map<(d0, d1) -> (0, 0, 0)>
module attributes {stable_mosaic.version = 14 : i64} {
  func.func @_sc_degree(%arg0: i32, %arg1: i32, %arg2: memref<2x16x80x125xi32, #tpu.memory_space<hbm>>, %arg3: memref<2x10240x8xf32, #tpu.memory_space<hbm>>, %arg4: memref<80x125xi32, #tpu.memory_space<vmem>>, %arg5: memref<125x8xf32, #tpu.memory_space<vmem>>, %arg6: memref<640x8xf32, #tpu.memory_space<vmem>>, %arg7: memref<10240x8xf32, #tpu.memory_space<vmem_shared>>, %arg8: memref<!tpu.dma_semaphore, #tpu.memory_space<semaphore_mem>>, %arg9: memref<!tpu.dma_semaphore, #tpu.memory_space<semaphore_mem>>) attributes {dimension_semantics = [#tpu.dimension_semantics<core_parallel>, #tpu.dimension_semantics<subcore_parallel>], iteration_bounds = array<i64: 2, 16>, scalar_prefetch = 0 : i64, scratch_operands = 6 : i64, tpu.core_type = #tpu.core_type<sc_vector_subcore>, window_params = [{transform_indices = #map}, {transform_indices = #map1}]} {
    %dma_start3A = arith.constant 0 : i32
    %dma_start3A_0 = arith.constant 0 : i32
    %dma_start3A_1 = tpu.memref_slice %arg2[%arg0, %arg1, %dma_start3A, %dma_start3A_0] : memref<2x16x80x125xi32, #tpu.memory_space<hbm>> -> memref<1x1x80x125xi32, #tpu.memory_space<hbm>>
    %dma_start3A_2 = tpu.memref_squeeze %dma_start3A_1 : memref<1x1x80x125xi32, #tpu.memory_space<hbm>> -> memref<80x125xi32, #tpu.memory_space<hbm>>
    %dma_start3A_3 = arith.constant 0 : i32
    %dma_start3A_4 = arith.constant 0 : i32
    %dma_start3A_5 = tpu.memref_slice %arg2[%arg0, %arg1, %dma_start3A_3, %dma_start3A_4] : memref<2x16x80x125xi32, #tpu.memory_space<hbm>> -> memref<1x1x80x125xi32, #tpu.memory_space<hbm>>
    %dma_start3A_6 = tpu.memref_squeeze %dma_start3A_5 : memref<1x1x80x125xi32, #tpu.memory_space<hbm>> -> memref<80x125xi32, #tpu.memory_space<hbm>>
    tpu.enqueue_dma source(%dma_start3A_6 : memref<80x125xi32, #tpu.memory_space<hbm>>) target(%arg4 : memref<80x125xi32, #tpu.memory_space<vmem>>) target_semaphore(%arg9 : memref<!tpu.dma_semaphore, #tpu.memory_space<semaphore_mem>>)
    %scan3A = arith.constant 0 : i32
    %scan3A_7 = arith.constant 0 : i32
    %scan3A_8 = arith.constant 640 : i32
    %scan3A_9 = arith.addi %scan3A_7, %scan3A_8 : i32
    %scan3A_10 = arith.constant 1 : i32
    %scan3A_11 = scf.for %scan3A_48 = %scan3A_7 to %scan3A_9 step %scan3A_10 iter_args(%scan3A_49 = %scan3A) -> (i32)  : i32 {
      %broadcast_in_dim3A = arith.constant 0.000000e+00 : f32
      %broadcast_in_dim3A_50 = vector.broadcast %broadcast_in_dim3A : f32 to vector<8xf32>
      %swap3A = arith.index_cast %scan3A_48 : i32 to index
      %swap3A_51 = arith.constant 0 : index
      %swap3A_52 = tpu.vector_load %arg6[%swap3A, %swap3A_51] {strides = array<i32>} : memref<640x8xf32, #tpu.memory_space<vmem>>, vector<1x8xf32>,
      %swap3A_53 = vector.shape_cast %swap3A_52 : vector<1x8xf32> to vector<8xf32>
      %swap3A_54 = vector.shape_cast %broadcast_in_dim3A_50 : vector<8xf32> to vector<1x8xf32>
      tpu.vector_store %arg6[%swap3A, %swap3A_51], %swap3A_54 {strides = array<i32>} : memref<640x8xf32, #tpu.memory_space<vmem>>, vector<1x8xf32>,
      %scan3A_55 = arith.constant 0 : i32
      scf.yield %scan3A_55 : i32
    }
    %scan3A_12 = arith.constant 640 : i32
    %scan3A_13 = arith.constant 0 : i32
    %scan3A_14 = arith.constant 0 : i32
    %scan3A_15 = arith.constant 125 : i32
    %scan3A_16 = arith.addi %scan3A_14, %scan3A_15 : i32
    %scan3A_17 = arith.constant 1 : i32
    %scan3A_18 = scf.for %scan3A_48 = %scan3A_14 to %scan3A_16 step %scan3A_17 iter_args(%scan3A_49 = %scan3A_13) -> (i32)  : i32 {
      %broadcast_in_dim3A = arith.constant 1.000000e+00 : f32
      %broadcast_in_dim3A_50 = vector.broadcast %broadcast_in_dim3A : f32 to vector<8xf32>
      %swap3A = arith.index_cast %scan3A_48 : i32 to index
      %swap3A_51 = arith.constant 0 : index
      %swap3A_52 = tpu.vector_load %arg5[%swap3A, %swap3A_51] {strides = array<i32>} : memref<125x8xf32, #tpu.memory_space<vmem>>, vector<1x8xf32>,
      %swap3A_53 = vector.shape_cast %swap3A_52 : vector<1x8xf32> to vector<8xf32>
      %swap3A_54 = vector.shape_cast %broadcast_in_dim3A_50 : vector<8xf32> to vector<1x8xf32>
      tpu.vector_store %arg5[%swap3A, %swap3A_51], %swap3A_54 {strides = array<i32>} : memref<125x8xf32, #tpu.memory_space<vmem>>, vector<1x8xf32>,
      %scan3A_55 = arith.constant 0 : i32
      scf.yield %scan3A_55 : i32
    }
    %scan3A_19 = arith.constant 125 : i32
    %mul3A = arith.constant 640 : i32
    %mul3A_20 = arith.muli %arg1, %mul3A : i32
    "tpu.region"() ({
      %run_scoped3A = tpu.sem_alloc : memref<!tpu.dma_semaphore, #tpu.memory_space<semaphore_mem>>
      %dma_start3A_48 = arith.constant 0 : i32
      %dma_start3A_49 = tpu.memref_slice %arg7[%mul3A_20, %dma_start3A_48] : memref<10240x8xf32, #tpu.memory_space<vmem_shared>> -> memref<640x8xf32, #tpu.memory_space<vmem_shared>>
      %dma_start3A_50 = arith.constant 0 : i32
      %dma_start3A_51 = tpu.memref_slice %arg7[%mul3A_20, %dma_start3A_50] : memref<10240x8xf32, #tpu.memory_space<vmem_shared>> -> memref<640x8xf32, #tpu.memory_space<vmem_shared>>
      tpu.enqueue_dma source(%arg6 : memref<640x8xf32, #tpu.memory_space<vmem>>) target(%dma_start3A_51 : memref<640x8xf32, #tpu.memory_space<vmem_shared>>) target_semaphore(%run_scoped3A : memref<!tpu.dma_semaphore, #tpu.memory_space<semaphore_mem>>)
      %dma_wait3A_52 = arith.constant 0 : i32
      %dma_wait3A_53 = tpu.memref_slice %arg7[%mul3A_20, %dma_wait3A_52] : memref<10240x8xf32, #tpu.memory_space<vmem_shared>> -> memref<640x8xf32, #tpu.memory_space<vmem_shared>>
      %dma_wait3A_54 = arith.constant 0 : i32
      %dma_wait3A_55 = tpu.memref_slice %arg7[%mul3A_20, %dma_wait3A_54] : memref<10240x8xf32, #tpu.memory_space<vmem_shared>> -> memref<640x8xf32, #tpu.memory_space<vmem_shared>>
      tpu.wait_dma2 semaphore(%run_scoped3A : memref<!tpu.dma_semaphore, #tpu.memory_space<semaphore_mem>>) src(%arg6 : memref<640x8xf32, #tpu.memory_space<vmem>>) dst(%dma_wait3A_55 : memref<640x8xf32, #tpu.memory_space<vmem_shared>>)
      tpu.yield
    }) : () -> ()
    %dma_wait3A = arith.constant 0 : i32
    %dma_wait3A_21 = arith.constant 0 : i32
    %dma_wait3A_22 = tpu.memref_slice %arg2[%arg0, %arg1, %dma_wait3A, %dma_wait3A_21] : memref<2x16x80x125xi32, #tpu.memory_space<hbm>> -> memref<1x1x80x125xi32, #tpu.memory_space<hbm>>
    %dma_wait3A_23 = tpu.memref_squeeze %dma_wait3A_22 : memref<1x1x80x125xi32, #tpu.memory_space<hbm>> -> memref<80x125xi32, #tpu.memory_space<hbm>>
    %dma_wait3A_24 = arith.constant 0 : i32
    %dma_wait3A_25 = arith.constant 0 : i32
    %dma_wait3A_26 = tpu.memref_slice %arg2[%arg0, %arg1, %dma_wait3A_24, %dma_wait3A_25] : memref<2x16x80x125xi32, #tpu.memory_space<hbm>> -> memref<1x1x80x125xi32, #tpu.memory_space<hbm>>
    %dma_wait3A_27 = tpu.memref_squeeze %dma_wait3A_26 : memref<1x1x80x125xi32, #tpu.memory_space<hbm>> -> memref<80x125xi32, #tpu.memory_space<hbm>>
    tpu.wait_dma2 semaphore(%arg9 : memref<!tpu.dma_semaphore, #tpu.memory_space<semaphore_mem>>) src(%dma_wait3A_27 : memref<80x125xi32, #tpu.memory_space<hbm>>) dst(%arg4 : memref<80x125xi32, #tpu.memory_space<vmem>>)
    %barrier3A = arith.constant 0 : index
    tpu.barrier barrier_id(%barrier3A)
    %scan3A_28 = arith.constant 0 : i32
    %scan3A_29 = arith.constant 0 : i32
    %scan3A_30 = arith.constant 80 : i32
    %scan3A_31 = arith.addi %scan3A_29, %scan3A_30 : i32
    %scan3A_32 = arith.constant 1 : i32
    %scan3A_33 = scf.for %scan3A_48 = %scan3A_29 to %scan3A_31 step %scan3A_32 iter_args(%scan3A_49 = %scan3A_28) -> (i32)  : i32 {
      %dma_start3A_50 = arith.constant 0 : i32
      %dma_start3A_51 = tpu.memref_slice %arg4[%scan3A_48, %dma_start3A_50] : memref<80x125xi32, #tpu.memory_space<vmem>> -> memref<1x125xi32, #tpu.memory_space<vmem>>
      %dma_start3A_52 = tpu.memref_squeeze %dma_start3A_51 : memref<1x125xi32, #tpu.memory_space<vmem>> -> memref<125xi32, #tpu.memory_space<vmem>>
      %dma_start3A_53 = arith.constant 0 : i32
      %dma_start3A_54 = arith.constant 0 : i32
      %dma_start3A_55 = tpu.memref_slice %arg7[%dma_start3A_53, %dma_start3A_54] : memref<10240x8xf32, #tpu.memory_space<vmem_shared>> -> memref<10240x8xf32, #tpu.memory_space<vmem_shared>>
      tpu.enqueue_indirect_dma source(%arg5 : memref<125x8xf32, #tpu.memory_space<vmem>>) target(%dma_start3A_55 : memref<10240x8xf32, #tpu.memory_space<vmem_shared>>) offsets(%dma_start3A_52 : memref<125xi32, #tpu.memory_space<vmem>>) semaphore(%arg8 : memref<!tpu.dma_semaphore, #tpu.memory_space<semaphore_mem>>) {add = true}
      %scan3A_56 = arith.constant 0 : i32
      scf.yield %scan3A_56 : i32
    }
    %scan3A_34 = arith.constant 80 : i32
    %scan3A_35 = arith.constant 0 : i32
    %scan3A_36 = arith.constant 0 : i32
    %scan3A_37 = arith.constant 0 : i32
    %scan3A_38 = arith.constant 80 : i32
    %scan3A_39 = arith.addi %scan3A_37, %scan3A_38 : i32
    %scan3A_40 = arith.constant 1 : i32
    %scan3A_41 = scf.for %scan3A_48 = %scan3A_37 to %scan3A_39 step %scan3A_40 iter_args(%scan3A_49 = %scan3A_36) -> (i32)  : i32 {
      %dma_wait3A_50 = arith.constant 0 : i32
      %dma_wait3A_51 = arith.constant 0 : i32
      %dma_wait3A_52 = tpu.memref_slice %arg3[%scan3A_35, %dma_wait3A_50, %dma_wait3A_51] : memref<2x10240x8xf32, #tpu.memory_space<hbm>> -> memref<1x10240x8xf32, #tpu.memory_space<hbm>>
      %dma_wait3A_53 = tpu.memref_squeeze %dma_wait3A_52 : memref<1x10240x8xf32, #tpu.memory_space<hbm>> -> memref<10240x8xf32, #tpu.memory_space<hbm>>
      %dma_wait3A_54 = arith.constant 0 : i32
      %dma_wait3A_55 = arith.constant 0 : i32
      %dma_wait3A_56 = tpu.memref_slice %dma_wait3A_53[%dma_wait3A_54, %dma_wait3A_55] : memref<10240x8xf32, #tpu.memory_space<hbm>> -> memref<125x8xf32, #tpu.memory_space<hbm>>
      %dma_wait3A_57 = arith.constant 0 : i32
      %dma_wait3A_58 = arith.constant 0 : i32
      %dma_wait3A_59 = tpu.memref_slice %arg3[%scan3A_35, %dma_wait3A_57, %dma_wait3A_58] : memref<2x10240x8xf32, #tpu.memory_space<hbm>> -> memref<1x10240x8xf32, #tpu.memory_space<hbm>>
      %dma_wait3A_60 = tpu.memref_squeeze %dma_wait3A_59 : memref<1x10240x8xf32, #tpu.memory_space<hbm>> -> memref<10240x8xf32, #tpu.memory_space<hbm>>
      %dma_wait3A_61 = arith.constant 0 : i32
      %dma_wait3A_62 = arith.constant 0 : i32
      %dma_wait3A_63 = tpu.memref_slice %dma_wait3A_60[%dma_wait3A_61, %dma_wait3A_62] : memref<10240x8xf32, #tpu.memory_space<hbm>> -> memref<125x8xf32, #tpu.memory_space<hbm>>
      tpu.wait_dma2 semaphore(%arg8 : memref<!tpu.dma_semaphore, #tpu.memory_space<semaphore_mem>>) src(%dma_wait3A_63 : memref<125x8xf32, #tpu.memory_space<hbm>>) dst(%arg5 : memref<125x8xf32, #tpu.memory_space<vmem>>)
      %scan3A_64 = arith.constant 0 : i32
      scf.yield %scan3A_64 : i32
    }
    %scan3A_42 = arith.constant 80 : i32
    %barrier3A_43 = arith.constant 0 : index
    tpu.barrier barrier_id(%barrier3A_43)
    %mul3A_44 = arith.constant 640 : i32
    %mul3A_45 = arith.muli %arg1, %mul3A_44 : i32
    %mul3A_46 = arith.constant 640 : i32
    %mul3A_47 = arith.muli %arg1, %mul3A_46 : i32
    "tpu.region"() ({
      %run_scoped3A = tpu.sem_alloc : memref<!tpu.dma_semaphore, #tpu.memory_space<semaphore_mem>>
      %dma_start3A_48 = arith.constant 0 : i32
      %dma_start3A_49 = arith.constant 0 : i32
      %dma_start3A_50 = tpu.memref_slice %arg3[%arg0, %dma_start3A_48, %dma_start3A_49] : memref<2x10240x8xf32, #tpu.memory_space<hbm>> -> memref<1x10240x8xf32, #tpu.memory_space<hbm>>
      %dma_start3A_51 = tpu.memref_squeeze %dma_start3A_50 : memref<1x10240x8xf32, #tpu.memory_space<hbm>> -> memref<10240x8xf32, #tpu.memory_space<hbm>>
      %dma_start3A_52 = arith.constant 0 : i32
      %dma_start3A_53 = tpu.memref_slice %dma_start3A_51[%mul3A_47, %dma_start3A_52] : memref<10240x8xf32, #tpu.memory_space<hbm>> -> memref<640x8xf32, #tpu.memory_space<hbm>>
      %dma_start3A_54 = arith.constant 0 : i32
      %dma_start3A_55 = tpu.memref_slice %arg7[%mul3A_45, %dma_start3A_54] : memref<10240x8xf32, #tpu.memory_space<vmem_shared>> -> memref<640x8xf32, #tpu.memory_space<vmem_shared>>
      tpu.enqueue_dma source(%dma_start3A_55 : memref<640x8xf32, #tpu.memory_space<vmem_shared>>) target(%dma_start3A_53 : memref<640x8xf32, #tpu.memory_space<hbm>>) target_semaphore(%run_scoped3A : memref<!tpu.dma_semaphore, #tpu.memory_space<semaphore_mem>>)
      %dma_wait3A_56 = arith.constant 0 : i32
      %dma_wait3A_57 = arith.constant 0 : i32
      %dma_wait3A_58 = tpu.memref_slice %arg3[%arg0, %dma_wait3A_56, %dma_wait3A_57] : memref<2x10240x8xf32, #tpu.memory_space<hbm>> -> memref<1x10240x8xf32, #tpu.memory_space<hbm>>
      %dma_wait3A_59 = tpu.memref_squeeze %dma_wait3A_58 : memref<1x10240x8xf32, #tpu.memory_space<hbm>> -> memref<10240x8xf32, #tpu.memory_space<hbm>>
      %dma_wait3A_60 = arith.constant 0 : i32
      %dma_wait3A_61 = tpu.memref_slice %dma_wait3A_59[%mul3A_47, %dma_wait3A_60] : memref<10240x8xf32, #tpu.memory_space<hbm>> -> memref<640x8xf32, #tpu.memory_space<hbm>>
      %dma_wait3A_62 = arith.constant 0 : i32
      %dma_wait3A_63 = tpu.memref_slice %arg7[%mul3A_45, %dma_wait3A_62] : memref<10240x8xf32, #tpu.memory_space<vmem_shared>> -> memref<640x8xf32, #tpu.memory_space<vmem_shared>>
      tpu.wait_dma2 semaphore(%run_scoped3A : memref<!tpu.dma_semaphore, #tpu.memory_space<semaphore_mem>>) src(%dma_wait3A_63 : memref<640x8xf32, #tpu.memory_space<vmem_shared>>) dst(%dma_wait3A_61 : memref<640x8xf32, #tpu.memory_space<hbm>>)
      tpu.yield
    }) : () -> ()
    return
  }
}

#map = affine_map<(d0, d1) -> (0, 0, 0, 0)>
#map1 = affine_map<(d0, d1) -> (0, 0)>
#map2 = affine_map<(d0, d1) -> (0, 0, 0)>
module attributes {stable_mosaic.version = 14 : i64} {
  func.func @_sc_aggregate(%arg0: i32, %arg1: i32, %arg2: memref<2x16x80x125xi32, #tpu.memory_space<hbm>>, %arg3: memref<2x16x80x125xi32, #tpu.memory_space<hbm>>, %arg4: memref<10240x8xf32, #tpu.memory_space<hbm>>, %arg5: memref<2x10240x8xf32, #tpu.memory_space<hbm>>, %arg6: memref<80x125xi32, #tpu.memory_space<vmem>>, %arg7: memref<80x125xi32, #tpu.memory_space<vmem>>, %arg8: memref<10x125x8xf32, #tpu.memory_space<vmem>>, %arg9: memref<640x8xf32, #tpu.memory_space<vmem>>, %arg10: memref<10240x8xf32, #tpu.memory_space<vmem_shared>>, %arg11: memref<10240x8xf32, #tpu.memory_space<vmem_shared>>, %arg12: memref<10x!tpu.dma_semaphore, #tpu.memory_space<semaphore_mem>>, %arg13: memref<10x!tpu.dma_semaphore, #tpu.memory_space<semaphore_mem>>, %arg14: memref<!tpu.dma_semaphore, #tpu.memory_space<semaphore_mem>>) attributes {dimension_semantics = [#tpu.dimension_semantics<core_parallel>, #tpu.dimension_semantics<subcore_parallel>], iteration_bounds = array<i64: 2, 16>, scalar_prefetch = 0 : i64, scratch_operands = 9 : i64, tpu.core_type = #tpu.core_type<sc_vector_subcore>, window_params = [{transform_indices = #map}, {transform_indices = #map}, {transform_indices = #map1}, {transform_indices = #map2}]} {
    %dma_start3A = arith.constant 0 : i32
    %dma_start3A_0 = arith.constant 0 : i32
    %dma_start3A_1 = tpu.memref_slice %arg2[%arg0, %arg1, %dma_start3A, %dma_start3A_0] : memref<2x16x80x125xi32, #tpu.memory_space<hbm>> -> memref<1x1x80x125xi32, #tpu.memory_space<hbm>>
    %dma_start3A_2 = tpu.memref_squeeze %dma_start3A_1 : memref<1x1x80x125xi32, #tpu.memory_space<hbm>> -> memref<80x125xi32, #tpu.memory_space<hbm>>
    %dma_start3A_3 = arith.constant 0 : i32
    %dma_start3A_4 = arith.constant 0 : i32
    %dma_start3A_5 = tpu.memref_slice %arg2[%arg0, %arg1, %dma_start3A_3, %dma_start3A_4] : memref<2x16x80x125xi32, #tpu.memory_space<hbm>> -> memref<1x1x80x125xi32, #tpu.memory_space<hbm>>
    %dma_start3A_6 = tpu.memref_squeeze %dma_start3A_5 : memref<1x1x80x125xi32, #tpu.memory_space<hbm>> -> memref<80x125xi32, #tpu.memory_space<hbm>>
    tpu.enqueue_dma source(%dma_start3A_6 : memref<80x125xi32, #tpu.memory_space<hbm>>) target(%arg6 : memref<80x125xi32, #tpu.memory_space<vmem>>) target_semaphore(%arg14 : memref<!tpu.dma_semaphore, #tpu.memory_space<semaphore_mem>>)
    %dma_start3A_7 = arith.constant 0 : i32
    %dma_start3A_8 = arith.constant 0 : i32
    %dma_start3A_9 = tpu.memref_slice %arg3[%arg0, %arg1, %dma_start3A_7, %dma_start3A_8] : memref<2x16x80x125xi32, #tpu.memory_space<hbm>> -> memref<1x1x80x125xi32, #tpu.memory_space<hbm>>
    %dma_start3A_10 = tpu.memref_squeeze %dma_start3A_9 : memref<1x1x80x125xi32, #tpu.memory_space<hbm>> -> memref<80x125xi32, #tpu.memory_space<hbm>>
    %dma_start3A_11 = arith.constant 0 : i32
    %dma_start3A_12 = arith.constant 0 : i32
    %dma_start3A_13 = tpu.memref_slice %arg3[%arg0, %arg1, %dma_start3A_11, %dma_start3A_12] : memref<2x16x80x125xi32, #tpu.memory_space<hbm>> -> memref<1x1x80x125xi32, #tpu.memory_space<hbm>>
    %dma_start3A_14 = tpu.memref_squeeze %dma_start3A_13 : memref<1x1x80x125xi32, #tpu.memory_space<hbm>> -> memref<80x125xi32, #tpu.memory_space<hbm>>
    tpu.enqueue_dma source(%dma_start3A_14 : memref<80x125xi32, #tpu.memory_space<hbm>>) target(%arg7 : memref<80x125xi32, #tpu.memory_space<vmem>>) target_semaphore(%arg14 : memref<!tpu.dma_semaphore, #tpu.memory_space<semaphore_mem>>)
    %mul3A = arith.constant 640 : i32
    %mul3A_15 = arith.muli %arg1, %mul3A : i32
    %mul3A_16 = arith.constant 640 : i32
    %mul3A_17 = arith.muli %arg1, %mul3A_16 : i32
    "tpu.region"() ({
      %run_scoped3A = tpu.sem_alloc : memref<!tpu.dma_semaphore, #tpu.memory_space<semaphore_mem>>
      %dma_start3A_383 = arith.constant 0 : i32
      %dma_start3A_384 = tpu.memref_slice %arg11[%mul3A_17, %dma_start3A_383] : memref<10240x8xf32, #tpu.memory_space<vmem_shared>> -> memref<640x8xf32, #tpu.memory_space<vmem_shared>>
      %dma_start3A_385 = arith.constant 0 : i32
      %dma_start3A_386 = tpu.memref_slice %arg4[%mul3A_15, %dma_start3A_385] : memref<10240x8xf32, #tpu.memory_space<hbm>> -> memref<640x8xf32, #tpu.memory_space<hbm>>
      tpu.enqueue_dma source(%dma_start3A_386 : memref<640x8xf32, #tpu.memory_space<hbm>>) target(%dma_start3A_384 : memref<640x8xf32, #tpu.memory_space<vmem_shared>>) target_semaphore(%run_scoped3A : memref<!tpu.dma_semaphore, #tpu.memory_space<semaphore_mem>>)
      %dma_wait3A_387 = arith.constant 0 : i32
      %dma_wait3A_388 = tpu.memref_slice %arg11[%mul3A_17, %dma_wait3A_387] : memref<10240x8xf32, #tpu.memory_space<vmem_shared>> -> memref<640x8xf32, #tpu.memory_space<vmem_shared>>
      %dma_wait3A_389 = arith.constant 0 : i32
      %dma_wait3A_390 = tpu.memref_slice %arg4[%mul3A_15, %dma_wait3A_389] : memref<10240x8xf32, #tpu.memory_space<hbm>> -> memref<640x8xf32, #tpu.memory_space<hbm>>
      tpu.wait_dma2 semaphore(%run_scoped3A : memref<!tpu.dma_semaphore, #tpu.memory_space<semaphore_mem>>) src(%dma_wait3A_390 : memref<640x8xf32, #tpu.memory_space<hbm>>) dst(%dma_wait3A_388 : memref<640x8xf32, #tpu.memory_space<vmem_shared>>)
      tpu.yield
    }) : () -> ()
    %scan3A = arith.constant 0 : i32
    %scan3A_18 = arith.constant 0 : i32
    %scan3A_19 = arith.constant 640 : i32
    %scan3A_20 = arith.addi %scan3A_18, %scan3A_19 : i32
    %scan3A_21 = arith.constant 1 : i32
    %scan3A_22 = scf.for %scan3A_383 = %scan3A_18 to %scan3A_20 step %scan3A_21 iter_args(%scan3A_384 = %scan3A) -> (i32)  : i32 {
      %broadcast_in_dim3A = arith.constant 0.000000e+00 : f32
      %broadcast_in_dim3A_385 = vector.broadcast %broadcast_in_dim3A : f32 to vector<8xf32>
      %swap3A = arith.index_cast %scan3A_383 : i32 to index
      %swap3A_386 = arith.constant 0 : index
      %swap3A_387 = tpu.vector_load %arg9[%swap3A, %swap3A_386] {strides = array<i32>} : memref<640x8xf32, #tpu.memory_space<vmem>>, vector<1x8xf32>,
      %swap3A_388 = vector.shape_cast %swap3A_387 : vector<1x8xf32> to vector<8xf32>
      %swap3A_389 = vector.shape_cast %broadcast_in_dim3A_385 : vector<8xf32> to vector<1x8xf32>
      tpu.vector_store %arg9[%swap3A, %swap3A_386], %swap3A_389 {strides = array<i32>} : memref<640x8xf32, #tpu.memory_space<vmem>>, vector<1x8xf32>,
      %scan3A_390 = arith.constant 0 : i32
      scf.yield %scan3A_390 : i32
    }
    %scan3A_23 = arith.constant 640 : i32
    %mul3A_24 = arith.constant 640 : i32
    %mul3A_25 = arith.muli %arg1, %mul3A_24 : i32
    "tpu.region"() ({
      %run_scoped3A = tpu.sem_alloc : memref<!tpu.dma_semaphore, #tpu.memory_space<semaphore_mem>>
      %dma_start3A_383 = arith.constant 0 : i32
      %dma_start3A_384 = tpu.memref_slice %arg10[%mul3A_25, %dma_start3A_383] : memref<10240x8xf32, #tpu.memory_space<vmem_shared>> -> memref<640x8xf32, #tpu.memory_space<vmem_shared>>
      %dma_start3A_385 = arith.constant 0 : i32
      %dma_start3A_386 = tpu.memref_slice %arg10[%mul3A_25, %dma_start3A_385] : memref<10240x8xf32, #tpu.memory_space<vmem_shared>> -> memref<640x8xf32, #tpu.memory_space<vmem_shared>>
      tpu.enqueue_dma source(%arg9 : memref<640x8xf32, #tpu.memory_space<vmem>>) target(%dma_start3A_386 : memref<640x8xf32, #tpu.memory_space<vmem_shared>>) target_semaphore(%run_scoped3A : memref<!tpu.dma_semaphore, #tpu.memory_space<semaphore_mem>>)
      %dma_wait3A_387 = arith.constant 0 : i32
      %dma_wait3A_388 = tpu.memref_slice %arg10[%mul3A_25, %dma_wait3A_387] : memref<10240x8xf32, #tpu.memory_space<vmem_shared>> -> memref<640x8xf32, #tpu.memory_space<vmem_shared>>
      %dma_wait3A_389 = arith.constant 0 : i32
      %dma_wait3A_390 = tpu.memref_slice %arg10[%mul3A_25, %dma_wait3A_389] : memref<10240x8xf32, #tpu.memory_space<vmem_shared>> -> memref<640x8xf32, #tpu.memory_space<vmem_shared>>
      tpu.wait_dma2 semaphore(%run_scoped3A : memref<!tpu.dma_semaphore, #tpu.memory_space<semaphore_mem>>) src(%arg9 : memref<640x8xf32, #tpu.memory_space<vmem>>) dst(%dma_wait3A_390 : memref<640x8xf32, #tpu.memory_space<vmem_shared>>)
      tpu.yield
    }) : () -> ()
    %dma_wait3A = arith.constant 0 : i32
    %dma_wait3A_26 = arith.constant 0 : i32
    %dma_wait3A_27 = tpu.memref_slice %arg2[%arg0, %arg1, %dma_wait3A, %dma_wait3A_26] : memref<2x16x80x125xi32, #tpu.memory_space<hbm>> -> memref<1x1x80x125xi32, #tpu.memory_space<hbm>>
    %dma_wait3A_28 = tpu.memref_squeeze %dma_wait3A_27 : memref<1x1x80x125xi32, #tpu.memory_space<hbm>> -> memref<80x125xi32, #tpu.memory_space<hbm>>
    %dma_wait3A_29 = arith.constant 0 : i32
    %dma_wait3A_30 = arith.constant 0 : i32
    %dma_wait3A_31 = tpu.memref_slice %arg2[%arg0, %arg1, %dma_wait3A_29, %dma_wait3A_30] : memref<2x16x80x125xi32, #tpu.memory_space<hbm>> -> memref<1x1x80x125xi32, #tpu.memory_space<hbm>>
    %dma_wait3A_32 = tpu.memref_squeeze %dma_wait3A_31 : memref<1x1x80x125xi32, #tpu.memory_space<hbm>> -> memref<80x125xi32, #tpu.memory_space<hbm>>
    tpu.wait_dma2 semaphore(%arg14 : memref<!tpu.dma_semaphore, #tpu.memory_space<semaphore_mem>>) src(%dma_wait3A_32 : memref<80x125xi32, #tpu.memory_space<hbm>>) dst(%arg6 : memref<80x125xi32, #tpu.memory_space<vmem>>)
    %dma_wait3A_33 = arith.constant 0 : i32
    %dma_wait3A_34 = arith.constant 0 : i32
    %dma_wait3A_35 = tpu.memref_slice %arg3[%arg0, %arg1, %dma_wait3A_33, %dma_wait3A_34] : memref<2x16x80x125xi32, #tpu.memory_space<hbm>> -> memref<1x1x80x125xi32, #tpu.memory_space<hbm>>
    %dma_wait3A_36 = tpu.memref_squeeze %dma_wait3A_35 : memref<1x1x80x125xi32, #tpu.memory_space<hbm>> -> memref<80x125xi32, #tpu.memory_space<hbm>>
    %dma_wait3A_37 = arith.constant 0 : i32
    %dma_wait3A_38 = arith.constant 0 : i32
    %dma_wait3A_39 = tpu.memref_slice %arg3[%arg0, %arg1, %dma_wait3A_37, %dma_wait3A_38] : memref<2x16x80x125xi32, #tpu.memory_space<hbm>> -> memref<1x1x80x125xi32, #tpu.memory_space<hbm>>
    %dma_wait3A_40 = tpu.memref_squeeze %dma_wait3A_39 : memref<1x1x80x125xi32, #tpu.memory_space<hbm>> -> memref<80x125xi32, #tpu.memory_space<hbm>>
    tpu.wait_dma2 semaphore(%arg14 : memref<!tpu.dma_semaphore, #tpu.memory_space<semaphore_mem>>) src(%dma_wait3A_40 : memref<80x125xi32, #tpu.memory_space<hbm>>) dst(%arg7 : memref<80x125xi32, #tpu.memory_space<vmem>>)
    %barrier3A = arith.constant 0 : index
    tpu.barrier barrier_id(%barrier3A)
    %dma_start3A_41 = arith.constant 0 : i32
    %dma_start3A_42 = arith.constant 0 : i32
    %dma_start3A_43 = arith.constant 0 : i32
    %dma_start3A_44 = arith.constant 0 : i32
    %dma_start3A_45 = arith.constant 0 : i32
    %dma_start3A_46 = tpu.memref_slice %arg8[%dma_start3A_42, %dma_start3A_44, %dma_start3A_45] : memref<10x125x8xf32, #tpu.memory_space<vmem>> -> memref<1x125x8xf32, #tpu.memory_space<vmem>>
    %dma_start3A_47 = tpu.memref_squeeze %dma_start3A_46 : memref<1x125x8xf32, #tpu.memory_space<vmem>> -> memref<125x8xf32, #tpu.memory_space<vmem>>
    %dma_start3A_48 = arith.constant 0 : i32
    %dma_start3A_49 = tpu.memref_slice %arg6[%dma_start3A_41, %dma_start3A_48] : memref<80x125xi32, #tpu.memory_space<vmem>> -> memref<1x125xi32, #tpu.memory_space<vmem>>
    %dma_start3A_50 = tpu.memref_squeeze %dma_start3A_49 : memref<1x125xi32, #tpu.memory_space<vmem>> -> memref<125xi32, #tpu.memory_space<vmem>>
    %dma_start3A_51 = arith.constant 0 : i32
    %dma_start3A_52 = arith.constant 0 : i32
    %dma_start3A_53 = tpu.memref_slice %arg11[%dma_start3A_51, %dma_start3A_52] : memref<10240x8xf32, #tpu.memory_space<vmem_shared>> -> memref<10240x8xf32, #tpu.memory_space<vmem_shared>>
    %dma_start3A_54 = tpu.memref_slice %arg12[%dma_start3A_43] : memref<10x!tpu.dma_semaphore, #tpu.memory_space<semaphore_mem>> -> memref<1x!tpu.dma_semaphore, #tpu.memory_space<semaphore_mem>>
    %dma_start3A_55 = tpu.memref_squeeze %dma_start3A_54 : memref<1x!tpu.dma_semaphore, #tpu.memory_space<semaphore_mem>> -> memref<!tpu.dma_semaphore, #tpu.memory_space<semaphore_mem>>
    tpu.enqueue_indirect_dma source(%dma_start3A_53 : memref<10240x8xf32, #tpu.memory_space<vmem_shared>>) target(%dma_start3A_47 : memref<125x8xf32, #tpu.memory_space<vmem>>) offsets(%dma_start3A_50 : memref<125xi32, #tpu.memory_space<vmem>>) semaphore(%dma_start3A_55 : memref<!tpu.dma_semaphore, #tpu.memory_space<semaphore_mem>>)
    %dma_start3A_56 = arith.constant 1 : i32
    %dma_start3A_57 = arith.constant 1 : i32
    %dma_start3A_58 = arith.constant 1 : i32
    %dma_start3A_59 = arith.constant 0 : i32
    %dma_start3A_60 = arith.constant 0 : i32
    %dma_start3A_61 = tpu.memref_slice %arg8[%dma_start3A_57, %dma_start3A_59, %dma_start3A_60] : memref<10x125x8xf32, #tpu.memory_space<vmem>> -> memref<1x125x8xf32, #tpu.memory_space<vmem>>
    %dma_start3A_62 = tpu.memref_squeeze %dma_start3A_61 : memref<1x125x8xf32, #tpu.memory_space<vmem>> -> memref<125x8xf32, #tpu.memory_space<vmem>>
    %dma_start3A_63 = arith.constant 0 : i32
    %dma_start3A_64 = tpu.memref_slice %arg6[%dma_start3A_56, %dma_start3A_63] : memref<80x125xi32, #tpu.memory_space<vmem>> -> memref<1x125xi32, #tpu.memory_space<vmem>>
    %dma_start3A_65 = tpu.memref_squeeze %dma_start3A_64 : memref<1x125xi32, #tpu.memory_space<vmem>> -> memref<125xi32, #tpu.memory_space<vmem>>
    %dma_start3A_66 = arith.constant 0 : i32
    %dma_start3A_67 = arith.constant 0 : i32
    %dma_start3A_68 = tpu.memref_slice %arg11[%dma_start3A_66, %dma_start3A_67] : memref<10240x8xf32, #tpu.memory_space<vmem_shared>> -> memref<10240x8xf32, #tpu.memory_space<vmem_shared>>
    %dma_start3A_69 = tpu.memref_slice %arg12[%dma_start3A_58] : memref<10x!tpu.dma_semaphore, #tpu.memory_space<semaphore_mem>> -> memref<1x!tpu.dma_semaphore, #tpu.memory_space<semaphore_mem>>
    %dma_start3A_70 = tpu.memref_squeeze %dma_start3A_69 : memref<1x!tpu.dma_semaphore, #tpu.memory_space<semaphore_mem>> -> memref<!tpu.dma_semaphore, #tpu.memory_space<semaphore_mem>>
    tpu.enqueue_indirect_dma source(%dma_start3A_68 : memref<10240x8xf32, #tpu.memory_space<vmem_shared>>) target(%dma_start3A_62 : memref<125x8xf32, #tpu.memory_space<vmem>>) offsets(%dma_start3A_65 : memref<125xi32, #tpu.memory_space<vmem>>) semaphore(%dma_start3A_70 : memref<!tpu.dma_semaphore, #tpu.memory_space<semaphore_mem>>)
    %dma_start3A_71 = arith.constant 2 : i32
    %dma_start3A_72 = arith.constant 2 : i32
    %dma_start3A_73 = arith.constant 2 : i32
    %dma_start3A_74 = arith.constant 0 : i32
    %dma_start3A_75 = arith.constant 0 : i32
    %dma_start3A_76 = tpu.memref_slice %arg8[%dma_start3A_72, %dma_start3A_74, %dma_start3A_75] : memref<10x125x8xf32, #tpu.memory_space<vmem>> -> memref<1x125x8xf32, #tpu.memory_space<vmem>>
    %dma_start3A_77 = tpu.memref_squeeze %dma_start3A_76 : memref<1x125x8xf32, #tpu.memory_space<vmem>> -> memref<125x8xf32, #tpu.memory_space<vmem>>
    %dma_start3A_78 = arith.constant 0 : i32
    %dma_start3A_79 = tpu.memref_slice %arg6[%dma_start3A_71, %dma_start3A_78] : memref<80x125xi32, #tpu.memory_space<vmem>> -> memref<1x125xi32, #tpu.memory_space<vmem>>
    %dma_start3A_80 = tpu.memref_squeeze %dma_start3A_79 : memref<1x125xi32, #tpu.memory_space<vmem>> -> memref<125xi32, #tpu.memory_space<vmem>>
    %dma_start3A_81 = arith.constant 0 : i32
    %dma_start3A_82 = arith.constant 0 : i32
    %dma_start3A_83 = tpu.memref_slice %arg11[%dma_start3A_81, %dma_start3A_82] : memref<10240x8xf32, #tpu.memory_space<vmem_shared>> -> memref<10240x8xf32, #tpu.memory_space<vmem_shared>>
    %dma_start3A_84 = tpu.memref_slice %arg12[%dma_start3A_73] : memref<10x!tpu.dma_semaphore, #tpu.memory_space<semaphore_mem>> -> memref<1x!tpu.dma_semaphore, #tpu.memory_space<semaphore_mem>>
    %dma_start3A_85 = tpu.memref_squeeze %dma_start3A_84 : memref<1x!tpu.dma_semaphore, #tpu.memory_space<semaphore_mem>> -> memref<!tpu.dma_semaphore, #tpu.memory_space<semaphore_mem>>
    tpu.enqueue_indirect_dma source(%dma_start3A_83 : memref<10240x8xf32, #tpu.memory_space<vmem_shared>>) target(%dma_start3A_77 : memref<125x8xf32, #tpu.memory_space<vmem>>) offsets(%dma_start3A_80 : memref<125xi32, #tpu.memory_space<vmem>>) semaphore(%dma_start3A_85 : memref<!tpu.dma_semaphore, #tpu.memory_space<semaphore_mem>>)
    %dma_start3A_86 = arith.constant 3 : i32
    %dma_start3A_87 = arith.constant 3 : i32
    %dma_start3A_88 = arith.constant 3 : i32
    %dma_start3A_89 = arith.constant 0 : i32
    %dma_start3A_90 = arith.constant 0 : i32
    %dma_start3A_91 = tpu.memref_slice %arg8[%dma_start3A_87, %dma_start3A_89, %dma_start3A_90] : memref<10x125x8xf32, #tpu.memory_space<vmem>> -> memref<1x125x8xf32, #tpu.memory_space<vmem>>
    %dma_start3A_92 = tpu.memref_squeeze %dma_start3A_91 : memref<1x125x8xf32, #tpu.memory_space<vmem>> -> memref<125x8xf32, #tpu.memory_space<vmem>>
    %dma_start3A_93 = arith.constant 0 : i32
    %dma_start3A_94 = tpu.memref_slice %arg6[%dma_start3A_86, %dma_start3A_93] : memref<80x125xi32, #tpu.memory_space<vmem>> -> memref<1x125xi32, #tpu.memory_space<vmem>>
    %dma_start3A_95 = tpu.memref_squeeze %dma_start3A_94 : memref<1x125xi32, #tpu.memory_space<vmem>> -> memref<125xi32, #tpu.memory_space<vmem>>
    %dma_start3A_96 = arith.constant 0 : i32
    %dma_start3A_97 = arith.constant 0 : i32
    %dma_start3A_98 = tpu.memref_slice %arg11[%dma_start3A_96, %dma_start3A_97] : memref<10240x8xf32, #tpu.memory_space<vmem_shared>> -> memref<10240x8xf32, #tpu.memory_space<vmem_shared>>
    %dma_start3A_99 = tpu.memref_slice %arg12[%dma_start3A_88] : memref<10x!tpu.dma_semaphore, #tpu.memory_space<semaphore_mem>> -> memref<1x!tpu.dma_semaphore, #tpu.memory_space<semaphore_mem>>
    %dma_start3A_100 = tpu.memref_squeeze %dma_start3A_99 : memref<1x!tpu.dma_semaphore, #tpu.memory_space<semaphore_mem>> -> memref<!tpu.dma_semaphore, #tpu.memory_space<semaphore_mem>>
    tpu.enqueue_indirect_dma source(%dma_start3A_98 : memref<10240x8xf32, #tpu.memory_space<vmem_shared>>) target(%dma_start3A_92 : memref<125x8xf32, #tpu.memory_space<vmem>>) offsets(%dma_start3A_95 : memref<125xi32, #tpu.memory_space<vmem>>) semaphore(%dma_start3A_100 : memref<!tpu.dma_semaphore, #tpu.memory_space<semaphore_mem>>)
    %dma_start3A_101 = arith.constant 4 : i32
    %dma_start3A_102 = arith.constant 4 : i32
    %dma_start3A_103 = arith.constant 4 : i32
    %dma_start3A_104 = arith.constant 0 : i32
    %dma_start3A_105 = arith.constant 0 : i32
    %dma_start3A_106 = tpu.memref_slice %arg8[%dma_start3A_102, %dma_start3A_104, %dma_start3A_105] : memref<10x125x8xf32, #tpu.memory_space<vmem>> -> memref<1x125x8xf32, #tpu.memory_space<vmem>>
    %dma_start3A_107 = tpu.memref_squeeze %dma_start3A_106 : memref<1x125x8xf32, #tpu.memory_space<vmem>> -> memref<125x8xf32, #tpu.memory_space<vmem>>
    %dma_start3A_108 = arith.constant 0 : i32
    %dma_start3A_109 = tpu.memref_slice %arg6[%dma_start3A_101, %dma_start3A_108] : memref<80x125xi32, #tpu.memory_space<vmem>> -> memref<1x125xi32, #tpu.memory_space<vmem>>
    %dma_start3A_110 = tpu.memref_squeeze %dma_start3A_109 : memref<1x125xi32, #tpu.memory_space<vmem>> -> memref<125xi32, #tpu.memory_space<vmem>>
    %dma_start3A_111 = arith.constant 0 : i32
    %dma_start3A_112 = arith.constant 0 : i32
    %dma_start3A_113 = tpu.memref_slice %arg11[%dma_start3A_111, %dma_start3A_112] : memref<10240x8xf32, #tpu.memory_space<vmem_shared>> -> memref<10240x8xf32, #tpu.memory_space<vmem_shared>>
    %dma_start3A_114 = tpu.memref_slice %arg12[%dma_start3A_103] : memref<10x!tpu.dma_semaphore, #tpu.memory_space<semaphore_mem>> -> memref<1x!tpu.dma_semaphore, #tpu.memory_space<semaphore_mem>>
    %dma_start3A_115 = tpu.memref_squeeze %dma_start3A_114 : memref<1x!tpu.dma_semaphore, #tpu.memory_space<semaphore_mem>> -> memref<!tpu.dma_semaphore, #tpu.memory_space<semaphore_mem>>
    tpu.enqueue_indirect_dma source(%dma_start3A_113 : memref<10240x8xf32, #tpu.memory_space<vmem_shared>>) target(%dma_start3A_107 : memref<125x8xf32, #tpu.memory_space<vmem>>) offsets(%dma_start3A_110 : memref<125xi32, #tpu.memory_space<vmem>>) semaphore(%dma_start3A_115 : memref<!tpu.dma_semaphore, #tpu.memory_space<semaphore_mem>>)
    %dma_start3A_116 = arith.constant 5 : i32
    %dma_start3A_117 = arith.constant 5 : i32
    %dma_start3A_118 = arith.constant 5 : i32
    %dma_start3A_119 = arith.constant 0 : i32
    %dma_start3A_120 = arith.constant 0 : i32
    %dma_start3A_121 = tpu.memref_slice %arg8[%dma_start3A_117, %dma_start3A_119, %dma_start3A_120] : memref<10x125x8xf32, #tpu.memory_space<vmem>> -> memref<1x125x8xf32, #tpu.memory_space<vmem>>
    %dma_start3A_122 = tpu.memref_squeeze %dma_start3A_121 : memref<1x125x8xf32, #tpu.memory_space<vmem>> -> memref<125x8xf32, #tpu.memory_space<vmem>>
    %dma_start3A_123 = arith.constant 0 : i32
    %dma_start3A_124 = tpu.memref_slice %arg6[%dma_start3A_116, %dma_start3A_123] : memref<80x125xi32, #tpu.memory_space<vmem>> -> memref<1x125xi32, #tpu.memory_space<vmem>>
    %dma_start3A_125 = tpu.memref_squeeze %dma_start3A_124 : memref<1x125xi32, #tpu.memory_space<vmem>> -> memref<125xi32, #tpu.memory_space<vmem>>
    %dma_start3A_126 = arith.constant 0 : i32
    %dma_start3A_127 = arith.constant 0 : i32
    %dma_start3A_128 = tpu.memref_slice %arg11[%dma_start3A_126, %dma_start3A_127] : memref<10240x8xf32, #tpu.memory_space<vmem_shared>> -> memref<10240x8xf32, #tpu.memory_space<vmem_shared>>
    %dma_start3A_129 = tpu.memref_slice %arg12[%dma_start3A_118] : memref<10x!tpu.dma_semaphore, #tpu.memory_space<semaphore_mem>> -> memref<1x!tpu.dma_semaphore, #tpu.memory_space<semaphore_mem>>
    %dma_start3A_130 = tpu.memref_squeeze %dma_start3A_129 : memref<1x!tpu.dma_semaphore, #tpu.memory_space<semaphore_mem>> -> memref<!tpu.dma_semaphore, #tpu.memory_space<semaphore_mem>>
    tpu.enqueue_indirect_dma source(%dma_start3A_128 : memref<10240x8xf32, #tpu.memory_space<vmem_shared>>) target(%dma_start3A_122 : memref<125x8xf32, #tpu.memory_space<vmem>>) offsets(%dma_start3A_125 : memref<125xi32, #tpu.memory_space<vmem>>) semaphore(%dma_start3A_130 : memref<!tpu.dma_semaphore, #tpu.memory_space<semaphore_mem>>)
    %dma_start3A_131 = arith.constant 6 : i32
    %dma_start3A_132 = arith.constant 6 : i32
    %dma_start3A_133 = arith.constant 6 : i32
    %dma_start3A_134 = arith.constant 0 : i32
    %dma_start3A_135 = arith.constant 0 : i32
    %dma_start3A_136 = tpu.memref_slice %arg8[%dma_start3A_132, %dma_start3A_134, %dma_start3A_135] : memref<10x125x8xf32, #tpu.memory_space<vmem>> -> memref<1x125x8xf32, #tpu.memory_space<vmem>>
    %dma_start3A_137 = tpu.memref_squeeze %dma_start3A_136 : memref<1x125x8xf32, #tpu.memory_space<vmem>> -> memref<125x8xf32, #tpu.memory_space<vmem>>
    %dma_start3A_138 = arith.constant 0 : i32
    %dma_start3A_139 = tpu.memref_slice %arg6[%dma_start3A_131, %dma_start3A_138] : memref<80x125xi32, #tpu.memory_space<vmem>> -> memref<1x125xi32, #tpu.memory_space<vmem>>
    %dma_start3A_140 = tpu.memref_squeeze %dma_start3A_139 : memref<1x125xi32, #tpu.memory_space<vmem>> -> memref<125xi32, #tpu.memory_space<vmem>>
    %dma_start3A_141 = arith.constant 0 : i32
    %dma_start3A_142 = arith.constant 0 : i32
    %dma_start3A_143 = tpu.memref_slice %arg11[%dma_start3A_141, %dma_start3A_142] : memref<10240x8xf32, #tpu.memory_space<vmem_shared>> -> memref<10240x8xf32, #tpu.memory_space<vmem_shared>>
    %dma_start3A_144 = tpu.memref_slice %arg12[%dma_start3A_133] : memref<10x!tpu.dma_semaphore, #tpu.memory_space<semaphore_mem>> -> memref<1x!tpu.dma_semaphore, #tpu.memory_space<semaphore_mem>>
    %dma_start3A_145 = tpu.memref_squeeze %dma_start3A_144 : memref<1x!tpu.dma_semaphore, #tpu.memory_space<semaphore_mem>> -> memref<!tpu.dma_semaphore, #tpu.memory_space<semaphore_mem>>
    tpu.enqueue_indirect_dma source(%dma_start3A_143 : memref<10240x8xf32, #tpu.memory_space<vmem_shared>>) target(%dma_start3A_137 : memref<125x8xf32, #tpu.memory_space<vmem>>) offsets(%dma_start3A_140 : memref<125xi32, #tpu.memory_space<vmem>>) semaphore(%dma_start3A_145 : memref<!tpu.dma_semaphore, #tpu.memory_space<semaphore_mem>>)
    %dma_start3A_146 = arith.constant 7 : i32
    %dma_start3A_147 = arith.constant 7 : i32
    %dma_start3A_148 = arith.constant 7 : i32
    %dma_start3A_149 = arith.constant 0 : i32
    %dma_start3A_150 = arith.constant 0 : i32
    %dma_start3A_151 = tpu.memref_slice %arg8[%dma_start3A_147, %dma_start3A_149, %dma_start3A_150] : memref<10x125x8xf32, #tpu.memory_space<vmem>> -> memref<1x125x8xf32, #tpu.memory_space<vmem>>
    %dma_start3A_152 = tpu.memref_squeeze %dma_start3A_151 : memref<1x125x8xf32, #tpu.memory_space<vmem>> -> memref<125x8xf32, #tpu.memory_space<vmem>>
    %dma_start3A_153 = arith.constant 0 : i32
    %dma_start3A_154 = tpu.memref_slice %arg6[%dma_start3A_146, %dma_start3A_153] : memref<80x125xi32, #tpu.memory_space<vmem>> -> memref<1x125xi32, #tpu.memory_space<vmem>>
    %dma_start3A_155 = tpu.memref_squeeze %dma_start3A_154 : memref<1x125xi32, #tpu.memory_space<vmem>> -> memref<125xi32, #tpu.memory_space<vmem>>
    %dma_start3A_156 = arith.constant 0 : i32
    %dma_start3A_157 = arith.constant 0 : i32
    %dma_start3A_158 = tpu.memref_slice %arg11[%dma_start3A_156, %dma_start3A_157] : memref<10240x8xf32, #tpu.memory_space<vmem_shared>> -> memref<10240x8xf32, #tpu.memory_space<vmem_shared>>
    %dma_start3A_159 = tpu.memref_slice %arg12[%dma_start3A_148] : memref<10x!tpu.dma_semaphore, #tpu.memory_space<semaphore_mem>> -> memref<1x!tpu.dma_semaphore, #tpu.memory_space<semaphore_mem>>
    %dma_start3A_160 = tpu.memref_squeeze %dma_start3A_159 : memref<1x!tpu.dma_semaphore, #tpu.memory_space<semaphore_mem>> -> memref<!tpu.dma_semaphore, #tpu.memory_space<semaphore_mem>>
    tpu.enqueue_indirect_dma source(%dma_start3A_158 : memref<10240x8xf32, #tpu.memory_space<vmem_shared>>) target(%dma_start3A_152 : memref<125x8xf32, #tpu.memory_space<vmem>>) offsets(%dma_start3A_155 : memref<125xi32, #tpu.memory_space<vmem>>) semaphore(%dma_start3A_160 : memref<!tpu.dma_semaphore, #tpu.memory_space<semaphore_mem>>)
    %dma_start3A_161 = arith.constant 8 : i32
    %dma_start3A_162 = arith.constant 8 : i32
    %dma_start3A_163 = arith.constant 8 : i32
    %dma_start3A_164 = arith.constant 0 : i32
    %dma_start3A_165 = arith.constant 0 : i32
    %dma_start3A_166 = tpu.memref_slice %arg8[%dma_start3A_162, %dma_start3A_164, %dma_start3A_165] : memref<10x125x8xf32, #tpu.memory_space<vmem>> -> memref<1x125x8xf32, #tpu.memory_space<vmem>>
    %dma_start3A_167 = tpu.memref_squeeze %dma_start3A_166 : memref<1x125x8xf32, #tpu.memory_space<vmem>> -> memref<125x8xf32, #tpu.memory_space<vmem>>
    %dma_start3A_168 = arith.constant 0 : i32
    %dma_start3A_169 = tpu.memref_slice %arg6[%dma_start3A_161, %dma_start3A_168] : memref<80x125xi32, #tpu.memory_space<vmem>> -> memref<1x125xi32, #tpu.memory_space<vmem>>
    %dma_start3A_170 = tpu.memref_squeeze %dma_start3A_169 : memref<1x125xi32, #tpu.memory_space<vmem>> -> memref<125xi32, #tpu.memory_space<vmem>>
    %dma_start3A_171 = arith.constant 0 : i32
    %dma_start3A_172 = arith.constant 0 : i32
    %dma_start3A_173 = tpu.memref_slice %arg11[%dma_start3A_171, %dma_start3A_172] : memref<10240x8xf32, #tpu.memory_space<vmem_shared>> -> memref<10240x8xf32, #tpu.memory_space<vmem_shared>>
    %dma_start3A_174 = tpu.memref_slice %arg12[%dma_start3A_163] : memref<10x!tpu.dma_semaphore, #tpu.memory_space<semaphore_mem>> -> memref<1x!tpu.dma_semaphore, #tpu.memory_space<semaphore_mem>>
    %dma_start3A_175 = tpu.memref_squeeze %dma_start3A_174 : memref<1x!tpu.dma_semaphore, #tpu.memory_space<semaphore_mem>> -> memref<!tpu.dma_semaphore, #tpu.memory_space<semaphore_mem>>
    tpu.enqueue_indirect_dma source(%dma_start3A_173 : memref<10240x8xf32, #tpu.memory_space<vmem_shared>>) target(%dma_start3A_167 : memref<125x8xf32, #tpu.memory_space<vmem>>) offsets(%dma_start3A_170 : memref<125xi32, #tpu.memory_space<vmem>>) semaphore(%dma_start3A_175 : memref<!tpu.dma_semaphore, #tpu.memory_space<semaphore_mem>>)
    %dma_start3A_176 = arith.constant 9 : i32
    %dma_start3A_177 = arith.constant 9 : i32
    %dma_start3A_178 = arith.constant 9 : i32
    %dma_start3A_179 = arith.constant 0 : i32
    %dma_start3A_180 = arith.constant 0 : i32
    %dma_start3A_181 = tpu.memref_slice %arg8[%dma_start3A_177, %dma_start3A_179, %dma_start3A_180] : memref<10x125x8xf32, #tpu.memory_space<vmem>> -> memref<1x125x8xf32, #tpu.memory_space<vmem>>
    %dma_start3A_182 = tpu.memref_squeeze %dma_start3A_181 : memref<1x125x8xf32, #tpu.memory_space<vmem>> -> memref<125x8xf32, #tpu.memory_space<vmem>>
    %dma_start3A_183 = arith.constant 0 : i32
    %dma_start3A_184 = tpu.memref_slice %arg6[%dma_start3A_176, %dma_start3A_183] : memref<80x125xi32, #tpu.memory_space<vmem>> -> memref<1x125xi32, #tpu.memory_space<vmem>>
    %dma_start3A_185 = tpu.memref_squeeze %dma_start3A_184 : memref<1x125xi32, #tpu.memory_space<vmem>> -> memref<125xi32, #tpu.memory_space<vmem>>
    %dma_start3A_186 = arith.constant 0 : i32
    %dma_start3A_187 = arith.constant 0 : i32
    %dma_start3A_188 = tpu.memref_slice %arg11[%dma_start3A_186, %dma_start3A_187] : memref<10240x8xf32, #tpu.memory_space<vmem_shared>> -> memref<10240x8xf32, #tpu.memory_space<vmem_shared>>
    %dma_start3A_189 = tpu.memref_slice %arg12[%dma_start3A_178] : memref<10x!tpu.dma_semaphore, #tpu.memory_space<semaphore_mem>> -> memref<1x!tpu.dma_semaphore, #tpu.memory_space<semaphore_mem>>
    %dma_start3A_190 = tpu.memref_squeeze %dma_start3A_189 : memref<1x!tpu.dma_semaphore, #tpu.memory_space<semaphore_mem>> -> memref<!tpu.dma_semaphore, #tpu.memory_space<semaphore_mem>>
    tpu.enqueue_indirect_dma source(%dma_start3A_188 : memref<10240x8xf32, #tpu.memory_space<vmem_shared>>) target(%dma_start3A_182 : memref<125x8xf32, #tpu.memory_space<vmem>>) offsets(%dma_start3A_185 : memref<125xi32, #tpu.memory_space<vmem>>) semaphore(%dma_start3A_190 : memref<!tpu.dma_semaphore, #tpu.memory_space<semaphore_mem>>)
    %scan3A_191 = arith.constant 0 : i32
    %scan3A_192 = arith.constant 0 : i32
    %scan3A_193 = arith.constant 8 : i32
    %scan3A_194 = arith.addi %scan3A_192, %scan3A_193 : i32
    %scan3A_195 = arith.constant 1 : i32
    %scan3A_196 = scf.for %scan3A_383 = %scan3A_192 to %scan3A_194 step %scan3A_195 iter_args(%scan3A_384 = %scan3A_191) -> (i32)  : i32 {
      %mul3A_385 = arith.constant 10 : i32
      %mul3A_386 = arith.muli %scan3A_383, %mul3A_385 : i32
      %dma_wait3A_387 = arith.constant 0 : i32
      %dma_wait3A_388 = arith.constant 0 : i32
      %dma_wait3A_389 = arith.constant 0 : i32
      %dma_wait3A_390 = arith.constant 0 : i32
      %dma_wait3A_391 = tpu.memref_slice %arg8[%dma_wait3A_387, %dma_wait3A_389, %dma_wait3A_390] : memref<10x125x8xf32, #tpu.memory_space<vmem>> -> memref<1x125x8xf32, #tpu.memory_space<vmem>>
      %dma_wait3A_392 = tpu.memref_squeeze %dma_wait3A_391 : memref<1x125x8xf32, #tpu.memory_space<vmem>> -> memref<125x8xf32, #tpu.memory_space<vmem>>
      %dma_wait3A_393 = arith.constant 0 : i32
      %dma_wait3A_394 = arith.constant 0 : i32
      %dma_wait3A_395 = tpu.memref_slice %arg4[%dma_wait3A_393, %dma_wait3A_394] : memref<10240x8xf32, #tpu.memory_space<hbm>> -> memref<125x8xf32, #tpu.memory_space<hbm>>
      %dma_wait3A_396 = tpu.memref_slice %arg12[%dma_wait3A_388] : memref<10x!tpu.dma_semaphore, #tpu.memory_space<semaphore_mem>> -> memref<1x!tpu.dma_semaphore, #tpu.memory_space<semaphore_mem>>
      %dma_wait3A_397 = tpu.memref_squeeze %dma_wait3A_396 : memref<1x!tpu.dma_semaphore, #tpu.memory_space<semaphore_mem>> -> memref<!tpu.dma_semaphore, #tpu.memory_space<semaphore_mem>>
      %dma_wait3A_398 = arith.constant 0 : i32
      %dma_wait3A_399 = arith.constant 0 : i32
      %dma_wait3A_400 = tpu.memref_slice %arg8[%dma_wait3A_387, %dma_wait3A_398, %dma_wait3A_399] : memref<10x125x8xf32, #tpu.memory_space<vmem>> -> memref<1x125x8xf32, #tpu.memory_space<vmem>>
      %dma_wait3A_401 = tpu.memref_squeeze %dma_wait3A_400 : memref<1x125x8xf32, #tpu.memory_space<vmem>> -> memref<125x8xf32, #tpu.memory_space<vmem>>
      %dma_wait3A_402 = arith.constant 0 : i32
      %dma_wait3A_403 = arith.constant 0 : i32
      %dma_wait3A_404 = tpu.memref_slice %arg4[%dma_wait3A_402, %dma_wait3A_403] : memref<10240x8xf32, #tpu.memory_space<hbm>> -> memref<125x8xf32, #tpu.memory_space<hbm>>
      tpu.wait_dma2 semaphore(%dma_wait3A_397 : memref<!tpu.dma_semaphore, #tpu.memory_space<semaphore_mem>>) src(%dma_wait3A_404 : memref<125x8xf32, #tpu.memory_space<hbm>>) dst(%dma_wait3A_401 : memref<125x8xf32, #tpu.memory_space<vmem>>)
      %add3A = arith.constant 0 : i32
      %add3A_405 = arith.addi %mul3A_386, %add3A : i32
      %dma_start3A_406 = arith.constant 0 : i32
      %dma_start3A_407 = arith.constant 0 : i32
      %dma_start3A_408 = arith.constant 0 : i32
      %dma_start3A_409 = arith.constant 0 : i32
      %dma_start3A_410 = tpu.memref_slice %arg8[%dma_start3A_406, %dma_start3A_408, %dma_start3A_409] : memref<10x125x8xf32, #tpu.memory_space<vmem>> -> memref<1x125x8xf32, #tpu.memory_space<vmem>>
      %dma_start3A_411 = tpu.memref_squeeze %dma_start3A_410 : memref<1x125x8xf32, #tpu.memory_space<vmem>> -> memref<125x8xf32, #tpu.memory_space<vmem>>
      %dma_start3A_412 = arith.constant 0 : i32
      %dma_start3A_413 = tpu.memref_slice %arg7[%add3A_405, %dma_start3A_412] : memref<80x125xi32, #tpu.memory_space<vmem>> -> memref<1x125xi32, #tpu.memory_space<vmem>>
      %dma_start3A_414 = tpu.memref_squeeze %dma_start3A_413 : memref<1x125xi32, #tpu.memory_space<vmem>> -> memref<125xi32, #tpu.memory_space<vmem>>
      %dma_start3A_415 = arith.constant 0 : i32
      %dma_start3A_416 = arith.constant 0 : i32
      %dma_start3A_417 = tpu.memref_slice %arg10[%dma_start3A_415, %dma_start3A_416] : memref<10240x8xf32, #tpu.memory_space<vmem_shared>> -> memref<10240x8xf32, #tpu.memory_space<vmem_shared>>
      %dma_start3A_418 = tpu.memref_slice %arg13[%dma_start3A_407] : memref<10x!tpu.dma_semaphore, #tpu.memory_space<semaphore_mem>> -> memref<1x!tpu.dma_semaphore, #tpu.memory_space<semaphore_mem>>
      %dma_start3A_419 = tpu.memref_squeeze %dma_start3A_418 : memref<1x!tpu.dma_semaphore, #tpu.memory_space<semaphore_mem>> -> memref<!tpu.dma_semaphore, #tpu.memory_space<semaphore_mem>>
      tpu.enqueue_indirect_dma source(%dma_start3A_411 : memref<125x8xf32, #tpu.memory_space<vmem>>) target(%dma_start3A_417 : memref<10240x8xf32, #tpu.memory_space<vmem_shared>>) offsets(%dma_start3A_414 : memref<125xi32, #tpu.memory_space<vmem>>) semaphore(%dma_start3A_419 : memref<!tpu.dma_semaphore, #tpu.memory_space<semaphore_mem>>) {add = true}
      %dma_wait3A_420 = arith.constant 1 : i32
      %dma_wait3A_421 = arith.constant 1 : i32
      %dma_wait3A_422 = arith.constant 0 : i32
      %dma_wait3A_423 = arith.constant 0 : i32
      %dma_wait3A_424 = tpu.memref_slice %arg8[%dma_wait3A_420, %dma_wait3A_422, %dma_wait3A_423] : memref<10x125x8xf32, #tpu.memory_space<vmem>> -> memref<1x125x8xf32, #tpu.memory_space<vmem>>
      %dma_wait3A_425 = tpu.memref_squeeze %dma_wait3A_424 : memref<1x125x8xf32, #tpu.memory_space<vmem>> -> memref<125x8xf32, #tpu.memory_space<vmem>>
      %dma_wait3A_426 = arith.constant 0 : i32
      %dma_wait3A_427 = arith.constant 0 : i32
      %dma_wait3A_428 = tpu.memref_slice %arg4[%dma_wait3A_426, %dma_wait3A_427] : memref<10240x8xf32, #tpu.memory_space<hbm>> -> memref<125x8xf32, #tpu.memory_space<hbm>>
      %dma_wait3A_429 = tpu.memref_slice %arg12[%dma_wait3A_421] : memref<10x!tpu.dma_semaphore, #tpu.memory_space<semaphore_mem>> -> memref<1x!tpu.dma_semaphore, #tpu.memory_space<semaphore_mem>>
      %dma_wait3A_430 = tpu.memref_squeeze %dma_wait3A_429 : memref<1x!tpu.dma_semaphore, #tpu.memory_space<semaphore_mem>> -> memref<!tpu.dma_semaphore, #tpu.memory_space<semaphore_mem>>
      %dma_wait3A_431 = arith.constant 0 : i32
      %dma_wait3A_432 = arith.constant 0 : i32
      %dma_wait3A_433 = tpu.memref_slice %arg8[%dma_wait3A_420, %dma_wait3A_431, %dma_wait3A_432] : memref<10x125x8xf32, #tpu.memory_space<vmem>> -> memref<1x125x8xf32, #tpu.memory_space<vmem>>
      %dma_wait3A_434 = tpu.memref_squeeze %dma_wait3A_433 : memref<1x125x8xf32, #tpu.memory_space<vmem>> -> memref<125x8xf32, #tpu.memory_space<vmem>>
      %dma_wait3A_435 = arith.constant 0 : i32
      %dma_wait3A_436 = arith.constant 0 : i32
      %dma_wait3A_437 = tpu.memref_slice %arg4[%dma_wait3A_435, %dma_wait3A_436] : memref<10240x8xf32, #tpu.memory_space<hbm>> -> memref<125x8xf32, #tpu.memory_space<hbm>>
      tpu.wait_dma2 semaphore(%dma_wait3A_430 : memref<!tpu.dma_semaphore, #tpu.memory_space<semaphore_mem>>) src(%dma_wait3A_437 : memref<125x8xf32, #tpu.memory_space<hbm>>) dst(%dma_wait3A_434 : memref<125x8xf32, #tpu.memory_space<vmem>>)
      %add3A_438 = arith.constant 1 : i32
      %add3A_439 = arith.addi %mul3A_386, %add3A_438 : i32
      %dma_start3A_440 = arith.constant 1 : i32
      %dma_start3A_441 = arith.constant 1 : i32
      %dma_start3A_442 = arith.constant 0 : i32
      %dma_start3A_443 = arith.constant 0 : i32
      %dma_start3A_444 = tpu.memref_slice %arg8[%dma_start3A_440, %dma_start3A_442, %dma_start3A_443] : memref<10x125x8xf32, #tpu.memory_space<vmem>> -> memref<1x125x8xf32, #tpu.memory_space<vmem>>
      %dma_start3A_445 = tpu.memref_squeeze %dma_start3A_444 : memref<1x125x8xf32, #tpu.memory_space<vmem>> -> memref<125x8xf32, #tpu.memory_space<vmem>>
      %dma_start3A_446 = arith.constant 0 : i32
      %dma_start3A_447 = tpu.memref_slice %arg7[%add3A_439, %dma_start3A_446] : memref<80x125xi32, #tpu.memory_space<vmem>> -> memref<1x125xi32, #tpu.memory_space<vmem>>
      %dma_start3A_448 = tpu.memref_squeeze %dma_start3A_447 : memref<1x125xi32, #tpu.memory_space<vmem>> -> memref<125xi32, #tpu.memory_space<vmem>>
      %dma_start3A_449 = arith.constant 0 : i32
      %dma_start3A_450 = arith.constant 0 : i32
      %dma_start3A_451 = tpu.memref_slice %arg10[%dma_start3A_449, %dma_start3A_450] : memref<10240x8xf32, #tpu.memory_space<vmem_shared>> -> memref<10240x8xf32, #tpu.memory_space<vmem_shared>>
      %dma_start3A_452 = tpu.memref_slice %arg13[%dma_start3A_441] : memref<10x!tpu.dma_semaphore, #tpu.memory_space<semaphore_mem>> -> memref<1x!tpu.dma_semaphore, #tpu.memory_space<semaphore_mem>>
      %dma_start3A_453 = tpu.memref_squeeze %dma_start3A_452 : memref<1x!tpu.dma_semaphore, #tpu.memory_space<semaphore_mem>> -> memref<!tpu.dma_semaphore, #tpu.memory_space<semaphore_mem>>
      tpu.enqueue_indirect_dma source(%dma_start3A_445 : memref<125x8xf32, #tpu.memory_space<vmem>>) target(%dma_start3A_451 : memref<10240x8xf32, #tpu.memory_space<vmem_shared>>) offsets(%dma_start3A_448 : memref<125xi32, #tpu.memory_space<vmem>>) semaphore(%dma_start3A_453 : memref<!tpu.dma_semaphore, #tpu.memory_space<semaphore_mem>>) {add = true}
      %dma_wait3A_454 = arith.constant 2 : i32
      %dma_wait3A_455 = arith.constant 2 : i32
      %dma_wait3A_456 = arith.constant 0 : i32
      %dma_wait3A_457 = arith.constant 0 : i32
      %dma_wait3A_458 = tpu.memref_slice %arg8[%dma_wait3A_454, %dma_wait3A_456, %dma_wait3A_457] : memref<10x125x8xf32, #tpu.memory_space<vmem>> -> memref<1x125x8xf32, #tpu.memory_space<vmem>>
      %dma_wait3A_459 = tpu.memref_squeeze %dma_wait3A_458 : memref<1x125x8xf32, #tpu.memory_space<vmem>> -> memref<125x8xf32, #tpu.memory_space<vmem>>
      %dma_wait3A_460 = arith.constant 0 : i32
      %dma_wait3A_461 = arith.constant 0 : i32
      %dma_wait3A_462 = tpu.memref_slice %arg4[%dma_wait3A_460, %dma_wait3A_461] : memref<10240x8xf32, #tpu.memory_space<hbm>> -> memref<125x8xf32, #tpu.memory_space<hbm>>
      %dma_wait3A_463 = tpu.memref_slice %arg12[%dma_wait3A_455] : memref<10x!tpu.dma_semaphore, #tpu.memory_space<semaphore_mem>> -> memref<1x!tpu.dma_semaphore, #tpu.memory_space<semaphore_mem>>
      %dma_wait3A_464 = tpu.memref_squeeze %dma_wait3A_463 : memref<1x!tpu.dma_semaphore, #tpu.memory_space<semaphore_mem>> -> memref<!tpu.dma_semaphore, #tpu.memory_space<semaphore_mem>>
      %dma_wait3A_465 = arith.constant 0 : i32
      %dma_wait3A_466 = arith.constant 0 : i32
      %dma_wait3A_467 = tpu.memref_slice %arg8[%dma_wait3A_454, %dma_wait3A_465, %dma_wait3A_466] : memref<10x125x8xf32, #tpu.memory_space<vmem>> -> memref<1x125x8xf32, #tpu.memory_space<vmem>>
      %dma_wait3A_468 = tpu.memref_squeeze %dma_wait3A_467 : memref<1x125x8xf32, #tpu.memory_space<vmem>> -> memref<125x8xf32, #tpu.memory_space<vmem>>
      %dma_wait3A_469 = arith.constant 0 : i32
      %dma_wait3A_470 = arith.constant 0 : i32
      %dma_wait3A_471 = tpu.memref_slice %arg4[%dma_wait3A_469, %dma_wait3A_470] : memref<10240x8xf32, #tpu.memory_space<hbm>> -> memref<125x8xf32, #tpu.memory_space<hbm>>
      tpu.wait_dma2 semaphore(%dma_wait3A_464 : memref<!tpu.dma_semaphore, #tpu.memory_space<semaphore_mem>>) src(%dma_wait3A_471 : memref<125x8xf32, #tpu.memory_space<hbm>>) dst(%dma_wait3A_468 : memref<125x8xf32, #tpu.memory_space<vmem>>)
      %add3A_472 = arith.constant 2 : i32
      %add3A_473 = arith.addi %mul3A_386, %add3A_472 : i32
      %dma_start3A_474 = arith.constant 2 : i32
      %dma_start3A_475 = arith.constant 2 : i32
      %dma_start3A_476 = arith.constant 0 : i32
      %dma_start3A_477 = arith.constant 0 : i32
      %dma_start3A_478 = tpu.memref_slice %arg8[%dma_start3A_474, %dma_start3A_476, %dma_start3A_477] : memref<10x125x8xf32, #tpu.memory_space<vmem>> -> memref<1x125x8xf32, #tpu.memory_space<vmem>>
      %dma_start3A_479 = tpu.memref_squeeze %dma_start3A_478 : memref<1x125x8xf32, #tpu.memory_space<vmem>> -> memref<125x8xf32, #tpu.memory_space<vmem>>
      %dma_start3A_480 = arith.constant 0 : i32
      %dma_start3A_481 = tpu.memref_slice %arg7[%add3A_473, %dma_start3A_480] : memref<80x125xi32, #tpu.memory_space<vmem>> -> memref<1x125xi32, #tpu.memory_space<vmem>>
      %dma_start3A_482 = tpu.memref_squeeze %dma_start3A_481 : memref<1x125xi32, #tpu.memory_space<vmem>> -> memref<125xi32, #tpu.memory_space<vmem>>
      %dma_start3A_483 = arith.constant 0 : i32
      %dma_start3A_484 = arith.constant 0 : i32
      %dma_start3A_485 = tpu.memref_slice %arg10[%dma_start3A_483, %dma_start3A_484] : memref<10240x8xf32, #tpu.memory_space<vmem_shared>> -> memref<10240x8xf32, #tpu.memory_space<vmem_shared>>
      %dma_start3A_486 = tpu.memref_slice %arg13[%dma_start3A_475] : memref<10x!tpu.dma_semaphore, #tpu.memory_space<semaphore_mem>> -> memref<1x!tpu.dma_semaphore, #tpu.memory_space<semaphore_mem>>
      %dma_start3A_487 = tpu.memref_squeeze %dma_start3A_486 : memref<1x!tpu.dma_semaphore, #tpu.memory_space<semaphore_mem>> -> memref<!tpu.dma_semaphore, #tpu.memory_space<semaphore_mem>>
      tpu.enqueue_indirect_dma source(%dma_start3A_479 : memref<125x8xf32, #tpu.memory_space<vmem>>) target(%dma_start3A_485 : memref<10240x8xf32, #tpu.memory_space<vmem_shared>>) offsets(%dma_start3A_482 : memref<125xi32, #tpu.memory_space<vmem>>) semaphore(%dma_start3A_487 : memref<!tpu.dma_semaphore, #tpu.memory_space<semaphore_mem>>) {add = true}
      %dma_wait3A_488 = arith.constant 3 : i32
      %dma_wait3A_489 = arith.constant 3 : i32
      %dma_wait3A_490 = arith.constant 0 : i32
      %dma_wait3A_491 = arith.constant 0 : i32
      %dma_wait3A_492 = tpu.memref_slice %arg8[%dma_wait3A_488, %dma_wait3A_490, %dma_wait3A_491] : memref<10x125x8xf32, #tpu.memory_space<vmem>> -> memref<1x125x8xf32, #tpu.memory_space<vmem>>
      %dma_wait3A_493 = tpu.memref_squeeze %dma_wait3A_492 : memref<1x125x8xf32, #tpu.memory_space<vmem>> -> memref<125x8xf32, #tpu.memory_space<vmem>>
      %dma_wait3A_494 = arith.constant 0 : i32
      %dma_wait3A_495 = arith.constant 0 : i32
      %dma_wait3A_496 = tpu.memref_slice %arg4[%dma_wait3A_494, %dma_wait3A_495] : memref<10240x8xf32, #tpu.memory_space<hbm>> -> memref<125x8xf32, #tpu.memory_space<hbm>>
      %dma_wait3A_497 = tpu.memref_slice %arg12[%dma_wait3A_489] : memref<10x!tpu.dma_semaphore, #tpu.memory_space<semaphore_mem>> -> memref<1x!tpu.dma_semaphore, #tpu.memory_space<semaphore_mem>>
      %dma_wait3A_498 = tpu.memref_squeeze %dma_wait3A_497 : memref<1x!tpu.dma_semaphore, #tpu.memory_space<semaphore_mem>> -> memref<!tpu.dma_semaphore, #tpu.memory_space<semaphore_mem>>
      %dma_wait3A_499 = arith.constant 0 : i32
      %dma_wait3A_500 = arith.constant 0 : i32
      %dma_wait3A_501 = tpu.memref_slice %arg8[%dma_wait3A_488, %dma_wait3A_499, %dma_wait3A_500] : memref<10x125x8xf32, #tpu.memory_space<vmem>> -> memref<1x125x8xf32, #tpu.memory_space<vmem>>
      %dma_wait3A_502 = tpu.memref_squeeze %dma_wait3A_501 : memref<1x125x8xf32, #tpu.memory_space<vmem>> -> memref<125x8xf32, #tpu.memory_space<vmem>>
      %dma_wait3A_503 = arith.constant 0 : i32
      %dma_wait3A_504 = arith.constant 0 : i32
      %dma_wait3A_505 = tpu.memref_slice %arg4[%dma_wait3A_503, %dma_wait3A_504] : memref<10240x8xf32, #tpu.memory_space<hbm>> -> memref<125x8xf32, #tpu.memory_space<hbm>>
      tpu.wait_dma2 semaphore(%dma_wait3A_498 : memref<!tpu.dma_semaphore, #tpu.memory_space<semaphore_mem>>) src(%dma_wait3A_505 : memref<125x8xf32, #tpu.memory_space<hbm>>) dst(%dma_wait3A_502 : memref<125x8xf32, #tpu.memory_space<vmem>>)
      %add3A_506 = arith.constant 3 : i32
      %add3A_507 = arith.addi %mul3A_386, %add3A_506 : i32
      %dma_start3A_508 = arith.constant 3 : i32
      %dma_start3A_509 = arith.constant 3 : i32
      %dma_start3A_510 = arith.constant 0 : i32
      %dma_start3A_511 = arith.constant 0 : i32
      %dma_start3A_512 = tpu.memref_slice %arg8[%dma_start3A_508, %dma_start3A_510, %dma_start3A_511] : memref<10x125x8xf32, #tpu.memory_space<vmem>> -> memref<1x125x8xf32, #tpu.memory_space<vmem>>
      %dma_start3A_513 = tpu.memref_squeeze %dma_start3A_512 : memref<1x125x8xf32, #tpu.memory_space<vmem>> -> memref<125x8xf32, #tpu.memory_space<vmem>>
      %dma_start3A_514 = arith.constant 0 : i32
      %dma_start3A_515 = tpu.memref_slice %arg7[%add3A_507, %dma_start3A_514] : memref<80x125xi32, #tpu.memory_space<vmem>> -> memref<1x125xi32, #tpu.memory_space<vmem>>
      %dma_start3A_516 = tpu.memref_squeeze %dma_start3A_515 : memref<1x125xi32, #tpu.memory_space<vmem>> -> memref<125xi32, #tpu.memory_space<vmem>>
      %dma_start3A_517 = arith.constant 0 : i32
      %dma_start3A_518 = arith.constant 0 : i32
      %dma_start3A_519 = tpu.memref_slice %arg10[%dma_start3A_517, %dma_start3A_518] : memref<10240x8xf32, #tpu.memory_space<vmem_shared>> -> memref<10240x8xf32, #tpu.memory_space<vmem_shared>>
      %dma_start3A_520 = tpu.memref_slice %arg13[%dma_start3A_509] : memref<10x!tpu.dma_semaphore, #tpu.memory_space<semaphore_mem>> -> memref<1x!tpu.dma_semaphore, #tpu.memory_space<semaphore_mem>>
      %dma_start3A_521 = tpu.memref_squeeze %dma_start3A_520 : memref<1x!tpu.dma_semaphore, #tpu.memory_space<semaphore_mem>> -> memref<!tpu.dma_semaphore, #tpu.memory_space<semaphore_mem>>
      tpu.enqueue_indirect_dma source(%dma_start3A_513 : memref<125x8xf32, #tpu.memory_space<vmem>>) target(%dma_start3A_519 : memref<10240x8xf32, #tpu.memory_space<vmem_shared>>) offsets(%dma_start3A_516 : memref<125xi32, #tpu.memory_space<vmem>>) semaphore(%dma_start3A_521 : memref<!tpu.dma_semaphore, #tpu.memory_space<semaphore_mem>>) {add = true}
      %dma_wait3A_522 = arith.constant 4 : i32
      %dma_wait3A_523 = arith.constant 4 : i32
      %dma_wait3A_524 = arith.constant 0 : i32
      %dma_wait3A_525 = arith.constant 0 : i32
      %dma_wait3A_526 = tpu.memref_slice %arg8[%dma_wait3A_522, %dma_wait3A_524, %dma_wait3A_525] : memref<10x125x8xf32, #tpu.memory_space<vmem>> -> memref<1x125x8xf32, #tpu.memory_space<vmem>>
      %dma_wait3A_527 = tpu.memref_squeeze %dma_wait3A_526 : memref<1x125x8xf32, #tpu.memory_space<vmem>> -> memref<125x8xf32, #tpu.memory_space<vmem>>
      %dma_wait3A_528 = arith.constant 0 : i32
      %dma_wait3A_529 = arith.constant 0 : i32
      %dma_wait3A_530 = tpu.memref_slice %arg4[%dma_wait3A_528, %dma_wait3A_529] : memref<10240x8xf32, #tpu.memory_space<hbm>> -> memref<125x8xf32, #tpu.memory_space<hbm>>
      %dma_wait3A_531 = tpu.memref_slice %arg12[%dma_wait3A_523] : memref<10x!tpu.dma_semaphore, #tpu.memory_space<semaphore_mem>> -> memref<1x!tpu.dma_semaphore, #tpu.memory_space<semaphore_mem>>
      %dma_wait3A_532 = tpu.memref_squeeze %dma_wait3A_531 : memref<1x!tpu.dma_semaphore, #tpu.memory_space<semaphore_mem>> -> memref<!tpu.dma_semaphore, #tpu.memory_space<semaphore_mem>>
      %dma_wait3A_533 = arith.constant 0 : i32
      %dma_wait3A_534 = arith.constant 0 : i32
      %dma_wait3A_535 = tpu.memref_slice %arg8[%dma_wait3A_522, %dma_wait3A_533, %dma_wait3A_534] : memref<10x125x8xf32, #tpu.memory_space<vmem>> -> memref<1x125x8xf32, #tpu.memory_space<vmem>>
      %dma_wait3A_536 = tpu.memref_squeeze %dma_wait3A_535 : memref<1x125x8xf32, #tpu.memory_space<vmem>> -> memref<125x8xf32, #tpu.memory_space<vmem>>
      %dma_wait3A_537 = arith.constant 0 : i32
      %dma_wait3A_538 = arith.constant 0 : i32
      %dma_wait3A_539 = tpu.memref_slice %arg4[%dma_wait3A_537, %dma_wait3A_538] : memref<10240x8xf32, #tpu.memory_space<hbm>> -> memref<125x8xf32, #tpu.memory_space<hbm>>
      tpu.wait_dma2 semaphore(%dma_wait3A_532 : memref<!tpu.dma_semaphore, #tpu.memory_space<semaphore_mem>>) src(%dma_wait3A_539 : memref<125x8xf32, #tpu.memory_space<hbm>>) dst(%dma_wait3A_536 : memref<125x8xf32, #tpu.memory_space<vmem>>)
      %add3A_540 = arith.constant 4 : i32
      %add3A_541 = arith.addi %mul3A_386, %add3A_540 : i32
      %dma_start3A_542 = arith.constant 4 : i32
      %dma_start3A_543 = arith.constant 4 : i32
      %dma_start3A_544 = arith.constant 0 : i32
      %dma_start3A_545 = arith.constant 0 : i32
      %dma_start3A_546 = tpu.memref_slice %arg8[%dma_start3A_542, %dma_start3A_544, %dma_start3A_545] : memref<10x125x8xf32, #tpu.memory_space<vmem>> -> memref<1x125x8xf32, #tpu.memory_space<vmem>>
      %dma_start3A_547 = tpu.memref_squeeze %dma_start3A_546 : memref<1x125x8xf32, #tpu.memory_space<vmem>> -> memref<125x8xf32, #tpu.memory_space<vmem>>
      %dma_start3A_548 = arith.constant 0 : i32
      %dma_start3A_549 = tpu.memref_slice %arg7[%add3A_541, %dma_start3A_548] : memref<80x125xi32, #tpu.memory_space<vmem>> -> memref<1x125xi32, #tpu.memory_space<vmem>>
      %dma_start3A_550 = tpu.memref_squeeze %dma_start3A_549 : memref<1x125xi32, #tpu.memory_space<vmem>> -> memref<125xi32, #tpu.memory_space<vmem>>
      %dma_start3A_551 = arith.constant 0 : i32
      %dma_start3A_552 = arith.constant 0 : i32
      %dma_start3A_553 = tpu.memref_slice %arg10[%dma_start3A_551, %dma_start3A_552] : memref<10240x8xf32, #tpu.memory_space<vmem_shared>> -> memref<10240x8xf32, #tpu.memory_space<vmem_shared>>
      %dma_start3A_554 = tpu.memref_slice %arg13[%dma_start3A_543] : memref<10x!tpu.dma_semaphore, #tpu.memory_space<semaphore_mem>> -> memref<1x!tpu.dma_semaphore, #tpu.memory_space<semaphore_mem>>
      %dma_start3A_555 = tpu.memref_squeeze %dma_start3A_554 : memref<1x!tpu.dma_semaphore, #tpu.memory_space<semaphore_mem>> -> memref<!tpu.dma_semaphore, #tpu.memory_space<semaphore_mem>>
      tpu.enqueue_indirect_dma source(%dma_start3A_547 : memref<125x8xf32, #tpu.memory_space<vmem>>) target(%dma_start3A_553 : memref<10240x8xf32, #tpu.memory_space<vmem_shared>>) offsets(%dma_start3A_550 : memref<125xi32, #tpu.memory_space<vmem>>) semaphore(%dma_start3A_555 : memref<!tpu.dma_semaphore, #tpu.memory_space<semaphore_mem>>) {add = true}
      %dma_wait3A_556 = arith.constant 5 : i32
      %dma_wait3A_557 = arith.constant 5 : i32
      %dma_wait3A_558 = arith.constant 0 : i32
      %dma_wait3A_559 = arith.constant 0 : i32
      %dma_wait3A_560 = tpu.memref_slice %arg8[%dma_wait3A_556, %dma_wait3A_558, %dma_wait3A_559] : memref<10x125x8xf32, #tpu.memory_space<vmem>> -> memref<1x125x8xf32, #tpu.memory_space<vmem>>
      %dma_wait3A_561 = tpu.memref_squeeze %dma_wait3A_560 : memref<1x125x8xf32, #tpu.memory_space<vmem>> -> memref<125x8xf32, #tpu.memory_space<vmem>>
      %dma_wait3A_562 = arith.constant 0 : i32
      %dma_wait3A_563 = arith.constant 0 : i32
      %dma_wait3A_564 = tpu.memref_slice %arg4[%dma_wait3A_562, %dma_wait3A_563] : memref<10240x8xf32, #tpu.memory_space<hbm>> -> memref<125x8xf32, #tpu.memory_space<hbm>>
      %dma_wait3A_565 = tpu.memref_slice %arg12[%dma_wait3A_557] : memref<10x!tpu.dma_semaphore, #tpu.memory_space<semaphore_mem>> -> memref<1x!tpu.dma_semaphore, #tpu.memory_space<semaphore_mem>>
      %dma_wait3A_566 = tpu.memref_squeeze %dma_wait3A_565 : memref<1x!tpu.dma_semaphore, #tpu.memory_space<semaphore_mem>> -> memref<!tpu.dma_semaphore, #tpu.memory_space<semaphore_mem>>
      %dma_wait3A_567 = arith.constant 0 : i32
      %dma_wait3A_568 = arith.constant 0 : i32
      %dma_wait3A_569 = tpu.memref_slice %arg8[%dma_wait3A_556, %dma_wait3A_567, %dma_wait3A_568] : memref<10x125x8xf32, #tpu.memory_space<vmem>> -> memref<1x125x8xf32, #tpu.memory_space<vmem>>
      %dma_wait3A_570 = tpu.memref_squeeze %dma_wait3A_569 : memref<1x125x8xf32, #tpu.memory_space<vmem>> -> memref<125x8xf32, #tpu.memory_space<vmem>>
      %dma_wait3A_571 = arith.constant 0 : i32
      %dma_wait3A_572 = arith.constant 0 : i32
      %dma_wait3A_573 = tpu.memref_slice %arg4[%dma_wait3A_571, %dma_wait3A_572] : memref<10240x8xf32, #tpu.memory_space<hbm>> -> memref<125x8xf32, #tpu.memory_space<hbm>>
      tpu.wait_dma2 semaphore(%dma_wait3A_566 : memref<!tpu.dma_semaphore, #tpu.memory_space<semaphore_mem>>) src(%dma_wait3A_573 : memref<125x8xf32, #tpu.memory_space<hbm>>) dst(%dma_wait3A_570 : memref<125x8xf32, #tpu.memory_space<vmem>>)
      %add3A_574 = arith.constant 5 : i32
      %add3A_575 = arith.addi %mul3A_386, %add3A_574 : i32
      %dma_start3A_576 = arith.constant 5 : i32
      %dma_start3A_577 = arith.constant 5 : i32
      %dma_start3A_578 = arith.constant 0 : i32
      %dma_start3A_579 = arith.constant 0 : i32
      %dma_start3A_580 = tpu.memref_slice %arg8[%dma_start3A_576, %dma_start3A_578, %dma_start3A_579] : memref<10x125x8xf32, #tpu.memory_space<vmem>> -> memref<1x125x8xf32, #tpu.memory_space<vmem>>
      %dma_start3A_581 = tpu.memref_squeeze %dma_start3A_580 : memref<1x125x8xf32, #tpu.memory_space<vmem>> -> memref<125x8xf32, #tpu.memory_space<vmem>>
      %dma_start3A_582 = arith.constant 0 : i32
      %dma_start3A_583 = tpu.memref_slice %arg7[%add3A_575, %dma_start3A_582] : memref<80x125xi32, #tpu.memory_space<vmem>> -> memref<1x125xi32, #tpu.memory_space<vmem>>
      %dma_start3A_584 = tpu.memref_squeeze %dma_start3A_583 : memref<1x125xi32, #tpu.memory_space<vmem>> -> memref<125xi32, #tpu.memory_space<vmem>>
      %dma_start3A_585 = arith.constant 0 : i32
      %dma_start3A_586 = arith.constant 0 : i32
      %dma_start3A_587 = tpu.memref_slice %arg10[%dma_start3A_585, %dma_start3A_586] : memref<10240x8xf32, #tpu.memory_space<vmem_shared>> -> memref<10240x8xf32, #tpu.memory_space<vmem_shared>>
      %dma_start3A_588 = tpu.memref_slice %arg13[%dma_start3A_577] : memref<10x!tpu.dma_semaphore, #tpu.memory_space<semaphore_mem>> -> memref<1x!tpu.dma_semaphore, #tpu.memory_space<semaphore_mem>>
      %dma_start3A_589 = tpu.memref_squeeze %dma_start3A_588 : memref<1x!tpu.dma_semaphore, #tpu.memory_space<semaphore_mem>> -> memref<!tpu.dma_semaphore, #tpu.memory_space<semaphore_mem>>
      tpu.enqueue_indirect_dma source(%dma_start3A_581 : memref<125x8xf32, #tpu.memory_space<vmem>>) target(%dma_start3A_587 : memref<10240x8xf32, #tpu.memory_space<vmem_shared>>) offsets(%dma_start3A_584 : memref<125xi32, #tpu.memory_space<vmem>>) semaphore(%dma_start3A_589 : memref<!tpu.dma_semaphore, #tpu.memory_space<semaphore_mem>>) {add = true}
      %dma_wait3A_590 = arith.constant 6 : i32
      %dma_wait3A_591 = arith.constant 6 : i32
      %dma_wait3A_592 = arith.constant 0 : i32
      %dma_wait3A_593 = arith.constant 0 : i32
      %dma_wait3A_594 = tpu.memref_slice %arg8[%dma_wait3A_590, %dma_wait3A_592, %dma_wait3A_593] : memref<10x125x8xf32, #tpu.memory_space<vmem>> -> memref<1x125x8xf32, #tpu.memory_space<vmem>>
      %dma_wait3A_595 = tpu.memref_squeeze %dma_wait3A_594 : memref<1x125x8xf32, #tpu.memory_space<vmem>> -> memref<125x8xf32, #tpu.memory_space<vmem>>
      %dma_wait3A_596 = arith.constant 0 : i32
      %dma_wait3A_597 = arith.constant 0 : i32
      %dma_wait3A_598 = tpu.memref_slice %arg4[%dma_wait3A_596, %dma_wait3A_597] : memref<10240x8xf32, #tpu.memory_space<hbm>> -> memref<125x8xf32, #tpu.memory_space<hbm>>
      %dma_wait3A_599 = tpu.memref_slice %arg12[%dma_wait3A_591] : memref<10x!tpu.dma_semaphore, #tpu.memory_space<semaphore_mem>> -> memref<1x!tpu.dma_semaphore, #tpu.memory_space<semaphore_mem>>
      %dma_wait3A_600 = tpu.memref_squeeze %dma_wait3A_599 : memref<1x!tpu.dma_semaphore, #tpu.memory_space<semaphore_mem>> -> memref<!tpu.dma_semaphore, #tpu.memory_space<semaphore_mem>>
      %dma_wait3A_601 = arith.constant 0 : i32
      %dma_wait3A_602 = arith.constant 0 : i32
      %dma_wait3A_603 = tpu.memref_slice %arg8[%dma_wait3A_590, %dma_wait3A_601, %dma_wait3A_602] : memref<10x125x8xf32, #tpu.memory_space<vmem>> -> memref<1x125x8xf32, #tpu.memory_space<vmem>>
      %dma_wait3A_604 = tpu.memref_squeeze %dma_wait3A_603 : memref<1x125x8xf32, #tpu.memory_space<vmem>> -> memref<125x8xf32, #tpu.memory_space<vmem>>
      %dma_wait3A_605 = arith.constant 0 : i32
      %dma_wait3A_606 = arith.constant 0 : i32
      %dma_wait3A_607 = tpu.memref_slice %arg4[%dma_wait3A_605, %dma_wait3A_606] : memref<10240x8xf32, #tpu.memory_space<hbm>> -> memref<125x8xf32, #tpu.memory_space<hbm>>
      tpu.wait_dma2 semaphore(%dma_wait3A_600 : memref<!tpu.dma_semaphore, #tpu.memory_space<semaphore_mem>>) src(%dma_wait3A_607 : memref<125x8xf32, #tpu.memory_space<hbm>>) dst(%dma_wait3A_604 : memref<125x8xf32, #tpu.memory_space<vmem>>)
      %add3A_608 = arith.constant 6 : i32
      %add3A_609 = arith.addi %mul3A_386, %add3A_608 : i32
      %dma_start3A_610 = arith.constant 6 : i32
      %dma_start3A_611 = arith.constant 6 : i32
      %dma_start3A_612 = arith.constant 0 : i32
      %dma_start3A_613 = arith.constant 0 : i32
      %dma_start3A_614 = tpu.memref_slice %arg8[%dma_start3A_610, %dma_start3A_612, %dma_start3A_613] : memref<10x125x8xf32, #tpu.memory_space<vmem>> -> memref<1x125x8xf32, #tpu.memory_space<vmem>>
      %dma_start3A_615 = tpu.memref_squeeze %dma_start3A_614 : memref<1x125x8xf32, #tpu.memory_space<vmem>> -> memref<125x8xf32, #tpu.memory_space<vmem>>
      %dma_start3A_616 = arith.constant 0 : i32
      %dma_start3A_617 = tpu.memref_slice %arg7[%add3A_609, %dma_start3A_616] : memref<80x125xi32, #tpu.memory_space<vmem>> -> memref<1x125xi32, #tpu.memory_space<vmem>>
      %dma_start3A_618 = tpu.memref_squeeze %dma_start3A_617 : memref<1x125xi32, #tpu.memory_space<vmem>> -> memref<125xi32, #tpu.memory_space<vmem>>
      %dma_start3A_619 = arith.constant 0 : i32
      %dma_start3A_620 = arith.constant 0 : i32
      %dma_start3A_621 = tpu.memref_slice %arg10[%dma_start3A_619, %dma_start3A_620] : memref<10240x8xf32, #tpu.memory_space<vmem_shared>> -> memref<10240x8xf32, #tpu.memory_space<vmem_shared>>
      %dma_start3A_622 = tpu.memref_slice %arg13[%dma_start3A_611] : memref<10x!tpu.dma_semaphore, #tpu.memory_space<semaphore_mem>> -> memref<1x!tpu.dma_semaphore, #tpu.memory_space<semaphore_mem>>
      %dma_start3A_623 = tpu.memref_squeeze %dma_start3A_622 : memref<1x!tpu.dma_semaphore, #tpu.memory_space<semaphore_mem>> -> memref<!tpu.dma_semaphore, #tpu.memory_space<semaphore_mem>>
      tpu.enqueue_indirect_dma source(%dma_start3A_615 : memref<125x8xf32, #tpu.memory_space<vmem>>) target(%dma_start3A_621 : memref<10240x8xf32, #tpu.memory_space<vmem_shared>>) offsets(%dma_start3A_618 : memref<125xi32, #tpu.memory_space<vmem>>) semaphore(%dma_start3A_623 : memref<!tpu.dma_semaphore, #tpu.memory_space<semaphore_mem>>) {add = true}
      %dma_wait3A_624 = arith.constant 7 : i32
      %dma_wait3A_625 = arith.constant 7 : i32
      %dma_wait3A_626 = arith.constant 0 : i32
      %dma_wait3A_627 = arith.constant 0 : i32
      %dma_wait3A_628 = tpu.memref_slice %arg8[%dma_wait3A_624, %dma_wait3A_626, %dma_wait3A_627] : memref<10x125x8xf32, #tpu.memory_space<vmem>> -> memref<1x125x8xf32, #tpu.memory_space<vmem>>
      %dma_wait3A_629 = tpu.memref_squeeze %dma_wait3A_628 : memref<1x125x8xf32, #tpu.memory_space<vmem>> -> memref<125x8xf32, #tpu.memory_space<vmem>>
      %dma_wait3A_630 = arith.constant 0 : i32
      %dma_wait3A_631 = arith.constant 0 : i32
      %dma_wait3A_632 = tpu.memref_slice %arg4[%dma_wait3A_630, %dma_wait3A_631] : memref<10240x8xf32, #tpu.memory_space<hbm>> -> memref<125x8xf32, #tpu.memory_space<hbm>>
      %dma_wait3A_633 = tpu.memref_slice %arg12[%dma_wait3A_625] : memref<10x!tpu.dma_semaphore, #tpu.memory_space<semaphore_mem>> -> memref<1x!tpu.dma_semaphore, #tpu.memory_space<semaphore_mem>>
      %dma_wait3A_634 = tpu.memref_squeeze %dma_wait3A_633 : memref<1x!tpu.dma_semaphore, #tpu.memory_space<semaphore_mem>> -> memref<!tpu.dma_semaphore, #tpu.memory_space<semaphore_mem>>
      %dma_wait3A_635 = arith.constant 0 : i32
      %dma_wait3A_636 = arith.constant 0 : i32
      %dma_wait3A_637 = tpu.memref_slice %arg8[%dma_wait3A_624, %dma_wait3A_635, %dma_wait3A_636] : memref<10x125x8xf32, #tpu.memory_space<vmem>> -> memref<1x125x8xf32, #tpu.memory_space<vmem>>
      %dma_wait3A_638 = tpu.memref_squeeze %dma_wait3A_637 : memref<1x125x8xf32, #tpu.memory_space<vmem>> -> memref<125x8xf32, #tpu.memory_space<vmem>>
      %dma_wait3A_639 = arith.constant 0 : i32
      %dma_wait3A_640 = arith.constant 0 : i32
      %dma_wait3A_641 = tpu.memref_slice %arg4[%dma_wait3A_639, %dma_wait3A_640] : memref<10240x8xf32, #tpu.memory_space<hbm>> -> memref<125x8xf32, #tpu.memory_space<hbm>>
      tpu.wait_dma2 semaphore(%dma_wait3A_634 : memref<!tpu.dma_semaphore, #tpu.memory_space<semaphore_mem>>) src(%dma_wait3A_641 : memref<125x8xf32, #tpu.memory_space<hbm>>) dst(%dma_wait3A_638 : memref<125x8xf32, #tpu.memory_space<vmem>>)
      %add3A_642 = arith.constant 7 : i32
      %add3A_643 = arith.addi %mul3A_386, %add3A_642 : i32
      %dma_start3A_644 = arith.constant 7 : i32
      %dma_start3A_645 = arith.constant 7 : i32
      %dma_start3A_646 = arith.constant 0 : i32
      %dma_start3A_647 = arith.constant 0 : i32
      %dma_start3A_648 = tpu.memref_slice %arg8[%dma_start3A_644, %dma_start3A_646, %dma_start3A_647] : memref<10x125x8xf32, #tpu.memory_space<vmem>> -> memref<1x125x8xf32, #tpu.memory_space<vmem>>
      %dma_start3A_649 = tpu.memref_squeeze %dma_start3A_648 : memref<1x125x8xf32, #tpu.memory_space<vmem>> -> memref<125x8xf32, #tpu.memory_space<vmem>>
      %dma_start3A_650 = arith.constant 0 : i32
      %dma_start3A_651 = tpu.memref_slice %arg7[%add3A_643, %dma_start3A_650] : memref<80x125xi32, #tpu.memory_space<vmem>> -> memref<1x125xi32, #tpu.memory_space<vmem>>
      %dma_start3A_652 = tpu.memref_squeeze %dma_start3A_651 : memref<1x125xi32, #tpu.memory_space<vmem>> -> memref<125xi32, #tpu.memory_space<vmem>>
      %dma_start3A_653 = arith.constant 0 : i32
      %dma_start3A_654 = arith.constant 0 : i32
      %dma_start3A_655 = tpu.memref_slice %arg10[%dma_start3A_653, %dma_start3A_654] : memref<10240x8xf32, #tpu.memory_space<vmem_shared>> -> memref<10240x8xf32, #tpu.memory_space<vmem_shared>>
      %dma_start3A_656 = tpu.memref_slice %arg13[%dma_start3A_645] : memref<10x!tpu.dma_semaphore, #tpu.memory_space<semaphore_mem>> -> memref<1x!tpu.dma_semaphore, #tpu.memory_space<semaphore_mem>>
      %dma_start3A_657 = tpu.memref_squeeze %dma_start3A_656 : memref<1x!tpu.dma_semaphore, #tpu.memory_space<semaphore_mem>> -> memref<!tpu.dma_semaphore, #tpu.memory_space<semaphore_mem>>
      tpu.enqueue_indirect_dma source(%dma_start3A_649 : memref<125x8xf32, #tpu.memory_space<vmem>>) target(%dma_start3A_655 : memref<10240x8xf32, #tpu.memory_space<vmem_shared>>) offsets(%dma_start3A_652 : memref<125xi32, #tpu.memory_space<vmem>>) semaphore(%dma_start3A_657 : memref<!tpu.dma_semaphore, #tpu.memory_space<semaphore_mem>>) {add = true}
      %dma_wait3A_658 = arith.constant 8 : i32
      %dma_wait3A_659 = arith.constant 8 : i32
      %dma_wait3A_660 = arith.constant 0 : i32
      %dma_wait3A_661 = arith.constant 0 : i32
      %dma_wait3A_662 = tpu.memref_slice %arg8[%dma_wait3A_658, %dma_wait3A_660, %dma_wait3A_661] : memref<10x125x8xf32, #tpu.memory_space<vmem>> -> memref<1x125x8xf32, #tpu.memory_space<vmem>>
      %dma_wait3A_663 = tpu.memref_squeeze %dma_wait3A_662 : memref<1x125x8xf32, #tpu.memory_space<vmem>> -> memref<125x8xf32, #tpu.memory_space<vmem>>
      %dma_wait3A_664 = arith.constant 0 : i32
      %dma_wait3A_665 = arith.constant 0 : i32
      %dma_wait3A_666 = tpu.memref_slice %arg4[%dma_wait3A_664, %dma_wait3A_665] : memref<10240x8xf32, #tpu.memory_space<hbm>> -> memref<125x8xf32, #tpu.memory_space<hbm>>
      %dma_wait3A_667 = tpu.memref_slice %arg12[%dma_wait3A_659] : memref<10x!tpu.dma_semaphore, #tpu.memory_space<semaphore_mem>> -> memref<1x!tpu.dma_semaphore, #tpu.memory_space<semaphore_mem>>
      %dma_wait3A_668 = tpu.memref_squeeze %dma_wait3A_667 : memref<1x!tpu.dma_semaphore, #tpu.memory_space<semaphore_mem>> -> memref<!tpu.dma_semaphore, #tpu.memory_space<semaphore_mem>>
      %dma_wait3A_669 = arith.constant 0 : i32
      %dma_wait3A_670 = arith.constant 0 : i32
      %dma_wait3A_671 = tpu.memref_slice %arg8[%dma_wait3A_658, %dma_wait3A_669, %dma_wait3A_670] : memref<10x125x8xf32, #tpu.memory_space<vmem>> -> memref<1x125x8xf32, #tpu.memory_space<vmem>>
      %dma_wait3A_672 = tpu.memref_squeeze %dma_wait3A_671 : memref<1x125x8xf32, #tpu.memory_space<vmem>> -> memref<125x8xf32, #tpu.memory_space<vmem>>
      %dma_wait3A_673 = arith.constant 0 : i32
      %dma_wait3A_674 = arith.constant 0 : i32
      %dma_wait3A_675 = tpu.memref_slice %arg4[%dma_wait3A_673, %dma_wait3A_674] : memref<10240x8xf32, #tpu.memory_space<hbm>> -> memref<125x8xf32, #tpu.memory_space<hbm>>
      tpu.wait_dma2 semaphore(%dma_wait3A_668 : memref<!tpu.dma_semaphore, #tpu.memory_space<semaphore_mem>>) src(%dma_wait3A_675 : memref<125x8xf32, #tpu.memory_space<hbm>>) dst(%dma_wait3A_672 : memref<125x8xf32, #tpu.memory_space<vmem>>)
      %add3A_676 = arith.constant 8 : i32
      %add3A_677 = arith.addi %mul3A_386, %add3A_676 : i32
      %dma_start3A_678 = arith.constant 8 : i32
      %dma_start3A_679 = arith.constant 8 : i32
      %dma_start3A_680 = arith.constant 0 : i32
      %dma_start3A_681 = arith.constant 0 : i32
      %dma_start3A_682 = tpu.memref_slice %arg8[%dma_start3A_678, %dma_start3A_680, %dma_start3A_681] : memref<10x125x8xf32, #tpu.memory_space<vmem>> -> memref<1x125x8xf32, #tpu.memory_space<vmem>>
      %dma_start3A_683 = tpu.memref_squeeze %dma_start3A_682 : memref<1x125x8xf32, #tpu.memory_space<vmem>> -> memref<125x8xf32, #tpu.memory_space<vmem>>
      %dma_start3A_684 = arith.constant 0 : i32
      %dma_start3A_685 = tpu.memref_slice %arg7[%add3A_677, %dma_start3A_684] : memref<80x125xi32, #tpu.memory_space<vmem>> -> memref<1x125xi32, #tpu.memory_space<vmem>>
      %dma_start3A_686 = tpu.memref_squeeze %dma_start3A_685 : memref<1x125xi32, #tpu.memory_space<vmem>> -> memref<125xi32, #tpu.memory_space<vmem>>
      %dma_start3A_687 = arith.constant 0 : i32
      %dma_start3A_688 = arith.constant 0 : i32
      %dma_start3A_689 = tpu.memref_slice %arg10[%dma_start3A_687, %dma_start3A_688] : memref<10240x8xf32, #tpu.memory_space<vmem_shared>> -> memref<10240x8xf32, #tpu.memory_space<vmem_shared>>
      %dma_start3A_690 = tpu.memref_slice %arg13[%dma_start3A_679] : memref<10x!tpu.dma_semaphore, #tpu.memory_space<semaphore_mem>> -> memref<1x!tpu.dma_semaphore, #tpu.memory_space<semaphore_mem>>
      %dma_start3A_691 = tpu.memref_squeeze %dma_start3A_690 : memref<1x!tpu.dma_semaphore, #tpu.memory_space<semaphore_mem>> -> memref<!tpu.dma_semaphore, #tpu.memory_space<semaphore_mem>>
      tpu.enqueue_indirect_dma source(%dma_start3A_683 : memref<125x8xf32, #tpu.memory_space<vmem>>) target(%dma_start3A_689 : memref<10240x8xf32, #tpu.memory_space<vmem_shared>>) offsets(%dma_start3A_686 : memref<125xi32, #tpu.memory_space<vmem>>) semaphore(%dma_start3A_691 : memref<!tpu.dma_semaphore, #tpu.memory_space<semaphore_mem>>) {add = true}
      %dma_wait3A_692 = arith.constant 9 : i32
      %dma_wait3A_693 = arith.constant 9 : i32
      %dma_wait3A_694 = arith.constant 0 : i32
      %dma_wait3A_695 = arith.constant 0 : i32
      %dma_wait3A_696 = tpu.memref_slice %arg8[%dma_wait3A_692, %dma_wait3A_694, %dma_wait3A_695] : memref<10x125x8xf32, #tpu.memory_space<vmem>> -> memref<1x125x8xf32, #tpu.memory_space<vmem>>
      %dma_wait3A_697 = tpu.memref_squeeze %dma_wait3A_696 : memref<1x125x8xf32, #tpu.memory_space<vmem>> -> memref<125x8xf32, #tpu.memory_space<vmem>>
      %dma_wait3A_698 = arith.constant 0 : i32
      %dma_wait3A_699 = arith.constant 0 : i32
      %dma_wait3A_700 = tpu.memref_slice %arg4[%dma_wait3A_698, %dma_wait3A_699] : memref<10240x8xf32, #tpu.memory_space<hbm>> -> memref<125x8xf32, #tpu.memory_space<hbm>>
      %dma_wait3A_701 = tpu.memref_slice %arg12[%dma_wait3A_693] : memref<10x!tpu.dma_semaphore, #tpu.memory_space<semaphore_mem>> -> memref<1x!tpu.dma_semaphore, #tpu.memory_space<semaphore_mem>>
      %dma_wait3A_702 = tpu.memref_squeeze %dma_wait3A_701 : memref<1x!tpu.dma_semaphore, #tpu.memory_space<semaphore_mem>> -> memref<!tpu.dma_semaphore, #tpu.memory_space<semaphore_mem>>
      %dma_wait3A_703 = arith.constant 0 : i32
      %dma_wait3A_704 = arith.constant 0 : i32
      %dma_wait3A_705 = tpu.memref_slice %arg8[%dma_wait3A_692, %dma_wait3A_703, %dma_wait3A_704] : memref<10x125x8xf32, #tpu.memory_space<vmem>> -> memref<1x125x8xf32, #tpu.memory_space<vmem>>
      %dma_wait3A_706 = tpu.memref_squeeze %dma_wait3A_705 : memref<1x125x8xf32, #tpu.memory_space<vmem>> -> memref<125x8xf32, #tpu.memory_space<vmem>>
      %dma_wait3A_707 = arith.constant 0 : i32
      %dma_wait3A_708 = arith.constant 0 : i32
      %dma_wait3A_709 = tpu.memref_slice %arg4[%dma_wait3A_707, %dma_wait3A_708] : memref<10240x8xf32, #tpu.memory_space<hbm>> -> memref<125x8xf32, #tpu.memory_space<hbm>>
      tpu.wait_dma2 semaphore(%dma_wait3A_702 : memref<!tpu.dma_semaphore, #tpu.memory_space<semaphore_mem>>) src(%dma_wait3A_709 : memref<125x8xf32, #tpu.memory_space<hbm>>) dst(%dma_wait3A_706 : memref<125x8xf32, #tpu.memory_space<vmem>>)
      %add3A_710 = arith.constant 9 : i32
      %add3A_711 = arith.addi %mul3A_386, %add3A_710 : i32
      %dma_start3A_712 = arith.constant 9 : i32
      %dma_start3A_713 = arith.constant 9 : i32
      %dma_start3A_714 = arith.constant 0 : i32
      %dma_start3A_715 = arith.constant 0 : i32
      %dma_start3A_716 = tpu.memref_slice %arg8[%dma_start3A_712, %dma_start3A_714, %dma_start3A_715] : memref<10x125x8xf32, #tpu.memory_space<vmem>> -> memref<1x125x8xf32, #tpu.memory_space<vmem>>
      %dma_start3A_717 = tpu.memref_squeeze %dma_start3A_716 : memref<1x125x8xf32, #tpu.memory_space<vmem>> -> memref<125x8xf32, #tpu.memory_space<vmem>>
      %dma_start3A_718 = arith.constant 0 : i32
      %dma_start3A_719 = tpu.memref_slice %arg7[%add3A_711, %dma_start3A_718] : memref<80x125xi32, #tpu.memory_space<vmem>> -> memref<1x125xi32, #tpu.memory_space<vmem>>
      %dma_start3A_720 = tpu.memref_squeeze %dma_start3A_719 : memref<1x125xi32, #tpu.memory_space<vmem>> -> memref<125xi32, #tpu.memory_space<vmem>>
      %dma_start3A_721 = arith.constant 0 : i32
      %dma_start3A_722 = arith.constant 0 : i32
      %dma_start3A_723 = tpu.memref_slice %arg10[%dma_start3A_721, %dma_start3A_722] : memref<10240x8xf32, #tpu.memory_space<vmem_shared>> -> memref<10240x8xf32, #tpu.memory_space<vmem_shared>>
      %dma_start3A_724 = tpu.memref_slice %arg13[%dma_start3A_713] : memref<10x!tpu.dma_semaphore, #tpu.memory_space<semaphore_mem>> -> memref<1x!tpu.dma_semaphore, #tpu.memory_space<semaphore_mem>>
      %dma_start3A_725 = tpu.memref_squeeze %dma_start3A_724 : memref<1x!tpu.dma_semaphore, #tpu.memory_space<semaphore_mem>> -> memref<!tpu.dma_semaphore, #tpu.memory_space<semaphore_mem>>
      tpu.enqueue_indirect_dma source(%dma_start3A_717 : memref<125x8xf32, #tpu.memory_space<vmem>>) target(%dma_start3A_723 : memref<10240x8xf32, #tpu.memory_space<vmem_shared>>) offsets(%dma_start3A_720 : memref<125xi32, #tpu.memory_space<vmem>>) semaphore(%dma_start3A_725 : memref<!tpu.dma_semaphore, #tpu.memory_space<semaphore_mem>>) {add = true}
      %add3A_726 = arith.constant 1 : i32
      %add3A_727 = arith.addi %scan3A_383, %add3A_726 : i32
      %lt3A = arith.constant 8 : i32
      %lt3A_728 = arith.cmpi slt, %add3A_727, %lt3A : i32
      %convert_element_type3A = arith.extui %lt3A_728 : i1 to i32
      %cond3A = arith.constant 0 : i32
      %cond3A_729 = arith.cmpi ne, %convert_element_type3A, %cond3A : i32
      scf.if %cond3A_729 {
        %dma_wait3A_731 = arith.constant 0 : i32
        %dma_wait3A_732 = arith.constant 0 : i32
        %dma_wait3A_733 = arith.constant 0 : i32
        %dma_wait3A_734 = arith.constant 0 : i32
        %dma_wait3A_735 = tpu.memref_slice %arg8[%dma_wait3A_731, %dma_wait3A_733, %dma_wait3A_734] : memref<10x125x8xf32, #tpu.memory_space<vmem>> -> memref<1x125x8xf32, #tpu.memory_space<vmem>>
        %dma_wait3A_736 = tpu.memref_squeeze %dma_wait3A_735 : memref<1x125x8xf32, #tpu.memory_space<vmem>> -> memref<125x8xf32, #tpu.memory_space<vmem>>
        %dma_wait3A_737 = arith.constant 0 : i32
        %dma_wait3A_738 = arith.constant 0 : i32
        %dma_wait3A_739 = tpu.memref_slice %arg4[%dma_wait3A_737, %dma_wait3A_738] : memref<10240x8xf32, #tpu.memory_space<hbm>> -> memref<125x8xf32, #tpu.memory_space<hbm>>
        %dma_wait3A_740 = tpu.memref_slice %arg13[%dma_wait3A_732] : memref<10x!tpu.dma_semaphore, #tpu.memory_space<semaphore_mem>> -> memref<1x!tpu.dma_semaphore, #tpu.memory_space<semaphore_mem>>
        %dma_wait3A_741 = tpu.memref_squeeze %dma_wait3A_740 : memref<1x!tpu.dma_semaphore, #tpu.memory_space<semaphore_mem>> -> memref<!tpu.dma_semaphore, #tpu.memory_space<semaphore_mem>>
        %dma_wait3A_742 = arith.constant 0 : i32
        %dma_wait3A_743 = arith.constant 0 : i32
        %dma_wait3A_744 = tpu.memref_slice %arg8[%dma_wait3A_731, %dma_wait3A_742, %dma_wait3A_743] : memref<10x125x8xf32, #tpu.memory_space<vmem>> -> memref<1x125x8xf32, #tpu.memory_space<vmem>>
        %dma_wait3A_745 = tpu.memref_squeeze %dma_wait3A_744 : memref<1x125x8xf32, #tpu.memory_space<vmem>> -> memref<125x8xf32, #tpu.memory_space<vmem>>
        %dma_wait3A_746 = arith.constant 0 : i32
        %dma_wait3A_747 = arith.constant 0 : i32
        %dma_wait3A_748 = tpu.memref_slice %arg4[%dma_wait3A_746, %dma_wait3A_747] : memref<10240x8xf32, #tpu.memory_space<hbm>> -> memref<125x8xf32, #tpu.memory_space<hbm>>
        tpu.wait_dma2 semaphore(%dma_wait3A_741 : memref<!tpu.dma_semaphore, #tpu.memory_space<semaphore_mem>>) src(%dma_wait3A_748 : memref<125x8xf32, #tpu.memory_space<hbm>>) dst(%dma_wait3A_745 : memref<125x8xf32, #tpu.memory_space<vmem>>)
        %add3A_749 = arith.constant 10 : i32
        %add3A_750 = arith.addi %mul3A_386, %add3A_749 : i32
        %add3A_751 = arith.constant 0 : i32
        %add3A_752 = arith.addi %add3A_750, %add3A_751 : i32
        %dma_start3A_753 = arith.constant 0 : i32
        %dma_start3A_754 = arith.constant 0 : i32
        %dma_start3A_755 = arith.constant 0 : i32
        %dma_start3A_756 = arith.constant 0 : i32
        %dma_start3A_757 = tpu.memref_slice %arg8[%dma_start3A_753, %dma_start3A_755, %dma_start3A_756] : memref<10x125x8xf32, #tpu.memory_space<vmem>> -> memref<1x125x8xf32, #tpu.memory_space<vmem>>
        %dma_start3A_758 = tpu.memref_squeeze %dma_start3A_757 : memref<1x125x8xf32, #tpu.memory_space<vmem>> -> memref<125x8xf32, #tpu.memory_space<vmem>>
        %dma_start3A_759 = arith.constant 0 : i32
        %dma_start3A_760 = tpu.memref_slice %arg6[%add3A_752, %dma_start3A_759] : memref<80x125xi32, #tpu.memory_space<vmem>> -> memref<1x125xi32, #tpu.memory_space<vmem>>
        %dma_start3A_761 = tpu.memref_squeeze %dma_start3A_760 : memref<1x125xi32, #tpu.memory_space<vmem>> -> memref<125xi32, #tpu.memory_space<vmem>>
        %dma_start3A_762 = arith.constant 0 : i32
        %dma_start3A_763 = arith.constant 0 : i32
        %dma_start3A_764 = tpu.memref_slice %arg11[%dma_start3A_762, %dma_start3A_763] : memref<10240x8xf32, #tpu.memory_space<vmem_shared>> -> memref<10240x8xf32, #tpu.memory_space<vmem_shared>>
        %dma_start3A_765 = tpu.memref_slice %arg12[%dma_start3A_754] : memref<10x!tpu.dma_semaphore, #tpu.memory_space<semaphore_mem>> -> memref<1x!tpu.dma_semaphore, #tpu.memory_space<semaphore_mem>>
        %dma_start3A_766 = tpu.memref_squeeze %dma_start3A_765 : memref<1x!tpu.dma_semaphore, #tpu.memory_space<semaphore_mem>> -> memref<!tpu.dma_semaphore, #tpu.memory_space<semaphore_mem>>
        tpu.enqueue_indirect_dma source(%dma_start3A_764 : memref<10240x8xf32, #tpu.memory_space<vmem_shared>>) target(%dma_start3A_758 : memref<125x8xf32, #tpu.memory_space<vmem>>) offsets(%dma_start3A_761 : memref<125xi32, #tpu.memory_space<vmem>>) semaphore(%dma_start3A_766 : memref<!tpu.dma_semaphore, #tpu.memory_space<semaphore_mem>>)
        %dma_wait3A_767 = arith.constant 1 : i32
        %dma_wait3A_768 = arith.constant 1 : i32
        %dma_wait3A_769 = arith.constant 0 : i32
        %dma_wait3A_770 = arith.constant 0 : i32
        %dma_wait3A_771 = tpu.memref_slice %arg8[%dma_wait3A_767, %dma_wait3A_769, %dma_wait3A_770] : memref<10x125x8xf32, #tpu.memory_space<vmem>> -> memref<1x125x8xf32, #tpu.memory_space<vmem>>
        %dma_wait3A_772 = tpu.memref_squeeze %dma_wait3A_771 : memref<1x125x8xf32, #tpu.memory_space<vmem>> -> memref<125x8xf32, #tpu.memory_space<vmem>>
        %dma_wait3A_773 = arith.constant 0 : i32
        %dma_wait3A_774 = arith.constant 0 : i32
        %dma_wait3A_775 = tpu.memref_slice %arg4[%dma_wait3A_773, %dma_wait3A_774] : memref<10240x8xf32, #tpu.memory_space<hbm>> -> memref<125x8xf32, #tpu.memory_space<hbm>>
        %dma_wait3A_776 = tpu.memref_slice %arg13[%dma_wait3A_768] : memref<10x!tpu.dma_semaphore, #tpu.memory_space<semaphore_mem>> -> memref<1x!tpu.dma_semaphore, #tpu.memory_space<semaphore_mem>>
        %dma_wait3A_777 = tpu.memref_squeeze %dma_wait3A_776 : memref<1x!tpu.dma_semaphore, #tpu.memory_space<semaphore_mem>> -> memref<!tpu.dma_semaphore, #tpu.memory_space<semaphore_mem>>
        %dma_wait3A_778 = arith.constant 0 : i32
        %dma_wait3A_779 = arith.constant 0 : i32
        %dma_wait3A_780 = tpu.memref_slice %arg8[%dma_wait3A_767, %dma_wait3A_778, %dma_wait3A_779] : memref<10x125x8xf32, #tpu.memory_space<vmem>> -> memref<1x125x8xf32, #tpu.memory_space<vmem>>
        %dma_wait3A_781 = tpu.memref_squeeze %dma_wait3A_780 : memref<1x125x8xf32, #tpu.memory_space<vmem>> -> memref<125x8xf32, #tpu.memory_space<vmem>>
        %dma_wait3A_782 = arith.constant 0 : i32
        %dma_wait3A_783 = arith.constant 0 : i32
        %dma_wait3A_784 = tpu.memref_slice %arg4[%dma_wait3A_782, %dma_wait3A_783] : memref<10240x8xf32, #tpu.memory_space<hbm>> -> memref<125x8xf32, #tpu.memory_space<hbm>>
        tpu.wait_dma2 semaphore(%dma_wait3A_777 : memref<!tpu.dma_semaphore, #tpu.memory_space<semaphore_mem>>) src(%dma_wait3A_784 : memref<125x8xf32, #tpu.memory_space<hbm>>) dst(%dma_wait3A_781 : memref<125x8xf32, #tpu.memory_space<vmem>>)
        %add3A_785 = arith.constant 10 : i32
        %add3A_786 = arith.addi %mul3A_386, %add3A_785 : i32
        %add3A_787 = arith.constant 1 : i32
        %add3A_788 = arith.addi %add3A_786, %add3A_787 : i32
        %dma_start3A_789 = arith.constant 1 : i32
        %dma_start3A_790 = arith.constant 1 : i32
        %dma_start3A_791 = arith.constant 0 : i32
        %dma_start3A_792 = arith.constant 0 : i32
        %dma_start3A_793 = tpu.memref_slice %arg8[%dma_start3A_789, %dma_start3A_791, %dma_start3A_792] : memref<10x125x8xf32, #tpu.memory_space<vmem>> -> memref<1x125x8xf32, #tpu.memory_space<vmem>>
        %dma_start3A_794 = tpu.memref_squeeze %dma_start3A_793 : memref<1x125x8xf32, #tpu.memory_space<vmem>> -> memref<125x8xf32, #tpu.memory_space<vmem>>
        %dma_start3A_795 = arith.constant 0 : i32
        %dma_start3A_796 = tpu.memref_slice %arg6[%add3A_788, %dma_start3A_795] : memref<80x125xi32, #tpu.memory_space<vmem>> -> memref<1x125xi32, #tpu.memory_space<vmem>>
        %dma_start3A_797 = tpu.memref_squeeze %dma_start3A_796 : memref<1x125xi32, #tpu.memory_space<vmem>> -> memref<125xi32, #tpu.memory_space<vmem>>
        %dma_start3A_798 = arith.constant 0 : i32
        %dma_start3A_799 = arith.constant 0 : i32
        %dma_start3A_800 = tpu.memref_slice %arg11[%dma_start3A_798, %dma_start3A_799] : memref<10240x8xf32, #tpu.memory_space<vmem_shared>> -> memref<10240x8xf32, #tpu.memory_space<vmem_shared>>
        %dma_start3A_801 = tpu.memref_slice %arg12[%dma_start3A_790] : memref<10x!tpu.dma_semaphore, #tpu.memory_space<semaphore_mem>> -> memref<1x!tpu.dma_semaphore, #tpu.memory_space<semaphore_mem>>
        %dma_start3A_802 = tpu.memref_squeeze %dma_start3A_801 : memref<1x!tpu.dma_semaphore, #tpu.memory_space<semaphore_mem>> -> memref<!tpu.dma_semaphore, #tpu.memory_space<semaphore_mem>>
        tpu.enqueue_indirect_dma source(%dma_start3A_800 : memref<10240x8xf32, #tpu.memory_space<vmem_shared>>) target(%dma_start3A_794 : memref<125x8xf32, #tpu.memory_space<vmem>>) offsets(%dma_start3A_797 : memref<125xi32, #tpu.memory_space<vmem>>) semaphore(%dma_start3A_802 : memref<!tpu.dma_semaphore, #tpu.memory_space<semaphore_mem>>)
        %dma_wait3A_803 = arith.constant 2 : i32
        %dma_wait3A_804 = arith.constant 2 : i32
        %dma_wait3A_805 = arith.constant 0 : i32
        %dma_wait3A_806 = arith.constant 0 : i32
        %dma_wait3A_807 = tpu.memref_slice %arg8[%dma_wait3A_803, %dma_wait3A_805, %dma_wait3A_806] : memref<10x125x8xf32, #tpu.memory_space<vmem>> -> memref<1x125x8xf32, #tpu.memory_space<vmem>>
        %dma_wait3A_808 = tpu.memref_squeeze %dma_wait3A_807 : memref<1x125x8xf32, #tpu.memory_space<vmem>> -> memref<125x8xf32, #tpu.memory_space<vmem>>
        %dma_wait3A_809 = arith.constant 0 : i32
        %dma_wait3A_810 = arith.constant 0 : i32
        %dma_wait3A_811 = tpu.memref_slice %arg4[%dma_wait3A_809, %dma_wait3A_810] : memref<10240x8xf32, #tpu.memory_space<hbm>> -> memref<125x8xf32, #tpu.memory_space<hbm>>
        %dma_wait3A_812 = tpu.memref_slice %arg13[%dma_wait3A_804] : memref<10x!tpu.dma_semaphore, #tpu.memory_space<semaphore_mem>> -> memref<1x!tpu.dma_semaphore, #tpu.memory_space<semaphore_mem>>
        %dma_wait3A_813 = tpu.memref_squeeze %dma_wait3A_812 : memref<1x!tpu.dma_semaphore, #tpu.memory_space<semaphore_mem>> -> memref<!tpu.dma_semaphore, #tpu.memory_space<semaphore_mem>>
        %dma_wait3A_814 = arith.constant 0 : i32
        %dma_wait3A_815 = arith.constant 0 : i32
        %dma_wait3A_816 = tpu.memref_slice %arg8[%dma_wait3A_803, %dma_wait3A_814, %dma_wait3A_815] : memref<10x125x8xf32, #tpu.memory_space<vmem>> -> memref<1x125x8xf32, #tpu.memory_space<vmem>>
        %dma_wait3A_817 = tpu.memref_squeeze %dma_wait3A_816 : memref<1x125x8xf32, #tpu.memory_space<vmem>> -> memref<125x8xf32, #tpu.memory_space<vmem>>
        %dma_wait3A_818 = arith.constant 0 : i32
        %dma_wait3A_819 = arith.constant 0 : i32
        %dma_wait3A_820 = tpu.memref_slice %arg4[%dma_wait3A_818, %dma_wait3A_819] : memref<10240x8xf32, #tpu.memory_space<hbm>> -> memref<125x8xf32, #tpu.memory_space<hbm>>
        tpu.wait_dma2 semaphore(%dma_wait3A_813 : memref<!tpu.dma_semaphore, #tpu.memory_space<semaphore_mem>>) src(%dma_wait3A_820 : memref<125x8xf32, #tpu.memory_space<hbm>>) dst(%dma_wait3A_817 : memref<125x8xf32, #tpu.memory_space<vmem>>)
        %add3A_821 = arith.constant 10 : i32
        %add3A_822 = arith.addi %mul3A_386, %add3A_821 : i32
        %add3A_823 = arith.constant 2 : i32
        %add3A_824 = arith.addi %add3A_822, %add3A_823 : i32
        %dma_start3A_825 = arith.constant 2 : i32
        %dma_start3A_826 = arith.constant 2 : i32
        %dma_start3A_827 = arith.constant 0 : i32
        %dma_start3A_828 = arith.constant 0 : i32
        %dma_start3A_829 = tpu.memref_slice %arg8[%dma_start3A_825, %dma_start3A_827, %dma_start3A_828] : memref<10x125x8xf32, #tpu.memory_space<vmem>> -> memref<1x125x8xf32, #tpu.memory_space<vmem>>
        %dma_start3A_830 = tpu.memref_squeeze %dma_start3A_829 : memref<1x125x8xf32, #tpu.memory_space<vmem>> -> memref<125x8xf32, #tpu.memory_space<vmem>>
        %dma_start3A_831 = arith.constant 0 : i32
        %dma_start3A_832 = tpu.memref_slice %arg6[%add3A_824, %dma_start3A_831] : memref<80x125xi32, #tpu.memory_space<vmem>> -> memref<1x125xi32, #tpu.memory_space<vmem>>
        %dma_start3A_833 = tpu.memref_squeeze %dma_start3A_832 : memref<1x125xi32, #tpu.memory_space<vmem>> -> memref<125xi32, #tpu.memory_space<vmem>>
        %dma_start3A_834 = arith.constant 0 : i32
        %dma_start3A_835 = arith.constant 0 : i32
        %dma_start3A_836 = tpu.memref_slice %arg11[%dma_start3A_834, %dma_start3A_835] : memref<10240x8xf32, #tpu.memory_space<vmem_shared>> -> memref<10240x8xf32, #tpu.memory_space<vmem_shared>>
        %dma_start3A_837 = tpu.memref_slice %arg12[%dma_start3A_826] : memref<10x!tpu.dma_semaphore, #tpu.memory_space<semaphore_mem>> -> memref<1x!tpu.dma_semaphore, #tpu.memory_space<semaphore_mem>>
        %dma_start3A_838 = tpu.memref_squeeze %dma_start3A_837 : memref<1x!tpu.dma_semaphore, #tpu.memory_space<semaphore_mem>> -> memref<!tpu.dma_semaphore, #tpu.memory_space<semaphore_mem>>
        tpu.enqueue_indirect_dma source(%dma_start3A_836 : memref<10240x8xf32, #tpu.memory_space<vmem_shared>>) target(%dma_start3A_830 : memref<125x8xf32, #tpu.memory_space<vmem>>) offsets(%dma_start3A_833 : memref<125xi32, #tpu.memory_space<vmem>>) semaphore(%dma_start3A_838 : memref<!tpu.dma_semaphore, #tpu.memory_space<semaphore_mem>>)
        %dma_wait3A_839 = arith.constant 3 : i32
        %dma_wait3A_840 = arith.constant 3 : i32
        %dma_wait3A_841 = arith.constant 0 : i32
        %dma_wait3A_842 = arith.constant 0 : i32
        %dma_wait3A_843 = tpu.memref_slice %arg8[%dma_wait3A_839, %dma_wait3A_841, %dma_wait3A_842] : memref<10x125x8xf32, #tpu.memory_space<vmem>> -> memref<1x125x8xf32, #tpu.memory_space<vmem>>
        %dma_wait3A_844 = tpu.memref_squeeze %dma_wait3A_843 : memref<1x125x8xf32, #tpu.memory_space<vmem>> -> memref<125x8xf32, #tpu.memory_space<vmem>>
        %dma_wait3A_845 = arith.constant 0 : i32
        %dma_wait3A_846 = arith.constant 0 : i32
        %dma_wait3A_847 = tpu.memref_slice %arg4[%dma_wait3A_845, %dma_wait3A_846] : memref<10240x8xf32, #tpu.memory_space<hbm>> -> memref<125x8xf32, #tpu.memory_space<hbm>>
        %dma_wait3A_848 = tpu.memref_slice %arg13[%dma_wait3A_840] : memref<10x!tpu.dma_semaphore, #tpu.memory_space<semaphore_mem>> -> memref<1x!tpu.dma_semaphore, #tpu.memory_space<semaphore_mem>>
        %dma_wait3A_849 = tpu.memref_squeeze %dma_wait3A_848 : memref<1x!tpu.dma_semaphore, #tpu.memory_space<semaphore_mem>> -> memref<!tpu.dma_semaphore, #tpu.memory_space<semaphore_mem>>
        %dma_wait3A_850 = arith.constant 0 : i32
        %dma_wait3A_851 = arith.constant 0 : i32
        %dma_wait3A_852 = tpu.memref_slice %arg8[%dma_wait3A_839, %dma_wait3A_850, %dma_wait3A_851] : memref<10x125x8xf32, #tpu.memory_space<vmem>> -> memref<1x125x8xf32, #tpu.memory_space<vmem>>
        %dma_wait3A_853 = tpu.memref_squeeze %dma_wait3A_852 : memref<1x125x8xf32, #tpu.memory_space<vmem>> -> memref<125x8xf32, #tpu.memory_space<vmem>>
        %dma_wait3A_854 = arith.constant 0 : i32
        %dma_wait3A_855 = arith.constant 0 : i32
        %dma_wait3A_856 = tpu.memref_slice %arg4[%dma_wait3A_854, %dma_wait3A_855] : memref<10240x8xf32, #tpu.memory_space<hbm>> -> memref<125x8xf32, #tpu.memory_space<hbm>>
        tpu.wait_dma2 semaphore(%dma_wait3A_849 : memref<!tpu.dma_semaphore, #tpu.memory_space<semaphore_mem>>) src(%dma_wait3A_856 : memref<125x8xf32, #tpu.memory_space<hbm>>) dst(%dma_wait3A_853 : memref<125x8xf32, #tpu.memory_space<vmem>>)
        %add3A_857 = arith.constant 10 : i32
        %add3A_858 = arith.addi %mul3A_386, %add3A_857 : i32
        %add3A_859 = arith.constant 3 : i32
        %add3A_860 = arith.addi %add3A_858, %add3A_859 : i32
        %dma_start3A_861 = arith.constant 3 : i32
        %dma_start3A_862 = arith.constant 3 : i32
        %dma_start3A_863 = arith.constant 0 : i32
        %dma_start3A_864 = arith.constant 0 : i32
        %dma_start3A_865 = tpu.memref_slice %arg8[%dma_start3A_861, %dma_start3A_863, %dma_start3A_864] : memref<10x125x8xf32, #tpu.memory_space<vmem>> -> memref<1x125x8xf32, #tpu.memory_space<vmem>>
        %dma_start3A_866 = tpu.memref_squeeze %dma_start3A_865 : memref<1x125x8xf32, #tpu.memory_space<vmem>> -> memref<125x8xf32, #tpu.memory_space<vmem>>
        %dma_start3A_867 = arith.constant 0 : i32
        %dma_start3A_868 = tpu.memref_slice %arg6[%add3A_860, %dma_start3A_867] : memref<80x125xi32, #tpu.memory_space<vmem>> -> memref<1x125xi32, #tpu.memory_space<vmem>>
        %dma_start3A_869 = tpu.memref_squeeze %dma_start3A_868 : memref<1x125xi32, #tpu.memory_space<vmem>> -> memref<125xi32, #tpu.memory_space<vmem>>
        %dma_start3A_870 = arith.constant 0 : i32
        %dma_start3A_871 = arith.constant 0 : i32
        %dma_start3A_872 = tpu.memref_slice %arg11[%dma_start3A_870, %dma_start3A_871] : memref<10240x8xf32, #tpu.memory_space<vmem_shared>> -> memref<10240x8xf32, #tpu.memory_space<vmem_shared>>
        %dma_start3A_873 = tpu.memref_slice %arg12[%dma_start3A_862] : memref<10x!tpu.dma_semaphore, #tpu.memory_space<semaphore_mem>> -> memref<1x!tpu.dma_semaphore, #tpu.memory_space<semaphore_mem>>
        %dma_start3A_874 = tpu.memref_squeeze %dma_start3A_873 : memref<1x!tpu.dma_semaphore, #tpu.memory_space<semaphore_mem>> -> memref<!tpu.dma_semaphore, #tpu.memory_space<semaphore_mem>>
        tpu.enqueue_indirect_dma source(%dma_start3A_872 : memref<10240x8xf32, #tpu.memory_space<vmem_shared>>) target(%dma_start3A_866 : memref<125x8xf32, #tpu.memory_space<vmem>>) offsets(%dma_start3A_869 : memref<125xi32, #tpu.memory_space<vmem>>) semaphore(%dma_start3A_874 : memref<!tpu.dma_semaphore, #tpu.memory_space<semaphore_mem>>)
        %dma_wait3A_875 = arith.constant 4 : i32
        %dma_wait3A_876 = arith.constant 4 : i32
        %dma_wait3A_877 = arith.constant 0 : i32
        %dma_wait3A_878 = arith.constant 0 : i32
        %dma_wait3A_879 = tpu.memref_slice %arg8[%dma_wait3A_875, %dma_wait3A_877, %dma_wait3A_878] : memref<10x125x8xf32, #tpu.memory_space<vmem>> -> memref<1x125x8xf32, #tpu.memory_space<vmem>>
        %dma_wait3A_880 = tpu.memref_squeeze %dma_wait3A_879 : memref<1x125x8xf32, #tpu.memory_space<vmem>> -> memref<125x8xf32, #tpu.memory_space<vmem>>
        %dma_wait3A_881 = arith.constant 0 : i32
        %dma_wait3A_882 = arith.constant 0 : i32
        %dma_wait3A_883 = tpu.memref_slice %arg4[%dma_wait3A_881, %dma_wait3A_882] : memref<10240x8xf32, #tpu.memory_space<hbm>> -> memref<125x8xf32, #tpu.memory_space<hbm>>
        %dma_wait3A_884 = tpu.memref_slice %arg13[%dma_wait3A_876] : memref<10x!tpu.dma_semaphore, #tpu.memory_space<semaphore_mem>> -> memref<1x!tpu.dma_semaphore, #tpu.memory_space<semaphore_mem>>
        %dma_wait3A_885 = tpu.memref_squeeze %dma_wait3A_884 : memref<1x!tpu.dma_semaphore, #tpu.memory_space<semaphore_mem>> -> memref<!tpu.dma_semaphore, #tpu.memory_space<semaphore_mem>>
        %dma_wait3A_886 = arith.constant 0 : i32
        %dma_wait3A_887 = arith.constant 0 : i32
        %dma_wait3A_888 = tpu.memref_slice %arg8[%dma_wait3A_875, %dma_wait3A_886, %dma_wait3A_887] : memref<10x125x8xf32, #tpu.memory_space<vmem>> -> memref<1x125x8xf32, #tpu.memory_space<vmem>>
        %dma_wait3A_889 = tpu.memref_squeeze %dma_wait3A_888 : memref<1x125x8xf32, #tpu.memory_space<vmem>> -> memref<125x8xf32, #tpu.memory_space<vmem>>
        %dma_wait3A_890 = arith.constant 0 : i32
        %dma_wait3A_891 = arith.constant 0 : i32
        %dma_wait3A_892 = tpu.memref_slice %arg4[%dma_wait3A_890, %dma_wait3A_891] : memref<10240x8xf32, #tpu.memory_space<hbm>> -> memref<125x8xf32, #tpu.memory_space<hbm>>
        tpu.wait_dma2 semaphore(%dma_wait3A_885 : memref<!tpu.dma_semaphore, #tpu.memory_space<semaphore_mem>>) src(%dma_wait3A_892 : memref<125x8xf32, #tpu.memory_space<hbm>>) dst(%dma_wait3A_889 : memref<125x8xf32, #tpu.memory_space<vmem>>)
        %add3A_893 = arith.constant 10 : i32
        %add3A_894 = arith.addi %mul3A_386, %add3A_893 : i32
        %add3A_895 = arith.constant 4 : i32
        %add3A_896 = arith.addi %add3A_894, %add3A_895 : i32
        %dma_start3A_897 = arith.constant 4 : i32
        %dma_start3A_898 = arith.constant 4 : i32
        %dma_start3A_899 = arith.constant 0 : i32
        %dma_start3A_900 = arith.constant 0 : i32
        %dma_start3A_901 = tpu.memref_slice %arg8[%dma_start3A_897, %dma_start3A_899, %dma_start3A_900] : memref<10x125x8xf32, #tpu.memory_space<vmem>> -> memref<1x125x8xf32, #tpu.memory_space<vmem>>
        %dma_start3A_902 = tpu.memref_squeeze %dma_start3A_901 : memref<1x125x8xf32, #tpu.memory_space<vmem>> -> memref<125x8xf32, #tpu.memory_space<vmem>>
        %dma_start3A_903 = arith.constant 0 : i32
        %dma_start3A_904 = tpu.memref_slice %arg6[%add3A_896, %dma_start3A_903] : memref<80x125xi32, #tpu.memory_space<vmem>> -> memref<1x125xi32, #tpu.memory_space<vmem>>
        %dma_start3A_905 = tpu.memref_squeeze %dma_start3A_904 : memref<1x125xi32, #tpu.memory_space<vmem>> -> memref<125xi32, #tpu.memory_space<vmem>>
        %dma_start3A_906 = arith.constant 0 : i32
        %dma_start3A_907 = arith.constant 0 : i32
        %dma_start3A_908 = tpu.memref_slice %arg11[%dma_start3A_906, %dma_start3A_907] : memref<10240x8xf32, #tpu.memory_space<vmem_shared>> -> memref<10240x8xf32, #tpu.memory_space<vmem_shared>>
        %dma_start3A_909 = tpu.memref_slice %arg12[%dma_start3A_898] : memref<10x!tpu.dma_semaphore, #tpu.memory_space<semaphore_mem>> -> memref<1x!tpu.dma_semaphore, #tpu.memory_space<semaphore_mem>>
        %dma_start3A_910 = tpu.memref_squeeze %dma_start3A_909 : memref<1x!tpu.dma_semaphore, #tpu.memory_space<semaphore_mem>> -> memref<!tpu.dma_semaphore, #tpu.memory_space<semaphore_mem>>
        tpu.enqueue_indirect_dma source(%dma_start3A_908 : memref<10240x8xf32, #tpu.memory_space<vmem_shared>>) target(%dma_start3A_902 : memref<125x8xf32, #tpu.memory_space<vmem>>) offsets(%dma_start3A_905 : memref<125xi32, #tpu.memory_space<vmem>>) semaphore(%dma_start3A_910 : memref<!tpu.dma_semaphore, #tpu.memory_space<semaphore_mem>>)
        %dma_wait3A_911 = arith.constant 5 : i32
        %dma_wait3A_912 = arith.constant 5 : i32
        %dma_wait3A_913 = arith.constant 0 : i32
        %dma_wait3A_914 = arith.constant 0 : i32
        %dma_wait3A_915 = tpu.memref_slice %arg8[%dma_wait3A_911, %dma_wait3A_913, %dma_wait3A_914] : memref<10x125x8xf32, #tpu.memory_space<vmem>> -> memref<1x125x8xf32, #tpu.memory_space<vmem>>
        %dma_wait3A_916 = tpu.memref_squeeze %dma_wait3A_915 : memref<1x125x8xf32, #tpu.memory_space<vmem>> -> memref<125x8xf32, #tpu.memory_space<vmem>>
        %dma_wait3A_917 = arith.constant 0 : i32
        %dma_wait3A_918 = arith.constant 0 : i32
        %dma_wait3A_919 = tpu.memref_slice %arg4[%dma_wait3A_917, %dma_wait3A_918] : memref<10240x8xf32, #tpu.memory_space<hbm>> -> memref<125x8xf32, #tpu.memory_space<hbm>>
        %dma_wait3A_920 = tpu.memref_slice %arg13[%dma_wait3A_912] : memref<10x!tpu.dma_semaphore, #tpu.memory_space<semaphore_mem>> -> memref<1x!tpu.dma_semaphore, #tpu.memory_space<semaphore_mem>>
        %dma_wait3A_921 = tpu.memref_squeeze %dma_wait3A_920 : memref<1x!tpu.dma_semaphore, #tpu.memory_space<semaphore_mem>> -> memref<!tpu.dma_semaphore, #tpu.memory_space<semaphore_mem>>
        %dma_wait3A_922 = arith.constant 0 : i32
        %dma_wait3A_923 = arith.constant 0 : i32
        %dma_wait3A_924 = tpu.memref_slice %arg8[%dma_wait3A_911, %dma_wait3A_922, %dma_wait3A_923] : memref<10x125x8xf32, #tpu.memory_space<vmem>> -> memref<1x125x8xf32, #tpu.memory_space<vmem>>
        %dma_wait3A_925 = tpu.memref_squeeze %dma_wait3A_924 : memref<1x125x8xf32, #tpu.memory_space<vmem>> -> memref<125x8xf32, #tpu.memory_space<vmem>>
        %dma_wait3A_926 = arith.constant 0 : i32
        %dma_wait3A_927 = arith.constant 0 : i32
        %dma_wait3A_928 = tpu.memref_slice %arg4[%dma_wait3A_926, %dma_wait3A_927] : memref<10240x8xf32, #tpu.memory_space<hbm>> -> memref<125x8xf32, #tpu.memory_space<hbm>>
        tpu.wait_dma2 semaphore(%dma_wait3A_921 : memref<!tpu.dma_semaphore, #tpu.memory_space<semaphore_mem>>) src(%dma_wait3A_928 : memref<125x8xf32, #tpu.memory_space<hbm>>) dst(%dma_wait3A_925 : memref<125x8xf32, #tpu.memory_space<vmem>>)
        %add3A_929 = arith.constant 10 : i32
        %add3A_930 = arith.addi %mul3A_386, %add3A_929 : i32
        %add3A_931 = arith.constant 5 : i32
        %add3A_932 = arith.addi %add3A_930, %add3A_931 : i32
        %dma_start3A_933 = arith.constant 5 : i32
        %dma_start3A_934 = arith.constant 5 : i32
        %dma_start3A_935 = arith.constant 0 : i32
        %dma_start3A_936 = arith.constant 0 : i32
        %dma_start3A_937 = tpu.memref_slice %arg8[%dma_start3A_933, %dma_start3A_935, %dma_start3A_936] : memref<10x125x8xf32, #tpu.memory_space<vmem>> -> memref<1x125x8xf32, #tpu.memory_space<vmem>>
        %dma_start3A_938 = tpu.memref_squeeze %dma_start3A_937 : memref<1x125x8xf32, #tpu.memory_space<vmem>> -> memref<125x8xf32, #tpu.memory_space<vmem>>
        %dma_start3A_939 = arith.constant 0 : i32
        %dma_start3A_940 = tpu.memref_slice %arg6[%add3A_932, %dma_start3A_939] : memref<80x125xi32, #tpu.memory_space<vmem>> -> memref<1x125xi32, #tpu.memory_space<vmem>>
        %dma_start3A_941 = tpu.memref_squeeze %dma_start3A_940 : memref<1x125xi32, #tpu.memory_space<vmem>> -> memref<125xi32, #tpu.memory_space<vmem>>
        %dma_start3A_942 = arith.constant 0 : i32
        %dma_start3A_943 = arith.constant 0 : i32
        %dma_start3A_944 = tpu.memref_slice %arg11[%dma_start3A_942, %dma_start3A_943] : memref<10240x8xf32, #tpu.memory_space<vmem_shared>> -> memref<10240x8xf32, #tpu.memory_space<vmem_shared>>
        %dma_start3A_945 = tpu.memref_slice %arg12[%dma_start3A_934] : memref<10x!tpu.dma_semaphore, #tpu.memory_space<semaphore_mem>> -> memref<1x!tpu.dma_semaphore, #tpu.memory_space<semaphore_mem>>
        %dma_start3A_946 = tpu.memref_squeeze %dma_start3A_945 : memref<1x!tpu.dma_semaphore, #tpu.memory_space<semaphore_mem>> -> memref<!tpu.dma_semaphore, #tpu.memory_space<semaphore_mem>>
        tpu.enqueue_indirect_dma source(%dma_start3A_944 : memref<10240x8xf32, #tpu.memory_space<vmem_shared>>) target(%dma_start3A_938 : memref<125x8xf32, #tpu.memory_space<vmem>>) offsets(%dma_start3A_941 : memref<125xi32, #tpu.memory_space<vmem>>) semaphore(%dma_start3A_946 : memref<!tpu.dma_semaphore, #tpu.memory_space<semaphore_mem>>)
        %dma_wait3A_947 = arith.constant 6 : i32
        %dma_wait3A_948 = arith.constant 6 : i32
        %dma_wait3A_949 = arith.constant 0 : i32
        %dma_wait3A_950 = arith.constant 0 : i32
        %dma_wait3A_951 = tpu.memref_slice %arg8[%dma_wait3A_947, %dma_wait3A_949, %dma_wait3A_950] : memref<10x125x8xf32, #tpu.memory_space<vmem>> -> memref<1x125x8xf32, #tpu.memory_space<vmem>>
        %dma_wait3A_952 = tpu.memref_squeeze %dma_wait3A_951 : memref<1x125x8xf32, #tpu.memory_space<vmem>> -> memref<125x8xf32, #tpu.memory_space<vmem>>
        %dma_wait3A_953 = arith.constant 0 : i32
        %dma_wait3A_954 = arith.constant 0 : i32
        %dma_wait3A_955 = tpu.memref_slice %arg4[%dma_wait3A_953, %dma_wait3A_954] : memref<10240x8xf32, #tpu.memory_space<hbm>> -> memref<125x8xf32, #tpu.memory_space<hbm>>
        %dma_wait3A_956 = tpu.memref_slice %arg13[%dma_wait3A_948] : memref<10x!tpu.dma_semaphore, #tpu.memory_space<semaphore_mem>> -> memref<1x!tpu.dma_semaphore, #tpu.memory_space<semaphore_mem>>
        %dma_wait3A_957 = tpu.memref_squeeze %dma_wait3A_956 : memref<1x!tpu.dma_semaphore, #tpu.memory_space<semaphore_mem>> -> memref<!tpu.dma_semaphore, #tpu.memory_space<semaphore_mem>>
        %dma_wait3A_958 = arith.constant 0 : i32
        %dma_wait3A_959 = arith.constant 0 : i32
        %dma_wait3A_960 = tpu.memref_slice %arg8[%dma_wait3A_947, %dma_wait3A_958, %dma_wait3A_959] : memref<10x125x8xf32, #tpu.memory_space<vmem>> -> memref<1x125x8xf32, #tpu.memory_space<vmem>>
        %dma_wait3A_961 = tpu.memref_squeeze %dma_wait3A_960 : memref<1x125x8xf32, #tpu.memory_space<vmem>> -> memref<125x8xf32, #tpu.memory_space<vmem>>
        %dma_wait3A_962 = arith.constant 0 : i32
        %dma_wait3A_963 = arith.constant 0 : i32
        %dma_wait3A_964 = tpu.memref_slice %arg4[%dma_wait3A_962, %dma_wait3A_963] : memref<10240x8xf32, #tpu.memory_space<hbm>> -> memref<125x8xf32, #tpu.memory_space<hbm>>
        tpu.wait_dma2 semaphore(%dma_wait3A_957 : memref<!tpu.dma_semaphore, #tpu.memory_space<semaphore_mem>>) src(%dma_wait3A_964 : memref<125x8xf32, #tpu.memory_space<hbm>>) dst(%dma_wait3A_961 : memref<125x8xf32, #tpu.memory_space<vmem>>)
        %add3A_965 = arith.constant 10 : i32
        %add3A_966 = arith.addi %mul3A_386, %add3A_965 : i32
        %add3A_967 = arith.constant 6 : i32
        %add3A_968 = arith.addi %add3A_966, %add3A_967 : i32
        %dma_start3A_969 = arith.constant 6 : i32
        %dma_start3A_970 = arith.constant 6 : i32
        %dma_start3A_971 = arith.constant 0 : i32
        %dma_start3A_972 = arith.constant 0 : i32
        %dma_start3A_973 = tpu.memref_slice %arg8[%dma_start3A_969, %dma_start3A_971, %dma_start3A_972] : memref<10x125x8xf32, #tpu.memory_space<vmem>> -> memref<1x125x8xf32, #tpu.memory_space<vmem>>
        %dma_start3A_974 = tpu.memref_squeeze %dma_start3A_973 : memref<1x125x8xf32, #tpu.memory_space<vmem>> -> memref<125x8xf32, #tpu.memory_space<vmem>>
        %dma_start3A_975 = arith.constant 0 : i32
        %dma_start3A_976 = tpu.memref_slice %arg6[%add3A_968, %dma_start3A_975] : memref<80x125xi32, #tpu.memory_space<vmem>> -> memref<1x125xi32, #tpu.memory_space<vmem>>
        %dma_start3A_977 = tpu.memref_squeeze %dma_start3A_976 : memref<1x125xi32, #tpu.memory_space<vmem>> -> memref<125xi32, #tpu.memory_space<vmem>>
        %dma_start3A_978 = arith.constant 0 : i32
        %dma_start3A_979 = arith.constant 0 : i32
        %dma_start3A_980 = tpu.memref_slice %arg11[%dma_start3A_978, %dma_start3A_979] : memref<10240x8xf32, #tpu.memory_space<vmem_shared>> -> memref<10240x8xf32, #tpu.memory_space<vmem_shared>>
        %dma_start3A_981 = tpu.memref_slice %arg12[%dma_start3A_970] : memref<10x!tpu.dma_semaphore, #tpu.memory_space<semaphore_mem>> -> memref<1x!tpu.dma_semaphore, #tpu.memory_space<semaphore_mem>>
        %dma_start3A_982 = tpu.memref_squeeze %dma_start3A_981 : memref<1x!tpu.dma_semaphore, #tpu.memory_space<semaphore_mem>> -> memref<!tpu.dma_semaphore, #tpu.memory_space<semaphore_mem>>
        tpu.enqueue_indirect_dma source(%dma_start3A_980 : memref<10240x8xf32, #tpu.memory_space<vmem_shared>>) target(%dma_start3A_974 : memref<125x8xf32, #tpu.memory_space<vmem>>) offsets(%dma_start3A_977 : memref<125xi32, #tpu.memory_space<vmem>>) semaphore(%dma_start3A_982 : memref<!tpu.dma_semaphore, #tpu.memory_space<semaphore_mem>>)
        %dma_wait3A_983 = arith.constant 7 : i32
        %dma_wait3A_984 = arith.constant 7 : i32
        %dma_wait3A_985 = arith.constant 0 : i32
        %dma_wait3A_986 = arith.constant 0 : i32
        %dma_wait3A_987 = tpu.memref_slice %arg8[%dma_wait3A_983, %dma_wait3A_985, %dma_wait3A_986] : memref<10x125x8xf32, #tpu.memory_space<vmem>> -> memref<1x125x8xf32, #tpu.memory_space<vmem>>
        %dma_wait3A_988 = tpu.memref_squeeze %dma_wait3A_987 : memref<1x125x8xf32, #tpu.memory_space<vmem>> -> memref<125x8xf32, #tpu.memory_space<vmem>>
        %dma_wait3A_989 = arith.constant 0 : i32
        %dma_wait3A_990 = arith.constant 0 : i32
        %dma_wait3A_991 = tpu.memref_slice %arg4[%dma_wait3A_989, %dma_wait3A_990] : memref<10240x8xf32, #tpu.memory_space<hbm>> -> memref<125x8xf32, #tpu.memory_space<hbm>>
        %dma_wait3A_992 = tpu.memref_slice %arg13[%dma_wait3A_984] : memref<10x!tpu.dma_semaphore, #tpu.memory_space<semaphore_mem>> -> memref<1x!tpu.dma_semaphore, #tpu.memory_space<semaphore_mem>>
        %dma_wait3A_993 = tpu.memref_squeeze %dma_wait3A_992 : memref<1x!tpu.dma_semaphore, #tpu.memory_space<semaphore_mem>> -> memref<!tpu.dma_semaphore, #tpu.memory_space<semaphore_mem>>
        %dma_wait3A_994 = arith.constant 0 : i32
        %dma_wait3A_995 = arith.constant 0 : i32
        %dma_wait3A_996 = tpu.memref_slice %arg8[%dma_wait3A_983, %dma_wait3A_994, %dma_wait3A_995] : memref<10x125x8xf32, #tpu.memory_space<vmem>> -> memref<1x125x8xf32, #tpu.memory_space<vmem>>
        %dma_wait3A_997 = tpu.memref_squeeze %dma_wait3A_996 : memref<1x125x8xf32, #tpu.memory_space<vmem>> -> memref<125x8xf32, #tpu.memory_space<vmem>>
        %dma_wait3A_998 = arith.constant 0 : i32
        %dma_wait3A_999 = arith.constant 0 : i32
        %dma_wait3A_1000 = tpu.memref_slice %arg4[%dma_wait3A_998, %dma_wait3A_999] : memref<10240x8xf32, #tpu.memory_space<hbm>> -> memref<125x8xf32, #tpu.memory_space<hbm>>
        tpu.wait_dma2 semaphore(%dma_wait3A_993 : memref<!tpu.dma_semaphore, #tpu.memory_space<semaphore_mem>>) src(%dma_wait3A_1000 : memref<125x8xf32, #tpu.memory_space<hbm>>) dst(%dma_wait3A_997 : memref<125x8xf32, #tpu.memory_space<vmem>>)
        %add3A_1001 = arith.constant 10 : i32
        %add3A_1002 = arith.addi %mul3A_386, %add3A_1001 : i32
        %add3A_1003 = arith.constant 7 : i32
        %add3A_1004 = arith.addi %add3A_1002, %add3A_1003 : i32
        %dma_start3A_1005 = arith.constant 7 : i32
        %dma_start3A_1006 = arith.constant 7 : i32
        %dma_start3A_1007 = arith.constant 0 : i32
        %dma_start3A_1008 = arith.constant 0 : i32
        %dma_start3A_1009 = tpu.memref_slice %arg8[%dma_start3A_1005, %dma_start3A_1007, %dma_start3A_1008] : memref<10x125x8xf32, #tpu.memory_space<vmem>> -> memref<1x125x8xf32, #tpu.memory_space<vmem>>
        %dma_start3A_1010 = tpu.memref_squeeze %dma_start3A_1009 : memref<1x125x8xf32, #tpu.memory_space<vmem>> -> memref<125x8xf32, #tpu.memory_space<vmem>>
        %dma_start3A_1011 = arith.constant 0 : i32
        %dma_start3A_1012 = tpu.memref_slice %arg6[%add3A_1004, %dma_start3A_1011] : memref<80x125xi32, #tpu.memory_space<vmem>> -> memref<1x125xi32, #tpu.memory_space<vmem>>
        %dma_start3A_1013 = tpu.memref_squeeze %dma_start3A_1012 : memref<1x125xi32, #tpu.memory_space<vmem>> -> memref<125xi32, #tpu.memory_space<vmem>>
        %dma_start3A_1014 = arith.constant 0 : i32
        %dma_start3A_1015 = arith.constant 0 : i32
        %dma_start3A_1016 = tpu.memref_slice %arg11[%dma_start3A_1014, %dma_start3A_1015] : memref<10240x8xf32, #tpu.memory_space<vmem_shared>> -> memref<10240x8xf32, #tpu.memory_space<vmem_shared>>
        %dma_start3A_1017 = tpu.memref_slice %arg12[%dma_start3A_1006] : memref<10x!tpu.dma_semaphore, #tpu.memory_space<semaphore_mem>> -> memref<1x!tpu.dma_semaphore, #tpu.memory_space<semaphore_mem>>
        %dma_start3A_1018 = tpu.memref_squeeze %dma_start3A_1017 : memref<1x!tpu.dma_semaphore, #tpu.memory_space<semaphore_mem>> -> memref<!tpu.dma_semaphore, #tpu.memory_space<semaphore_mem>>
        tpu.enqueue_indirect_dma source(%dma_start3A_1016 : memref<10240x8xf32, #tpu.memory_space<vmem_shared>>) target(%dma_start3A_1010 : memref<125x8xf32, #tpu.memory_space<vmem>>) offsets(%dma_start3A_1013 : memref<125xi32, #tpu.memory_space<vmem>>) semaphore(%dma_start3A_1018 : memref<!tpu.dma_semaphore, #tpu.memory_space<semaphore_mem>>)
        %dma_wait3A_1019 = arith.constant 8 : i32
        %dma_wait3A_1020 = arith.constant 8 : i32
        %dma_wait3A_1021 = arith.constant 0 : i32
        %dma_wait3A_1022 = arith.constant 0 : i32
        %dma_wait3A_1023 = tpu.memref_slice %arg8[%dma_wait3A_1019, %dma_wait3A_1021, %dma_wait3A_1022] : memref<10x125x8xf32, #tpu.memory_space<vmem>> -> memref<1x125x8xf32, #tpu.memory_space<vmem>>
        %dma_wait3A_1024 = tpu.memref_squeeze %dma_wait3A_1023 : memref<1x125x8xf32, #tpu.memory_space<vmem>> -> memref<125x8xf32, #tpu.memory_space<vmem>>
        %dma_wait3A_1025 = arith.constant 0 : i32
        %dma_wait3A_1026 = arith.constant 0 : i32
        %dma_wait3A_1027 = tpu.memref_slice %arg4[%dma_wait3A_1025, %dma_wait3A_1026] : memref<10240x8xf32, #tpu.memory_space<hbm>> -> memref<125x8xf32, #tpu.memory_space<hbm>>
        %dma_wait3A_1028 = tpu.memref_slice %arg13[%dma_wait3A_1020] : memref<10x!tpu.dma_semaphore, #tpu.memory_space<semaphore_mem>> -> memref<1x!tpu.dma_semaphore, #tpu.memory_space<semaphore_mem>>
        %dma_wait3A_1029 = tpu.memref_squeeze %dma_wait3A_1028 : memref<1x!tpu.dma_semaphore, #tpu.memory_space<semaphore_mem>> -> memref<!tpu.dma_semaphore, #tpu.memory_space<semaphore_mem>>
        %dma_wait3A_1030 = arith.constant 0 : i32
        %dma_wait3A_1031 = arith.constant 0 : i32
        %dma_wait3A_1032 = tpu.memref_slice %arg8[%dma_wait3A_1019, %dma_wait3A_1030, %dma_wait3A_1031] : memref<10x125x8xf32, #tpu.memory_space<vmem>> -> memref<1x125x8xf32, #tpu.memory_space<vmem>>
        %dma_wait3A_1033 = tpu.memref_squeeze %dma_wait3A_1032 : memref<1x125x8xf32, #tpu.memory_space<vmem>> -> memref<125x8xf32, #tpu.memory_space<vmem>>
        %dma_wait3A_1034 = arith.constant 0 : i32
        %dma_wait3A_1035 = arith.constant 0 : i32
        %dma_wait3A_1036 = tpu.memref_slice %arg4[%dma_wait3A_1034, %dma_wait3A_1035] : memref<10240x8xf32, #tpu.memory_space<hbm>> -> memref<125x8xf32, #tpu.memory_space<hbm>>
        tpu.wait_dma2 semaphore(%dma_wait3A_1029 : memref<!tpu.dma_semaphore, #tpu.memory_space<semaphore_mem>>) src(%dma_wait3A_1036 : memref<125x8xf32, #tpu.memory_space<hbm>>) dst(%dma_wait3A_1033 : memref<125x8xf32, #tpu.memory_space<vmem>>)
        %add3A_1037 = arith.constant 10 : i32
        %add3A_1038 = arith.addi %mul3A_386, %add3A_1037 : i32
        %add3A_1039 = arith.constant 8 : i32
        %add3A_1040 = arith.addi %add3A_1038, %add3A_1039 : i32
        %dma_start3A_1041 = arith.constant 8 : i32
        %dma_start3A_1042 = arith.constant 8 : i32
        %dma_start3A_1043 = arith.constant 0 : i32
        %dma_start3A_1044 = arith.constant 0 : i32
        %dma_start3A_1045 = tpu.memref_slice %arg8[%dma_start3A_1041, %dma_start3A_1043, %dma_start3A_1044] : memref<10x125x8xf32, #tpu.memory_space<vmem>> -> memref<1x125x8xf32, #tpu.memory_space<vmem>>
        %dma_start3A_1046 = tpu.memref_squeeze %dma_start3A_1045 : memref<1x125x8xf32, #tpu.memory_space<vmem>> -> memref<125x8xf32, #tpu.memory_space<vmem>>
        %dma_start3A_1047 = arith.constant 0 : i32
        %dma_start3A_1048 = tpu.memref_slice %arg6[%add3A_1040, %dma_start3A_1047] : memref<80x125xi32, #tpu.memory_space<vmem>> -> memref<1x125xi32, #tpu.memory_space<vmem>>
        %dma_start3A_1049 = tpu.memref_squeeze %dma_start3A_1048 : memref<1x125xi32, #tpu.memory_space<vmem>> -> memref<125xi32, #tpu.memory_space<vmem>>
        %dma_start3A_1050 = arith.constant 0 : i32
        %dma_start3A_1051 = arith.constant 0 : i32
        %dma_start3A_1052 = tpu.memref_slice %arg11[%dma_start3A_1050, %dma_start3A_1051] : memref<10240x8xf32, #tpu.memory_space<vmem_shared>> -> memref<10240x8xf32, #tpu.memory_space<vmem_shared>>
        %dma_start3A_1053 = tpu.memref_slice %arg12[%dma_start3A_1042] : memref<10x!tpu.dma_semaphore, #tpu.memory_space<semaphore_mem>> -> memref<1x!tpu.dma_semaphore, #tpu.memory_space<semaphore_mem>>
        %dma_start3A_1054 = tpu.memref_squeeze %dma_start3A_1053 : memref<1x!tpu.dma_semaphore, #tpu.memory_space<semaphore_mem>> -> memref<!tpu.dma_semaphore, #tpu.memory_space<semaphore_mem>>
        tpu.enqueue_indirect_dma source(%dma_start3A_1052 : memref<10240x8xf32, #tpu.memory_space<vmem_shared>>) target(%dma_start3A_1046 : memref<125x8xf32, #tpu.memory_space<vmem>>) offsets(%dma_start3A_1049 : memref<125xi32, #tpu.memory_space<vmem>>) semaphore(%dma_start3A_1054 : memref<!tpu.dma_semaphore, #tpu.memory_space<semaphore_mem>>)
        %dma_wait3A_1055 = arith.constant 9 : i32
        %dma_wait3A_1056 = arith.constant 9 : i32
        %dma_wait3A_1057 = arith.constant 0 : i32
        %dma_wait3A_1058 = arith.constant 0 : i32
        %dma_wait3A_1059 = tpu.memref_slice %arg8[%dma_wait3A_1055, %dma_wait3A_1057, %dma_wait3A_1058] : memref<10x125x8xf32, #tpu.memory_space<vmem>> -> memref<1x125x8xf32, #tpu.memory_space<vmem>>
        %dma_wait3A_1060 = tpu.memref_squeeze %dma_wait3A_1059 : memref<1x125x8xf32, #tpu.memory_space<vmem>> -> memref<125x8xf32, #tpu.memory_space<vmem>>
        %dma_wait3A_1061 = arith.constant 0 : i32
        %dma_wait3A_1062 = arith.constant 0 : i32
        %dma_wait3A_1063 = tpu.memref_slice %arg4[%dma_wait3A_1061, %dma_wait3A_1062] : memref<10240x8xf32, #tpu.memory_space<hbm>> -> memref<125x8xf32, #tpu.memory_space<hbm>>
        %dma_wait3A_1064 = tpu.memref_slice %arg13[%dma_wait3A_1056] : memref<10x!tpu.dma_semaphore, #tpu.memory_space<semaphore_mem>> -> memref<1x!tpu.dma_semaphore, #tpu.memory_space<semaphore_mem>>
        %dma_wait3A_1065 = tpu.memref_squeeze %dma_wait3A_1064 : memref<1x!tpu.dma_semaphore, #tpu.memory_space<semaphore_mem>> -> memref<!tpu.dma_semaphore, #tpu.memory_space<semaphore_mem>>
        %dma_wait3A_1066 = arith.constant 0 : i32
        %dma_wait3A_1067 = arith.constant 0 : i32
        %dma_wait3A_1068 = tpu.memref_slice %arg8[%dma_wait3A_1055, %dma_wait3A_1066, %dma_wait3A_1067] : memref<10x125x8xf32, #tpu.memory_space<vmem>> -> memref<1x125x8xf32, #tpu.memory_space<vmem>>
        %dma_wait3A_1069 = tpu.memref_squeeze %dma_wait3A_1068 : memref<1x125x8xf32, #tpu.memory_space<vmem>> -> memref<125x8xf32, #tpu.memory_space<vmem>>
        %dma_wait3A_1070 = arith.constant 0 : i32
        %dma_wait3A_1071 = arith.constant 0 : i32
        %dma_wait3A_1072 = tpu.memref_slice %arg4[%dma_wait3A_1070, %dma_wait3A_1071] : memref<10240x8xf32, #tpu.memory_space<hbm>> -> memref<125x8xf32, #tpu.memory_space<hbm>>
        tpu.wait_dma2 semaphore(%dma_wait3A_1065 : memref<!tpu.dma_semaphore, #tpu.memory_space<semaphore_mem>>) src(%dma_wait3A_1072 : memref<125x8xf32, #tpu.memory_space<hbm>>) dst(%dma_wait3A_1069 : memref<125x8xf32, #tpu.memory_space<vmem>>)
        %add3A_1073 = arith.constant 10 : i32
        %add3A_1074 = arith.addi %mul3A_386, %add3A_1073 : i32
        %add3A_1075 = arith.constant 9 : i32
        %add3A_1076 = arith.addi %add3A_1074, %add3A_1075 : i32
        %dma_start3A_1077 = arith.constant 9 : i32
        %dma_start3A_1078 = arith.constant 9 : i32
        %dma_start3A_1079 = arith.constant 0 : i32
        %dma_start3A_1080 = arith.constant 0 : i32
        %dma_start3A_1081 = tpu.memref_slice %arg8[%dma_start3A_1077, %dma_start3A_1079, %dma_start3A_1080] : memref<10x125x8xf32, #tpu.memory_space<vmem>> -> memref<1x125x8xf32, #tpu.memory_space<vmem>>
        %dma_start3A_1082 = tpu.memref_squeeze %dma_start3A_1081 : memref<1x125x8xf32, #tpu.memory_space<vmem>> -> memref<125x8xf32, #tpu.memory_space<vmem>>
        %dma_start3A_1083 = arith.constant 0 : i32
        %dma_start3A_1084 = tpu.memref_slice %arg6[%add3A_1076, %dma_start3A_1083] : memref<80x125xi32, #tpu.memory_space<vmem>> -> memref<1x125xi32, #tpu.memory_space<vmem>>
        %dma_start3A_1085 = tpu.memref_squeeze %dma_start3A_1084 : memref<1x125xi32, #tpu.memory_space<vmem>> -> memref<125xi32, #tpu.memory_space<vmem>>
        %dma_start3A_1086 = arith.constant 0 : i32
        %dma_start3A_1087 = arith.constant 0 : i32
        %dma_start3A_1088 = tpu.memref_slice %arg11[%dma_start3A_1086, %dma_start3A_1087] : memref<10240x8xf32, #tpu.memory_space<vmem_shared>> -> memref<10240x8xf32, #tpu.memory_space<vmem_shared>>
        %dma_start3A_1089 = tpu.memref_slice %arg12[%dma_start3A_1078] : memref<10x!tpu.dma_semaphore, #tpu.memory_space<semaphore_mem>> -> memref<1x!tpu.dma_semaphore, #tpu.memory_space<semaphore_mem>>
        %dma_start3A_1090 = tpu.memref_squeeze %dma_start3A_1089 : memref<1x!tpu.dma_semaphore, #tpu.memory_space<semaphore_mem>> -> memref<!tpu.dma_semaphore, #tpu.memory_space<semaphore_mem>>
        tpu.enqueue_indirect_dma source(%dma_start3A_1088 : memref<10240x8xf32, #tpu.memory_space<vmem_shared>>) target(%dma_start3A_1082 : memref<125x8xf32, #tpu.memory_space<vmem>>) offsets(%dma_start3A_1085 : memref<125xi32, #tpu.memory_space<vmem>>) semaphore(%dma_start3A_1090 : memref<!tpu.dma_semaphore, #tpu.memory_space<semaphore_mem>>)
      } else {
      }
      %scan3A_730 = arith.constant 0 : i32
      scf.yield %scan3A_730 : i32
    }
    %scan3A_197 = arith.constant 8 : i32
    %dma_wait3A_198 = arith.constant 0 : i32
    %dma_wait3A_199 = arith.constant 0 : i32
    %dma_wait3A_200 = arith.constant 0 : i32
    %dma_wait3A_201 = arith.constant 0 : i32
    %dma_wait3A_202 = tpu.memref_slice %arg8[%dma_wait3A_198, %dma_wait3A_200, %dma_wait3A_201] : memref<10x125x8xf32, #tpu.memory_space<vmem>> -> memref<1x125x8xf32, #tpu.memory_space<vmem>>
    %dma_wait3A_203 = tpu.memref_squeeze %dma_wait3A_202 : memref<1x125x8xf32, #tpu.memory_space<vmem>> -> memref<125x8xf32, #tpu.memory_space<vmem>>
    %dma_wait3A_204 = arith.constant 0 : i32
    %dma_wait3A_205 = arith.constant 0 : i32
    %dma_wait3A_206 = tpu.memref_slice %arg4[%dma_wait3A_204, %dma_wait3A_205] : memref<10240x8xf32, #tpu.memory_space<hbm>> -> memref<125x8xf32, #tpu.memory_space<hbm>>
    %dma_wait3A_207 = tpu.memref_slice %arg13[%dma_wait3A_199] : memref<10x!tpu.dma_semaphore, #tpu.memory_space<semaphore_mem>> -> memref<1x!tpu.dma_semaphore, #tpu.memory_space<semaphore_mem>>
    %dma_wait3A_208 = tpu.memref_squeeze %dma_wait3A_207 : memref<1x!tpu.dma_semaphore, #tpu.memory_space<semaphore_mem>> -> memref<!tpu.dma_semaphore, #tpu.memory_space<semaphore_mem>>
    %dma_wait3A_209 = arith.constant 0 : i32
    %dma_wait3A_210 = arith.constant 0 : i32
    %dma_wait3A_211 = tpu.memref_slice %arg8[%dma_wait3A_198, %dma_wait3A_209, %dma_wait3A_210] : memref<10x125x8xf32, #tpu.memory_space<vmem>> -> memref<1x125x8xf32, #tpu.memory_space<vmem>>
    %dma_wait3A_212 = tpu.memref_squeeze %dma_wait3A_211 : memref<1x125x8xf32, #tpu.memory_space<vmem>> -> memref<125x8xf32, #tpu.memory_space<vmem>>
    %dma_wait3A_213 = arith.constant 0 : i32
    %dma_wait3A_214 = arith.constant 0 : i32
    %dma_wait3A_215 = tpu.memref_slice %arg4[%dma_wait3A_213, %dma_wait3A_214] : memref<10240x8xf32, #tpu.memory_space<hbm>> -> memref<125x8xf32, #tpu.memory_space<hbm>>
    tpu.wait_dma2 semaphore(%dma_wait3A_208 : memref<!tpu.dma_semaphore, #tpu.memory_space<semaphore_mem>>) src(%dma_wait3A_215 : memref<125x8xf32, #tpu.memory_space<hbm>>) dst(%dma_wait3A_212 : memref<125x8xf32, #tpu.memory_space<vmem>>)
    %dma_wait3A_216 = arith.constant 1 : i32
    %dma_wait3A_217 = arith.constant 1 : i32
    %dma_wait3A_218 = arith.constant 0 : i32
    %dma_wait3A_219 = arith.constant 0 : i32
    %dma_wait3A_220 = tpu.memref_slice %arg8[%dma_wait3A_216, %dma_wait3A_218, %dma_wait3A_219] : memref<10x125x8xf32, #tpu.memory_space<vmem>> -> memref<1x125x8xf32, #tpu.memory_space<vmem>>
    %dma_wait3A_221 = tpu.memref_squeeze %dma_wait3A_220 : memref<1x125x8xf32, #tpu.memory_space<vmem>> -> memref<125x8xf32, #tpu.memory_space<vmem>>
    %dma_wait3A_222 = arith.constant 0 : i32
    %dma_wait3A_223 = arith.constant 0 : i32
    %dma_wait3A_224 = tpu.memref_slice %arg4[%dma_wait3A_222, %dma_wait3A_223] : memref<10240x8xf32, #tpu.memory_space<hbm>> -> memref<125x8xf32, #tpu.memory_space<hbm>>
    %dma_wait3A_225 = tpu.memref_slice %arg13[%dma_wait3A_217] : memref<10x!tpu.dma_semaphore, #tpu.memory_space<semaphore_mem>> -> memref<1x!tpu.dma_semaphore, #tpu.memory_space<semaphore_mem>>
    %dma_wait3A_226 = tpu.memref_squeeze %dma_wait3A_225 : memref<1x!tpu.dma_semaphore, #tpu.memory_space<semaphore_mem>> -> memref<!tpu.dma_semaphore, #tpu.memory_space<semaphore_mem>>
    %dma_wait3A_227 = arith.constant 0 : i32
    %dma_wait3A_228 = arith.constant 0 : i32
    %dma_wait3A_229 = tpu.memref_slice %arg8[%dma_wait3A_216, %dma_wait3A_227, %dma_wait3A_228] : memref<10x125x8xf32, #tpu.memory_space<vmem>> -> memref<1x125x8xf32, #tpu.memory_space<vmem>>
    %dma_wait3A_230 = tpu.memref_squeeze %dma_wait3A_229 : memref<1x125x8xf32, #tpu.memory_space<vmem>> -> memref<125x8xf32, #tpu.memory_space<vmem>>
    %dma_wait3A_231 = arith.constant 0 : i32
    %dma_wait3A_232 = arith.constant 0 : i32
    %dma_wait3A_233 = tpu.memref_slice %arg4[%dma_wait3A_231, %dma_wait3A_232] : memref<10240x8xf32, #tpu.memory_space<hbm>> -> memref<125x8xf32, #tpu.memory_space<hbm>>
    tpu.wait_dma2 semaphore(%dma_wait3A_226 : memref<!tpu.dma_semaphore, #tpu.memory_space<semaphore_mem>>) src(%dma_wait3A_233 : memref<125x8xf32, #tpu.memory_space<hbm>>) dst(%dma_wait3A_230 : memref<125x8xf32, #tpu.memory_space<vmem>>)
    %dma_wait3A_234 = arith.constant 2 : i32
    %dma_wait3A_235 = arith.constant 2 : i32
    %dma_wait3A_236 = arith.constant 0 : i32
    %dma_wait3A_237 = arith.constant 0 : i32
    %dma_wait3A_238 = tpu.memref_slice %arg8[%dma_wait3A_234, %dma_wait3A_236, %dma_wait3A_237] : memref<10x125x8xf32, #tpu.memory_space<vmem>> -> memref<1x125x8xf32, #tpu.memory_space<vmem>>
    %dma_wait3A_239 = tpu.memref_squeeze %dma_wait3A_238 : memref<1x125x8xf32, #tpu.memory_space<vmem>> -> memref<125x8xf32, #tpu.memory_space<vmem>>
    %dma_wait3A_240 = arith.constant 0 : i32
    %dma_wait3A_241 = arith.constant 0 : i32
    %dma_wait3A_242 = tpu.memref_slice %arg4[%dma_wait3A_240, %dma_wait3A_241] : memref<10240x8xf32, #tpu.memory_space<hbm>> -> memref<125x8xf32, #tpu.memory_space<hbm>>
    %dma_wait3A_243 = tpu.memref_slice %arg13[%dma_wait3A_235] : memref<10x!tpu.dma_semaphore, #tpu.memory_space<semaphore_mem>> -> memref<1x!tpu.dma_semaphore, #tpu.memory_space<semaphore_mem>>
    %dma_wait3A_244 = tpu.memref_squeeze %dma_wait3A_243 : memref<1x!tpu.dma_semaphore, #tpu.memory_space<semaphore_mem>> -> memref<!tpu.dma_semaphore, #tpu.memory_space<semaphore_mem>>
    %dma_wait3A_245 = arith.constant 0 : i32
    %dma_wait3A_246 = arith.constant 0 : i32
    %dma_wait3A_247 = tpu.memref_slice %arg8[%dma_wait3A_234, %dma_wait3A_245, %dma_wait3A_246] : memref<10x125x8xf32, #tpu.memory_space<vmem>> -> memref<1x125x8xf32, #tpu.memory_space<vmem>>
    %dma_wait3A_248 = tpu.memref_squeeze %dma_wait3A_247 : memref<1x125x8xf32, #tpu.memory_space<vmem>> -> memref<125x8xf32, #tpu.memory_space<vmem>>
    %dma_wait3A_249 = arith.constant 0 : i32
    %dma_wait3A_250 = arith.constant 0 : i32
    %dma_wait3A_251 = tpu.memref_slice %arg4[%dma_wait3A_249, %dma_wait3A_250] : memref<10240x8xf32, #tpu.memory_space<hbm>> -> memref<125x8xf32, #tpu.memory_space<hbm>>
    tpu.wait_dma2 semaphore(%dma_wait3A_244 : memref<!tpu.dma_semaphore, #tpu.memory_space<semaphore_mem>>) src(%dma_wait3A_251 : memref<125x8xf32, #tpu.memory_space<hbm>>) dst(%dma_wait3A_248 : memref<125x8xf32, #tpu.memory_space<vmem>>)
    %dma_wait3A_252 = arith.constant 3 : i32
    %dma_wait3A_253 = arith.constant 3 : i32
    %dma_wait3A_254 = arith.constant 0 : i32
    %dma_wait3A_255 = arith.constant 0 : i32
    %dma_wait3A_256 = tpu.memref_slice %arg8[%dma_wait3A_252, %dma_wait3A_254, %dma_wait3A_255] : memref<10x125x8xf32, #tpu.memory_space<vmem>> -> memref<1x125x8xf32, #tpu.memory_space<vmem>>
    %dma_wait3A_257 = tpu.memref_squeeze %dma_wait3A_256 : memref<1x125x8xf32, #tpu.memory_space<vmem>> -> memref<125x8xf32, #tpu.memory_space<vmem>>
    %dma_wait3A_258 = arith.constant 0 : i32
    %dma_wait3A_259 = arith.constant 0 : i32
    %dma_wait3A_260 = tpu.memref_slice %arg4[%dma_wait3A_258, %dma_wait3A_259] : memref<10240x8xf32, #tpu.memory_space<hbm>> -> memref<125x8xf32, #tpu.memory_space<hbm>>
    %dma_wait3A_261 = tpu.memref_slice %arg13[%dma_wait3A_253] : memref<10x!tpu.dma_semaphore, #tpu.memory_space<semaphore_mem>> -> memref<1x!tpu.dma_semaphore, #tpu.memory_space<semaphore_mem>>
    %dma_wait3A_262 = tpu.memref_squeeze %dma_wait3A_261 : memref<1x!tpu.dma_semaphore, #tpu.memory_space<semaphore_mem>> -> memref<!tpu.dma_semaphore, #tpu.memory_space<semaphore_mem>>
    %dma_wait3A_263 = arith.constant 0 : i32
    %dma_wait3A_264 = arith.constant 0 : i32
    %dma_wait3A_265 = tpu.memref_slice %arg8[%dma_wait3A_252, %dma_wait3A_263, %dma_wait3A_264] : memref<10x125x8xf32, #tpu.memory_space<vmem>> -> memref<1x125x8xf32, #tpu.memory_space<vmem>>
    %dma_wait3A_266 = tpu.memref_squeeze %dma_wait3A_265 : memref<1x125x8xf32, #tpu.memory_space<vmem>> -> memref<125x8xf32, #tpu.memory_space<vmem>>
    %dma_wait3A_267 = arith.constant 0 : i32
    %dma_wait3A_268 = arith.constant 0 : i32
    %dma_wait3A_269 = tpu.memref_slice %arg4[%dma_wait3A_267, %dma_wait3A_268] : memref<10240x8xf32, #tpu.memory_space<hbm>> -> memref<125x8xf32, #tpu.memory_space<hbm>>
    tpu.wait_dma2 semaphore(%dma_wait3A_262 : memref<!tpu.dma_semaphore, #tpu.memory_space<semaphore_mem>>) src(%dma_wait3A_269 : memref<125x8xf32, #tpu.memory_space<hbm>>) dst(%dma_wait3A_266 : memref<125x8xf32, #tpu.memory_space<vmem>>)
    %dma_wait3A_270 = arith.constant 4 : i32
    %dma_wait3A_271 = arith.constant 4 : i32
    %dma_wait3A_272 = arith.constant 0 : i32
    %dma_wait3A_273 = arith.constant 0 : i32
    %dma_wait3A_274 = tpu.memref_slice %arg8[%dma_wait3A_270, %dma_wait3A_272, %dma_wait3A_273] : memref<10x125x8xf32, #tpu.memory_space<vmem>> -> memref<1x125x8xf32, #tpu.memory_space<vmem>>
    %dma_wait3A_275 = tpu.memref_squeeze %dma_wait3A_274 : memref<1x125x8xf32, #tpu.memory_space<vmem>> -> memref<125x8xf32, #tpu.memory_space<vmem>>
    %dma_wait3A_276 = arith.constant 0 : i32
    %dma_wait3A_277 = arith.constant 0 : i32
    %dma_wait3A_278 = tpu.memref_slice %arg4[%dma_wait3A_276, %dma_wait3A_277] : memref<10240x8xf32, #tpu.memory_space<hbm>> -> memref<125x8xf32, #tpu.memory_space<hbm>>
    %dma_wait3A_279 = tpu.memref_slice %arg13[%dma_wait3A_271] : memref<10x!tpu.dma_semaphore, #tpu.memory_space<semaphore_mem>> -> memref<1x!tpu.dma_semaphore, #tpu.memory_space<semaphore_mem>>
    %dma_wait3A_280 = tpu.memref_squeeze %dma_wait3A_279 : memref<1x!tpu.dma_semaphore, #tpu.memory_space<semaphore_mem>> -> memref<!tpu.dma_semaphore, #tpu.memory_space<semaphore_mem>>
    %dma_wait3A_281 = arith.constant 0 : i32
    %dma_wait3A_282 = arith.constant 0 : i32
    %dma_wait3A_283 = tpu.memref_slice %arg8[%dma_wait3A_270, %dma_wait3A_281, %dma_wait3A_282] : memref<10x125x8xf32, #tpu.memory_space<vmem>> -> memref<1x125x8xf32, #tpu.memory_space<vmem>>
    %dma_wait3A_284 = tpu.memref_squeeze %dma_wait3A_283 : memref<1x125x8xf32, #tpu.memory_space<vmem>> -> memref<125x8xf32, #tpu.memory_space<vmem>>
    %dma_wait3A_285 = arith.constant 0 : i32
    %dma_wait3A_286 = arith.constant 0 : i32
    %dma_wait3A_287 = tpu.memref_slice %arg4[%dma_wait3A_285, %dma_wait3A_286] : memref<10240x8xf32, #tpu.memory_space<hbm>> -> memref<125x8xf32, #tpu.memory_space<hbm>>
    tpu.wait_dma2 semaphore(%dma_wait3A_280 : memref<!tpu.dma_semaphore, #tpu.memory_space<semaphore_mem>>) src(%dma_wait3A_287 : memref<125x8xf32, #tpu.memory_space<hbm>>) dst(%dma_wait3A_284 : memref<125x8xf32, #tpu.memory_space<vmem>>)
    %dma_wait3A_288 = arith.constant 5 : i32
    %dma_wait3A_289 = arith.constant 5 : i32
    %dma_wait3A_290 = arith.constant 0 : i32
    %dma_wait3A_291 = arith.constant 0 : i32
    %dma_wait3A_292 = tpu.memref_slice %arg8[%dma_wait3A_288, %dma_wait3A_290, %dma_wait3A_291] : memref<10x125x8xf32, #tpu.memory_space<vmem>> -> memref<1x125x8xf32, #tpu.memory_space<vmem>>
    %dma_wait3A_293 = tpu.memref_squeeze %dma_wait3A_292 : memref<1x125x8xf32, #tpu.memory_space<vmem>> -> memref<125x8xf32, #tpu.memory_space<vmem>>
    %dma_wait3A_294 = arith.constant 0 : i32
    %dma_wait3A_295 = arith.constant 0 : i32
    %dma_wait3A_296 = tpu.memref_slice %arg4[%dma_wait3A_294, %dma_wait3A_295] : memref<10240x8xf32, #tpu.memory_space<hbm>> -> memref<125x8xf32, #tpu.memory_space<hbm>>
    %dma_wait3A_297 = tpu.memref_slice %arg13[%dma_wait3A_289] : memref<10x!tpu.dma_semaphore, #tpu.memory_space<semaphore_mem>> -> memref<1x!tpu.dma_semaphore, #tpu.memory_space<semaphore_mem>>
    %dma_wait3A_298 = tpu.memref_squeeze %dma_wait3A_297 : memref<1x!tpu.dma_semaphore, #tpu.memory_space<semaphore_mem>> -> memref<!tpu.dma_semaphore, #tpu.memory_space<semaphore_mem>>
    %dma_wait3A_299 = arith.constant 0 : i32
    %dma_wait3A_300 = arith.constant 0 : i32
    %dma_wait3A_301 = tpu.memref_slice %arg8[%dma_wait3A_288, %dma_wait3A_299, %dma_wait3A_300] : memref<10x125x8xf32, #tpu.memory_space<vmem>> -> memref<1x125x8xf32, #tpu.memory_space<vmem>>
    %dma_wait3A_302 = tpu.memref_squeeze %dma_wait3A_301 : memref<1x125x8xf32, #tpu.memory_space<vmem>> -> memref<125x8xf32, #tpu.memory_space<vmem>>
    %dma_wait3A_303 = arith.constant 0 : i32
    %dma_wait3A_304 = arith.constant 0 : i32
    %dma_wait3A_305 = tpu.memref_slice %arg4[%dma_wait3A_303, %dma_wait3A_304] : memref<10240x8xf32, #tpu.memory_space<hbm>> -> memref<125x8xf32, #tpu.memory_space<hbm>>
    tpu.wait_dma2 semaphore(%dma_wait3A_298 : memref<!tpu.dma_semaphore, #tpu.memory_space<semaphore_mem>>) src(%dma_wait3A_305 : memref<125x8xf32, #tpu.memory_space<hbm>>) dst(%dma_wait3A_302 : memref<125x8xf32, #tpu.memory_space<vmem>>)
    %dma_wait3A_306 = arith.constant 6 : i32
    %dma_wait3A_307 = arith.constant 6 : i32
    %dma_wait3A_308 = arith.constant 0 : i32
    %dma_wait3A_309 = arith.constant 0 : i32
    %dma_wait3A_310 = tpu.memref_slice %arg8[%dma_wait3A_306, %dma_wait3A_308, %dma_wait3A_309] : memref<10x125x8xf32, #tpu.memory_space<vmem>> -> memref<1x125x8xf32, #tpu.memory_space<vmem>>
    %dma_wait3A_311 = tpu.memref_squeeze %dma_wait3A_310 : memref<1x125x8xf32, #tpu.memory_space<vmem>> -> memref<125x8xf32, #tpu.memory_space<vmem>>
    %dma_wait3A_312 = arith.constant 0 : i32
    %dma_wait3A_313 = arith.constant 0 : i32
    %dma_wait3A_314 = tpu.memref_slice %arg4[%dma_wait3A_312, %dma_wait3A_313] : memref<10240x8xf32, #tpu.memory_space<hbm>> -> memref<125x8xf32, #tpu.memory_space<hbm>>
    %dma_wait3A_315 = tpu.memref_slice %arg13[%dma_wait3A_307] : memref<10x!tpu.dma_semaphore, #tpu.memory_space<semaphore_mem>> -> memref<1x!tpu.dma_semaphore, #tpu.memory_space<semaphore_mem>>
    %dma_wait3A_316 = tpu.memref_squeeze %dma_wait3A_315 : memref<1x!tpu.dma_semaphore, #tpu.memory_space<semaphore_mem>> -> memref<!tpu.dma_semaphore, #tpu.memory_space<semaphore_mem>>
    %dma_wait3A_317 = arith.constant 0 : i32
    %dma_wait3A_318 = arith.constant 0 : i32
    %dma_wait3A_319 = tpu.memref_slice %arg8[%dma_wait3A_306, %dma_wait3A_317, %dma_wait3A_318] : memref<10x125x8xf32, #tpu.memory_space<vmem>> -> memref<1x125x8xf32, #tpu.memory_space<vmem>>
    %dma_wait3A_320 = tpu.memref_squeeze %dma_wait3A_319 : memref<1x125x8xf32, #tpu.memory_space<vmem>> -> memref<125x8xf32, #tpu.memory_space<vmem>>
    %dma_wait3A_321 = arith.constant 0 : i32
    %dma_wait3A_322 = arith.constant 0 : i32
    %dma_wait3A_323 = tpu.memref_slice %arg4[%dma_wait3A_321, %dma_wait3A_322] : memref<10240x8xf32, #tpu.memory_space<hbm>> -> memref<125x8xf32, #tpu.memory_space<hbm>>
    tpu.wait_dma2 semaphore(%dma_wait3A_316 : memref<!tpu.dma_semaphore, #tpu.memory_space<semaphore_mem>>) src(%dma_wait3A_323 : memref<125x8xf32, #tpu.memory_space<hbm>>) dst(%dma_wait3A_320 : memref<125x8xf32, #tpu.memory_space<vmem>>)
    %dma_wait3A_324 = arith.constant 7 : i32
    %dma_wait3A_325 = arith.constant 7 : i32
    %dma_wait3A_326 = arith.constant 0 : i32
    %dma_wait3A_327 = arith.constant 0 : i32
    %dma_wait3A_328 = tpu.memref_slice %arg8[%dma_wait3A_324, %dma_wait3A_326, %dma_wait3A_327] : memref<10x125x8xf32, #tpu.memory_space<vmem>> -> memref<1x125x8xf32, #tpu.memory_space<vmem>>
    %dma_wait3A_329 = tpu.memref_squeeze %dma_wait3A_328 : memref<1x125x8xf32, #tpu.memory_space<vmem>> -> memref<125x8xf32, #tpu.memory_space<vmem>>
    %dma_wait3A_330 = arith.constant 0 : i32
    %dma_wait3A_331 = arith.constant 0 : i32
    %dma_wait3A_332 = tpu.memref_slice %arg4[%dma_wait3A_330, %dma_wait3A_331] : memref<10240x8xf32, #tpu.memory_space<hbm>> -> memref<125x8xf32, #tpu.memory_space<hbm>>
    %dma_wait3A_333 = tpu.memref_slice %arg13[%dma_wait3A_325] : memref<10x!tpu.dma_semaphore, #tpu.memory_space<semaphore_mem>> -> memref<1x!tpu.dma_semaphore, #tpu.memory_space<semaphore_mem>>
    %dma_wait3A_334 = tpu.memref_squeeze %dma_wait3A_333 : memref<1x!tpu.dma_semaphore, #tpu.memory_space<semaphore_mem>> -> memref<!tpu.dma_semaphore, #tpu.memory_space<semaphore_mem>>
    %dma_wait3A_335 = arith.constant 0 : i32
    %dma_wait3A_336 = arith.constant 0 : i32
    %dma_wait3A_337 = tpu.memref_slice %arg8[%dma_wait3A_324, %dma_wait3A_335, %dma_wait3A_336] : memref<10x125x8xf32, #tpu.memory_space<vmem>> -> memref<1x125x8xf32, #tpu.memory_space<vmem>>
    %dma_wait3A_338 = tpu.memref_squeeze %dma_wait3A_337 : memref<1x125x8xf32, #tpu.memory_space<vmem>> -> memref<125x8xf32, #tpu.memory_space<vmem>>
    %dma_wait3A_339 = arith.constant 0 : i32
    %dma_wait3A_340 = arith.constant 0 : i32
    %dma_wait3A_341 = tpu.memref_slice %arg4[%dma_wait3A_339, %dma_wait3A_340] : memref<10240x8xf32, #tpu.memory_space<hbm>> -> memref<125x8xf32, #tpu.memory_space<hbm>>
    tpu.wait_dma2 semaphore(%dma_wait3A_334 : memref<!tpu.dma_semaphore, #tpu.memory_space<semaphore_mem>>) src(%dma_wait3A_341 : memref<125x8xf32, #tpu.memory_space<hbm>>) dst(%dma_wait3A_338 : memref<125x8xf32, #tpu.memory_space<vmem>>)
    %dma_wait3A_342 = arith.constant 8 : i32
    %dma_wait3A_343 = arith.constant 8 : i32
    %dma_wait3A_344 = arith.constant 0 : i32
    %dma_wait3A_345 = arith.constant 0 : i32
    %dma_wait3A_346 = tpu.memref_slice %arg8[%dma_wait3A_342, %dma_wait3A_344, %dma_wait3A_345] : memref<10x125x8xf32, #tpu.memory_space<vmem>> -> memref<1x125x8xf32, #tpu.memory_space<vmem>>
    %dma_wait3A_347 = tpu.memref_squeeze %dma_wait3A_346 : memref<1x125x8xf32, #tpu.memory_space<vmem>> -> memref<125x8xf32, #tpu.memory_space<vmem>>
    %dma_wait3A_348 = arith.constant 0 : i32
    %dma_wait3A_349 = arith.constant 0 : i32
    %dma_wait3A_350 = tpu.memref_slice %arg4[%dma_wait3A_348, %dma_wait3A_349] : memref<10240x8xf32, #tpu.memory_space<hbm>> -> memref<125x8xf32, #tpu.memory_space<hbm>>
    %dma_wait3A_351 = tpu.memref_slice %arg13[%dma_wait3A_343] : memref<10x!tpu.dma_semaphore, #tpu.memory_space<semaphore_mem>> -> memref<1x!tpu.dma_semaphore, #tpu.memory_space<semaphore_mem>>
    %dma_wait3A_352 = tpu.memref_squeeze %dma_wait3A_351 : memref<1x!tpu.dma_semaphore, #tpu.memory_space<semaphore_mem>> -> memref<!tpu.dma_semaphore, #tpu.memory_space<semaphore_mem>>
    %dma_wait3A_353 = arith.constant 0 : i32
    %dma_wait3A_354 = arith.constant 0 : i32
    %dma_wait3A_355 = tpu.memref_slice %arg8[%dma_wait3A_342, %dma_wait3A_353, %dma_wait3A_354] : memref<10x125x8xf32, #tpu.memory_space<vmem>> -> memref<1x125x8xf32, #tpu.memory_space<vmem>>
    %dma_wait3A_356 = tpu.memref_squeeze %dma_wait3A_355 : memref<1x125x8xf32, #tpu.memory_space<vmem>> -> memref<125x8xf32, #tpu.memory_space<vmem>>
    %dma_wait3A_357 = arith.constant 0 : i32
    %dma_wait3A_358 = arith.constant 0 : i32
    %dma_wait3A_359 = tpu.memref_slice %arg4[%dma_wait3A_357, %dma_wait3A_358] : memref<10240x8xf32, #tpu.memory_space<hbm>> -> memref<125x8xf32, #tpu.memory_space<hbm>>
    tpu.wait_dma2 semaphore(%dma_wait3A_352 : memref<!tpu.dma_semaphore, #tpu.memory_space<semaphore_mem>>) src(%dma_wait3A_359 : memref<125x8xf32, #tpu.memory_space<hbm>>) dst(%dma_wait3A_356 : memref<125x8xf32, #tpu.memory_space<vmem>>)
    %dma_wait3A_360 = arith.constant 9 : i32
    %dma_wait3A_361 = arith.constant 9 : i32
    %dma_wait3A_362 = arith.constant 0 : i32
    %dma_wait3A_363 = arith.constant 0 : i32
    %dma_wait3A_364 = tpu.memref_slice %arg8[%dma_wait3A_360, %dma_wait3A_362, %dma_wait3A_363] : memref<10x125x8xf32, #tpu.memory_space<vmem>> -> memref<1x125x8xf32, #tpu.memory_space<vmem>>
    %dma_wait3A_365 = tpu.memref_squeeze %dma_wait3A_364 : memref<1x125x8xf32, #tpu.memory_space<vmem>> -> memref<125x8xf32, #tpu.memory_space<vmem>>
    %dma_wait3A_366 = arith.constant 0 : i32
    %dma_wait3A_367 = arith.constant 0 : i32
    %dma_wait3A_368 = tpu.memref_slice %arg4[%dma_wait3A_366, %dma_wait3A_367] : memref<10240x8xf32, #tpu.memory_space<hbm>> -> memref<125x8xf32, #tpu.memory_space<hbm>>
    %dma_wait3A_369 = tpu.memref_slice %arg13[%dma_wait3A_361] : memref<10x!tpu.dma_semaphore, #tpu.memory_space<semaphore_mem>> -> memref<1x!tpu.dma_semaphore, #tpu.memory_space<semaphore_mem>>
    %dma_wait3A_370 = tpu.memref_squeeze %dma_wait3A_369 : memref<1x!tpu.dma_semaphore, #tpu.memory_space<semaphore_mem>> -> memref<!tpu.dma_semaphore, #tpu.memory_space<semaphore_mem>>
    %dma_wait3A_371 = arith.constant 0 : i32
    %dma_wait3A_372 = arith.constant 0 : i32
    %dma_wait3A_373 = tpu.memref_slice %arg8[%dma_wait3A_360, %dma_wait3A_371, %dma_wait3A_372] : memref<10x125x8xf32, #tpu.memory_space<vmem>> -> memref<1x125x8xf32, #tpu.memory_space<vmem>>
    %dma_wait3A_374 = tpu.memref_squeeze %dma_wait3A_373 : memref<1x125x8xf32, #tpu.memory_space<vmem>> -> memref<125x8xf32, #tpu.memory_space<vmem>>
    %dma_wait3A_375 = arith.constant 0 : i32
    %dma_wait3A_376 = arith.constant 0 : i32
    %dma_wait3A_377 = tpu.memref_slice %arg4[%dma_wait3A_375, %dma_wait3A_376] : memref<10240x8xf32, #tpu.memory_space<hbm>> -> memref<125x8xf32, #tpu.memory_space<hbm>>
    tpu.wait_dma2 semaphore(%dma_wait3A_370 : memref<!tpu.dma_semaphore, #tpu.memory_space<semaphore_mem>>) src(%dma_wait3A_377 : memref<125x8xf32, #tpu.memory_space<hbm>>) dst(%dma_wait3A_374 : memref<125x8xf32, #tpu.memory_space<vmem>>)
    %barrier3A_378 = arith.constant 0 : index
    tpu.barrier barrier_id(%barrier3A_378)
    %mul3A_379 = arith.constant 640 : i32
    %mul3A_380 = arith.muli %arg1, %mul3A_379 : i32
    %mul3A_381 = arith.constant 640 : i32
    %mul3A_382 = arith.muli %arg1, %mul3A_381 : i32
    "tpu.region"() ({
      %run_scoped3A = tpu.sem_alloc : memref<!tpu.dma_semaphore, #tpu.memory_space<semaphore_mem>>
      %dma_start3A_383 = arith.constant 0 : i32
      %dma_start3A_384 = arith.constant 0 : i32
      %dma_start3A_385 = tpu.memref_slice %arg5[%arg0, %dma_start3A_383, %dma_start3A_384] : memref<2x10240x8xf32, #tpu.memory_space<hbm>> -> memref<1x10240x8xf32, #tpu.memory_space<hbm>>
      %dma_start3A_386 = tpu.memref_squeeze %dma_start3A_385 : memref<1x10240x8xf32, #tpu.memory_space<hbm>> -> memref<10240x8xf32, #tpu.memory_space<hbm>>
      %dma_start3A_387 = arith.constant 0 : i32
      %dma_start3A_388 = tpu.memref_slice %dma_start3A_386[%mul3A_382, %dma_start3A_387] : memref<10240x8xf32, #tpu.memory_space<hbm>> -> memref<640x8xf32, #tpu.memory_space<hbm>>
      %dma_start3A_389 = arith.constant 0 : i32
      %dma_start3A_390 = tpu.memref_slice %arg10[%mul3A_380, %dma_start3A_389] : memref<10240x8xf32, #tpu.memory_space<vmem_shared>> -> memref<640x8xf32, #tpu.memory_space<vmem_shared>>
      tpu.enqueue_dma source(%dma_start3A_390 : memref<640x8xf32, #tpu.memory_space<vmem_shared>>) target(%dma_start3A_388 : memref<640x8xf32, #tpu.memory_space<hbm>>) target_semaphore(%run_scoped3A : memref<!tpu.dma_semaphore, #tpu.memory_space<semaphore_mem>>)
      %dma_wait3A_391 = arith.constant 0 : i32
      %dma_wait3A_392 = arith.constant 0 : i32
      %dma_wait3A_393 = tpu.memref_slice %arg5[%arg0, %dma_wait3A_391, %dma_wait3A_392] : memref<2x10240x8xf32, #tpu.memory_space<hbm>> -> memref<1x10240x8xf32, #tpu.memory_space<hbm>>
      %dma_wait3A_394 = tpu.memref_squeeze %dma_wait3A_393 : memref<1x10240x8xf32, #tpu.memory_space<hbm>> -> memref<10240x8xf32, #tpu.memory_space<hbm>>
      %dma_wait3A_395 = arith.constant 0 : i32
      %dma_wait3A_396 = tpu.memref_slice %dma_wait3A_394[%mul3A_382, %dma_wait3A_395] : memref<10240x8xf32, #tpu.memory_space<hbm>> -> memref<640x8xf32, #tpu.memory_space<hbm>>
      %dma_wait3A_397 = arith.constant 0 : i32
      %dma_wait3A_398 = tpu.memref_slice %arg10[%mul3A_380, %dma_wait3A_397] : memref<10240x8xf32, #tpu.memory_space<vmem_shared>> -> memref<640x8xf32, #tpu.memory_space<vmem_shared>>
      tpu.wait_dma2 semaphore(%run_scoped3A : memref<!tpu.dma_semaphore, #tpu.memory_space<semaphore_mem>>) src(%dma_wait3A_398 : memref<640x8xf32, #tpu.memory_space<vmem_shared>>) dst(%dma_wait3A_396 : memref<640x8xf32, #tpu.memory_space<hbm>>)
      tpu.yield
    }) : () -> ()
    return
  }
}

module attributes {stable_mosaic.version = 14 : i64} {
  func.func @_tc_mm_body(%arg0: memref<625x2048xf32, #tpu.memory_space<vmem>>, %arg1: memref<2048x128xf32, #tpu.memory_space<vmem>>, %arg2: memref<625x128xf32, #tpu.memory_space<vmem>>) attributes {dimension_semantics = [], scalar_prefetch = 0 : i64, scratch_operands = 0 : i64, tpu.core_type = #tpu.core_type<tc>} {
    %get3A = arith.constant 0 : index
    %get3A_0 = arith.constant 0 : index
    %get3A_1 = vector.load %arg0[%get3A, %get3A_0] : memref<625x2048xf32, #tpu.memory_space<vmem>>, vector<625x2048xf32>
    %get3A_2 = arith.constant 0 : index
    %get3A_3 = arith.constant 0 : index
    %get3A_4 = vector.load %arg1[%get3A_2, %get3A_3] : memref<2048x128xf32, #tpu.memory_space<vmem>>, vector<2048x128xf32>
    %dot_general3A = arith.constant dense<0.000000e+00> : vector<625x128xf32>
    %dot_general3A_5 = tpu.matmul %get3A_1, %get3A_4, %dot_general3A {dimension_numbers = #tpu.dot_dimension_numbers<[1], [0], [0], [1], [0, 0, 1, 1], [], []>, transpose_lhs_hint = false} : vector<625x2048xf32>, vector<2048x128xf32>, vector<625x128xf32> -> vector<625x128xf32>
    %swap3A = arith.constant 0 : index
    %swap3A_6 = arith.constant 0 : index
    %swap3A_7 = vector.load %arg2[%swap3A, %swap3A_6] : memref<625x128xf32, #tpu.memory_space<vmem>>, vector<625x128xf32>
    tpu.vector_store %arg2[%swap3A, %swap3A_6], %dot_general3A_5 {strides = array<i32>} : memref<625x128xf32, #tpu.memory_space<vmem>>, vector<625x128xf32>,
    return
  }
}

module attributes {stable_mosaic.version = 14 : i64} {
  func.func @_tc_scale_body(%arg0: memref<2x640x128xf32, #tpu.memory_space<vmem>>, %arg1: memref<625x128xf32, #tpu.memory_space<vmem>>, %arg2: memref<640x128xf32, #tpu.memory_space<vmem>>, %arg3: memref<640x128xf32, #tpu.memory_space<vmem>>) attributes {dimension_semantics = [], scalar_prefetch = 0 : i64, scratch_operands = 0 : i64, tpu.core_type = #tpu.core_type<tc>} {
    %get3A = arith.constant 0 : index
    %get3A_0 = arith.constant 0 : index
    %get3A_1 = arith.constant 0 : index
    %get3A_2 = vector.load %arg0[%get3A, %get3A_0, %get3A_1] : memref<2x640x128xf32, #tpu.memory_space<vmem>>, vector<1x640x128xf32>
    %get3A_3 = vector.shape_cast %get3A_2 : vector<1x640x128xf32> to vector<640x128xf32>
    %get3A_4 = arith.constant 1 : index
    %get3A_5 = arith.constant 0 : index
    %get3A_6 = arith.constant 0 : index
    %get3A_7 = vector.load %arg0[%get3A_4, %get3A_5, %get3A_6] : memref<2x640x128xf32, #tpu.memory_space<vmem>>, vector<1x640x128xf32>
    %get3A_8 = vector.shape_cast %get3A_7 : vector<1x640x128xf32> to vector<640x128xf32>
    %add3A = arith.addf %get3A_3, %get3A_8 : vector<640x128xf32>
    %add3A_9 = arith.constant 1.000000e+00 : f32
    %add3A_10 = vector.broadcast %add3A_9 : f32 to vector<640x128xf32>
    %add3A_11 = arith.addf %add3A, %add3A_10 : vector<640x128xf32>
    %rsqrt3A = math.rsqrt %add3A_11 : vector<640x128xf32>
    %swap3A = arith.constant 0 : index
    %swap3A_12 = arith.constant 0 : index
    %swap3A_13 = vector.load %arg2[%swap3A, %swap3A_12] : memref<640x128xf32, #tpu.memory_space<vmem>>, vector<640x128xf32>
    tpu.vector_store %arg2[%swap3A, %swap3A_12], %rsqrt3A {strides = array<i32>} : memref<640x128xf32, #tpu.memory_space<vmem>>, vector<640x128xf32>,
    %get3A_14 = arith.constant 0 : index
    %get3A_15 = arith.constant 0 : index
    %get3A_16 = vector.load %arg1[%get3A_14, %get3A_15] : memref<625x128xf32, #tpu.memory_space<vmem>>, vector<625x128xf32>
    %jit3A = arith.constant 0 : i32
    %convert_element_type3A = arith.sitofp %jit3A : i32 to f32
    %pad3A = vector.broadcast %convert_element_type3A : f32 to vector<15x128xf32>
    %pad3A_17 = tpu.concatenate %get3A_16, %pad3A in 0 : vector<625x128xf32>, vector<15x128xf32> -> vector<640x128xf32>
    %mul3A = arith.mulf %pad3A_17, %rsqrt3A : vector<640x128xf32>
    %swap3A_18 = arith.constant 0 : index
    %swap3A_19 = arith.constant 0 : index
    %swap3A_20 = vector.load %arg3[%swap3A_18, %swap3A_19] : memref<640x128xf32, #tpu.memory_space<vmem>>, vector<640x128xf32>
    tpu.vector_store %arg3[%swap3A_18, %swap3A_19], %mul3A {strides = array<i32>} : memref<640x128xf32, #tpu.memory_space<vmem>>, vector<640x128xf32>,
    return
  }
}

module attributes {stable_mosaic.version = 14 : i64} {
  func.func @_tc_mid_body(%arg0: memref<2x640x128xf32, #tpu.memory_space<vmem>>, %arg1: memref<640x128xf32, #tpu.memory_space<vmem>>, %arg2: memref<625x128xf32, #tpu.memory_space<vmem>>, %arg3: memref<1x128xf32, #tpu.memory_space<vmem>>, %arg4: memref<640x128xf32, #tpu.memory_space<vmem>>, %arg5: memref<640x128xf32, #tpu.memory_space<vmem>>) attributes {dimension_semantics = [], scalar_prefetch = 0 : i64, scratch_operands = 0 : i64, tpu.core_type = #tpu.core_type<tc>} {
    %get3A = arith.constant 0 : index
    %get3A_0 = arith.constant 0 : index
    %get3A_1 = vector.load %arg1[%get3A, %get3A_0] : memref<640x128xf32, #tpu.memory_space<vmem>>, vector<640x128xf32>
    %get3A_2 = arith.constant 0 : index
    %get3A_3 = arith.constant 0 : index
    %get3A_4 = vector.load %arg2[%get3A_2, %get3A_3] : memref<625x128xf32, #tpu.memory_space<vmem>>, vector<625x128xf32>
    %jit3A = arith.constant 0 : i32
    %convert_element_type3A = arith.sitofp %jit3A : i32 to f32
    %pad3A = vector.broadcast %convert_element_type3A : f32 to vector<15x128xf32>
    %pad3A_5 = tpu.concatenate %get3A_4, %pad3A in 0 : vector<625x128xf32>, vector<15x128xf32> -> vector<640x128xf32>
    %get3A_6 = arith.constant 0 : index
    %get3A_7 = arith.constant 0 : index
    %get3A_8 = arith.constant 0 : index
    %get3A_9 = vector.load %arg0[%get3A_6, %get3A_7, %get3A_8] : memref<2x640x128xf32, #tpu.memory_space<vmem>>, vector<1x640x128xf32>
    %get3A_10 = vector.shape_cast %get3A_9 : vector<1x640x128xf32> to vector<640x128xf32>
    %get3A_11 = arith.constant 1 : index
    %get3A_12 = arith.constant 0 : index
    %get3A_13 = arith.constant 0 : index
    %get3A_14 = vector.load %arg0[%get3A_11, %get3A_12, %get3A_13] : memref<2x640x128xf32, #tpu.memory_space<vmem>>, vector<1x640x128xf32>
    %get3A_15 = vector.shape_cast %get3A_14 : vector<1x640x128xf32> to vector<640x128xf32>
    %add3A = arith.addf %get3A_10, %get3A_15 : vector<640x128xf32>
    %mul3A = arith.mulf %add3A, %get3A_1 : vector<640x128xf32>
    %mul3A_16 = arith.mulf %get3A_1, %get3A_1 : vector<640x128xf32>
    %mul3A_17 = arith.mulf %mul3A_16, %pad3A_5 : vector<640x128xf32>
    %add3A_18 = arith.addf %mul3A, %mul3A_17 : vector<640x128xf32>
    %get3A_19 = arith.constant 0 : index
    %get3A_20 = arith.constant 0 : index
    %get3A_21 = vector.load %arg3[%get3A_19, %get3A_20] : memref<1x128xf32, #tpu.memory_space<vmem>>, vector<1x128xf32>
    %add3A_22 = vector.broadcast %get3A_21 : vector<1x128xf32> to vector<640x128xf32>
    %add3A_23 = arith.addf %add3A_18, %add3A_22 : vector<640x128xf32>
    %max3A = arith.constant 0.000000e+00 : f32
    %max3A_24 = vector.broadcast %max3A : f32 to vector<640x128xf32>
    %max3A_25 = arith.maximumf %add3A_23, %max3A_24 : vector<640x128xf32>
    %swap3A = arith.constant 0 : index
    %swap3A_26 = arith.constant 0 : index
    %swap3A_27 = vector.load %arg4[%swap3A, %swap3A_26] : memref<640x128xf32, #tpu.memory_space<vmem>>, vector<640x128xf32>
    tpu.vector_store %arg4[%swap3A, %swap3A_26], %max3A_25 {strides = array<i32>} : memref<640x128xf32, #tpu.memory_space<vmem>>, vector<640x128xf32>,
    %mul3A_28 = arith.mulf %max3A_25, %get3A_1 : vector<640x128xf32>
    %swap3A_29 = arith.constant 0 : index
    %swap3A_30 = arith.constant 0 : index
    %swap3A_31 = vector.load %arg5[%swap3A_29, %swap3A_30] : memref<640x128xf32, #tpu.memory_space<vmem>>, vector<640x128xf32>
    tpu.vector_store %arg5[%swap3A_29, %swap3A_30], %mul3A_28 {strides = array<i32>} : memref<640x128xf32, #tpu.memory_space<vmem>>, vector<640x128xf32>,
    return
  }
}

module attributes {stable_mosaic.version = 14 : i64} {
  func.func @_tc_post_body(%arg0: memref<2x640x128xf32, #tpu.memory_space<vmem>>, %arg1: memref<640x128xf32, #tpu.memory_space<vmem>>, %arg2: memref<640x128xf32, #tpu.memory_space<vmem>>, %arg3: memref<128x256xf32, #tpu.memory_space<vmem>>, %arg4: memref<1x256xf32, #tpu.memory_space<vmem>>, %arg5: memref<640x256xf32, #tpu.memory_space<vmem>>) attributes {dimension_semantics = [], scalar_prefetch = 0 : i64, scratch_operands = 0 : i64, tpu.core_type = #tpu.core_type<tc>} {
    %get3A = arith.constant 0 : index
    %get3A_0 = arith.constant 0 : index
    %get3A_1 = vector.load %arg1[%get3A, %get3A_0] : memref<640x128xf32, #tpu.memory_space<vmem>>, vector<640x128xf32>
    %get3A_2 = arith.constant 0 : index
    %get3A_3 = arith.constant 0 : index
    %get3A_4 = arith.constant 0 : index
    %get3A_5 = vector.load %arg0[%get3A_2, %get3A_3, %get3A_4] : memref<2x640x128xf32, #tpu.memory_space<vmem>>, vector<1x640x128xf32>
    %get3A_6 = vector.shape_cast %get3A_5 : vector<1x640x128xf32> to vector<640x128xf32>
    %get3A_7 = arith.constant 1 : index
    %get3A_8 = arith.constant 0 : index
    %get3A_9 = arith.constant 0 : index
    %get3A_10 = vector.load %arg0[%get3A_7, %get3A_8, %get3A_9] : memref<2x640x128xf32, #tpu.memory_space<vmem>>, vector<1x640x128xf32>
    %get3A_11 = vector.shape_cast %get3A_10 : vector<1x640x128xf32> to vector<640x128xf32>
    %add3A = arith.addf %get3A_6, %get3A_11 : vector<640x128xf32>
    %mul3A = arith.mulf %add3A, %get3A_1 : vector<640x128xf32>
    %mul3A_12 = arith.mulf %get3A_1, %get3A_1 : vector<640x128xf32>
    %get3A_13 = arith.constant 0 : index
    %get3A_14 = arith.constant 0 : index
    %get3A_15 = vector.load %arg2[%get3A_13, %get3A_14] : memref<640x128xf32, #tpu.memory_space<vmem>>, vector<640x128xf32>
    %mul3A_16 = arith.mulf %mul3A_12, %get3A_15 : vector<640x128xf32>
    %add3A_17 = arith.addf %mul3A, %mul3A_16 : vector<640x128xf32>
    %get3A_18 = arith.constant 0 : index
    %get3A_19 = arith.constant 0 : index
    %get3A_20 = vector.load %arg3[%get3A_18, %get3A_19] : memref<128x256xf32, #tpu.memory_space<vmem>>, vector<128x256xf32>
    %dot_general3A = arith.constant dense<0.000000e+00> : vector<640x256xf32>
    %dot_general3A_21 = tpu.matmul %add3A_17, %get3A_20, %dot_general3A {dimension_numbers = #tpu.dot_dimension_numbers<[1], [0], [0], [1], [0, 0, 1, 1], [], []>, transpose_lhs_hint = false} : vector<640x128xf32>, vector<128x256xf32>, vector<640x256xf32> -> vector<640x256xf32>
    %get3A_22 = arith.constant 0 : index
    %get3A_23 = arith.constant 0 : index
    %get3A_24 = vector.load %arg4[%get3A_22, %get3A_23] : memref<1x256xf32, #tpu.memory_space<vmem>>, vector<1x256xf32>
    %add3A_25 = vector.broadcast %get3A_24 : vector<1x256xf32> to vector<640x256xf32>
    %add3A_26 = arith.addf %dot_general3A_21, %add3A_25 : vector<640x256xf32>
    %slice3A = vector.extract_strided_slice %add3A_26 {offsets = [0, 0], sizes = [640, 16], strides = [1, 1]} : vector<640x256xf32> to vector<640x16xf32>
    %reduce_max3A = arith.constant dense<0xFF800000> : vector<640xf32>
    %reduce_max3A_27 = vector.multi_reduction <maximumf>, %slice3A, %reduce_max3A [1] : vector<640x16xf32> to vector<640xf32>
    %broadcast_in_dim3A = vector.shape_cast %reduce_max3A_27 : vector<640xf32> to vector<640x1xf32>
    %sub3A = vector.broadcast %broadcast_in_dim3A : vector<640x1xf32> to vector<640x16xf32>
    %sub3A_28 = arith.subf %slice3A, %sub3A : vector<640x16xf32>
    %exp3A = math.exp %sub3A_28 : vector<640x16xf32>
    %sub3A_29 = vector.broadcast %broadcast_in_dim3A : vector<640x1xf32> to vector<640x16xf32>
    %sub3A_30 = arith.subf %slice3A, %sub3A_29 : vector<640x16xf32>
    %reduce_sum3A = arith.constant dense<0.000000e+00> : vector<640xf32>
    %reduce_sum3A_31 = vector.multi_reduction <add>, %exp3A, %reduce_sum3A [1] : vector<640x16xf32> to vector<640xf32>
    %broadcast_in_dim3A_32 = vector.shape_cast %reduce_sum3A_31 : vector<640xf32> to vector<640x1xf32>
    %log3A = math.log %broadcast_in_dim3A_32 : vector<640x1xf32>
    %sub3A_33 = vector.broadcast %log3A : vector<640x1xf32> to vector<640x16xf32>
    %sub3A_34 = arith.subf %sub3A_30, %sub3A_33 : vector<640x16xf32>
    %slice3A_35 = vector.extract_strided_slice %add3A_26 {offsets = [0, 16], sizes = [640, 16], strides = [1, 1]} : vector<640x256xf32> to vector<640x16xf32>
    %reduce_max3A_36 = arith.constant dense<0xFF800000> : vector<640xf32>
    %reduce_max3A_37 = vector.multi_reduction <maximumf>, %slice3A_35, %reduce_max3A_36 [1] : vector<640x16xf32> to vector<640xf32>
    %broadcast_in_dim3A_38 = vector.shape_cast %reduce_max3A_37 : vector<640xf32> to vector<640x1xf32>
    %sub3A_39 = vector.broadcast %broadcast_in_dim3A_38 : vector<640x1xf32> to vector<640x16xf32>
    %sub3A_40 = arith.subf %slice3A_35, %sub3A_39 : vector<640x16xf32>
    %exp3A_41 = math.exp %sub3A_40 : vector<640x16xf32>
    %sub3A_42 = vector.broadcast %broadcast_in_dim3A_38 : vector<640x1xf32> to vector<640x16xf32>
    %sub3A_43 = arith.subf %slice3A_35, %sub3A_42 : vector<640x16xf32>
    %reduce_sum3A_44 = arith.constant dense<0.000000e+00> : vector<640xf32>
    %reduce_sum3A_45 = vector.multi_reduction <add>, %exp3A_41, %reduce_sum3A_44 [1] : vector<640x16xf32> to vector<640xf32>
    %broadcast_in_dim3A_46 = vector.shape_cast %reduce_sum3A_45 : vector<640xf32> to vector<640x1xf32>
    %log3A_47 = math.log %broadcast_in_dim3A_46 : vector<640x1xf32>
    %sub3A_48 = vector.broadcast %log3A_47 : vector<640x1xf32> to vector<640x16xf32>
    %sub3A_49 = arith.subf %sub3A_43, %sub3A_48 : vector<640x16xf32>
    %slice3A_50 = vector.extract_strided_slice %add3A_26 {offsets = [0, 32], sizes = [640, 16], strides = [1, 1]} : vector<640x256xf32> to vector<640x16xf32>
    %reduce_max3A_51 = arith.constant dense<0xFF800000> : vector<640xf32>
    %reduce_max3A_52 = vector.multi_reduction <maximumf>, %slice3A_50, %reduce_max3A_51 [1] : vector<640x16xf32> to vector<640xf32>
    %broadcast_in_dim3A_53 = vector.shape_cast %reduce_max3A_52 : vector<640xf32> to vector<640x1xf32>
    %sub3A_54 = vector.broadcast %broadcast_in_dim3A_53 : vector<640x1xf32> to vector<640x16xf32>
    %sub3A_55 = arith.subf %slice3A_50, %sub3A_54 : vector<640x16xf32>
    %exp3A_56 = math.exp %sub3A_55 : vector<640x16xf32>
    %sub3A_57 = vector.broadcast %broadcast_in_dim3A_53 : vector<640x1xf32> to vector<640x16xf32>
    %sub3A_58 = arith.subf %slice3A_50, %sub3A_57 : vector<640x16xf32>
    %reduce_sum3A_59 = arith.constant dense<0.000000e+00> : vector<640xf32>
    %reduce_sum3A_60 = vector.multi_reduction <add>, %exp3A_56, %reduce_sum3A_59 [1] : vector<640x16xf32> to vector<640xf32>
    %broadcast_in_dim3A_61 = vector.shape_cast %reduce_sum3A_60 : vector<640xf32> to vector<640x1xf32>
    %log3A_62 = math.log %broadcast_in_dim3A_61 : vector<640x1xf32>
    %sub3A_63 = vector.broadcast %log3A_62 : vector<640x1xf32> to vector<640x16xf32>
    %sub3A_64 = arith.subf %sub3A_58, %sub3A_63 : vector<640x16xf32>
    %slice3A_65 = vector.extract_strided_slice %add3A_26 {offsets = [0, 48], sizes = [640, 16], strides = [1, 1]} : vector<640x256xf32> to vector<640x16xf32>
    %reduce_max3A_66 = arith.constant dense<0xFF800000> : vector<640xf32>
    %reduce_max3A_67 = vector.multi_reduction <maximumf>, %slice3A_65, %reduce_max3A_66 [1] : vector<640x16xf32> to vector<640xf32>
    %broadcast_in_dim3A_68 = vector.shape_cast %reduce_max3A_67 : vector<640xf32> to vector<640x1xf32>
    %sub3A_69 = vector.broadcast %broadcast_in_dim3A_68 : vector<640x1xf32> to vector<640x16xf32>
    %sub3A_70 = arith.subf %slice3A_65, %sub3A_69 : vector<640x16xf32>
    %exp3A_71 = math.exp %sub3A_70 : vector<640x16xf32>
    %sub3A_72 = vector.broadcast %broadcast_in_dim3A_68 : vector<640x1xf32> to vector<640x16xf32>
    %sub3A_73 = arith.subf %slice3A_65, %sub3A_72 : vector<640x16xf32>
    %reduce_sum3A_74 = arith.constant dense<0.000000e+00> : vector<640xf32>
    %reduce_sum3A_75 = vector.multi_reduction <add>, %exp3A_71, %reduce_sum3A_74 [1] : vector<640x16xf32> to vector<640xf32>
    %broadcast_in_dim3A_76 = vector.shape_cast %reduce_sum3A_75 : vector<640xf32> to vector<640x1xf32>
    %log3A_77 = math.log %broadcast_in_dim3A_76 : vector<640x1xf32>
    %sub3A_78 = vector.broadcast %log3A_77 : vector<640x1xf32> to vector<640x16xf32>
    %sub3A_79 = arith.subf %sub3A_73, %sub3A_78 : vector<640x16xf32>
    %slice3A_80 = vector.extract_strided_slice %add3A_26 {offsets = [0, 64], sizes = [640, 16], strides = [1, 1]} : vector<640x256xf32> to vector<640x16xf32>
    %reduce_max3A_81 = arith.constant dense<0xFF800000> : vector<640xf32>
    %reduce_max3A_82 = vector.multi_reduction <maximumf>, %slice3A_80, %reduce_max3A_81 [1] : vector<640x16xf32> to vector<640xf32>
    %broadcast_in_dim3A_83 = vector.shape_cast %reduce_max3A_82 : vector<640xf32> to vector<640x1xf32>
    %sub3A_84 = vector.broadcast %broadcast_in_dim3A_83 : vector<640x1xf32> to vector<640x16xf32>
    %sub3A_85 = arith.subf %slice3A_80, %sub3A_84 : vector<640x16xf32>
    %exp3A_86 = math.exp %sub3A_85 : vector<640x16xf32>
    %sub3A_87 = vector.broadcast %broadcast_in_dim3A_83 : vector<640x1xf32> to vector<640x16xf32>
    %sub3A_88 = arith.subf %slice3A_80, %sub3A_87 : vector<640x16xf32>
    %reduce_sum3A_89 = arith.constant dense<0.000000e+00> : vector<640xf32>
    %reduce_sum3A_90 = vector.multi_reduction <add>, %exp3A_86, %reduce_sum3A_89 [1] : vector<640x16xf32> to vector<640xf32>
    %broadcast_in_dim3A_91 = vector.shape_cast %reduce_sum3A_90 : vector<640xf32> to vector<640x1xf32>
    %log3A_92 = math.log %broadcast_in_dim3A_91 : vector<640x1xf32>
    %sub3A_93 = vector.broadcast %log3A_92 : vector<640x1xf32> to vector<640x16xf32>
    %sub3A_94 = arith.subf %sub3A_88, %sub3A_93 : vector<640x16xf32>
    %slice3A_95 = vector.extract_strided_slice %add3A_26 {offsets = [0, 80], sizes = [640, 16], strides = [1, 1]} : vector<640x256xf32> to vector<640x16xf32>
    %reduce_max3A_96 = arith.constant dense<0xFF800000> : vector<640xf32>
    %reduce_max3A_97 = vector.multi_reduction <maximumf>, %slice3A_95, %reduce_max3A_96 [1] : vector<640x16xf32> to vector<640xf32>
    %broadcast_in_dim3A_98 = vector.shape_cast %reduce_max3A_97 : vector<640xf32> to vector<640x1xf32>
    %sub3A_99 = vector.broadcast %broadcast_in_dim3A_98 : vector<640x1xf32> to vector<640x16xf32>
    %sub3A_100 = arith.subf %slice3A_95, %sub3A_99 : vector<640x16xf32>
    %exp3A_101 = math.exp %sub3A_100 : vector<640x16xf32>
    %sub3A_102 = vector.broadcast %broadcast_in_dim3A_98 : vector<640x1xf32> to vector<640x16xf32>
    %sub3A_103 = arith.subf %slice3A_95, %sub3A_102 : vector<640x16xf32>
    %reduce_sum3A_104 = arith.constant dense<0.000000e+00> : vector<640xf32>
    %reduce_sum3A_105 = vector.multi_reduction <add>, %exp3A_101, %reduce_sum3A_104 [1] : vector<640x16xf32> to vector<640xf32>
    %broadcast_in_dim3A_106 = vector.shape_cast %reduce_sum3A_105 : vector<640xf32> to vector<640x1xf32>
    %log3A_107 = math.log %broadcast_in_dim3A_106 : vector<640x1xf32>
    %sub3A_108 = vector.broadcast %log3A_107 : vector<640x1xf32> to vector<640x16xf32>
    %sub3A_109 = arith.subf %sub3A_103, %sub3A_108 : vector<640x16xf32>
    %slice3A_110 = vector.extract_strided_slice %add3A_26 {offsets = [0, 96], sizes = [640, 16], strides = [1, 1]} : vector<640x256xf32> to vector<640x16xf32>
    %reduce_max3A_111 = arith.constant dense<0xFF800000> : vector<640xf32>
    %reduce_max3A_112 = vector.multi_reduction <maximumf>, %slice3A_110, %reduce_max3A_111 [1] : vector<640x16xf32> to vector<640xf32>
    %broadcast_in_dim3A_113 = vector.shape_cast %reduce_max3A_112 : vector<640xf32> to vector<640x1xf32>
    %sub3A_114 = vector.broadcast %broadcast_in_dim3A_113 : vector<640x1xf32> to vector<640x16xf32>
    %sub3A_115 = arith.subf %slice3A_110, %sub3A_114 : vector<640x16xf32>
    %exp3A_116 = math.exp %sub3A_115 : vector<640x16xf32>
    %sub3A_117 = vector.broadcast %broadcast_in_dim3A_113 : vector<640x1xf32> to vector<640x16xf32>
    %sub3A_118 = arith.subf %slice3A_110, %sub3A_117 : vector<640x16xf32>
    %reduce_sum3A_119 = arith.constant dense<0.000000e+00> : vector<640xf32>
    %reduce_sum3A_120 = vector.multi_reduction <add>, %exp3A_116, %reduce_sum3A_119 [1] : vector<640x16xf32> to vector<640xf32>
    %broadcast_in_dim3A_121 = vector.shape_cast %reduce_sum3A_120 : vector<640xf32> to vector<640x1xf32>
    %log3A_122 = math.log %broadcast_in_dim3A_121 : vector<640x1xf32>
    %sub3A_123 = vector.broadcast %log3A_122 : vector<640x1xf32> to vector<640x16xf32>
    %sub3A_124 = arith.subf %sub3A_118, %sub3A_123 : vector<640x16xf32>
    %slice3A_125 = vector.extract_strided_slice %add3A_26 {offsets = [0, 112], sizes = [640, 16], strides = [1, 1]} : vector<640x256xf32> to vector<640x16xf32>
    %reduce_max3A_126 = arith.constant dense<0xFF800000> : vector<640xf32>
    %reduce_max3A_127 = vector.multi_reduction <maximumf>, %slice3A_125, %reduce_max3A_126 [1] : vector<640x16xf32> to vector<640xf32>
    %broadcast_in_dim3A_128 = vector.shape_cast %reduce_max3A_127 : vector<640xf32> to vector<640x1xf32>
    %sub3A_129 = vector.broadcast %broadcast_in_dim3A_128 : vector<640x1xf32> to vector<640x16xf32>
    %sub3A_130 = arith.subf %slice3A_125, %sub3A_129 : vector<640x16xf32>
    %exp3A_131 = math.exp %sub3A_130 : vector<640x16xf32>
    %sub3A_132 = vector.broadcast %broadcast_in_dim3A_128 : vector<640x1xf32> to vector<640x16xf32>
    %sub3A_133 = arith.subf %slice3A_125, %sub3A_132 : vector<640x16xf32>
    %reduce_sum3A_134 = arith.constant dense<0.000000e+00> : vector<640xf32>
    %reduce_sum3A_135 = vector.multi_reduction <add>, %exp3A_131, %reduce_sum3A_134 [1] : vector<640x16xf32> to vector<640xf32>
    %broadcast_in_dim3A_136 = vector.shape_cast %reduce_sum3A_135 : vector<640xf32> to vector<640x1xf32>
    %log3A_137 = math.log %broadcast_in_dim3A_136 : vector<640x1xf32>
    %sub3A_138 = vector.broadcast %log3A_137 : vector<640x1xf32> to vector<640x16xf32>
    %sub3A_139 = arith.subf %sub3A_133, %sub3A_138 : vector<640x16xf32>
    %slice3A_140 = vector.extract_strided_slice %add3A_26 {offsets = [0, 128], sizes = [640, 16], strides = [1, 1]} : vector<640x256xf32> to vector<640x16xf32>
    %reduce_max3A_141 = arith.constant dense<0xFF800000> : vector<640xf32>
    %reduce_max3A_142 = vector.multi_reduction <maximumf>, %slice3A_140, %reduce_max3A_141 [1] : vector<640x16xf32> to vector<640xf32>
    %broadcast_in_dim3A_143 = vector.shape_cast %reduce_max3A_142 : vector<640xf32> to vector<640x1xf32>
    %sub3A_144 = vector.broadcast %broadcast_in_dim3A_143 : vector<640x1xf32> to vector<640x16xf32>
    %sub3A_145 = arith.subf %slice3A_140, %sub3A_144 : vector<640x16xf32>
    %exp3A_146 = math.exp %sub3A_145 : vector<640x16xf32>
    %sub3A_147 = vector.broadcast %broadcast_in_dim3A_143 : vector<640x1xf32> to vector<640x16xf32>
    %sub3A_148 = arith.subf %slice3A_140, %sub3A_147 : vector<640x16xf32>
    %reduce_sum3A_149 = arith.constant dense<0.000000e+00> : vector<640xf32>
    %reduce_sum3A_150 = vector.multi_reduction <add>, %exp3A_146, %reduce_sum3A_149 [1] : vector<640x16xf32> to vector<640xf32>
    %broadcast_in_dim3A_151 = vector.shape_cast %reduce_sum3A_150 : vector<640xf32> to vector<640x1xf32>
    %log3A_152 = math.log %broadcast_in_dim3A_151 : vector<640x1xf32>
    %sub3A_153 = vector.broadcast %log3A_152 : vector<640x1xf32> to vector<640x16xf32>
    %sub3A_154 = arith.subf %sub3A_148, %sub3A_153 : vector<640x16xf32>
    %slice3A_155 = vector.extract_strided_slice %add3A_26 {offsets = [0, 144], sizes = [640, 16], strides = [1, 1]} : vector<640x256xf32> to vector<640x16xf32>
    %reduce_max3A_156 = arith.constant dense<0xFF800000> : vector<640xf32>
    %reduce_max3A_157 = vector.multi_reduction <maximumf>, %slice3A_155, %reduce_max3A_156 [1] : vector<640x16xf32> to vector<640xf32>
    %broadcast_in_dim3A_158 = vector.shape_cast %reduce_max3A_157 : vector<640xf32> to vector<640x1xf32>
    %sub3A_159 = vector.broadcast %broadcast_in_dim3A_158 : vector<640x1xf32> to vector<640x16xf32>
    %sub3A_160 = arith.subf %slice3A_155, %sub3A_159 : vector<640x16xf32>
    %exp3A_161 = math.exp %sub3A_160 : vector<640x16xf32>
    %sub3A_162 = vector.broadcast %broadcast_in_dim3A_158 : vector<640x1xf32> to vector<640x16xf32>
    %sub3A_163 = arith.subf %slice3A_155, %sub3A_162 : vector<640x16xf32>
    %reduce_sum3A_164 = arith.constant dense<0.000000e+00> : vector<640xf32>
    %reduce_sum3A_165 = vector.multi_reduction <add>, %exp3A_161, %reduce_sum3A_164 [1] : vector<640x16xf32> to vector<640xf32>
    %broadcast_in_dim3A_166 = vector.shape_cast %reduce_sum3A_165 : vector<640xf32> to vector<640x1xf32>
    %log3A_167 = math.log %broadcast_in_dim3A_166 : vector<640x1xf32>
    %sub3A_168 = vector.broadcast %log3A_167 : vector<640x1xf32> to vector<640x16xf32>
    %sub3A_169 = arith.subf %sub3A_163, %sub3A_168 : vector<640x16xf32>
    %slice3A_170 = vector.extract_strided_slice %add3A_26 {offsets = [0, 160], sizes = [640, 16], strides = [1, 1]} : vector<640x256xf32> to vector<640x16xf32>
    %reduce_max3A_171 = arith.constant dense<0xFF800000> : vector<640xf32>
    %reduce_max3A_172 = vector.multi_reduction <maximumf>, %slice3A_170, %reduce_max3A_171 [1] : vector<640x16xf32> to vector<640xf32>
    %broadcast_in_dim3A_173 = vector.shape_cast %reduce_max3A_172 : vector<640xf32> to vector<640x1xf32>
    %sub3A_174 = vector.broadcast %broadcast_in_dim3A_173 : vector<640x1xf32> to vector<640x16xf32>
    %sub3A_175 = arith.subf %slice3A_170, %sub3A_174 : vector<640x16xf32>
    %exp3A_176 = math.exp %sub3A_175 : vector<640x16xf32>
    %sub3A_177 = vector.broadcast %broadcast_in_dim3A_173 : vector<640x1xf32> to vector<640x16xf32>
    %sub3A_178 = arith.subf %slice3A_170, %sub3A_177 : vector<640x16xf32>
    %reduce_sum3A_179 = arith.constant dense<0.000000e+00> : vector<640xf32>
    %reduce_sum3A_180 = vector.multi_reduction <add>, %exp3A_176, %reduce_sum3A_179 [1] : vector<640x16xf32> to vector<640xf32>
    %broadcast_in_dim3A_181 = vector.shape_cast %reduce_sum3A_180 : vector<640xf32> to vector<640x1xf32>
    %log3A_182 = math.log %broadcast_in_dim3A_181 : vector<640x1xf32>
    %sub3A_183 = vector.broadcast %log3A_182 : vector<640x1xf32> to vector<640x16xf32>
    %sub3A_184 = arith.subf %sub3A_178, %sub3A_183 : vector<640x16xf32>
    %slice3A_185 = vector.extract_strided_slice %add3A_26 {offsets = [0, 176], sizes = [640, 16], strides = [1, 1]} : vector<640x256xf32> to vector<640x16xf32>
    %reduce_max3A_186 = arith.constant dense<0xFF800000> : vector<640xf32>
    %reduce_max3A_187 = vector.multi_reduction <maximumf>, %slice3A_185, %reduce_max3A_186 [1] : vector<640x16xf32> to vector<640xf32>
    %broadcast_in_dim3A_188 = vector.shape_cast %reduce_max3A_187 : vector<640xf32> to vector<640x1xf32>
    %sub3A_189 = vector.broadcast %broadcast_in_dim3A_188 : vector<640x1xf32> to vector<640x16xf32>
    %sub3A_190 = arith.subf %slice3A_185, %sub3A_189 : vector<640x16xf32>
    %exp3A_191 = math.exp %sub3A_190 : vector<640x16xf32>
    %sub3A_192 = vector.broadcast %broadcast_in_dim3A_188 : vector<640x1xf32> to vector<640x16xf32>
    %sub3A_193 = arith.subf %slice3A_185, %sub3A_192 : vector<640x16xf32>
    %reduce_sum3A_194 = arith.constant dense<0.000000e+00> : vector<640xf32>
    %reduce_sum3A_195 = vector.multi_reduction <add>, %exp3A_191, %reduce_sum3A_194 [1] : vector<640x16xf32> to vector<640xf32>
    %broadcast_in_dim3A_196 = vector.shape_cast %reduce_sum3A_195 : vector<640xf32> to vector<640x1xf32>
    %log3A_197 = math.log %broadcast_in_dim3A_196 : vector<640x1xf32>
    %sub3A_198 = vector.broadcast %log3A_197 : vector<640x1xf32> to vector<640x16xf32>
    %sub3A_199 = arith.subf %sub3A_193, %sub3A_198 : vector<640x16xf32>
    %slice3A_200 = vector.extract_strided_slice %add3A_26 {offsets = [0, 192], sizes = [640, 16], strides = [1, 1]} : vector<640x256xf32> to vector<640x16xf32>
    %reduce_max3A_201 = arith.constant dense<0xFF800000> : vector<640xf32>
    %reduce_max3A_202 = vector.multi_reduction <maximumf>, %slice3A_200, %reduce_max3A_201 [1] : vector<640x16xf32> to vector<640xf32>
    %broadcast_in_dim3A_203 = vector.shape_cast %reduce_max3A_202 : vector<640xf32> to vector<640x1xf32>
    %sub3A_204 = vector.broadcast %broadcast_in_dim3A_203 : vector<640x1xf32> to vector<640x16xf32>
    %sub3A_205 = arith.subf %slice3A_200, %sub3A_204 : vector<640x16xf32>
    %exp3A_206 = math.exp %sub3A_205 : vector<640x16xf32>
    %sub3A_207 = vector.broadcast %broadcast_in_dim3A_203 : vector<640x1xf32> to vector<640x16xf32>
    %sub3A_208 = arith.subf %slice3A_200, %sub3A_207 : vector<640x16xf32>
    %reduce_sum3A_209 = arith.constant dense<0.000000e+00> : vector<640xf32>
    %reduce_sum3A_210 = vector.multi_reduction <add>, %exp3A_206, %reduce_sum3A_209 [1] : vector<640x16xf32> to vector<640xf32>
    %broadcast_in_dim3A_211 = vector.shape_cast %reduce_sum3A_210 : vector<640xf32> to vector<640x1xf32>
    %log3A_212 = math.log %broadcast_in_dim3A_211 : vector<640x1xf32>
    %sub3A_213 = vector.broadcast %log3A_212 : vector<640x1xf32> to vector<640x16xf32>
    %sub3A_214 = arith.subf %sub3A_208, %sub3A_213 : vector<640x16xf32>
    %slice3A_215 = vector.extract_strided_slice %add3A_26 {offsets = [0, 208], sizes = [640, 16], strides = [1, 1]} : vector<640x256xf32> to vector<640x16xf32>
    %reduce_max3A_216 = arith.constant dense<0xFF800000> : vector<640xf32>
    %reduce_max3A_217 = vector.multi_reduction <maximumf>, %slice3A_215, %reduce_max3A_216 [1] : vector<640x16xf32> to vector<640xf32>
    %broadcast_in_dim3A_218 = vector.shape_cast %reduce_max3A_217 : vector<640xf32> to vector<640x1xf32>
    %sub3A_219 = vector.broadcast %broadcast_in_dim3A_218 : vector<640x1xf32> to vector<640x16xf32>
    %sub3A_220 = arith.subf %slice3A_215, %sub3A_219 : vector<640x16xf32>
    %exp3A_221 = math.exp %sub3A_220 : vector<640x16xf32>
    %sub3A_222 = vector.broadcast %broadcast_in_dim3A_218 : vector<640x1xf32> to vector<640x16xf32>
    %sub3A_223 = arith.subf %slice3A_215, %sub3A_222 : vector<640x16xf32>
    %reduce_sum3A_224 = arith.constant dense<0.000000e+00> : vector<640xf32>
    %reduce_sum3A_225 = vector.multi_reduction <add>, %exp3A_221, %reduce_sum3A_224 [1] : vector<640x16xf32> to vector<640xf32>
    %broadcast_in_dim3A_226 = vector.shape_cast %reduce_sum3A_225 : vector<640xf32> to vector<640x1xf32>
    %log3A_227 = math.log %broadcast_in_dim3A_226 : vector<640x1xf32>
    %sub3A_228 = vector.broadcast %log3A_227 : vector<640x1xf32> to vector<640x16xf32>
    %sub3A_229 = arith.subf %sub3A_223, %sub3A_228 : vector<640x16xf32>
    %slice3A_230 = vector.extract_strided_slice %add3A_26 {offsets = [0, 224], sizes = [640, 16], strides = [1, 1]} : vector<640x256xf32> to vector<640x16xf32>
    %reduce_max3A_231 = arith.constant dense<0xFF800000> : vector<640xf32>
    %reduce_max3A_232 = vector.multi_reduction <maximumf>, %slice3A_230, %reduce_max3A_231 [1] : vector<640x16xf32> to vector<640xf32>
    %broadcast_in_dim3A_233 = vector.shape_cast %reduce_max3A_232 : vector<640xf32> to vector<640x1xf32>
    %sub3A_234 = vector.broadcast %broadcast_in_dim3A_233 : vector<640x1xf32> to vector<640x16xf32>
    %sub3A_235 = arith.subf %slice3A_230, %sub3A_234 : vector<640x16xf32>
    %exp3A_236 = math.exp %sub3A_235 : vector<640x16xf32>
    %sub3A_237 = vector.broadcast %broadcast_in_dim3A_233 : vector<640x1xf32> to vector<640x16xf32>
    %sub3A_238 = arith.subf %slice3A_230, %sub3A_237 : vector<640x16xf32>
    %reduce_sum3A_239 = arith.constant dense<0.000000e+00> : vector<640xf32>
    %reduce_sum3A_240 = vector.multi_reduction <add>, %exp3A_236, %reduce_sum3A_239 [1] : vector<640x16xf32> to vector<640xf32>
    %broadcast_in_dim3A_241 = vector.shape_cast %reduce_sum3A_240 : vector<640xf32> to vector<640x1xf32>
    %log3A_242 = math.log %broadcast_in_dim3A_241 : vector<640x1xf32>
    %sub3A_243 = vector.broadcast %log3A_242 : vector<640x1xf32> to vector<640x16xf32>
    %sub3A_244 = arith.subf %sub3A_238, %sub3A_243 : vector<640x16xf32>
    %slice3A_245 = vector.extract_strided_slice %add3A_26 {offsets = [0, 240], sizes = [640, 16], strides = [1, 1]} : vector<640x256xf32> to vector<640x16xf32>
    %reduce_max3A_246 = arith.constant dense<0xFF800000> : vector<640xf32>
    %reduce_max3A_247 = vector.multi_reduction <maximumf>, %slice3A_245, %reduce_max3A_246 [1] : vector<640x16xf32> to vector<640xf32>
    %broadcast_in_dim3A_248 = vector.shape_cast %reduce_max3A_247 : vector<640xf32> to vector<640x1xf32>
    %sub3A_249 = vector.broadcast %broadcast_in_dim3A_248 : vector<640x1xf32> to vector<640x16xf32>
    %sub3A_250 = arith.subf %slice3A_245, %sub3A_249 : vector<640x16xf32>
    %exp3A_251 = math.exp %sub3A_250 : vector<640x16xf32>
    %sub3A_252 = vector.broadcast %broadcast_in_dim3A_248 : vector<640x1xf32> to vector<640x16xf32>
    %sub3A_253 = arith.subf %slice3A_245, %sub3A_252 : vector<640x16xf32>
    %reduce_sum3A_254 = arith.constant dense<0.000000e+00> : vector<640xf32>
    %reduce_sum3A_255 = vector.multi_reduction <add>, %exp3A_251, %reduce_sum3A_254 [1] : vector<640x16xf32> to vector<640xf32>
    %broadcast_in_dim3A_256 = vector.shape_cast %reduce_sum3A_255 : vector<640xf32> to vector<640x1xf32>
    %log3A_257 = math.log %broadcast_in_dim3A_256 : vector<640x1xf32>
    %sub3A_258 = vector.broadcast %log3A_257 : vector<640x1xf32> to vector<640x16xf32>
    %sub3A_259 = arith.subf %sub3A_253, %sub3A_258 : vector<640x16xf32>
    %concatenate3A = tpu.concatenate %sub3A_34, %sub3A_49, %sub3A_64, %sub3A_79, %sub3A_94, %sub3A_109, %sub3A_124, %sub3A_139, %sub3A_154, %sub3A_169, %sub3A_184, %sub3A_199, %sub3A_214, %sub3A_229, %sub3A_244, %sub3A_259 in 1 : vector<640x16xf32>, vector<640x16xf32>, vector<640x16xf32>, vector<640x16xf32>, vector<640x16xf32>, vector<640x16xf32>, vector<640x16xf32>, vector<640x16xf32>, vector<640x16xf32>, vector<640x16xf32>, vector<640x16xf32>, vector<640x16xf32>, vector<640x16xf32>, vector<640x16xf32>, vector<640x16xf32>, vector<640x16xf32> -> vector<640x256xf32>
    %swap3A = arith.constant 0 : index
    %swap3A_260 = arith.constant 0 : index
    %swap3A_261 = vector.load %arg5[%swap3A, %swap3A_260] : memref<640x256xf32, #tpu.memory_space<vmem>>, vector<640x256xf32>
    tpu.vector_store %arg5[%swap3A, %swap3A_260], %concatenate3A {strides = array<i32>} : memref<640x256xf32, #tpu.memory_space<vmem>>, vector<640x256xf32>,
    return
  }
}

</mosaic_0001>

<sc_bundles>
// kernel: kernel.12.cloned.1.call-start
scs
__scs_entry_jumppad:
0x0: {  	(pc) =	sbr.rel $0x88, $3  }
0x1: {  	(tag) =	ssettag $0x0;
	lr =	simm.s32 $0x1  }
0x2: {  	[smem:$0x3F9B] =	sst lr;
	_ =	strace $0xD0000000  }
0x3: {  	_ = 	snop  }
0x4: {  	_ = 	snop  }
0x5: {  	_ = 	snop  }
0x6: {  	_ = 	snop  }
0x7: {  	_ = 	snop  }
__scs_overlays_trampoline_lowered:
0x8: {  	[smem:$0x3FAA] =	sst s0  }
0x9: {  	[smem:$0x3FAB] =	sst s1  }
0xa: {  	[smem:$0x3FAC] =	sst s2  }
0xb: {  	[smem:$0x3FAD] =	sst s3  }
0xc: {  	[smem:$0x3FAE] =	sst s4  }
0xd: {  	[smem:$0x3FAF] =	sst s5  }
0xe: {  	[smem:$0x3FB0] =	sst s6  }
0xf: {  	[smem:$0x3FB1] =	sst s7  }
0x10: {  	[smem:$0x3FB2] =	sst s8  }
0x11: {  	[smem:$0x3FB3] =	sst s9;
	s0 =	simm.s32 @!p0 $0x0  }
0x12: {  	s1 =	sld [smem:$0x3F99];
	s0 =	simm.s32 @p0 $0x1  }
0x13: {  	[smem:$0x3FB4] =	sst s0;
	s0 =	simm.s32 @!p1 $0x0  }
0x14: {  	s2 =	sld [smem:$0x3F98];
	s0 =	simm.s32 @p1 $0x1  }
0x15: {  	[smem:$0x3FB5] =	sst s0;
	s0 =	simm.s32 @!p2 $0x0  }
0x16: {  	s3 =	sld [smem:$0x3FDB];
	s0 =	simm.s32 @p2 $0x1  }
0x17: {  	s4 =	simm.s32 $0x1BF5;
	[smem:$0x3FB7] =	sst s0  }
0x18: {  	s0 =	sld [smem:$0x3F9A];
	_ =	swait.ge [sflag:s4], $0x0  }
0x19: {  	s7 =	sld [smem:$0x3F9B]  }
0x1a: {  	s8 =	sadd.s32 $0xFFFFE003, lr  }
0x1b: {  	s9 =	sadd.s32 $0xFFFFFEF7, lr;
	s5 =	simm.s32 $0xFFFFFFFF;
	p2 =	slt.u32 s8, $0xFFFFF086  }
0x1c: {  	p1 =	slt.u32 s9, $0xF7A;
	s5 =	simm.s32 @!p2 $0x0  }
0x1d: {  	s5 =	simm.s32 @p1 $0x1;
	p0 =	seq.s32 s7, s2  }
0x1e: {  	s7 =	smul.u32 @!p0 $0xF7A, s2;
	p2 =	seq.s32 @!p0 s5, $0x0  }
0x1f: {  	s9 =	smul.u32 $0xF7A, s1;
	s8 =	simm.s32 @!p0 $0x1BF5;
	p2 =	por !p2, p0  }
0x20: {  	[sflag:s8] =	ssyncset.s32 @!p0 $0xFFFFF086;
	s6 =	sadd.s32 @!p0 s3, s7;
	s7 =	simm.s32 @!p0 $0x108  }
0x21: {  	s3 =	sadd.s32 s3, s9;
	s6 =	sadd.s32 @!p0 $0x88, s6;
	s7 =	simm.s32 @p2 $0x1082  }
0x22: {  	[simem:s7], [sflag:s8] =	dma.local @!p0 [hbm:s6], $0xF7A  }
0x23: {  	s9 =	sor.u32 $0xD0000000, s2;
	s6 =	simm.s32 $0x108;
	_ =	swait.ge @!p0 [sflag:s8], $0x0  }
0x24: {  	s3 =	sadd.s32 $0x88, s3;
	s6 =	simm.s32 @!p1 $0x1082;
	[sflag:s4] =	ssyncset.s32 $0xFFFFF086  }
0x25: {  	[simem:s6], [sflag:s4] =	dma.local [hbm:s3], $0xF7A  }
0x26: {  	[smem:$0x3F9B] =	sst s1;
	(tag) =	ssettag s2;
	_ =	strace s9  }
0x27: {  	s1 =	sld [smem:$0x3FAB]  }
0x28: {  	s2 =	sld [smem:$0x3FAC]  }
0x29: {  	s4 =	sld [smem:$0x3FAE]  }
0x2a: {  	p0 =	seq.s32 s5, $0x0;
	s5 =	sld [smem:$0x3FAF]  }
0x2b: {  	s6 =	sld [smem:$0x3FB0]  }
0x2c: {  	s7 =	sld [smem:$0x3FB1]  }
0x2d: {  	s3 =	simm.s32 $0x108;
	s8 =	sld [smem:$0x3FB2]  }
0x2e: {  	s3 =	simm.s32 @!p0 $0x1082;
	s9 =	sld [smem:$0x3FB3]  }
0x2f: {  	lr =	sadd.s32 s0, s3;
	s0 =	sld [smem:$0x3FAA]  }
0x30: {  	s3 =	sld [smem:$0x3FAD]  }
0x31: {  	[smem:$0x3FB6] =	sst s10  }
0x32: {  	s10 =	sld [smem:$0x3FB4];
	_ =	sdelay $0x3  }
0x33: {  	p0 =	seq.s32 s10, $0x1;
	s10 =	sld [smem:$0x3FB6];
	_ =	sdelay $0x3  }
0x34: {  	[smem:$0x3FB6] =	sst s10  }
0x35: {  	s10 =	sld [smem:$0x3FB5];
	_ =	sdelay $0x3  }
0x36: {  	p1 =	seq.s32 s10, $0x1;
	s10 =	sld [smem:$0x3FB6];
	_ =	sdelay $0x3  }
0x37: {  	[smem:$0x3FB6] =	sst s10  }
0x38: {  	s10 =	sld [smem:$0x3FB7]  }
0x39: {  	_ = 	snop;
	(pc) =	sbr.ind lr, $3  }
0x3a: {  	_ = 	snop  }
0x3b: {  	_ = 	snop  }
0x3c: {  	p2 =	seq.s32 s10, $0x1;
	s10 =	sld [smem:$0x3FB6]  }
0x3d: {  	_ =	shalt  }
0x3e: {  	_ =	shalt  }
0x3f: {  	_ =	shalt  }
0x40: {  	_ =	shalt  }
0x41: {  	_ =	shalt  }
0x42: {  	_ =	shalt  }
0x43: {  	_ =	shalt  }
0x44: {  	_ =	shalt  }
0x45: {  	_ =	shalt  }
0x46: {  	_ =	shalt  }
0x47: {  	_ =	shalt  }
0x48: {  	_ =	shalt  }
0x49: {  	_ =	shalt  }
0x4a: {  	_ =	shalt  }
0x4b: {  	_ =	shalt  }
0x4c: {  	_ =	shalt  }
0x4d: {  	_ =	shalt  }
0x4e: {  	_ =	shalt  }
0x4f: {  	_ =	shalt  }
0x50: {  	_ =	shalt  }
0x51: {  	_ =	shalt  }
0x52: {  	_ =	shalt  }
0x53: {  	_ =	shalt  }
0x54: {  	_ =	shalt  }
0x55: {  	_ =	shalt  }
0x56: {  	_ =	shalt  }
0x57: {  	_ =	shalt  }
0x58: {  	_ =	shalt  }
0x59: {  	_ =	shalt  }
0x5a: {  	_ =	shalt  }
0x5b: {  	_ =	shalt  }
0x5c: {  	_ =	shalt  }
0x5d: {  	_ =	shalt  }
0x5e: {  	_ =	shalt  }
0x5f: {  	_ =	shalt  }
0x60: {  	_ =	shalt  }
0x61: {  	_ =	shalt  }
0x62: {  	_ =	shalt  }
0x63: {  	_ =	shalt  }
0x64: {  	_ =	shalt  }
0x65: {  	_ =	shalt  }
0x66: {  	_ =	shalt  }
0x67: {  	_ =	shalt  }
0x68: {  	_ =	shalt  }
0x69: {  	_ =	shalt  }
0x6a: {  	_ =	shalt  }
0x6b: {  	_ =	shalt  }
0x6c: {  	_ =	shalt  }
0x6d: {  	_ =	shalt  }
0x6e: {  	_ =	shalt  }
0x6f: {  	_ =	shalt  }
0x70: {  	_ =	shalt  }
0x71: {  	_ =	shalt  }
0x72: {  	_ =	shalt  }
0x73: {  	_ =	shalt  }
0x74: {  	_ =	shalt  }
0x75: {  	_ =	shalt  }
0x76: {  	_ =	shalt  }
0x77: {  	_ =	shalt  }
0x78: {  	_ =	shalt  }
0x79: {  	_ =	shalt  }
0x7a: {  	_ =	shalt  }
0x7b: {  	_ =	shalt  }
0x7c: {  	_ =	shalt  }
0x7d: {  	_ =	shalt  }
0x7e: {  	_ =	shalt  }
0x7f: {  	_ =	shalt  }
0x80: {  	_ =	shalt  }
0x81: {  	_ =	shalt  }
0x82: {  	_ =	shalt  }
0x83: {  	_ =	shalt  }
0x84: {  	_ =	shalt  }
0x85: {  	_ =	shalt  }
0x86: {  	_ =	shalt  }
0x87: {  	_ =	shalt  }
.Lfunc_end0:
.L_simem_size_0:
called_computation.1_lowered:
.L_overlay_start_0:
0x88: {  	s2 =	sld [smem:$0x3FD9]  }
0x89: {  	s3 =	sld [smem:$0x3FFE];
	_ =	sdelay $0x1  }
0x8a: {  	s1 =	srdreg.scid  }
0x8b: {  	s0 =	sand.u32 $0x1, s1  }
0x8c: {  	s17 =	sshll.u32 s0, $0xA;
	s2 =	sadd.s32 s3, s2  }
0x8d: {  	s2 =	sadd.s32 s2, s17  }
0x8e: {  	[smem:$0x3FC2] =	sst s2  }
0x8f: {  	_ = 	snop  }
0x90: {  	s2 =	sld [smem:$0x3FD0];
	(tm) =	ssettm $0x1  }
0x91: {  	s18 =	sld [smem:$0x3FFB];
	_ =	sdelay $0x3  }
0x92: {  	_ =	strace s18  }
0x93: {  	s3 =	sld [smem:$0x3FFC];
	_ =	sdelay $0x3  }
0x94: {  	_ =	strace s3  }
0x95: {  	s3 =	sld [smem:$0x3FFD];
	_ =	sdelay $0x3  }
0x96: {  	_ =	strace s3  }
0x97: {  	_ =	strace $0x8FFFFFFF  }
0x98: {  	s19 =	sld [smem:$0x3FDB];
	_ =	sdelay $0x1  }
0x99: {  	s4 =	simm.s32 $_scs_section_size  }
0x9a: {  	s5 =	simm.s32 $_size__tile_overlayer_lowered;
	s6 =	simm.s32 $_tile_overlayer_lowered  }
0x9b: {  	s22 =	simm.s32 $0x1BFF;
	s21 =	sshll.u32 s6, $0x1;
	s3 =	sadd.s32 s4, s19  }
0x9c: {  	s7 =	simm.s32 $0x0;
	s20 =	sshll.u32 s5, $0x1;
	s5 =	sadd.s32 s21, s3  }
0x9d: {  	[timem:s7], [sflag:s22] =	dma.local [hbm:s5], s20  }
0x9e: {  	_ =	swait.ge [sflag:s22], s20  }
0x9f: {  	s4 =	ssub.s32 $0x0, s20;
	[sflag:s22] =	ssyncset.done $0x0  }
0xa0: {  	[sflag:s22] =	ssyncadd.s32 s4;
	_ =	sdelay $0x1  }
0xa1: {  	s23 =	simm.s32 $0x1B8B  }
0xa2: {  	_ =	swait.ge [sflag:s23], $0x1  }
0xa3: {  	[sflag:s23] =	ssyncset.done $0x0  }
0xa4: {  	s25 =	simm.s32 $0x1B8E;
	s24 =	sld [smem:$0x3FFE];
	[sflag:s23] =	ssyncadd.s32 $0xFFFFFFFF  }
0xa5: {  	s26 =	simm.s32 $execute0_lowered;
	[smem:$0x3FD2] =	sst s25  }
0xa6: {  	s5 =	sshll.u32 s26, $0x1;
	_ =	strace $0x80000049;
	[dreg:$0x1] =	wrdreg $0xFFFFFFFF  }
0xa7: {  	s28 =	simm.s32 $_size_execute0_lowered;
	s3 =	sadd.s32 s3, s5;
	[dreg:$0x0] =	wrdreg $0x0  }
0xa8: {  	s5 =	sshll.u32 s28, $0x1;
	[dreg:$0x2] =	wrdreg s3  }
0xa9: {  	[dreg:$0x3] =	wrdreg s5  }
0xaa: {  	[dreg:$0x4] =	wrdreg $0xC0  }
0xab: {  	_ =	task [dreg:s7], $0x5FFFF  }
0xac: {  	[dreg:$0x1] =	wrdreg $0xFFFFFFFF  }
0xad: {  	[dreg:$0x0] =	wrdreg $0x60  }
0xae: {  	[dreg:$0x2] =	wrdreg s24  }
0xaf: {  	[dreg:$0x3] =	wrdreg s2  }
0xb0: {  	[dreg:$0x4] =	wrdreg $0x9F100  }
0xb1: {  	[dreg:$0x5] =	wrdreg $0x8B100  }
0xb2: {  	[dreg:$0x6] =	wrdreg $0x9  }
0xb3: {  	_ =	task.clear_ibuf [dreg:s7], $0x7FFFF;
	_ =	strace $0x90000049  }
0xb4: {  	s29 =	simm.s32 $0x9;
	_ =	strace $0x8000004B  }
0xb5: {  	_ =	swait.ge [sflag:s29], $0x1  }
0xb6: {  	[sflag:s29] =	ssyncadd.s32 $0xFFFFFFFF  }
0xb7: {  	_ =	strace $0x9000004B  }
0xb8: {  	_ =	sfence  }
0xb9: {  	s30 =	sld [smem:$0x0];
	_ =	sdelay $0x2  }
0xba: {  	s31 =	sshll.u32 s1, $0xD;
	s1 =	sshrl.u32 s1, $0x2  }
0xbb: {  	s3 =	sand.u32 $0x4000, s31;
	s1 =	sadd.s32 s1, s30  }
0xbc: {  	s0 =	sor.u32 s3, s0;
	s1 =	sshll.u32 s1, $0x11  }
0xbd: {  	s0 =	sor.u32 s1, s0  }
0xbe: {  	s0 =	sadd.s32 $0x8F2B, s0  }
0xbf: {  	[sflag:s0] =	ssyncadd.remote.s32 $0x1  }
0xc0: {  	_ =	sfence.sel $0xFFFF  }
0xc1: {  	[dreg:$0x0] =	wrdreg $0xFFFFFFFF;
	(pc) =	sbr.abs _section_cstart, $3  }
0xc2: {  	[dreg:$0x1] =	wrdreg $0xFFFFFFFF  }
0xc3: {  	_ =	task.clear_ibuf [dreg:s7], $0x2FFFF;
	_ =	strace $0x9FFFFFFF  }
0xc4: {  	(tm) =	ssettm $0x7FFFFFFF  }
0xc5: {  	_ =	shalt  }
tec
execute0_lowered:
.L_overlay_start_1:
0x0: {  	(tag) =	ssettag $0x1  }
0x1: {  	s0 =	rddreg [dreg:$0x0]  }
0x2: {  	s3 =	rddreg [dreg:$0x1]  }
0x3: {  	s1 =	rddreg [dreg:$0x2]  }
0x4: {  	s2 =	rddreg [dreg:$0x3];
	s4 =	srdreg.scid  }
0x5: {  	s6 =	simm.s32 $0x0;
	s8 =	stileid.u32;
	s13 =	simm.s32 $0x16  }
0x6: {  	s15 =	simm.s32 $0x15;
	s16 =	simm.s32 $0x7D;
	s17 =	simm.s32 $0x5000  }
0x7: {  	s29 =	simm.s32 $0x6388;
	s31 =	simm.s32 $0x6770;
	s14 =	simm.s32 $0x6F40  }
0x8: {  	s28 =	simm.s32 $0x3;
	s30 =	simm.s32 $0x4;
	s11 =	simm.s32 $0x6  }
0x9: {  	s18 =	simm.s32 $0x7;
	s12 =	simm.s32 $0x0;
	s19 =	smul.u32 $0x2800, s8  }
0xa: {  	s4 =	sand.u32 $0x1, s4;
	[smem:$0x7FF] =	sst s6;
	s9 =	smul.u32 $0x1400, s8  }
0xb: {  	s24 =	sshll.u32 s8, $0x6;
	s6 =	simm.s32 $0xA;
	s5 =	smul.u32 $0x28000, s4  }
0xc: {  	_ =	strace $0x8000004A;
	s20 =	smul.u32 $0x2800, s4;
	s4 =	ssub.s32 $0x2, s4  }
0xd: {  	s10 =	sor.u32 $0x1C16, s24;
	s7 =	sshrl.u32 s4, $0x1;
	s22 =	sshrl.u32 s9, $0x3  }
0xe: {  	s23 =	sadd.s32 s9, s1;
	s9 =	sadd.s32 s9, s2;
	[dreg:$0x8] =	wrdreg s10  }
0xf: {  	s5 =	sadd.s32 s19, s5;
	s4 =	ssub.s32 s4, s7;
	s3 =	sadd.s32 s3, s22  }
0x10: {  	s26 =	sshrl.u32 s23, $0x3;
	s19 =	simm.s32 $0x53E8;
	[dreg:$0x9] =	wrdreg s9  }
0x11: {  	s23 =	simm.s32 $0x5BB8;
	s5 =	sshrl.u32 s5, $0x3;
	[dreg:$0x7] =	wrdreg s3  }
0x12: {  	s25 =	smax.u32 s4, $0x1;
	[dreg:$0xb] =	wrdreg s26;
	s26 =	simm.s32 $0x5FA0  }
0x13: {  	s3 =	simm.s32 $0x6B58;
	s4 =	simm.s32 $0x8;
	s5 =	sadd.s32 s5, s0  }
0x14: {  	s0 =	sadd.s32 s20, s0;
	[dreg:$0xa] =	wrdreg s25;
	s21 =	sadd.s32 $0x11200, s5  }
0x15: {  	s20 =	simm.s32 $0x7328;
	s5 =	sadd.s32 $0x2200, s5;
	[dreg:$0x5] =	wrdreg s21  }
0x16: {  	s25 =	simm.s32 $0x2;
	s0 =	sadd.s32 $0xC200, s0;
	[dreg:$0x6] =	wrdreg s5  }
0x17: {  	s21 =	simm.s32 $0x57D0;
	s0 =	sadd.s32 s22, s0;
	s22 =	simm.s32 $0x1  }
0x18: {  	v0 =	vimm.f32 $0.0e+00;
	s5 =	simm.s32 $0x9;
	[dreg:$0xc] =	wrdreg s0;
	s0 =	simm.s32 $0x5  }
.LBB2_1:
0x19: {  	s7 =	simm.s32 $0x0;
	s8 =	rddreg [dreg:$0x5]  }
0x1a: {  	[tilespmem:s7], [sflag:$0x15] =	stream.linear.gather [hbm4b:s8+s7], $0x2800, $0x38;
	[tilespmem:$0xB310] =	vst v63  }
0x1b: {  	s24 =	simm.s32 $0x2800;
	s8 =	rddreg [dreg:$0x6]  }
0x1c: {  	[tilespmem:s24], [sflag:$0x15] =	stream.linear.gather [hbm4b:s8+s7], $0x2800, $0x38;
	[tilespmem:$0xB310] =	vst v63  }
0x1d: {  	s8 =	rddreg [dreg:$0x7]  }
0x1e: {  	s24 =	rddreg [dreg:$0xb]  }
0x1f: {  	[spmem:s24], [sflag:s10] =	dma.local [hbm:s8], $0x280  }
0x20: {  	_ =	swait.ge [sflag:s13], $0x280  }
0x21: {  	[sflag:s13] =	ssyncset.done $0x0  }
0x22: {  	s7 =	simm.s32 $0x20;
	s10 =	simm.s32 $0x0;
	[sflag:s13] =	ssyncadd.s32 $0xFFFFFD80  }
.LBB2_2:
0x23: {  	p0 =	sne.s32 s7, $0x4FE0;
	[tilespmem:s10+$0x7710] =	vst.msk $0xff, v0;
	s10 =	smov.u32 s7;
	s7 =	sadd.s32 $0x20, s7  }
.Ltmp0:
0x24: {  	(pc) =	sbr.rel @p0 .LBB2_2-.Ltmp0, $2  }
0x25: {  	_ =	sdelay $0x2  }
0x26: {  	s10 =	sshra.s32 s10, $0x2  }
0x27: {  	[tilespmem:s10+$0x7710] =	vst.msk $0xff, v0;
	s7 =	simm.s32 $0x7710  }
0x28: {  	[spmem:s9] =	stream.linear.scatter [tilespmem:s7], [sflag:$0x16], $0x1400, $0x38;
	[tilespmem:$0xB310] =	vst v63  }
0x29: {  	_ =	swait.ge [sflag:s13], $0x1400  }
0x2a: {  	[sflag:s13] =	ssyncset.done $0x0  }
0x2b: {  	[sflag:s13] =	ssyncadd.s32 $0xFFFFEC00  }
0x2c: {  	_ =	swait.ge [sflag:s15], $0x2800  }
0x2d: {  	[sflag:s15] =	ssyncset.done $0x0  }
0x2e: {  	[sflag:s15] =	ssyncadd.s32 $0xFFFFD800  }
0x2f: {  	_ =	swait.ge [sflag:s15], $0x2800  }
0x30: {  	[sflag:s15] =	ssyncset.done $0x0  }
0x31: {  	[sflag:s15] =	ssyncadd.s32 $0xFFFFD800  }
0x32: {  	s24 =	simm.s32 $0x0;
	[bflag:$0x0] =	sbarrier.arrive $0xFFFF  }
0x33: {  	[tilespmem:s17], [sflag:$0x1] =	stream.indirect.gather [spmem:s1], $0x8, s24, s16, $0xb8;
	[tilespmem:$0xB310] =	vst v63  }
0x34: {  	s8 =	simm.s32 $0x80  }
0x35: {  	[tilespmem:s19], [sflag:$0x2] =	stream.indirect.gather [spmem:s1], $0x8, s8, s16, $0xb8;
	[tilespmem:$0xB310] =	vst v63  }
0x36: {  	s9 =	simm.s32 $0x100  }
0x37: {  	[tilespmem:s21], [sflag:$0x3] =	stream.indirect.gather [spmem:s1], $0x8, s9, s16, $0xb8;
	[tilespmem:$0xB310] =	vst v63  }
0x38: {  	s10 =	simm.s32 $0x180  }
0x39: {  	[tilespmem:s23], [sflag:$0x4] =	stream.indirect.gather [spmem:s1], $0x8, s10, s16, $0xb8;
	[tilespmem:$0xB310] =	vst v63  }
0x3a: {  	s8 =	simm.s32 $0x200  }
0x3b: {  	[tilespmem:s26], [sflag:$0x5] =	stream.indirect.gather [spmem:s1], $0x8, s8, s16, $0xb8;
	[tilespmem:$0xB310] =	vst v63  }
0x3c: {  	s9 =	simm.s32 $0x280  }
0x3d: {  	[tilespmem:s29], [sflag:$0x6] =	stream.indirect.gather [spmem:s1], $0x8, s9, s16, $0xb8;
	[tilespmem:$0xB310] =	vst v63  }
0x3e: {  	s10 =	simm.s32 $0x300  }
0x3f: {  	[tilespmem:s31], [sflag:$0x7] =	stream.indirect.gather [spmem:s1], $0x8, s10, s16, $0xb8;
	[tilespmem:$0xB310] =	vst v63  }
0x40: {  	s8 =	simm.s32 $0x380  }
0x41: {  	[tilespmem:s3], [sflag:$0x8] =	stream.indirect.gather [spmem:s1], $0x8, s8, s16, $0xb8;
	[tilespmem:$0xB310] =	vst v63  }
0x42: {  	s9 =	simm.s32 $0x400  }
0x43: {  	[tilespmem:s14], [sflag:$0x9] =	stream.indirect.gather [spmem:s1], $0x8, s9, s16, $0xb8;
	[tilespmem:$0xB310] =	vst v63  }
0x44: {  	s10 =	simm.s32 $0x480  }
0x45: {  	[tilespmem:s20], [sflag:$0xA] =	stream.indirect.gather [spmem:s1], $0x8, s10, s16, $0xb8;
	[tilespmem:$0xB310] =	vst v63  }
.LBB2_4:
0x46: {  	_ =	swait.ge [sflag:s22], $0x3E8  }
0x47: {  	s7 =	sshra.s32 s24, $0x2;
	[sflag:s22] =	ssyncset.done $0x0  }
0x48: {  	s10 =	sadd.s32 $0x2800, s7;
	[sflag:s22] =	ssyncadd.s32 $0xFFFFFC18  }
0x49: {  	[spmem:s2] =	stream.indirect.scatter.add.f32 [tilespmem:s17], [sflag:$0xB], $0x8, s10, s16, $0xb8;
	[tilespmem:$0xB310] =	vst v63  }
0x4a: {  	_ =	swait.ge [sflag:s25], $0x3E8  }
0x4b: {  	[sflag:s25] =	ssyncset.done $0x0  }
0x4c: {  	s8 =	sadd.s32 $0x2880, s7;
	[sflag:s25] =	ssyncadd.s32 $0xFFFFFC18  }
0x4d: {  	[spmem:s2] =	stream.indirect.scatter.add.f32 [tilespmem:s19], [sflag:$0xC], $0x8, s8, s16, $0xb8;
	[tilespmem:$0xB310] =	vst v63  }
0x4e: {  	_ =	swait.ge [sflag:s28], $0x3E8  }
0x4f: {  	[sflag:s28] =	ssyncset.done $0x0  }
0x50: {  	s9 =	sadd.s32 $0x2900, s7;
	[sflag:s28] =	ssyncadd.s32 $0xFFFFFC18  }
0x51: {  	[spmem:s2] =	stream.indirect.scatter.add.f32 [tilespmem:s21], [sflag:$0xD], $0x8, s9, s16, $0xb8;
	[tilespmem:$0xB310] =	vst v63  }
0x52: {  	_ =	swait.ge [sflag:s30], $0x3E8  }
0x53: {  	[sflag:s30] =	ssyncset.done $0x0  }
0x54: {  	s8 =	sadd.s32 $0x2980, s7;
	[sflag:s30] =	ssyncadd.s32 $0xFFFFFC18  }
0x55: {  	[spmem:s2] =	stream.indirect.scatter.add.f32 [tilespmem:s23], [sflag:$0xE], $0x8, s8, s16, $0xb8;
	[tilespmem:$0xB310] =	vst v63  }
0x56: {  	_ =	swait.ge [sflag:s0], $0x3E8  }
0x57: {  	[sflag:s0] =	ssyncset.done $0x0  }
0x58: {  	s9 =	sadd.s32 $0x2A00, s7;
	[sflag:s0] =	ssyncadd.s32 $0xFFFFFC18  }
0x59: {  	[spmem:s2] =	stream.indirect.scatter.add.f32 [tilespmem:s26], [sflag:$0xF], $0x8, s9, s16, $0xb8;
	[tilespmem:$0xB310] =	vst v63  }
0x5a: {  	_ =	swait.ge [sflag:s11], $0x3E8  }
0x5b: {  	[sflag:s11] =	ssyncset.done $0x0  }
0x5c: {  	s8 =	sadd.s32 $0x2A80, s7;
	[sflag:s11] =	ssyncadd.s32 $0xFFFFFC18  }
0x5d: {  	[spmem:s2] =	stream.indirect.scatter.add.f32 [tilespmem:s29], [sflag:$0x10], $0x8, s8, s16, $0xb8;
	[tilespmem:$0xB310] =	vst v63  }
0x5e: {  	_ =	swait.ge [sflag:s18], $0x3E8  }
0x5f: {  	[sflag:s18] =	ssyncset.done $0x0  }
0x60: {  	s9 =	sadd.s32 $0x2B00, s7;
	[sflag:s18] =	ssyncadd.s32 $0xFFFFFC18  }
0x61: {  	[spmem:s2] =	stream.indirect.scatter.add.f32 [tilespmem:s31], [sflag:$0x11], $0x8, s9, s16, $0xb8;
	[tilespmem:$0xB310] =	vst v63  }
0x62: {  	_ =	swait.ge [sflag:s4], $0x3E8  }
0x63: {  	[sflag:s4] =	ssyncset.done $0x0  }
0x64: {  	s8 =	sadd.s32 $0x2B80, s7;
	[sflag:s4] =	ssyncadd.s32 $0xFFFFFC18  }
0x65: {  	[spmem:s2] =	stream.indirect.scatter.add.f32 [tilespmem:s3], [sflag:$0x12], $0x8, s8, s16, $0xb8;
	[tilespmem:$0xB310] =	vst v63  }
0x66: {  	_ =	swait.ge [sflag:s5], $0x3E8  }
0x67: {  	[sflag:s5] =	ssyncset.done $0x0  }
0x68: {  	s9 =	sadd.s32 $0x2C00, s7;
	[sflag:s5] =	ssyncadd.s32 $0xFFFFFC18  }
0x69: {  	[spmem:s2] =	stream.indirect.scatter.add.f32 [tilespmem:s14], [sflag:$0x13], $0x8, s9, s16, $0xb8;
	[tilespmem:$0xB310] =	vst v63  }
0x6a: {  	_ =	swait.ge [sflag:s6], $0x3E8  }
0x6b: {  	[sflag:s6] =	ssyncset.done $0x0  }
0x6c: {  	p0 =	seq.s32 s24, $0x8C00;
	s7 =	sadd.s32 $0x2C80, s7;
	[sflag:s6] =	ssyncadd.s32 $0xFFFFFC18  }
0x6d: {  	[spmem:s2] =	stream.indirect.scatter.add.f32 [tilespmem:s20], [sflag:$0x14], $0x8, s7, s16, $0xb8;
	[tilespmem:$0xB310] =	vst v63  }
0x6e: {  	s7 =	simm.s32 @!p0 $0xB  }
0x6f: {  	_ =	swait.ge @!p0 [sflag:s7], $0x3E8  }
0x70: {  	[sflag:s7] =	ssyncset.done @!p0 $0x0  }
0x71: {  	[sflag:s7] =	ssyncadd.s32 @!p0 $0xFFFFFC18;
	s7 =	sshra.s32 @!p0 s24, $0x2  }
0x72: {  	s10 =	simm.s32 @!p0 $0x7D;
	s9 =	simm.s32 @!p0 $0x5000;
	s8 =	sadd.s32 @!p0 $0x500, s7  }
0x73: {  	[tilespmem:s9], [sflag:$0x1] =	stream.indirect.gather @!p0 [spmem:s1], $0x8, s8, s10, $0xb8;
	[tilespmem:$0xB310] =	vst v63  }
0x74: {  	s8 =	simm.s32 @!p0 $0xC  }
0x75: {  	_ =	swait.ge @!p0 [sflag:s8], $0x3E8  }
0x76: {  	[sflag:s8] =	ssyncset.done @!p0 $0x0  }
0x77: {  	s9 =	simm.s32 @!p0 $0x53E8;
	[sflag:s8] =	ssyncadd.s32 @!p0 $0xFFFFFC18;
	s8 =	sadd.s32 @!p0 $0x580, s7  }
0x78: {  	[tilespmem:s9], [sflag:$0x2] =	stream.indirect.gather @!p0 [spmem:s1], $0x8, s8, s10, $0xb8;
	[tilespmem:$0xB310] =	vst v63  }
0x79: {  	s8 =	simm.s32 @!p0 $0xD  }
0x7a: {  	_ =	swait.ge @!p0 [sflag:s8], $0x3E8  }
0x7b: {  	[sflag:s8] =	ssyncset.done @!p0 $0x0  }
0x7c: {  	s9 =	simm.s32 @!p0 $0x57D0;
	[sflag:s8] =	ssyncadd.s32 @!p0 $0xFFFFFC18;
	s8 =	sadd.s32 @!p0 $0x600, s7  }
0x7d: {  	[tilespmem:s9], [sflag:$0x3] =	stream.indirect.gather @!p0 [spmem:s1], $0x8, s8, s10, $0xb8;
	[tilespmem:$0xB310] =	vst v63  }
0x7e: {  	s8 =	simm.s32 @!p0 $0xE  }
0x7f: {  	_ =	swait.ge @!p0 [sflag:s8], $0x3E8  }
0x80: {  	[sflag:s8] =	ssyncset.done @!p0 $0x0  }
0x81: {  	s9 =	simm.s32 @!p0 $0x5BB8;
	[sflag:s8] =	ssyncadd.s32 @!p0 $0xFFFFFC18;
	s8 =	sadd.s32 @!p0 $0x680, s7  }
0x82: {  	[tilespmem:s9], [sflag:$0x4] =	stream.indirect.gather @!p0 [spmem:s1], $0x8, s8, s10, $0xb8;
	[tilespmem:$0xB310] =	vst v63  }
0x83: {  	s8 =	simm.s32 @!p0 $0xF  }
0x84: {  	_ =	swait.ge @!p0 [sflag:s8], $0x3E8  }
0x85: {  	[sflag:s8] =	ssyncset.done @!p0 $0x0  }
0x86: {  	s9 =	simm.s32 @!p0 $0x5FA0;
	[sflag:s8] =	ssyncadd.s32 @!p0 $0xFFFFFC18;
	s8 =	sadd.s32 @!p0 $0x700, s7  }
0x87: {  	[tilespmem:s9], [sflag:$0x5] =	stream.indirect.gather @!p0 [spmem:s1], $0x8, s8, s10, $0xb8;
	[tilespmem:$0xB310] =	vst v63  }
0x88: {  	s8 =	simm.s32 @!p0 $0x10  }
0x89: {  	_ =	swait.ge @!p0 [sflag:s8], $0x3E8  }
0x8a: {  	[sflag:s8] =	ssyncset.done @!p0 $0x0  }
0x8b: {  	s9 =	simm.s32 @!p0 $0x6388;
	[sflag:s8] =	ssyncadd.s32 @!p0 $0xFFFFFC18;
	s8 =	sadd.s32 @!p0 $0x780, s7  }
0x8c: {  	[tilespmem:s9], [sflag:$0x6] =	stream.indirect.gather @!p0 [spmem:s1], $0x8, s8, s10, $0xb8;
	[tilespmem:$0xB310] =	vst v63  }
0x8d: {  	s8 =	simm.s32 @!p0 $0x11  }
0x8e: {  	_ =	swait.ge @!p0 [sflag:s8], $0x3E8  }
0x8f: {  	[sflag:s8] =	ssyncset.done @!p0 $0x0  }
0x90: {  	s9 =	simm.s32 @!p0 $0x6770;
	[sflag:s8] =	ssyncadd.s32 @!p0 $0xFFFFFC18;
	s8 =	sadd.s32 @!p0 $0x800, s7  }
0x91: {  	[tilespmem:s9], [sflag:$0x7] =	stream.indirect.gather @!p0 [spmem:s1], $0x8, s8, s10, $0xb8;
	[tilespmem:$0xB310] =	vst v63  }
0x92: {  	s8 =	simm.s32 @!p0 $0x12  }
0x93: {  	_ =	swait.ge @!p0 [sflag:s8], $0x3E8  }
0x94: {  	[sflag:s8] =	ssyncset.done @!p0 $0x0  }
0x95: {  	s9 =	simm.s32 @!p0 $0x6B58;
	[sflag:s8] =	ssyncadd.s32 @!p0 $0xFFFFFC18;
	s8 =	sadd.s32 @!p0 $0x880, s7  }
0x96: {  	[tilespmem:s9], [sflag:$0x8] =	stream.indirect.gather @!p0 [spmem:s1], $0x8, s8, s10, $0xb8;
	[tilespmem:$0xB310] =	vst v63  }
0x97: {  	s8 =	simm.s32 @!p0 $0x13  }
0x98: {  	_ =	swait.ge @!p0 [sflag:s8], $0x3E8  }
0x99: {  	[sflag:s8] =	ssyncset.done @!p0 $0x0  }
0x9a: {  	s9 =	simm.s32 @!p0 $0x6F40;
	[sflag:s8] =	ssyncadd.s32 @!p0 $0xFFFFFC18;
	s8 =	sadd.s32 @!p0 $0x900, s7  }
0x9b: {  	[tilespmem:s9], [sflag:$0x9] =	stream.indirect.gather @!p0 [spmem:s1], $0x8, s8, s10, $0xb8;
	[tilespmem:$0xB310] =	vst v63  }
0x9c: {  	s8 =	simm.s32 @!p0 $0x14  }
0x9d: {  	s24 =	sadd.s32 @!p0 $0x1400, s24;
	_ =	swait.ge @!p0 [sflag:s8], $0x3E8  }
0x9e: {  	p1 =	sne.s32 @!p0 s24, $0xA000;
	[sflag:s8] =	ssyncset.done @!p0 $0x0  }
0x9f: {  	s7 =	sadd.s32 @!p0 $0x980, s7;
	[sflag:s8] =	ssyncadd.s32 @!p0 $0xFFFFFC18;
	s8 =	simm.s32 @!p0 $0x7328  }
0xa0: {  	[tilespmem:s8], [sflag:$0xA] =	stream.indirect.gather @!p0 [spmem:s1], $0x8, s7, s10, $0xb8;
	[tilespmem:$0xB310] =	vst v63  }
0xa1: {  	p0 =	por p0, !p1  }
.Ltmp1:
0xa2: {  	_ = 	snop;
	(pc) =	sbr.rel @!p0 .LBB2_4-.Ltmp1, $1  }
0xa3: {  	_ =	sdelay $0x3  }
0xa4: {  	s7 =	simm.s32 $0xB  }
0xa5: {  	_ =	swait.ge [sflag:s7], $0x3E8  }
0xa6: {  	[sflag:s7] =	ssyncset.done $0x0  }
0xa7: {  	s10 =	simm.s32 $0xC;
	[sflag:s7] =	ssyncadd.s32 $0xFFFFFC18  }
0xa8: {  	_ =	swait.ge [sflag:s10], $0x3E8  }
0xa9: {  	[sflag:s10] =	ssyncset.done $0x0  }
0xaa: {  	s24 =	simm.s32 $0xD;
	[sflag:s10] =	ssyncadd.s32 $0xFFFFFC18  }
0xab: {  	_ =	swait.ge [sflag:s24], $0x3E8  }
0xac: {  	[sflag:s24] =	ssyncset.done $0x0  }
0xad: {  	s8 =	simm.s32 $0xE;
	[sflag:s24] =	ssyncadd.s32 $0xFFFFFC18  }
0xae: {  	_ =	swait.ge [sflag:s8], $0x3E8  }
0xaf: {  	[sflag:s8] =	ssyncset.done $0x0  }
0xb0: {  	s9 =	simm.s32 $0xF;
	[sflag:s8] =	ssyncadd.s32 $0xFFFFFC18  }
0xb1: {  	_ =	swait.ge [sflag:s9], $0x3E8  }
0xb2: {  	[sflag:s9] =	ssyncset.done $0x0  }
0xb3: {  	s10 =	simm.s32 $0x10;
	[sflag:s9] =	ssyncadd.s32 $0xFFFFFC18  }
0xb4: {  	_ =	swait.ge [sflag:s10], $0x3E8  }
0xb5: {  	[sflag:s10] =	ssyncset.done $0x0  }
0xb6: {  	s24 =	simm.s32 $0x11;
	[sflag:s10] =	ssyncadd.s32 $0xFFFFFC18  }
0xb7: {  	_ =	swait.ge [sflag:s24], $0x3E8  }
0xb8: {  	[sflag:s24] =	ssyncset.done $0x0  }
0xb9: {  	s8 =	simm.s32 $0x12;
	[sflag:s24] =	ssyncadd.s32 $0xFFFFFC18  }
0xba: {  	_ =	swait.ge [sflag:s8], $0x3E8  }
0xbb: {  	[sflag:s8] =	ssyncset.done $0x0  }
0xbc: {  	s9 =	simm.s32 $0x13;
	[sflag:s8] =	ssyncadd.s32 $0xFFFFFC18  }
0xbd: {  	_ =	swait.ge [sflag:s9], $0x3E8  }
0xbe: {  	[sflag:s9] =	ssyncset.done $0x0  }
0xbf: {  	s10 =	simm.s32 $0x14;
	[sflag:s9] =	ssyncadd.s32 $0xFFFFFC18  }
0xc0: {  	_ =	swait.ge [sflag:s10], $0x3E8  }
0xc1: {  	[sflag:s10] =	ssyncset.done $0x0  }
0xc2: {  	[sflag:s10] =	ssyncadd.s32 $0xFFFFFC18  }
0xc3: {  	[bflag:$0x0] =	sbarrier.arrive $0xFFFF  }
0xc4: {  	s9 =	rddreg [dreg:$0x9]  }
0xc5: {  	s10 =	rddreg [dreg:$0x8]  }
0xc6: {  	s8 =	rddreg [dreg:$0xc];
	s24 =	sshrl.u32 s9, $0x3  }
0xc7: {  	[hbm:s8], [sflag:s10] =	dma.local [spmem:s24], $0x280  }
0xc8: {  	_ =	swait.ge [sflag:s13], $0x280  }
0xc9: {  	s12 =	sadd.s32 $0x1, s12;
	s24 =	rddreg [dreg:$0xa]  }
0xca: {  	p0 =	sne.s32 s12, s24  }
.Ltmp2:
0xcb: {  	_ = 	snop;
	(pc) =	sbr.rel @p0 .LBB2_1-.Ltmp2, $3  }
0xcc: {  	_ =	sdelay $0x1  }
0xcd: {  	[sflag:s13] =	ssyncset.done $0x0  }
0xce: {  	[sflag:s13] =	ssyncadd.s32 $0xFFFFFD80  }
0xcf: {  	_ =	sfence.sel $0x180000  }
0xd0: {  	[bflag:$0x0] =	sbarrier.arrive $0xFFFF  }
0xd1: {  	_ =	strace $0x9000004A  }
0xd2: {  	s0 =	stileid.u32;
	[bflag:$0x2] =	sbarrier.arrive $0xFFFF  }
0xd3: {  	p0 =	sne.s32 s0, $0x0;
	s0 =	rddreg [dreg:$0x4]  }
0xd4: {  	s0 =	sadd.s32 @!p0 $0x100000, s0  }
0xd5: {  	[sflag:s0] =	ssyncadd.tile.s32 @!p0 $0x1;
	_ =	shalt  }
.Lfunc_end2:
_tile_overlayer_lowered:
.L_overlay_start_2:
0xd6: {  	(tag) =	ssettag $0x2  }
0xd7: {  	s0 =	rddreg [dreg:$0x0];
	s2 =	stileid.u32  }
0xd8: {  	s1 =	rddreg [dreg:$0x1];
	p0 =	sne.s32 s2, $0x0  }
0xd9: {  	s3 =	rddreg [dreg:$0x2];
	[bflag:$0x3] =	sbarrier.arrive $0xFFFF;
	s2 =	simm.s32 @!p0 $0x1C16  }
0xda: {  	[timem:s3], [sflag:s2] =	dma.local @!p0 [hbm:s0], s1  }
0xdb: {  	s0 =	simm.s32 @!p0 $0x16  }
0xdc: {  	_ =	swait.ge @!p0 [sflag:s0], s1  }
0xdd: {  	s1 =	ssub.s32 @!p0 $0x0, s1;
	[sflag:s0] =	ssyncset.done @!p0 $0x0  }
0xde: {  	[sflag:s0] =	ssyncadd.s32 @!p0 s1  }
0xdf: {  	[bflag:$0x3] =	sbarrier.arrive $0xFFFF  }
0xe0: {  	_ =	shalt  }

// kernel: kernel.15.cloned.1.call-start
scs
__scs_entry_jumppad:
0x0: {  	(pc) =	sbr.rel $0x88, $3  }
0x1: {  	(tag) =	ssettag $0x0;
	lr =	simm.s32 $0x1  }
0x2: {  	[smem:$0x3F9B] =	sst lr;
	_ =	strace $0xD0000000  }
0x3: {  	_ = 	snop  }
0x4: {  	_ = 	snop  }
0x5: {  	_ = 	snop  }
0x6: {  	_ = 	snop  }
0x7: {  	_ = 	snop  }
__scs_overlays_trampoline_lowered:
0x8: {  	[smem:$0x3FAA] =	sst s0  }
0x9: {  	[smem:$0x3FAB] =	sst s1  }
0xa: {  	[smem:$0x3FAC] =	sst s2  }
0xb: {  	[smem:$0x3FAD] =	sst s3  }
0xc: {  	[smem:$0x3FAE] =	sst s4  }
0xd: {  	[smem:$0x3FAF] =	sst s5  }
0xe: {  	[smem:$0x3FB0] =	sst s6  }
0xf: {  	[smem:$0x3FB1] =	sst s7  }
0x10: {  	[smem:$0x3FB2] =	sst s8  }
0x11: {  	[smem:$0x3FB3] =	sst s9;
	s0 =	simm.s32 @!p0 $0x0  }
0x12: {  	s1 =	sld [smem:$0x3F99];
	s0 =	simm.s32 @p0 $0x1  }
0x13: {  	[smem:$0x3FB4] =	sst s0;
	s0 =	simm.s32 @!p1 $0x0  }
0x14: {  	s2 =	sld [smem:$0x3F98];
	s0 =	simm.s32 @p1 $0x1  }
0x15: {  	[smem:$0x3FB5] =	sst s0;
	s0 =	simm.s32 @!p2 $0x0  }
0x16: {  	s3 =	sld [smem:$0x3FDB];
	s0 =	simm.s32 @p2 $0x1  }
0x17: {  	s4 =	simm.s32 $0x1BF5;
	[smem:$0x3FB7] =	sst s0  }
0x18: {  	s0 =	sld [smem:$0x3F9A];
	_ =	swait.ge [sflag:s4], $0x0  }
0x19: {  	s7 =	sld [smem:$0x3F9B]  }
0x1a: {  	s8 =	sadd.s32 $0xFFFFE003, lr  }
0x1b: {  	s9 =	sadd.s32 $0xFFFFFEF7, lr;
	s5 =	simm.s32 $0xFFFFFFFF;
	p2 =	slt.u32 s8, $0xFFFFF086  }
0x1c: {  	p1 =	slt.u32 s9, $0xF7A;
	s5 =	simm.s32 @!p2 $0x0  }
0x1d: {  	s5 =	simm.s32 @p1 $0x1;
	p0 =	seq.s32 s7, s2  }
0x1e: {  	s7 =	smul.u32 @!p0 $0xF7A, s2;
	p2 =	seq.s32 @!p0 s5, $0x0  }
0x1f: {  	s9 =	smul.u32 $0xF7A, s1;
	s8 =	simm.s32 @!p0 $0x1BF5;
	p2 =	por !p2, p0  }
0x20: {  	[sflag:s8] =	ssyncset.s32 @!p0 $0xFFFFF086;
	s6 =	sadd.s32 @!p0 s3, s7;
	s7 =	simm.s32 @!p0 $0x108  }
0x21: {  	s3 =	sadd.s32 s3, s9;
	s6 =	sadd.s32 @!p0 $0x88, s6;
	s7 =	simm.s32 @p2 $0x1082  }
0x22: {  	[simem:s7], [sflag:s8] =	dma.local @!p0 [hbm:s6], $0xF7A  }
0x23: {  	s9 =	sor.u32 $0xD0000000, s2;
	s6 =	simm.s32 $0x108;
	_ =	swait.ge @!p0 [sflag:s8], $0x0  }
0x24: {  	s3 =	sadd.s32 $0x88, s3;
	s6 =	simm.s32 @!p1 $0x1082;
	[sflag:s4] =	ssyncset.s32 $0xFFFFF086  }
0x25: {  	[simem:s6], [sflag:s4] =	dma.local [hbm:s3], $0xF7A  }
0x26: {  	[smem:$0x3F9B] =	sst s1;
	(tag) =	ssettag s2;
	_ =	strace s9  }
0x27: {  	s1 =	sld [smem:$0x3FAB]  }
0x28: {  	s2 =	sld [smem:$0x3FAC]  }
0x29: {  	s4 =	sld [smem:$0x3FAE]  }
0x2a: {  	p0 =	seq.s32 s5, $0x0;
	s5 =	sld [smem:$0x3FAF]  }
0x2b: {  	s6 =	sld [smem:$0x3FB0]  }
0x2c: {  	s7 =	sld [smem:$0x3FB1]  }
0x2d: {  	s3 =	simm.s32 $0x108;
	s8 =	sld [smem:$0x3FB2]  }
0x2e: {  	s3 =	simm.s32 @!p0 $0x1082;
	s9 =	sld [smem:$0x3FB3]  }
0x2f: {  	lr =	sadd.s32 s0, s3;
	s0 =	sld [smem:$0x3FAA]  }
0x30: {  	s3 =	sld [smem:$0x3FAD]  }
0x31: {  	[smem:$0x3FB6] =	sst s10  }
0x32: {  	s10 =	sld [smem:$0x3FB4];
	_ =	sdelay $0x3  }
0x33: {  	p0 =	seq.s32 s10, $0x1;
	s10 =	sld [smem:$0x3FB6];
	_ =	sdelay $0x3  }
0x34: {  	[smem:$0x3FB6] =	sst s10  }
0x35: {  	s10 =	sld [smem:$0x3FB5];
	_ =	sdelay $0x3  }
0x36: {  	p1 =	seq.s32 s10, $0x1;
	s10 =	sld [smem:$0x3FB6];
	_ =	sdelay $0x3  }
0x37: {  	[smem:$0x3FB6] =	sst s10  }
0x38: {  	s10 =	sld [smem:$0x3FB7]  }
0x39: {  	_ = 	snop;
	(pc) =	sbr.ind lr, $3  }
0x3a: {  	_ = 	snop  }
0x3b: {  	_ = 	snop  }
0x3c: {  	p2 =	seq.s32 s10, $0x1;
	s10 =	sld [smem:$0x3FB6]  }
0x3d: {  	_ =	shalt  }
0x3e: {  	_ =	shalt  }
0x3f: {  	_ =	shalt  }
0x40: {  	_ =	shalt  }
0x41: {  	_ =	shalt  }
0x42: {  	_ =	shalt  }
0x43: {  	_ =	shalt  }
0x44: {  	_ =	shalt  }
0x45: {  	_ =	shalt  }
0x46: {  	_ =	shalt  }
0x47: {  	_ =	shalt  }
0x48: {  	_ =	shalt  }
0x49: {  	_ =	shalt  }
0x4a: {  	_ =	shalt  }
0x4b: {  	_ =	shalt  }
0x4c: {  	_ =	shalt  }
0x4d: {  	_ =	shalt  }
0x4e: {  	_ =	shalt  }
0x4f: {  	_ =	shalt  }
0x50: {  	_ =	shalt  }
0x51: {  	_ =	shalt  }
0x52: {  	_ =	shalt  }
0x53: {  	_ =	shalt  }
0x54: {  	_ =	shalt  }
0x55: {  	_ =	shalt  }
0x56: {  	_ =	shalt  }
0x57: {  	_ =	shalt  }
0x58: {  	_ =	shalt  }
0x59: {  	_ =	shalt  }
0x5a: {  	_ =	shalt  }
0x5b: {  	_ =	shalt  }
0x5c: {  	_ =	shalt  }
0x5d: {  	_ =	shalt  }
0x5e: {  	_ =	shalt  }
0x5f: {  	_ =	shalt  }
0x60: {  	_ =	shalt  }
0x61: {  	_ =	shalt  }
0x62: {  	_ =	shalt  }
0x63: {  	_ =	shalt  }
0x64: {  	_ =	shalt  }
0x65: {  	_ =	shalt  }
0x66: {  	_ =	shalt  }
0x67: {  	_ =	shalt  }
0x68: {  	_ =	shalt  }
0x69: {  	_ =	shalt  }
0x6a: {  	_ =	shalt  }
0x6b: {  	_ =	shalt  }
0x6c: {  	_ =	shalt  }
0x6d: {  	_ =	shalt  }
0x6e: {  	_ =	shalt  }
0x6f: {  	_ =	shalt  }
0x70: {  	_ =	shalt  }
0x71: {  	_ =	shalt  }
0x72: {  	_ =	shalt  }
0x73: {  	_ =	shalt  }
0x74: {  	_ =	shalt  }
0x75: {  	_ =	shalt  }
0x76: {  	_ =	shalt  }
0x77: {  	_ =	shalt  }
0x78: {  	_ =	shalt  }
0x79: {  	_ =	shalt  }
0x7a: {  	_ =	shalt  }
0x7b: {  	_ =	shalt  }
0x7c: {  	_ =	shalt  }
0x7d: {  	_ =	shalt  }
0x7e: {  	_ =	shalt  }
0x7f: {  	_ =	shalt  }
0x80: {  	_ =	shalt  }
0x81: {  	_ =	shalt  }
0x82: {  	_ =	shalt  }
0x83: {  	_ =	shalt  }
0x84: {  	_ =	shalt  }
0x85: {  	_ =	shalt  }
0x86: {  	_ =	shalt  }
0x87: {  	_ =	shalt  }
.Lfunc_end0:
.L_simem_size_0:
called_computation.2_lowered:
.L_overlay_start_0:
0x88: {  	s2 =	sld [smem:$0x3FD9]  }
0x89: {  	s3 =	sld [smem:$0x3FFE];
	_ =	sdelay $0x1  }
0x8a: {  	s1 =	srdreg.scid  }
0x8b: {  	s0 =	sand.u32 $0x1, s1  }
0x8c: {  	s17 =	sshll.u32 s0, $0xA;
	s2 =	sadd.s32 s3, s2  }
0x8d: {  	s2 =	sadd.s32 s2, s17  }
0x8e: {  	[smem:$0x3FC2] =	sst s2  }
0x8f: {  	_ = 	snop  }
0x90: {  	s2 =	sld [smem:$0x3FD0];
	(tm) =	ssettm $0x1  }
0x91: {  	s18 =	sld [smem:$0x3FFB];
	_ =	sdelay $0x3  }
0x92: {  	_ =	strace s18  }
0x93: {  	s3 =	sld [smem:$0x3FFC];
	_ =	sdelay $0x3  }
0x94: {  	_ =	strace s3  }
0x95: {  	s3 =	sld [smem:$0x3FFD];
	_ =	sdelay $0x3  }
0x96: {  	_ =	strace s3  }
0x97: {  	_ =	strace $0x8FFFFFFF  }
0x98: {  	s19 =	sld [smem:$0x3FDB];
	_ =	sdelay $0x1  }
0x99: {  	s4 =	simm.s32 $_scs_section_size  }
0x9a: {  	s5 =	simm.s32 $_size__tile_overlayer_lowered;
	s6 =	simm.s32 $_tile_overlayer_lowered  }
0x9b: {  	s22 =	simm.s32 $0x1BFF;
	s21 =	sshll.u32 s6, $0x1;
	s3 =	sadd.s32 s4, s19  }
0x9c: {  	s7 =	simm.s32 $0x0;
	s20 =	sshll.u32 s5, $0x1;
	s5 =	sadd.s32 s21, s3  }
0x9d: {  	[timem:s7], [sflag:s22] =	dma.local [hbm:s5], s20  }
0x9e: {  	_ =	swait.ge [sflag:s22], s20  }
0x9f: {  	s4 =	ssub.s32 $0x0, s20;
	[sflag:s22] =	ssyncset.done $0x0  }
0xa0: {  	[sflag:s22] =	ssyncadd.s32 s4;
	_ =	sdelay $0x1  }
0xa1: {  	s23 =	simm.s32 $0x1B8B  }
0xa2: {  	_ =	swait.ge [sflag:s23], $0x1  }
0xa3: {  	[sflag:s23] =	ssyncset.done $0x0  }
0xa4: {  	s25 =	simm.s32 $0x1B8E;
	s24 =	sld [smem:$0x3FFE];
	[sflag:s23] =	ssyncadd.s32 $0xFFFFFFFF  }
0xa5: {  	s26 =	simm.s32 $execute0_lowered;
	[smem:$0x3FD2] =	sst s25  }
0xa6: {  	s5 =	sshll.u32 s26, $0x1;
	_ =	strace $0x8000004C;
	[dreg:$0x1] =	wrdreg $0xFFFFFFFF  }
0xa7: {  	s28 =	simm.s32 $_size_execute0_lowered;
	s3 =	sadd.s32 s3, s5;
	[dreg:$0x0] =	wrdreg $0x0  }
0xa8: {  	s5 =	sshll.u32 s28, $0x1;
	[dreg:$0x2] =	wrdreg s3  }
0xa9: {  	[dreg:$0x3] =	wrdreg s5  }
0xaa: {  	[dreg:$0x4] =	wrdreg $0xC0  }
0xab: {  	_ =	task [dreg:s7], $0x5FFFF  }
0xac: {  	[dreg:$0x1] =	wrdreg $0xFFFFFFFF  }
0xad: {  	[dreg:$0x0] =	wrdreg $0x60  }
0xae: {  	[dreg:$0x2] =	wrdreg s24  }
0xaf: {  	[dreg:$0x3] =	wrdreg s2  }
0xb0: {  	[dreg:$0x4] =	wrdreg $0x9F100  }
0xb1: {  	[dreg:$0x5] =	wrdreg $0x8B100  }
0xb2: {  	[dreg:$0x6] =	wrdreg $0x9  }
0xb3: {  	_ =	task.clear_ibuf [dreg:s7], $0x7FFFF;
	_ =	strace $0x9000004C  }
0xb4: {  	s29 =	simm.s32 $0x9;
	_ =	strace $0x8000004E  }
0xb5: {  	_ =	swait.ge [sflag:s29], $0x1  }
0xb6: {  	[sflag:s29] =	ssyncadd.s32 $0xFFFFFFFF  }
0xb7: {  	_ =	strace $0x9000004E  }
0xb8: {  	_ =	sfence  }
0xb9: {  	s30 =	sld [smem:$0x0];
	_ =	sdelay $0x2  }
0xba: {  	s31 =	sshll.u32 s1, $0xD;
	s1 =	sshrl.u32 s1, $0x2  }
0xbb: {  	s3 =	sand.u32 $0x4000, s31;
	s1 =	sadd.s32 s1, s30  }
0xbc: {  	s0 =	sor.u32 s3, s0;
	s1 =	sshll.u32 s1, $0x11  }
0xbd: {  	s0 =	sor.u32 s1, s0  }
0xbe: {  	s0 =	sadd.s32 $0x8F2B, s0  }
0xbf: {  	[sflag:s0] =	ssyncadd.remote.s32 $0x1  }
0xc0: {  	_ =	sfence.sel $0xFFFF  }
0xc1: {  	[dreg:$0x0] =	wrdreg $0xFFFFFFFF;
	(pc) =	sbr.abs _section_cstart, $3  }
0xc2: {  	[dreg:$0x1] =	wrdreg $0xFFFFFFFF  }
0xc3: {  	_ =	task.clear_ibuf [dreg:s7], $0x2FFFF;
	_ =	strace $0x9FFFFFFF  }
0xc4: {  	(tm) =	ssettm $0x7FFFFFFF  }
0xc5: {  	_ =	shalt  }
tec
execute0_lowered:
.L_overlay_start_1:
0x0: {  	(tag) =	ssettag $0x1  }
0x1: {  	s0 =	rddreg [dreg:$0x0]  }
0x2: {  	s3 =	rddreg [dreg:$0x1]  }
0x3: {  	s1 =	rddreg [dreg:$0x2]  }
0x4: {  	s2 =	rddreg [dreg:$0x3];
	s4 =	srdreg.scid  }
0x5: {  	s6 =	simm.s32 $0x0;
	s8 =	stileid.u32;
	s13 =	simm.s32 $0x16  }
0x6: {  	s15 =	simm.s32 $0x15;
	s16 =	simm.s32 $0x7D;
	s17 =	simm.s32 $0x5000  }
0x7: {  	s29 =	simm.s32 $0x6388;
	s31 =	simm.s32 $0x6770;
	s14 =	simm.s32 $0x6F40  }
0x8: {  	s28 =	simm.s32 $0x3;
	s30 =	simm.s32 $0x4;
	s11 =	simm.s32 $0x6  }
0x9: {  	s18 =	simm.s32 $0x7;
	s12 =	simm.s32 $0x0;
	s19 =	smul.u32 $0x2800, s8  }
0xa: {  	s4 =	sand.u32 $0x1, s4;
	[smem:$0x7FF] =	sst s6;
	s9 =	smul.u32 $0x1400, s8  }
0xb: {  	s24 =	sshll.u32 s8, $0x6;
	s6 =	simm.s32 $0xA;
	s5 =	smul.u32 $0x28000, s4  }
0xc: {  	_ =	strace $0x8000004D;
	s20 =	smul.u32 $0x2800, s4;
	s4 =	ssub.s32 $0x2, s4  }
0xd: {  	s10 =	sor.u32 $0x1C16, s24;
	s7 =	sshrl.u32 s4, $0x1;
	s22 =	sshrl.u32 s9, $0x3  }
0xe: {  	s23 =	sadd.s32 s9, s1;
	s9 =	sadd.s32 s9, s2;
	[dreg:$0x8] =	wrdreg s10  }
0xf: {  	s5 =	sadd.s32 s19, s5;
	s4 =	ssub.s32 s4, s7;
	s3 =	sadd.s32 s3, s22  }
0x10: {  	s26 =	sshrl.u32 s23, $0x3;
	s19 =	simm.s32 $0x53E8;
	[dreg:$0x9] =	wrdreg s9  }
0x11: {  	s23 =	simm.s32 $0x5BB8;
	s5 =	sshrl.u32 s5, $0x3;
	[dreg:$0x7] =	wrdreg s3  }
0x12: {  	s25 =	smax.u32 s4, $0x1;
	[dreg:$0xb] =	wrdreg s26;
	s26 =	simm.s32 $0x5FA0  }
0x13: {  	s3 =	simm.s32 $0x6B58;
	s4 =	simm.s32 $0x8;
	s5 =	sadd.s32 s5, s0  }
0x14: {  	s0 =	sadd.s32 s20, s0;
	[dreg:$0xa] =	wrdreg s25;
	s21 =	sadd.s32 $0x11200, s5  }
0x15: {  	s20 =	simm.s32 $0x7328;
	s5 =	sadd.s32 $0x2200, s5;
	[dreg:$0x5] =	wrdreg s21  }
0x16: {  	s25 =	simm.s32 $0x2;
	s0 =	sadd.s32 $0xC200, s0;
	[dreg:$0x6] =	wrdreg s5  }
0x17: {  	s21 =	simm.s32 $0x57D0;
	s0 =	sadd.s32 s22, s0;
	s22 =	simm.s32 $0x1  }
0x18: {  	v0 =	vimm.f32 $0.0e+00;
	s5 =	simm.s32 $0x9;
	[dreg:$0xc] =	wrdreg s0;
	s0 =	simm.s32 $0x5  }
.LBB2_1:
0x19: {  	s7 =	simm.s32 $0x0;
	s8 =	rddreg [dreg:$0x5]  }
0x1a: {  	[tilespmem:s7], [sflag:$0x15] =	stream.linear.gather [hbm4b:s8+s7], $0x2800, $0x38;
	[tilespmem:$0xB310] =	vst v63  }
0x1b: {  	s24 =	simm.s32 $0x2800;
	s8 =	rddreg [dreg:$0x6]  }
0x1c: {  	[tilespmem:s24], [sflag:$0x15] =	stream.linear.gather [hbm4b:s8+s7], $0x2800, $0x38;
	[tilespmem:$0xB310] =	vst v63  }
0x1d: {  	s8 =	rddreg [dreg:$0x7]  }
0x1e: {  	s24 =	rddreg [dreg:$0xb]  }
0x1f: {  	[spmem:s24], [sflag:s10] =	dma.local [hbm:s8], $0x280  }
0x20: {  	_ =	swait.ge [sflag:s13], $0x280  }
0x21: {  	[sflag:s13] =	ssyncset.done $0x0  }
0x22: {  	s7 =	simm.s32 $0x20;
	s10 =	simm.s32 $0x0;
	[sflag:s13] =	ssyncadd.s32 $0xFFFFFD80  }
.LBB2_2:
0x23: {  	p0 =	sne.s32 s7, $0x4FE0;
	[tilespmem:s10+$0x7710] =	vst.msk $0xff, v0;
	s10 =	smov.u32 s7;
	s7 =	sadd.s32 $0x20, s7  }
.Ltmp0:
0x24: {  	(pc) =	sbr.rel @p0 .LBB2_2-.Ltmp0, $2  }
0x25: {  	_ =	sdelay $0x2  }
0x26: {  	s10 =	sshra.s32 s10, $0x2  }
0x27: {  	[tilespmem:s10+$0x7710] =	vst.msk $0xff, v0;
	s7 =	simm.s32 $0x7710  }
0x28: {  	[spmem:s9] =	stream.linear.scatter [tilespmem:s7], [sflag:$0x16], $0x1400, $0x38;
	[tilespmem:$0xB310] =	vst v63  }
0x29: {  	_ =	swait.ge [sflag:s13], $0x1400  }
0x2a: {  	[sflag:s13] =	ssyncset.done $0x0  }
0x2b: {  	[sflag:s13] =	ssyncadd.s32 $0xFFFFEC00  }
0x2c: {  	_ =	swait.ge [sflag:s15], $0x2800  }
0x2d: {  	[sflag:s15] =	ssyncset.done $0x0  }
0x2e: {  	[sflag:s15] =	ssyncadd.s32 $0xFFFFD800  }
0x2f: {  	_ =	swait.ge [sflag:s15], $0x2800  }
0x30: {  	[sflag:s15] =	ssyncset.done $0x0  }
0x31: {  	[sflag:s15] =	ssyncadd.s32 $0xFFFFD800  }
0x32: {  	s24 =	simm.s32 $0x0;
	[bflag:$0x0] =	sbarrier.arrive $0xFFFF  }
0x33: {  	[tilespmem:s17], [sflag:$0x1] =	stream.indirect.gather [spmem:s1], $0x8, s24, s16, $0xb8;
	[tilespmem:$0xB310] =	vst v63  }
0x34: {  	s8 =	simm.s32 $0x80  }
0x35: {  	[tilespmem:s19], [sflag:$0x2] =	stream.indirect.gather [spmem:s1], $0x8, s8, s16, $0xb8;
	[tilespmem:$0xB310] =	vst v63  }
0x36: {  	s9 =	simm.s32 $0x100  }
0x37: {  	[tilespmem:s21], [sflag:$0x3] =	stream.indirect.gather [spmem:s1], $0x8, s9, s16, $0xb8;
	[tilespmem:$0xB310] =	vst v63  }
0x38: {  	s10 =	simm.s32 $0x180  }
0x39: {  	[tilespmem:s23], [sflag:$0x4] =	stream.indirect.gather [spmem:s1], $0x8, s10, s16, $0xb8;
	[tilespmem:$0xB310] =	vst v63  }
0x3a: {  	s8 =	simm.s32 $0x200  }
0x3b: {  	[tilespmem:s26], [sflag:$0x5] =	stream.indirect.gather [spmem:s1], $0x8, s8, s16, $0xb8;
	[tilespmem:$0xB310] =	vst v63  }
0x3c: {  	s9 =	simm.s32 $0x280  }
0x3d: {  	[tilespmem:s29], [sflag:$0x6] =	stream.indirect.gather [spmem:s1], $0x8, s9, s16, $0xb8;
	[tilespmem:$0xB310] =	vst v63  }
0x3e: {  	s10 =	simm.s32 $0x300  }
0x3f: {  	[tilespmem:s31], [sflag:$0x7] =	stream.indirect.gather [spmem:s1], $0x8, s10, s16, $0xb8;
	[tilespmem:$0xB310] =	vst v63  }
0x40: {  	s8 =	simm.s32 $0x380  }
0x41: {  	[tilespmem:s3], [sflag:$0x8] =	stream.indirect.gather [spmem:s1], $0x8, s8, s16, $0xb8;
	[tilespmem:$0xB310] =	vst v63  }
0x42: {  	s9 =	simm.s32 $0x400  }
0x43: {  	[tilespmem:s14], [sflag:$0x9] =	stream.indirect.gather [spmem:s1], $0x8, s9, s16, $0xb8;
	[tilespmem:$0xB310] =	vst v63  }
0x44: {  	s10 =	simm.s32 $0x480  }
0x45: {  	[tilespmem:s20], [sflag:$0xA] =	stream.indirect.gather [spmem:s1], $0x8, s10, s16, $0xb8;
	[tilespmem:$0xB310] =	vst v63  }
.LBB2_4:
0x46: {  	_ =	swait.ge [sflag:s22], $0x3E8  }
0x47: {  	s7 =	sshra.s32 s24, $0x2;
	[sflag:s22] =	ssyncset.done $0x0  }
0x48: {  	s10 =	sadd.s32 $0x2800, s7;
	[sflag:s22] =	ssyncadd.s32 $0xFFFFFC18  }
0x49: {  	[spmem:s2] =	stream.indirect.scatter.add.f32 [tilespmem:s17], [sflag:$0xB], $0x8, s10, s16, $0xb8;
	[tilespmem:$0xB310] =	vst v63  }
0x4a: {  	_ =	swait.ge [sflag:s25], $0x3E8  }
0x4b: {  	[sflag:s25] =	ssyncset.done $0x0  }
0x4c: {  	s8 =	sadd.s32 $0x2880, s7;
	[sflag:s25] =	ssyncadd.s32 $0xFFFFFC18  }
0x4d: {  	[spmem:s2] =	stream.indirect.scatter.add.f32 [tilespmem:s19], [sflag:$0xC], $0x8, s8, s16, $0xb8;
	[tilespmem:$0xB310] =	vst v63  }
0x4e: {  	_ =	swait.ge [sflag:s28], $0x3E8  }
0x4f: {  	[sflag:s28] =	ssyncset.done $0x0  }
0x50: {  	s9 =	sadd.s32 $0x2900, s7;
	[sflag:s28] =	ssyncadd.s32 $0xFFFFFC18  }
0x51: {  	[spmem:s2] =	stream.indirect.scatter.add.f32 [tilespmem:s21], [sflag:$0xD], $0x8, s9, s16, $0xb8;
	[tilespmem:$0xB310] =	vst v63  }
0x52: {  	_ =	swait.ge [sflag:s30], $0x3E8  }
0x53: {  	[sflag:s30] =	ssyncset.done $0x0  }
0x54: {  	s8 =	sadd.s32 $0x2980, s7;
	[sflag:s30] =	ssyncadd.s32 $0xFFFFFC18  }
0x55: {  	[spmem:s2] =	stream.indirect.scatter.add.f32 [tilespmem:s23], [sflag:$0xE], $0x8, s8, s16, $0xb8;
	[tilespmem:$0xB310] =	vst v63  }
0x56: {  	_ =	swait.ge [sflag:s0], $0x3E8  }
0x57: {  	[sflag:s0] =	ssyncset.done $0x0  }
0x58: {  	s9 =	sadd.s32 $0x2A00, s7;
	[sflag:s0] =	ssyncadd.s32 $0xFFFFFC18  }
0x59: {  	[spmem:s2] =	stream.indirect.scatter.add.f32 [tilespmem:s26], [sflag:$0xF], $0x8, s9, s16, $0xb8;
	[tilespmem:$0xB310] =	vst v63  }
0x5a: {  	_ =	swait.ge [sflag:s11], $0x3E8  }
0x5b: {  	[sflag:s11] =	ssyncset.done $0x0  }
0x5c: {  	s8 =	sadd.s32 $0x2A80, s7;
	[sflag:s11] =	ssyncadd.s32 $0xFFFFFC18  }
0x5d: {  	[spmem:s2] =	stream.indirect.scatter.add.f32 [tilespmem:s29], [sflag:$0x10], $0x8, s8, s16, $0xb8;
	[tilespmem:$0xB310] =	vst v63  }
0x5e: {  	_ =	swait.ge [sflag:s18], $0x3E8  }
0x5f: {  	[sflag:s18] =	ssyncset.done $0x0  }
0x60: {  	s9 =	sadd.s32 $0x2B00, s7;
	[sflag:s18] =	ssyncadd.s32 $0xFFFFFC18  }
0x61: {  	[spmem:s2] =	stream.indirect.scatter.add.f32 [tilespmem:s31], [sflag:$0x11], $0x8, s9, s16, $0xb8;
	[tilespmem:$0xB310] =	vst v63  }
0x62: {  	_ =	swait.ge [sflag:s4], $0x3E8  }
0x63: {  	[sflag:s4] =	ssyncset.done $0x0  }
0x64: {  	s8 =	sadd.s32 $0x2B80, s7;
	[sflag:s4] =	ssyncadd.s32 $0xFFFFFC18  }
0x65: {  	[spmem:s2] =	stream.indirect.scatter.add.f32 [tilespmem:s3], [sflag:$0x12], $0x8, s8, s16, $0xb8;
	[tilespmem:$0xB310] =	vst v63  }
0x66: {  	_ =	swait.ge [sflag:s5], $0x3E8  }
0x67: {  	[sflag:s5] =	ssyncset.done $0x0  }
0x68: {  	s9 =	sadd.s32 $0x2C00, s7;
	[sflag:s5] =	ssyncadd.s32 $0xFFFFFC18  }
0x69: {  	[spmem:s2] =	stream.indirect.scatter.add.f32 [tilespmem:s14], [sflag:$0x13], $0x8, s9, s16, $0xb8;
	[tilespmem:$0xB310] =	vst v63  }
0x6a: {  	_ =	swait.ge [sflag:s6], $0x3E8  }
0x6b: {  	[sflag:s6] =	ssyncset.done $0x0  }
0x6c: {  	p0 =	seq.s32 s24, $0x8C00;
	s7 =	sadd.s32 $0x2C80, s7;
	[sflag:s6] =	ssyncadd.s32 $0xFFFFFC18  }
0x6d: {  	[spmem:s2] =	stream.indirect.scatter.add.f32 [tilespmem:s20], [sflag:$0x14], $0x8, s7, s16, $0xb8;
	[tilespmem:$0xB310] =	vst v63  }
0x6e: {  	s7 =	simm.s32 @!p0 $0xB  }
0x6f: {  	_ =	swait.ge @!p0 [sflag:s7], $0x3E8  }
0x70: {  	[sflag:s7] =	ssyncset.done @!p0 $0x0  }
0x71: {  	[sflag:s7] =	ssyncadd.s32 @!p0 $0xFFFFFC18;
	s7 =	sshra.s32 @!p0 s24, $0x2  }
0x72: {  	s10 =	simm.s32 @!p0 $0x7D;
	s9 =	simm.s32 @!p0 $0x5000;
	s8 =	sadd.s32 @!p0 $0x500, s7  }
0x73: {  	[tilespmem:s9], [sflag:$0x1] =	stream.indirect.gather @!p0 [spmem:s1], $0x8, s8, s10, $0xb8;
	[tilespmem:$0xB310] =	vst v63  }
0x74: {  	s8 =	simm.s32 @!p0 $0xC  }
0x75: {  	_ =	swait.ge @!p0 [sflag:s8], $0x3E8  }
0x76: {  	[sflag:s8] =	ssyncset.done @!p0 $0x0  }
0x77: {  	s9 =	simm.s32 @!p0 $0x53E8;
	[sflag:s8] =	ssyncadd.s32 @!p0 $0xFFFFFC18;
	s8 =	sadd.s32 @!p0 $0x580, s7  }
0x78: {  	[tilespmem:s9], [sflag:$0x2] =	stream.indirect.gather @!p0 [spmem:s1], $0x8, s8, s10, $0xb8;
	[tilespmem:$0xB310] =	vst v63  }
0x79: {  	s8 =	simm.s32 @!p0 $0xD  }
0x7a: {  	_ =	swait.ge @!p0 [sflag:s8], $0x3E8  }
0x7b: {  	[sflag:s8] =	ssyncset.done @!p0 $0x0  }
0x7c: {  	s9 =	simm.s32 @!p0 $0x57D0;
	[sflag:s8] =	ssyncadd.s32 @!p0 $0xFFFFFC18;
	s8 =	sadd.s32 @!p0 $0x600, s7  }
0x7d: {  	[tilespmem:s9], [sflag:$0x3] =	stream.indirect.gather @!p0 [spmem:s1], $0x8, s8, s10, $0xb8;
	[tilespmem:$0xB310] =	vst v63  }
0x7e: {  	s8 =	simm.s32 @!p0 $0xE  }
0x7f: {  	_ =	swait.ge @!p0 [sflag:s8], $0x3E8  }
0x80: {  	[sflag:s8] =	ssyncset.done @!p0 $0x0  }
0x81: {  	s9 =	simm.s32 @!p0 $0x5BB8;
	[sflag:s8] =	ssyncadd.s32 @!p0 $0xFFFFFC18;
	s8 =	sadd.s32 @!p0 $0x680, s7  }
0x82: {  	[tilespmem:s9], [sflag:$0x4] =	stream.indirect.gather @!p0 [spmem:s1], $0x8, s8, s10, $0xb8;
	[tilespmem:$0xB310] =	vst v63  }
0x83: {  	s8 =	simm.s32 @!p0 $0xF  }
0x84: {  	_ =	swait.ge @!p0 [sflag:s8], $0x3E8  }
0x85: {  	[sflag:s8] =	ssyncset.done @!p0 $0x0  }
0x86: {  	s9 =	simm.s32 @!p0 $0x5FA0;
	[sflag:s8] =	ssyncadd.s32 @!p0 $0xFFFFFC18;
	s8 =	sadd.s32 @!p0 $0x700, s7  }
0x87: {  	[tilespmem:s9], [sflag:$0x5] =	stream.indirect.gather @!p0 [spmem:s1], $0x8, s8, s10, $0xb8;
	[tilespmem:$0xB310] =	vst v63  }
0x88: {  	s8 =	simm.s32 @!p0 $0x10  }
0x89: {  	_ =	swait.ge @!p0 [sflag:s8], $0x3E8  }
0x8a: {  	[sflag:s8] =	ssyncset.done @!p0 $0x0  }
0x8b: {  	s9 =	simm.s32 @!p0 $0x6388;
	[sflag:s8] =	ssyncadd.s32 @!p0 $0xFFFFFC18;
	s8 =	sadd.s32 @!p0 $0x780, s7  }
0x8c: {  	[tilespmem:s9], [sflag:$0x6] =	stream.indirect.gather @!p0 [spmem:s1], $0x8, s8, s10, $0xb8;
	[tilespmem:$0xB310] =	vst v63  }
0x8d: {  	s8 =	simm.s32 @!p0 $0x11  }
0x8e: {  	_ =	swait.ge @!p0 [sflag:s8], $0x3E8  }
0x8f: {  	[sflag:s8] =	ssyncset.done @!p0 $0x0  }
0x90: {  	s9 =	simm.s32 @!p0 $0x6770;
	[sflag:s8] =	ssyncadd.s32 @!p0 $0xFFFFFC18;
	s8 =	sadd.s32 @!p0 $0x800, s7  }
0x91: {  	[tilespmem:s9], [sflag:$0x7] =	stream.indirect.gather @!p0 [spmem:s1], $0x8, s8, s10, $0xb8;
	[tilespmem:$0xB310] =	vst v63  }
0x92: {  	s8 =	simm.s32 @!p0 $0x12  }
0x93: {  	_ =	swait.ge @!p0 [sflag:s8], $0x3E8  }
0x94: {  	[sflag:s8] =	ssyncset.done @!p0 $0x0  }
0x95: {  	s9 =	simm.s32 @!p0 $0x6B58;
	[sflag:s8] =	ssyncadd.s32 @!p0 $0xFFFFFC18;
	s8 =	sadd.s32 @!p0 $0x880, s7  }
0x96: {  	[tilespmem:s9], [sflag:$0x8] =	stream.indirect.gather @!p0 [spmem:s1], $0x8, s8, s10, $0xb8;
	[tilespmem:$0xB310] =	vst v63  }
0x97: {  	s8 =	simm.s32 @!p0 $0x13  }
0x98: {  	_ =	swait.ge @!p0 [sflag:s8], $0x3E8  }
0x99: {  	[sflag:s8] =	ssyncset.done @!p0 $0x0  }
0x9a: {  	s9 =	simm.s32 @!p0 $0x6F40;
	[sflag:s8] =	ssyncadd.s32 @!p0 $0xFFFFFC18;
	s8 =	sadd.s32 @!p0 $0x900, s7  }
0x9b: {  	[tilespmem:s9], [sflag:$0x9] =	stream.indirect.gather @!p0 [spmem:s1], $0x8, s8, s10, $0xb8;
	[tilespmem:$0xB310] =	vst v63  }
0x9c: {  	s8 =	simm.s32 @!p0 $0x14  }
0x9d: {  	s24 =	sadd.s32 @!p0 $0x1400, s24;
	_ =	swait.ge @!p0 [sflag:s8], $0x3E8  }
0x9e: {  	p1 =	sne.s32 @!p0 s24, $0xA000;
	[sflag:s8] =	ssyncset.done @!p0 $0x0  }
0x9f: {  	s7 =	sadd.s32 @!p0 $0x980, s7;
	[sflag:s8] =	ssyncadd.s32 @!p0 $0xFFFFFC18;
	s8 =	simm.s32 @!p0 $0x7328  }
0xa0: {  	[tilespmem:s8], [sflag:$0xA] =	stream.indirect.gather @!p0 [spmem:s1], $0x8, s7, s10, $0xb8;
	[tilespmem:$0xB310] =	vst v63  }
0xa1: {  	p0 =	por p0, !p1  }
.Ltmp1:
0xa2: {  	_ = 	snop;
	(pc) =	sbr.rel @!p0 .LBB2_4-.Ltmp1, $1  }
0xa3: {  	_ =	sdelay $0x3  }
0xa4: {  	s7 =	simm.s32 $0xB  }
0xa5: {  	_ =	swait.ge [sflag:s7], $0x3E8  }
0xa6: {  	[sflag:s7] =	ssyncset.done $0x0  }
0xa7: {  	s10 =	simm.s32 $0xC;
	[sflag:s7] =	ssyncadd.s32 $0xFFFFFC18  }
0xa8: {  	_ =	swait.ge [sflag:s10], $0x3E8  }
0xa9: {  	[sflag:s10] =	ssyncset.done $0x0  }
0xaa: {  	s24 =	simm.s32 $0xD;
	[sflag:s10] =	ssyncadd.s32 $0xFFFFFC18  }
0xab: {  	_ =	swait.ge [sflag:s24], $0x3E8  }
0xac: {  	[sflag:s24] =	ssyncset.done $0x0  }
0xad: {  	s8 =	simm.s32 $0xE;
	[sflag:s24] =	ssyncadd.s32 $0xFFFFFC18  }
0xae: {  	_ =	swait.ge [sflag:s8], $0x3E8  }
0xaf: {  	[sflag:s8] =	ssyncset.done $0x0  }
0xb0: {  	s9 =	simm.s32 $0xF;
	[sflag:s8] =	ssyncadd.s32 $0xFFFFFC18  }
0xb1: {  	_ =	swait.ge [sflag:s9], $0x3E8  }
0xb2: {  	[sflag:s9] =	ssyncset.done $0x0  }
0xb3: {  	s10 =	simm.s32 $0x10;
	[sflag:s9] =	ssyncadd.s32 $0xFFFFFC18  }
0xb4: {  	_ =	swait.ge [sflag:s10], $0x3E8  }
0xb5: {  	[sflag:s10] =	ssyncset.done $0x0  }
0xb6: {  	s24 =	simm.s32 $0x11;
	[sflag:s10] =	ssyncadd.s32 $0xFFFFFC18  }
0xb7: {  	_ =	swait.ge [sflag:s24], $0x3E8  }
0xb8: {  	[sflag:s24] =	ssyncset.done $0x0  }
0xb9: {  	s8 =	simm.s32 $0x12;
	[sflag:s24] =	ssyncadd.s32 $0xFFFFFC18  }
0xba: {  	_ =	swait.ge [sflag:s8], $0x3E8  }
0xbb: {  	[sflag:s8] =	ssyncset.done $0x0  }
0xbc: {  	s9 =	simm.s32 $0x13;
	[sflag:s8] =	ssyncadd.s32 $0xFFFFFC18  }
0xbd: {  	_ =	swait.ge [sflag:s9], $0x3E8  }
0xbe: {  	[sflag:s9] =	ssyncset.done $0x0  }
0xbf: {  	s10 =	simm.s32 $0x14;
	[sflag:s9] =	ssyncadd.s32 $0xFFFFFC18  }
0xc0: {  	_ =	swait.ge [sflag:s10], $0x3E8  }
0xc1: {  	[sflag:s10] =	ssyncset.done $0x0  }
0xc2: {  	[sflag:s10] =	ssyncadd.s32 $0xFFFFFC18  }
0xc3: {  	[bflag:$0x0] =	sbarrier.arrive $0xFFFF  }
0xc4: {  	s9 =	rddreg [dreg:$0x9]  }
0xc5: {  	s10 =	rddreg [dreg:$0x8]  }
0xc6: {  	s8 =	rddreg [dreg:$0xc];
	s24 =	sshrl.u32 s9, $0x3  }
0xc7: {  	[hbm:s8], [sflag:s10] =	dma.local [spmem:s24], $0x280  }
0xc8: {  	_ =	swait.ge [sflag:s13], $0x280  }
0xc9: {  	s12 =	sadd.s32 $0x1, s12;
	s24 =	rddreg [dreg:$0xa]  }
0xca: {  	p0 =	sne.s32 s12, s24  }
.Ltmp2:
0xcb: {  	_ = 	snop;
	(pc) =	sbr.rel @p0 .LBB2_1-.Ltmp2, $3  }
0xcc: {  	_ =	sdelay $0x1  }
0xcd: {  	[sflag:s13] =	ssyncset.done $0x0  }
0xce: {  	[sflag:s13] =	ssyncadd.s32 $0xFFFFFD80  }
0xcf: {  	_ =	sfence.sel $0x180000  }
0xd0: {  	[bflag:$0x0] =	sbarrier.arrive $0xFFFF  }
0xd1: {  	_ =	strace $0x9000004D  }
0xd2: {  	s0 =	stileid.u32;
	[bflag:$0x2] =	sbarrier.arrive $0xFFFF  }
0xd3: {  	p0 =	sne.s32 s0, $0x0;
	s0 =	rddreg [dreg:$0x4]  }
0xd4: {  	s0 =	sadd.s32 @!p0 $0x100000, s0  }
0xd5: {  	[sflag:s0] =	ssyncadd.tile.s32 @!p0 $0x1;
	_ =	shalt  }
.Lfunc_end2:
_tile_overlayer_lowered:
.L_overlay_start_2:
0xd6: {  	(tag) =	ssettag $0x2  }
0xd7: {  	s0 =	rddreg [dreg:$0x0];
	s2 =	stileid.u32  }
0xd8: {  	s1 =	rddreg [dreg:$0x1];
	p0 =	sne.s32 s2, $0x0  }
0xd9: {  	s3 =	rddreg [dreg:$0x2];
	[bflag:$0x3] =	sbarrier.arrive $0xFFFF;
	s2 =	simm.s32 @!p0 $0x1C16  }
0xda: {  	[timem:s3], [sflag:s2] =	dma.local @!p0 [hbm:s0], s1  }
0xdb: {  	s0 =	simm.s32 @!p0 $0x16  }
0xdc: {  	_ =	swait.ge @!p0 [sflag:s0], s1  }
0xdd: {  	s1 =	ssub.s32 @!p0 $0x0, s1;
	[sflag:s0] =	ssyncset.done @!p0 $0x0  }
0xde: {  	[sflag:s0] =	ssyncadd.s32 @!p0 s1  }
0xdf: {  	[bflag:$0x3] =	sbarrier.arrive $0xFFFF  }
0xe0: {  	_ =	shalt  }

// kernel: kernel.9.cloned.1.call-start
scs
__scs_entry_jumppad:
0x0: {  	(pc) =	sbr.rel $0x88, $3  }
0x1: {  	(tag) =	ssettag $0x0;
	lr =	simm.s32 $0x1  }
0x2: {  	[smem:$0x3F9B] =	sst lr;
	_ =	strace $0xD0000000  }
0x3: {  	_ = 	snop  }
0x4: {  	_ = 	snop  }
0x5: {  	_ = 	snop  }
0x6: {  	_ = 	snop  }
0x7: {  	_ = 	snop  }
__scs_overlays_trampoline_lowered:
0x8: {  	[smem:$0x3FAA] =	sst s0  }
0x9: {  	[smem:$0x3FAB] =	sst s1  }
0xa: {  	[smem:$0x3FAC] =	sst s2  }
0xb: {  	[smem:$0x3FAD] =	sst s3  }
0xc: {  	[smem:$0x3FAE] =	sst s4  }
0xd: {  	[smem:$0x3FAF] =	sst s5  }
0xe: {  	[smem:$0x3FB0] =	sst s6  }
0xf: {  	[smem:$0x3FB1] =	sst s7  }
0x10: {  	[smem:$0x3FB2] =	sst s8  }
0x11: {  	[smem:$0x3FB3] =	sst s9;
	s0 =	simm.s32 @!p0 $0x0  }
0x12: {  	s1 =	sld [smem:$0x3F99];
	s0 =	simm.s32 @p0 $0x1  }
0x13: {  	[smem:$0x3FB4] =	sst s0;
	s0 =	simm.s32 @!p1 $0x0  }
0x14: {  	s2 =	sld [smem:$0x3F98];
	s0 =	simm.s32 @p1 $0x1  }
0x15: {  	[smem:$0x3FB5] =	sst s0;
	s0 =	simm.s32 @!p2 $0x0  }
0x16: {  	s3 =	sld [smem:$0x3FDB];
	s0 =	simm.s32 @p2 $0x1  }
0x17: {  	s4 =	simm.s32 $0x1BF5;
	[smem:$0x3FB7] =	sst s0  }
0x18: {  	s0 =	sld [smem:$0x3F9A];
	_ =	swait.ge [sflag:s4], $0x0  }
0x19: {  	s7 =	sld [smem:$0x3F9B]  }
0x1a: {  	s8 =	sadd.s32 $0xFFFFE003, lr  }
0x1b: {  	s9 =	sadd.s32 $0xFFFFFEF7, lr;
	s5 =	simm.s32 $0xFFFFFFFF;
	p2 =	slt.u32 s8, $0xFFFFF086  }
0x1c: {  	p1 =	slt.u32 s9, $0xF7A;
	s5 =	simm.s32 @!p2 $0x0  }
0x1d: {  	s5 =	simm.s32 @p1 $0x1;
	p0 =	seq.s32 s7, s2  }
0x1e: {  	s7 =	smul.u32 @!p0 $0xF7A, s2;
	p2 =	seq.s32 @!p0 s5, $0x0  }
0x1f: {  	s9 =	smul.u32 $0xF7A, s1;
	s8 =	simm.s32 @!p0 $0x1BF5;
	p2 =	por !p2, p0  }
0x20: {  	[sflag:s8] =	ssyncset.s32 @!p0 $0xFFFFF086;
	s6 =	sadd.s32 @!p0 s3, s7;
	s7 =	simm.s32 @!p0 $0x108  }
0x21: {  	s3 =	sadd.s32 s3, s9;
	s6 =	sadd.s32 @!p0 $0x88, s6;
	s7 =	simm.s32 @p2 $0x1082  }
0x22: {  	[simem:s7], [sflag:s8] =	dma.local @!p0 [hbm:s6], $0xF7A  }
0x23: {  	s9 =	sor.u32 $0xD0000000, s2;
	s6 =	simm.s32 $0x108;
	_ =	swait.ge @!p0 [sflag:s8], $0x0  }
0x24: {  	s3 =	sadd.s32 $0x88, s3;
	s6 =	simm.s32 @!p1 $0x1082;
	[sflag:s4] =	ssyncset.s32 $0xFFFFF086  }
0x25: {  	[simem:s6], [sflag:s4] =	dma.local [hbm:s3], $0xF7A  }
0x26: {  	[smem:$0x3F9B] =	sst s1;
	(tag) =	ssettag s2;
	_ =	strace s9  }
0x27: {  	s1 =	sld [smem:$0x3FAB]  }
0x28: {  	s2 =	sld [smem:$0x3FAC]  }
0x29: {  	s4 =	sld [smem:$0x3FAE]  }
0x2a: {  	p0 =	seq.s32 s5, $0x0;
	s5 =	sld [smem:$0x3FAF]  }
0x2b: {  	s6 =	sld [smem:$0x3FB0]  }
0x2c: {  	s7 =	sld [smem:$0x3FB1]  }
0x2d: {  	s3 =	simm.s32 $0x108;
	s8 =	sld [smem:$0x3FB2]  }
0x2e: {  	s3 =	simm.s32 @!p0 $0x1082;
	s9 =	sld [smem:$0x3FB3]  }
0x2f: {  	lr =	sadd.s32 s0, s3;
	s0 =	sld [smem:$0x3FAA]  }
0x30: {  	s3 =	sld [smem:$0x3FAD]  }
0x31: {  	[smem:$0x3FB6] =	sst s10  }
0x32: {  	s10 =	sld [smem:$0x3FB4];
	_ =	sdelay $0x3  }
0x33: {  	p0 =	seq.s32 s10, $0x1;
	s10 =	sld [smem:$0x3FB6];
	_ =	sdelay $0x3  }
0x34: {  	[smem:$0x3FB6] =	sst s10  }
0x35: {  	s10 =	sld [smem:$0x3FB5];
	_ =	sdelay $0x3  }
0x36: {  	p1 =	seq.s32 s10, $0x1;
	s10 =	sld [smem:$0x3FB6];
	_ =	sdelay $0x3  }
0x37: {  	[smem:$0x3FB6] =	sst s10  }
0x38: {  	s10 =	sld [smem:$0x3FB7]  }
0x39: {  	_ = 	snop;
	(pc) =	sbr.ind lr, $3  }
0x3a: {  	_ = 	snop  }
0x3b: {  	_ = 	snop  }
0x3c: {  	p2 =	seq.s32 s10, $0x1;
	s10 =	sld [smem:$0x3FB6]  }
0x3d: {  	_ =	shalt  }
0x3e: {  	_ =	shalt  }
0x3f: {  	_ =	shalt  }
0x40: {  	_ =	shalt  }
0x41: {  	_ =	shalt  }
0x42: {  	_ =	shalt  }
0x43: {  	_ =	shalt  }
0x44: {  	_ =	shalt  }
0x45: {  	_ =	shalt  }
0x46: {  	_ =	shalt  }
0x47: {  	_ =	shalt  }
0x48: {  	_ =	shalt  }
0x49: {  	_ =	shalt  }
0x4a: {  	_ =	shalt  }
0x4b: {  	_ =	shalt  }
0x4c: {  	_ =	shalt  }
0x4d: {  	_ =	shalt  }
0x4e: {  	_ =	shalt  }
0x4f: {  	_ =	shalt  }
0x50: {  	_ =	shalt  }
0x51: {  	_ =	shalt  }
0x52: {  	_ =	shalt  }
0x53: {  	_ =	shalt  }
0x54: {  	_ =	shalt  }
0x55: {  	_ =	shalt  }
0x56: {  	_ =	shalt  }
0x57: {  	_ =	shalt  }
0x58: {  	_ =	shalt  }
0x59: {  	_ =	shalt  }
0x5a: {  	_ =	shalt  }
0x5b: {  	_ =	shalt  }
0x5c: {  	_ =	shalt  }
0x5d: {  	_ =	shalt  }
0x5e: {  	_ =	shalt  }
0x5f: {  	_ =	shalt  }
0x60: {  	_ =	shalt  }
0x61: {  	_ =	shalt  }
0x62: {  	_ =	shalt  }
0x63: {  	_ =	shalt  }
0x64: {  	_ =	shalt  }
0x65: {  	_ =	shalt  }
0x66: {  	_ =	shalt  }
0x67: {  	_ =	shalt  }
0x68: {  	_ =	shalt  }
0x69: {  	_ =	shalt  }
0x6a: {  	_ =	shalt  }
0x6b: {  	_ =	shalt  }
0x6c: {  	_ =	shalt  }
0x6d: {  	_ =	shalt  }
0x6e: {  	_ =	shalt  }
0x6f: {  	_ =	shalt  }
0x70: {  	_ =	shalt  }
0x71: {  	_ =	shalt  }
0x72: {  	_ =	shalt  }
0x73: {  	_ =	shalt  }
0x74: {  	_ =	shalt  }
0x75: {  	_ =	shalt  }
0x76: {  	_ =	shalt  }
0x77: {  	_ =	shalt  }
0x78: {  	_ =	shalt  }
0x79: {  	_ =	shalt  }
0x7a: {  	_ =	shalt  }
0x7b: {  	_ =	shalt  }
0x7c: {  	_ =	shalt  }
0x7d: {  	_ =	shalt  }
0x7e: {  	_ =	shalt  }
0x7f: {  	_ =	shalt  }
0x80: {  	_ =	shalt  }
0x81: {  	_ =	shalt  }
0x82: {  	_ =	shalt  }
0x83: {  	_ =	shalt  }
0x84: {  	_ =	shalt  }
0x85: {  	_ =	shalt  }
0x86: {  	_ =	shalt  }
0x87: {  	_ =	shalt  }
.Lfunc_end0:
.L_simem_size_0:
called_computation_lowered:
.L_overlay_start_0:
0x88: {  	s2 =	sld [smem:$0x3FD9]  }
0x89: {  	s3 =	sld [smem:$0x3FFE];
	_ =	sdelay $0x1  }
0x8a: {  	s1 =	srdreg.scid  }
0x8b: {  	s0 =	sand.u32 $0x1, s1  }
0x8c: {  	s16 =	sshll.u32 s0, $0xA;
	s2 =	sadd.s32 s3, s2  }
0x8d: {  	s2 =	sadd.s32 s2, s16  }
0x8e: {  	[smem:$0x3FC2] =	sst s2  }
0x8f: {  	_ = 	snop  }
0x90: {  	(tm) =	ssettm $0x1  }
0x91: {  	s17 =	sld [smem:$0x3FFB];
	_ =	sdelay $0x3  }
0x92: {  	_ =	strace s17  }
0x93: {  	s2 =	sld [smem:$0x3FFC];
	_ =	sdelay $0x3  }
0x94: {  	_ =	strace s2  }
0x95: {  	s2 =	sld [smem:$0x3FFD];
	_ =	sdelay $0x3  }
0x96: {  	_ =	strace s2  }
0x97: {  	_ =	strace $0x8FFFFFFF  }
0x98: {  	s18 =	sld [smem:$0x3FDB];
	_ =	sdelay $0x1  }
0x99: {  	s19 =	simm.s32 $_scs_section_size  }
0x9a: {  	s4 =	simm.s32 $_size__tile_overlayer_lowered;
	s5 =	simm.s32 $_tile_overlayer_lowered  }
0x9b: {  	s22 =	simm.s32 $0x1BFF;
	s21 =	sshll.u32 s5, $0x1;
	s2 =	sadd.s32 s19, s18  }
0x9c: {  	s6 =	simm.s32 $0x0;
	s20 =	sshll.u32 s4, $0x1;
	s4 =	sadd.s32 s21, s2  }
0x9d: {  	[timem:s6], [sflag:s22] =	dma.local [hbm:s4], s20  }
0x9e: {  	_ =	swait.ge [sflag:s22], s20  }
0x9f: {  	s3 =	ssub.s32 $0x0, s20;
	[sflag:s22] =	ssyncset.done $0x0  }
0xa0: {  	[sflag:s22] =	ssyncadd.s32 s3;
	_ =	sdelay $0x1  }
0xa1: {  	s23 =	simm.s32 $0x1B8B  }
0xa2: {  	_ =	swait.ge [sflag:s23], $0x1  }
0xa3: {  	[sflag:s23] =	ssyncset.done $0x0  }
0xa4: {  	s25 =	simm.s32 $0x1B8E;
	s24 =	sld [smem:$0x3FFE];
	[sflag:s23] =	ssyncadd.s32 $0xFFFFFFFF  }
0xa5: {  	s26 =	simm.s32 $execute0_lowered;
	[smem:$0x3FD2] =	sst s25  }
0xa6: {  	s4 =	sshll.u32 s26, $0x1;
	_ =	strace $0x80000046;
	[dreg:$0x1] =	wrdreg $0xFFFFFFFF  }
0xa7: {  	s28 =	simm.s32 $_size_execute0_lowered;
	s2 =	sadd.s32 s2, s4;
	[dreg:$0x0] =	wrdreg $0x0  }
0xa8: {  	s4 =	sshll.u32 s28, $0x1;
	[dreg:$0x2] =	wrdreg s2  }
0xa9: {  	[dreg:$0x3] =	wrdreg s4  }
0xaa: {  	[dreg:$0x4] =	wrdreg $0xC0  }
0xab: {  	_ =	task [dreg:s6], $0x5FFFF  }
0xac: {  	[dreg:$0x1] =	wrdreg $0xFFFFFFFF  }
0xad: {  	[dreg:$0x0] =	wrdreg $0x60  }
0xae: {  	[dreg:$0x2] =	wrdreg s24  }
0xaf: {  	[dreg:$0x3] =	wrdreg $0x3FE80  }
0xb0: {  	[dreg:$0x4] =	wrdreg $0x9  }
0xb1: {  	_ =	task.clear_ibuf [dreg:s6], $0x5FFFF;
	_ =	strace $0x90000046  }
0xb2: {  	s29 =	simm.s32 $0x9;
	_ =	strace $0x80000048  }
0xb3: {  	_ =	swait.ge [sflag:s29], $0x1  }
0xb4: {  	[sflag:s29] =	ssyncadd.s32 $0xFFFFFFFF  }
0xb5: {  	_ =	strace $0x90000048  }
0xb6: {  	_ =	sfence  }
0xb7: {  	s30 =	sld [smem:$0x0];
	_ =	sdelay $0x2  }
0xb8: {  	s31 =	sshll.u32 s1, $0xD;
	s1 =	sshrl.u32 s1, $0x2  }
0xb9: {  	s3 =	sand.u32 $0x4000, s31;
	s1 =	sadd.s32 s1, s30  }
0xba: {  	s0 =	sor.u32 s3, s0;
	s1 =	sshll.u32 s1, $0x11  }
0xbb: {  	s0 =	sor.u32 s1, s0  }
0xbc: {  	s0 =	sadd.s32 $0x8F2B, s0  }
0xbd: {  	[sflag:s0] =	ssyncadd.remote.s32 $0x1  }
0xbe: {  	_ =	sfence.sel $0xFFFF  }
0xbf: {  	[dreg:$0x0] =	wrdreg $0xFFFFFFFF;
	(pc) =	sbr.abs _section_cstart, $3  }
0xc0: {  	[dreg:$0x1] =	wrdreg $0xFFFFFFFF  }
0xc1: {  	_ =	task.clear_ibuf [dreg:s6], $0x2FFFF;
	_ =	strace $0x9FFFFFFF  }
0xc2: {  	(tm) =	ssettm $0x7FFFFFFF  }
0xc3: {  	_ =	shalt  }
tec
execute0_lowered:
.L_overlay_start_1:
0x0: {  	(tag) =	ssettag $0x1  }
0x1: {  	s4 =	rddreg [dreg:$0x0]  }
0x2: {  	s0 =	srdreg.scid;
	s2 =	rddreg [dreg:$0x1]  }
0x3: {  	s1 =	stileid.u32;
	s3 =	simm.s32 $0x0;
	s10 =	simm.s32 $0x7D  }
0x4: {  	s11 =	simm.s32 $0x2800;
	s12 =	simm.s32 $0x1;
	s7 =	smul.u32 $0x2800, s1  }
0x5: {  	s5 =	sand.u32 $0x1, s0;
	s0 =	rddreg [dreg:$0x2];
	s9 =	smul.u32 $0x1400, s1  }
0x6: {  	s16 =	simm.s32 $0x0;
	[smem:$0x7FF] =	sst s3;
	s6 =	smul.u32 $0x28000, s5  }
0x7: {  	s31 =	sshll.u32 s1, $0x6;
	s30 =	smul.u32 $0x2800, s5;
	s5 =	ssub.s32 $0x2, s5  }
0x8: {  	_ =	strace $0x80000047;
	s8 =	sshrl.u32 s5, $0x1;
	s14 =	sshrl.u32 s9, $0x3  }
0x9: {  	s6 =	sadd.s32 s7, s6;
	s7 =	sadd.s32 s30, s4;
	s8 =	ssub.s32 s5, s8  }
0xa: {  	s5 =	sadd.s32 s9, s2;
	s9 =	simm.s32 $0x2;
	s6 =	sshrl.u32 s6, $0x3  }
0xb: {  	s13 =	sadd.s32 $0xC200, s7;
	s7 =	simm.s32 $0x2BE8;
	s15 =	sshrl.u32 s5, $0x3  }
0xc: {  	s6 =	sadd.s32 s6, s4;
	s13 =	sadd.s32 s14, s13;
	s14 =	sor.u32 $0x1C03, s31  }
0xd: {  	v0 =	vimm.f32 $0.0e+00;
	v1 =	vimm.f32 $1.000000000e+00;
	s4 =	sadd.s32 $0x2200, s6;
	s6 =	smax.u32 s8, $0x1;
	s8 =	simm.s32 $0x3  }
.LBB2_1:
0xe: {  	[tilespmem:s3], [sflag:$0x2] =	stream.linear.gather [hbm4b:s4+s3], $0x2800, $0x38;
	[tilespmem:$0x53E8] =	vst v63  }
0xf: {  	s17 =	simm.s32 $0x0  }
.LBB2_2:
0x10: {  	p0 =	sne.s32 s17, $0x4FE0  }
.Ltmp0:
0x11: {  	_ = 	snop;
	(pc) =	sbr.rel @p0 .LBB2_2-.Ltmp0, $3  }
0x12: {  	_ =	sdelay $0x1  }
0x13: {  	s18 =	sshra.s32 s17, $0x2  }
0x14: {  	s17 =	sadd.s32 $0x20, s17;
	[tilespmem:s18+$0x2BE8] =	vst.msk $0xff, v0  }
0x15: {  	s17 =	simm.s32 $0x20;
	s18 =	simm.s32 $0x0  }
.LBB2_4:
0x16: {  	p0 =	sne.s32 s17, $0xF80;
	[tilespmem:s18+$0x2800] =	vst.msk $0xff, v1;
	s18 =	smov.u32 s17;
	s17 =	sadd.s32 $0x20, s17  }
.Ltmp1:
0x17: {  	(pc) =	sbr.rel @p0 .LBB2_4-.Ltmp1, $2  }
0x18: {  	_ =	sdelay $0x2  }
0x19: {  	s18 =	sshra.s32 s18, $0x2  }
0x1a: {  	[tilespmem:s18+$0x2800] =	vst.msk $0xff, v1  }
0x1b: {  	[spmem:s5] =	stream.linear.scatter [tilespmem:s7], [sflag:$0x3], $0x1400, $0x38;
	[tilespmem:$0x53E8] =	vst v63  }
0x1c: {  	_ =	swait.ge [sflag:s8], $0x1400  }
0x1d: {  	[sflag:s8] =	ssyncset.done $0x0  }
0x1e: {  	[sflag:s8] =	ssyncadd.s32 $0xFFFFEC00  }
0x1f: {  	_ =	swait.ge [sflag:s9], $0x2800  }
0x20: {  	[sflag:s9] =	ssyncset.done $0x0  }
0x21: {  	[sflag:s9] =	ssyncadd.s32 $0xFFFFD800  }
0x22: {  	s17 =	simm.s32 $0x0;
	[bflag:$0x0] =	sbarrier.arrive $0xFFFF  }
.LBB2_6:
0x23: {  	p0 =	sne.s32 s17, $0x9E00  }
.Ltmp2:
0x24: {  	_ = 	snop;
	(pc) =	sbr.rel @p0 .LBB2_6-.Ltmp2, $3  }
0x25: {  	_ =	sdelay $0x1  }
0x26: {  	s18 =	sshra.s32 s17, $0x2;
	s17 =	sadd.s32 $0x200, s17  }
0x27: {  	[spmem:s2] =	stream.indirect.scatter.add.f32 [tilespmem:s11], [sflag:$0x1], $0x8, s18, s10, $0xb8;
	[tilespmem:$0x53E8] =	vst v63  }
0x28: {  	_ =	swait.ge [sflag:s12], $0x3E8  }
0x29: {  	s17 =	simm.s32 $0x4F;
	[sflag:s12] =	ssyncset.done $0x0  }
.LBB2_8:
0x2a: {  	p0 =	sne.s32 s17, $0x1;
	s17 =	sadd.s32 $0xFFFFFFFF, s17;
	[sflag:s12] =	ssyncadd.s32 $0xFFFFFC18  }
.Ltmp3:
0x2b: {  	(pc) =	sbr.rel @p0 .LBB2_8-.Ltmp3, $3  }
0x2c: {  	_ =	sdelay $0x1  }
0x2d: {  	_ =	swait.ge [sflag:s12], $0x3E8  }
0x2e: {  	[sflag:s12] =	ssyncset.done $0x0  }
0x2f: {  	s16 =	sadd.s32 $0x1, s16  }
0x30: {  	[sflag:s12] =	ssyncadd.s32 $0xFFFFFC18;
	p0 =	sne.s32 s16, s6  }
.Ltmp4:
0x31: {  	[bflag:$0x0] =	sbarrier.arrive $0xFFFF;
	(pc) =	sbr.rel @p0 .LBB2_1-.Ltmp4, $4  }
0x32: {  	[hbm:s13], [sflag:s14] =	dma.local [spmem:s15], $0x280  }
0x33: {  	_ =	swait.ge [sflag:s8], $0x280  }
0x34: {  	[sflag:s8] =	ssyncset.done $0x0  }
0x35: {  	[sflag:s8] =	ssyncadd.s32 $0xFFFFFD80  }
0x36: {  	_ =	sfence.sel $0x180000  }
0x37: {  	[bflag:$0x0] =	sbarrier.arrive $0xFFFF  }
0x38: {  	p0 =	sne.s32 s1, $0x0;
	_ =	strace $0x90000047  }
0x39: {  	s0 =	sadd.s32 @!p0 $0x100000, s0;
	[bflag:$0x2] =	sbarrier.arrive $0xFFFF  }
0x3a: {  	[sflag:s0] =	ssyncadd.tile.s32 @!p0 $0x1;
	_ =	shalt  }
.Lfunc_end2:
_tile_overlayer_lowered:
.L_overlay_start_2:
0x3b: {  	(tag) =	ssettag $0x2  }
0x3c: {  	s0 =	rddreg [dreg:$0x0];
	s2 =	stileid.u32  }
0x3d: {  	s1 =	rddreg [dreg:$0x1];
	p0 =	sne.s32 s2, $0x0  }
0x3e: {  	s3 =	rddreg [dreg:$0x2];
	[bflag:$0x3] =	sbarrier.arrive $0xFFFF;
	s2 =	simm.s32 @!p0 $0x1C03  }
0x3f: {  	[timem:s3], [sflag:s2] =	dma.local @!p0 [hbm:s0], s1  }
0x40: {  	s0 =	simm.s32 @!p0 $0x3  }
0x41: {  	_ =	swait.ge @!p0 [sflag:s0], s1  }
0x42: {  	s1 =	ssub.s32 @!p0 $0x0, s1;
	[sflag:s0] =	ssyncset.done @!p0 $0x0  }
0x43: {  	[sflag:s0] =	ssyncadd.s32 @!p0 s1  }
0x44: {  	[bflag:$0x3] =	sbarrier.arrive $0xFFFF  }
0x45: {  	_ =	shalt  }

</sc_bundles>
